<compile_context>
chip_gen: v7x
topology: tpu7x:2x2x1
jax: 0.10.2.dev20260603
libtpu: 0.0.44.dev20260713+nightly
codegen_flags: <defaults>
</compile_context>

<pallas_src>
import jax
import jax.numpy as jnp
from jax import lax
from jax.experimental import pallas as pl
from jax.experimental.pallas import tpu as pltpu
from jax.experimental.pallas import tpu_sc as plsc

NC_OUT = 8192
NF_IN = 16384
FDIM = 256
FH = FDIM // 2
NTILES = 16
BATCH = 64
NSTG = 12
NGB = 7
LOOK = 4
MSTG = 9


def _sc_spmm(nb):

    def body(x2, gidx_h, rows_h, vals_h, out_h,
             cbuf, vbuf, rbuf, gbuf, acc, st_sem, g_sem, sc_sem):
        core = lax.axis_index("c")
        tid = lax.axis_index("s")

        def stage(i):
            h = lax.rem(i, NSTG)
            base = (tid * nb + i) * BATCH
            pltpu.async_copy(gidx_h.at[core, pl.ds(base, BATCH)], cbuf.at[h],
                             st_sem.at[h])
            pltpu.async_copy(vals_h.at[pl.ds(base, BATCH)], vbuf.at[h],
                             st_sem.at[h])
            pltpu.async_copy(rows_h.at[pl.ds(base, BATCH)], rbuf.at[h],
                             st_sem.at[h])

        def wait_stage(h):
            pltpu.make_async_copy(gidx_h.at[0, pl.ds(0, BATCH)], cbuf.at[h],
                                  st_sem.at[h]).wait()
            pltpu.make_async_copy(vals_h.at[pl.ds(0, BATCH)], vbuf.at[h],
                                  st_sem.at[h]).wait()
            pltpu.make_async_copy(rows_h.at[pl.ds(0, BATCH)], rbuf.at[h],
                                  st_sem.at[h]).wait()

        def start_gather(h, b):
            pltpu.async_copy(x2.at[cbuf.at[h]],
                             gbuf.at[pl.ds(b * BATCH, BATCH)], g_sem.at[b])

        def wait_gather(h, b):
            pltpu.make_async_copy(x2.at[cbuf.at[h]],
                                  gbuf.at[pl.ds(b * BATCH, BATCH)],
                                  g_sem.at[b]).wait()

        def start_scatter(h, b):
            pltpu.async_copy(gbuf.at[pl.ds(b * BATCH, BATCH)],
                             acc.at[rbuf.at[h]], sc_sem.at[b], add=True)

        def wait_scatter(h, b):
            pltpu.make_async_copy(gbuf.at[pl.ds(b * BATCH, BATCH)],
                                  acc.at[rbuf.at[h]], sc_sem.at[b]).wait()

        zero16 = jnp.zeros((16,), jnp.float32)

        def zg(i, carry):
            j = i // 8
            f = lax.rem(i, 8)
            gbuf[j, pl.ds(f * 16, 16)] = zero16
            return carry

        lax.fori_loop(0, 128 * 8, zg, 0)
        for r in range(4):
            pltpu.sync_copy(gbuf.at[pl.ds(0, 128)],
                            acc.at[pl.ds(tid * 512 + r * 128, 128)])
        plsc.subcore_barrier()

        for u in range(MSTG):
            stage(u)
        for u in range(LOOK):
            wait_stage(u % NSTG)
            start_gather(u % NSTG, u % NGB)

        def step(j, carry):
            @pl.when(j + LOOK < nb)
            def _prep():
                i = j + LOOK
                h = lax.rem(i, NSTG)
                b = lax.rem(i, NGB)
                wait_stage(h)

                @pl.when(i >= NGB)
                def _wait_sc():
                    wait_scatter(lax.rem(i + NSTG - NGB, NSTG), b)

                start_gather(h, b)

                @pl.when(i + MSTG - LOOK < nb)
                def _stage_ahead():
                    stage(i + MSTG - LOOK)

            h = lax.rem(j, NSTG)
            b = lax.rem(j, NGB)
            wait_gather(h, b)

            def scale(g, c2):
                vgrp = vbuf[h, pl.ds(g * 16, 16)]
                for jm in range(16):
                    jj = g * 16 + jm
                    vj = vgrp[jm]
                    row = b * BATCH + jj
                    for f in range(FH // 16):
                        g16 = gbuf[row, pl.ds(f * 16, 16)]
                        gbuf[row, pl.ds(f * 16, 16)] = g16 * vj
                return c2

            lax.fori_loop(0, BATCH // 16, scale, 0)
            start_scatter(h, b)
            return carry

        lax.fori_loop(0, nb, step, 0)

        for u in range(NGB):
            i = nb - NGB + u
            wait_scatter(i % NSTG, i % NGB)
        plsc.subcore_barrier()

        for r in range(4):
            row0 = tid * 512 + r * 128
            pltpu.sync_copy(
                acc.at[pl.ds(row0, 128)],
                out_h.at[pl.ds(row0, 128), pl.ds(core * FH, FH)],
            )

    return body


@jax.jit
def kernel(x_fine, rows, cols, vals):
    nnz = rows.shape[0]
    c_per_tile = -(-nnz // (NTILES * BATCH)) * BATCH
    nnz_pad = c_per_tile * NTILES
    pad = nnz_pad - nnz
    rows_p = jnp.pad(rows, (0, pad))
    cols_p = jnp.pad(cols, (0, pad))
    vals_p = jnp.pad(vals, (0, pad))
    gidx = jnp.stack([cols_p * 2, cols_p * 2 + 1])
    x2 = x_fine.reshape(2 * NF_IN, FH)

    mesh = plsc.VectorSubcoreMesh(core_axis_name="c", subcore_axis_name="s")
    f = pl.kernel(
        _sc_spmm(c_per_tile // BATCH),
        mesh=mesh,
        out_type=jax.ShapeDtypeStruct((NC_OUT, FDIM), jnp.float32),
        scratch_types=[
            pltpu.VMEM((NSTG, BATCH), jnp.int32),
            pltpu.VMEM((NSTG, BATCH), jnp.float32),
            pltpu.VMEM((NSTG, BATCH), jnp.int32),
            pltpu.VMEM((NGB * BATCH, FH), jnp.float32),
            pltpu.VMEM_SHARED((NC_OUT, FH), jnp.float32),
            pltpu.SemaphoreType.DMA((NSTG,)),
            pltpu.SemaphoreType.DMA((NGB,)),
            pltpu.SemaphoreType.DMA((NGB,)),
        ],
    )
    return f(x2, gidx, rows_p, vals_p)

# --- scband reference (transcript-rebuilt; emitter-appended) ---
"""Pipeline reference for scband-restriction-65240553226269 (READ-ONLY COPY).

The authoritative reference and input builder live on the scoring server;
editing this copy changes nothing except your own understanding.
"""

import jax, jax.numpy as jnp
import numpy as np

N_C = 8192
N_F = 16384
F = 256
NNZ = 1342177


def setup_inputs(seed: int = 0) -> dict:
    key = jax.random.key(seed)
    k1, k2, k3, k4 = jax.random.split(key, 4)
    x_fine = jax.random.normal(k1, (N_F, F), dtype=jnp.float32)
    # Sparse restriction matrix R [N_c, N_f] in COO form (the nn.Module buffer `mat`).
    rows = jax.random.randint(k2, (NNZ,), 0, N_C, dtype=jnp.int32)
    cols = jax.random.randint(k3, (NNZ,), 0, N_F, dtype=jnp.int32)
    vals = jax.random.normal(k4, (NNZ,), dtype=jnp.float32)
    return {"x_fine": x_fine, "rows": rows, "cols": cols, "vals": vals}


def reference(x_fine, rows, cols, vals):
    # h_coarse = R @ h_fine, implemented as gather + scatter-add (spmm).
    # Duplicate (row, col) entries are summed, matching torch .coalesce() + sparse.mm semantics.
    gathered = jnp.take(x_fine, cols, axis=0) * vals[:, None]  # [NNZ, F]
    out = jax.ops.segment_sum(gathered, rows, num_segments=N_C)  # [N_C, F]
    return out

if __name__ == "__main__":
    import jax
    _d = setup_inputs()
    print(jax.jit(kernel)(*tuple(_d.values())))

</pallas_src>

<mosaic_0001>
#map = affine_map<(d0, d1) -> (0, 0)>
#map1 = affine_map<(d0, d1) -> (0)>
module attributes {stable_mosaic.version = 14 : i64} {
  func.func @body(%arg0: i32, %arg1: i32, %arg2: memref<32768x128xf32, #tpu.memory_space<hbm>>, %arg3: memref<2x1342464xi32, #tpu.memory_space<hbm>>, %arg4: memref<1342464xi32, #tpu.memory_space<hbm>>, %arg5: memref<1342464xf32, #tpu.memory_space<hbm>>, %arg6: memref<8192x256xf32, #tpu.memory_space<hbm>>, %arg7: memref<12x64xi32, #tpu.memory_space<vmem>>, %arg8: memref<12x64xf32, #tpu.memory_space<vmem>>, %arg9: memref<12x64xi32, #tpu.memory_space<vmem>>, %arg10: memref<448x128xf32, #tpu.memory_space<vmem>>, %arg11: memref<8192x128xf32, #tpu.memory_space<vmem_shared>>, %arg12: memref<12x!tpu.dma_semaphore, #tpu.memory_space<semaphore_mem>>, %arg13: memref<7x!tpu.dma_semaphore, #tpu.memory_space<semaphore_mem>>, %arg14: memref<7x!tpu.dma_semaphore, #tpu.memory_space<semaphore_mem>>) attributes {dimension_semantics = [#tpu.dimension_semantics<core_parallel>, #tpu.dimension_semantics<subcore_parallel>], iteration_bounds = array<i64: 2, 16>, scalar_prefetch = 0 : i64, scratch_operands = 8 : i64, tpu.core_type = #tpu.core_type<sc_vector_subcore>, window_params = [{transform_indices = #map}, {transform_indices = #map}, {transform_indices = #map1}, {transform_indices = #map1}, {transform_indices = #map}]} {
    %broadcast_in_dim3A = arith.constant 0.000000e+00 : f32
    %broadcast_in_dim3A_0 = vector.broadcast %broadcast_in_dim3A : f32 to vector<16xf32>
    %scan3A = arith.constant 0 : i32
    %scan3A_1 = arith.constant 0 : i32
    %scan3A_2 = arith.constant 1024 : i32
    %scan3A_3 = arith.addi %scan3A_1, %scan3A_2 : i32
    %scan3A_4 = arith.constant 1 : i32
    scf.for %scan3A_740 = %scan3A_1 to %scan3A_3 step %scan3A_4  : i32 {
      %jit3A = arith.constant 8 : i32
      %div3A = arith.divsi %scan3A_740, %jit3A : i32
      %sign3A = arith.constant 0 : i32
      %sign3A_741 = arith.cmpi sgt, %scan3A_740, %sign3A : i32
      %sign3A_742 = arith.extui %sign3A_741 : i1 to i32
      %sign3A_743 = arith.constant 0 : i32
      %sign3A_744 = arith.cmpi slt, %scan3A_740, %sign3A_743 : i32
      %sign3A_745 = arith.extui %sign3A_744 : i1 to i32
      %sign3A_746 = arith.subi %sign3A_742, %sign3A_745 : i32
      %sign3A_747 = arith.constant 0 : i32
      %sign3A_748 = arith.cmpi sgt, %jit3A, %sign3A_747 : i32
      %sign3A_749 = arith.extui %sign3A_748 : i1 to i32
      %sign3A_750 = arith.constant 0 : i32
      %sign3A_751 = arith.cmpi slt, %jit3A, %sign3A_750 : i32
      %sign3A_752 = arith.extui %sign3A_751 : i1 to i32
      %sign3A_753 = arith.subi %sign3A_749, %sign3A_752 : i32
      %ne3A = arith.cmpi ne, %sign3A_746, %sign3A_753 : i32
      %rem3A_754 = arith.remsi %scan3A_740, %jit3A : i32
      %ne3A_755 = arith.constant 0 : i32
      %ne3A_756 = arith.cmpi ne, %rem3A_754, %ne3A_755 : i32
      %and3A = arith.andi %ne3A, %ne3A_756 : i1
      %sub3A = arith.constant 1 : i32
      %sub3A_757 = arith.subi %div3A, %sub3A : i32
      %select_n3A = arith.select %and3A, %sub3A_757, %div3A : i32
      %rem3A_758 = arith.constant 8 : i32
      %rem3A_759 = arith.remsi %scan3A_740, %rem3A_758 : i32
      %mul3A_760 = arith.constant 16 : i32
      %mul3A_761 = arith.muli %rem3A_759, %mul3A_760 : i32
      %swap3A = arith.index_cast %select_n3A : i32 to index
      %swap3A_762 = arith.index_cast %mul3A_761 : i32 to index
      %swap3A_763 = tpu.vector_load %arg10[%swap3A, %swap3A_762] {strides = array<i32>} : memref<448x128xf32, #tpu.memory_space<vmem>>, vector<1x16xf32>,
      %swap3A_764 = vector.shape_cast %swap3A_763 : vector<1x16xf32> to vector<16xf32>
      %swap3A_765 = vector.shape_cast %broadcast_in_dim3A_0 : vector<16xf32> to vector<1x16xf32>
      tpu.vector_store %arg10[%swap3A, %swap3A_762], %swap3A_765 {strides = array<i32>} : memref<448x128xf32, #tpu.memory_space<vmem>>, vector<1x16xf32>,
    }
    %scan3A_5 = arith.constant 1024 : i32
    %mul3A = arith.constant 512 : i32
    %mul3A_6 = arith.muli %arg1, %mul3A : i32
    %add3A = arith.constant 0 : i32
    %add3A_7 = arith.addi %mul3A_6, %add3A : i32
    "tpu.region"() ({
      %run_scoped3A = tpu.sem_alloc : memref<!tpu.dma_semaphore, #tpu.memory_space<semaphore_mem>>
      %dma_start3A_740 = arith.constant 0 : i32
      %dma_start3A_741 = arith.constant 0 : i32
      %dma_start3A_742 = tpu.memref_slice %arg10[%dma_start3A_740, %dma_start3A_741] : memref<448x128xf32, #tpu.memory_space<vmem>> -> memref<128x128xf32, #tpu.memory_space<vmem>>
      %dma_start3A_743 = arith.constant 0 : i32
      %dma_start3A_744 = tpu.memref_slice %arg11[%add3A_7, %dma_start3A_743] : memref<8192x128xf32, #tpu.memory_space<vmem_shared>> -> memref<128x128xf32, #tpu.memory_space<vmem_shared>>
      %dma_start3A_745 = arith.constant 0 : i32
      %dma_start3A_746 = tpu.memref_slice %arg11[%add3A_7, %dma_start3A_745] : memref<8192x128xf32, #tpu.memory_space<vmem_shared>> -> memref<128x128xf32, #tpu.memory_space<vmem_shared>>
      %dma_start3A_747 = arith.constant 0 : i32
      %dma_start3A_748 = arith.constant 0 : i32
      %dma_start3A_749 = tpu.memref_slice %arg10[%dma_start3A_747, %dma_start3A_748] : memref<448x128xf32, #tpu.memory_space<vmem>> -> memref<128x128xf32, #tpu.memory_space<vmem>>
      tpu.enqueue_dma source(%dma_start3A_749 : memref<128x128xf32, #tpu.memory_space<vmem>>) target(%dma_start3A_746 : memref<128x128xf32, #tpu.memory_space<vmem_shared>>) target_semaphore(%run_scoped3A : memref<!tpu.dma_semaphore, #tpu.memory_space<semaphore_mem>>)
      %dma_wait3A_750 = arith.constant 0 : i32
      %dma_wait3A_751 = arith.constant 0 : i32
      %dma_wait3A_752 = tpu.memref_slice %arg10[%dma_wait3A_750, %dma_wait3A_751] : memref<448x128xf32, #tpu.memory_space<vmem>> -> memref<128x128xf32, #tpu.memory_space<vmem>>
      %dma_wait3A_753 = arith.constant 0 : i32
      %dma_wait3A_754 = tpu.memref_slice %arg11[%add3A_7, %dma_wait3A_753] : memref<8192x128xf32, #tpu.memory_space<vmem_shared>> -> memref<128x128xf32, #tpu.memory_space<vmem_shared>>
      %dma_wait3A_755 = arith.constant 0 : i32
      %dma_wait3A_756 = tpu.memref_slice %arg11[%add3A_7, %dma_wait3A_755] : memref<8192x128xf32, #tpu.memory_space<vmem_shared>> -> memref<128x128xf32, #tpu.memory_space<vmem_shared>>
      %dma_wait3A_757 = arith.constant 0 : i32
      %dma_wait3A_758 = arith.constant 0 : i32
      %dma_wait3A_759 = tpu.memref_slice %arg10[%dma_wait3A_757, %dma_wait3A_758] : memref<448x128xf32, #tpu.memory_space<vmem>> -> memref<128x128xf32, #tpu.memory_space<vmem>>
      tpu.wait_dma2 semaphore(%run_scoped3A : memref<!tpu.dma_semaphore, #tpu.memory_space<semaphore_mem>>) src(%dma_wait3A_759 : memref<128x128xf32, #tpu.memory_space<vmem>>) dst(%dma_wait3A_756 : memref<128x128xf32, #tpu.memory_space<vmem_shared>>)
      tpu.yield
    }) : () -> ()
    %mul3A_8 = arith.constant 512 : i32
    %mul3A_9 = arith.muli %arg1, %mul3A_8 : i32
    %add3A_10 = arith.constant 128 : i32
    %add3A_11 = arith.addi %mul3A_9, %add3A_10 : i32
    "tpu.region"() ({
      %run_scoped3A = tpu.sem_alloc : memref<!tpu.dma_semaphore, #tpu.memory_space<semaphore_mem>>
      %dma_start3A_740 = arith.constant 0 : i32
      %dma_start3A_741 = arith.constant 0 : i32
      %dma_start3A_742 = tpu.memref_slice %arg10[%dma_start3A_740, %dma_start3A_741] : memref<448x128xf32, #tpu.memory_space<vmem>> -> memref<128x128xf32, #tpu.memory_space<vmem>>
      %dma_start3A_743 = arith.constant 0 : i32
      %dma_start3A_744 = tpu.memref_slice %arg11[%add3A_11, %dma_start3A_743] : memref<8192x128xf32, #tpu.memory_space<vmem_shared>> -> memref<128x128xf32, #tpu.memory_space<vmem_shared>>
      %dma_start3A_745 = arith.constant 0 : i32
      %dma_start3A_746 = tpu.memref_slice %arg11[%add3A_11, %dma_start3A_745] : memref<8192x128xf32, #tpu.memory_space<vmem_shared>> -> memref<128x128xf32, #tpu.memory_space<vmem_shared>>
      %dma_start3A_747 = arith.constant 0 : i32
      %dma_start3A_748 = arith.constant 0 : i32
      %dma_start3A_749 = tpu.memref_slice %arg10[%dma_start3A_747, %dma_start3A_748] : memref<448x128xf32, #tpu.memory_space<vmem>> -> memref<128x128xf32, #tpu.memory_space<vmem>>
      tpu.enqueue_dma source(%dma_start3A_749 : memref<128x128xf32, #tpu.memory_space<vmem>>) target(%dma_start3A_746 : memref<128x128xf32, #tpu.memory_space<vmem_shared>>) target_semaphore(%run_scoped3A : memref<!tpu.dma_semaphore, #tpu.memory_space<semaphore_mem>>)
      %dma_wait3A_750 = arith.constant 0 : i32
      %dma_wait3A_751 = arith.constant 0 : i32
      %dma_wait3A_752 = tpu.memref_slice %arg10[%dma_wait3A_750, %dma_wait3A_751] : memref<448x128xf32, #tpu.memory_space<vmem>> -> memref<128x128xf32, #tpu.memory_space<vmem>>
      %dma_wait3A_753 = arith.constant 0 : i32
      %dma_wait3A_754 = tpu.memref_slice %arg11[%add3A_11, %dma_wait3A_753] : memref<8192x128xf32, #tpu.memory_space<vmem_shared>> -> memref<128x128xf32, #tpu.memory_space<vmem_shared>>
      %dma_wait3A_755 = arith.constant 0 : i32
      %dma_wait3A_756 = tpu.memref_slice %arg11[%add3A_11, %dma_wait3A_755] : memref<8192x128xf32, #tpu.memory_space<vmem_shared>> -> memref<128x128xf32, #tpu.memory_space<vmem_shared>>
      %dma_wait3A_757 = arith.constant 0 : i32
      %dma_wait3A_758 = arith.constant 0 : i32
      %dma_wait3A_759 = tpu.memref_slice %arg10[%dma_wait3A_757, %dma_wait3A_758] : memref<448x128xf32, #tpu.memory_space<vmem>> -> memref<128x128xf32, #tpu.memory_space<vmem>>
      tpu.wait_dma2 semaphore(%run_scoped3A : memref<!tpu.dma_semaphore, #tpu.memory_space<semaphore_mem>>) src(%dma_wait3A_759 : memref<128x128xf32, #tpu.memory_space<vmem>>) dst(%dma_wait3A_756 : memref<128x128xf32, #tpu.memory_space<vmem_shared>>)
      tpu.yield
    }) : () -> ()
    %mul3A_12 = arith.constant 512 : i32
    %mul3A_13 = arith.muli %arg1, %mul3A_12 : i32
    %add3A_14 = arith.constant 256 : i32
    %add3A_15 = arith.addi %mul3A_13, %add3A_14 : i32
    "tpu.region"() ({
      %run_scoped3A = tpu.sem_alloc : memref<!tpu.dma_semaphore, #tpu.memory_space<semaphore_mem>>
      %dma_start3A_740 = arith.constant 0 : i32
      %dma_start3A_741 = arith.constant 0 : i32
      %dma_start3A_742 = tpu.memref_slice %arg10[%dma_start3A_740, %dma_start3A_741] : memref<448x128xf32, #tpu.memory_space<vmem>> -> memref<128x128xf32, #tpu.memory_space<vmem>>
      %dma_start3A_743 = arith.constant 0 : i32
      %dma_start3A_744 = tpu.memref_slice %arg11[%add3A_15, %dma_start3A_743] : memref<8192x128xf32, #tpu.memory_space<vmem_shared>> -> memref<128x128xf32, #tpu.memory_space<vmem_shared>>
      %dma_start3A_745 = arith.constant 0 : i32
      %dma_start3A_746 = tpu.memref_slice %arg11[%add3A_15, %dma_start3A_745] : memref<8192x128xf32, #tpu.memory_space<vmem_shared>> -> memref<128x128xf32, #tpu.memory_space<vmem_shared>>
      %dma_start3A_747 = arith.constant 0 : i32
      %dma_start3A_748 = arith.constant 0 : i32
      %dma_start3A_749 = tpu.memref_slice %arg10[%dma_start3A_747, %dma_start3A_748] : memref<448x128xf32, #tpu.memory_space<vmem>> -> memref<128x128xf32, #tpu.memory_space<vmem>>
      tpu.enqueue_dma source(%dma_start3A_749 : memref<128x128xf32, #tpu.memory_space<vmem>>) target(%dma_start3A_746 : memref<128x128xf32, #tpu.memory_space<vmem_shared>>) target_semaphore(%run_scoped3A : memref<!tpu.dma_semaphore, #tpu.memory_space<semaphore_mem>>)
      %dma_wait3A_750 = arith.constant 0 : i32
      %dma_wait3A_751 = arith.constant 0 : i32
      %dma_wait3A_752 = tpu.memref_slice %arg10[%dma_wait3A_750, %dma_wait3A_751] : memref<448x128xf32, #tpu.memory_space<vmem>> -> memref<128x128xf32, #tpu.memory_space<vmem>>
      %dma_wait3A_753 = arith.constant 0 : i32
      %dma_wait3A_754 = tpu.memref_slice %arg11[%add3A_15, %dma_wait3A_753] : memref<8192x128xf32, #tpu.memory_space<vmem_shared>> -> memref<128x128xf32, #tpu.memory_space<vmem_shared>>
      %dma_wait3A_755 = arith.constant 0 : i32
      %dma_wait3A_756 = tpu.memref_slice %arg11[%add3A_15, %dma_wait3A_755] : memref<8192x128xf32, #tpu.memory_space<vmem_shared>> -> memref<128x128xf32, #tpu.memory_space<vmem_shared>>
      %dma_wait3A_757 = arith.constant 0 : i32
      %dma_wait3A_758 = arith.constant 0 : i32
      %dma_wait3A_759 = tpu.memref_slice %arg10[%dma_wait3A_757, %dma_wait3A_758] : memref<448x128xf32, #tpu.memory_space<vmem>> -> memref<128x128xf32, #tpu.memory_space<vmem>>
      tpu.wait_dma2 semaphore(%run_scoped3A : memref<!tpu.dma_semaphore, #tpu.memory_space<semaphore_mem>>) src(%dma_wait3A_759 : memref<128x128xf32, #tpu.memory_space<vmem>>) dst(%dma_wait3A_756 : memref<128x128xf32, #tpu.memory_space<vmem_shared>>)
      tpu.yield
    }) : () -> ()
    %mul3A_16 = arith.constant 512 : i32
    %mul3A_17 = arith.muli %arg1, %mul3A_16 : i32
    %add3A_18 = arith.constant 384 : i32
    %add3A_19 = arith.addi %mul3A_17, %add3A_18 : i32
    "tpu.region"() ({
      %run_scoped3A = tpu.sem_alloc : memref<!tpu.dma_semaphore, #tpu.memory_space<semaphore_mem>>
      %dma_start3A_740 = arith.constant 0 : i32
      %dma_start3A_741 = arith.constant 0 : i32
      %dma_start3A_742 = tpu.memref_slice %arg10[%dma_start3A_740, %dma_start3A_741] : memref<448x128xf32, #tpu.memory_space<vmem>> -> memref<128x128xf32, #tpu.memory_space<vmem>>
      %dma_start3A_743 = arith.constant 0 : i32
      %dma_start3A_744 = tpu.memref_slice %arg11[%add3A_19, %dma_start3A_743] : memref<8192x128xf32, #tpu.memory_space<vmem_shared>> -> memref<128x128xf32, #tpu.memory_space<vmem_shared>>
      %dma_start3A_745 = arith.constant 0 : i32
      %dma_start3A_746 = tpu.memref_slice %arg11[%add3A_19, %dma_start3A_745] : memref<8192x128xf32, #tpu.memory_space<vmem_shared>> -> memref<128x128xf32, #tpu.memory_space<vmem_shared>>
      %dma_start3A_747 = arith.constant 0 : i32
      %dma_start3A_748 = arith.constant 0 : i32
      %dma_start3A_749 = tpu.memref_slice %arg10[%dma_start3A_747, %dma_start3A_748] : memref<448x128xf32, #tpu.memory_space<vmem>> -> memref<128x128xf32, #tpu.memory_space<vmem>>
      tpu.enqueue_dma source(%dma_start3A_749 : memref<128x128xf32, #tpu.memory_space<vmem>>) target(%dma_start3A_746 : memref<128x128xf32, #tpu.memory_space<vmem_shared>>) target_semaphore(%run_scoped3A : memref<!tpu.dma_semaphore, #tpu.memory_space<semaphore_mem>>)
      %dma_wait3A_750 = arith.constant 0 : i32
      %dma_wait3A_751 = arith.constant 0 : i32
      %dma_wait3A_752 = tpu.memref_slice %arg10[%dma_wait3A_750, %dma_wait3A_751] : memref<448x128xf32, #tpu.memory_space<vmem>> -> memref<128x128xf32, #tpu.memory_space<vmem>>
      %dma_wait3A_753 = arith.constant 0 : i32
      %dma_wait3A_754 = tpu.memref_slice %arg11[%add3A_19, %dma_wait3A_753] : memref<8192x128xf32, #tpu.memory_space<vmem_shared>> -> memref<128x128xf32, #tpu.memory_space<vmem_shared>>
      %dma_wait3A_755 = arith.constant 0 : i32
      %dma_wait3A_756 = tpu.memref_slice %arg11[%add3A_19, %dma_wait3A_755] : memref<8192x128xf32, #tpu.memory_space<vmem_shared>> -> memref<128x128xf32, #tpu.memory_space<vmem_shared>>
      %dma_wait3A_757 = arith.constant 0 : i32
      %dma_wait3A_758 = arith.constant 0 : i32
      %dma_wait3A_759 = tpu.memref_slice %arg10[%dma_wait3A_757, %dma_wait3A_758] : memref<448x128xf32, #tpu.memory_space<vmem>> -> memref<128x128xf32, #tpu.memory_space<vmem>>
      tpu.wait_dma2 semaphore(%run_scoped3A : memref<!tpu.dma_semaphore, #tpu.memory_space<semaphore_mem>>) src(%dma_wait3A_759 : memref<128x128xf32, #tpu.memory_space<vmem>>) dst(%dma_wait3A_756 : memref<128x128xf32, #tpu.memory_space<vmem_shared>>)
      tpu.yield
    }) : () -> ()
    %barrier3A = arith.constant 0 : index
    tpu.barrier barrier_id(%barrier3A)
    %rem3A = arith.constant 0 : i32
    %rem3A_20 = arith.constant 12 : i32
    %rem3A_21 = arith.remsi %rem3A, %rem3A_20 : i32
    %mul3A_22 = arith.constant 1311 : i32
    %mul3A_23 = arith.muli %arg1, %mul3A_22 : i32
    %add3A_24 = arith.constant 0 : i32
    %add3A_25 = arith.addi %mul3A_23, %add3A_24 : i32
    %mul3A_26 = arith.constant 64 : i32
    %mul3A_27 = arith.muli %add3A_25, %mul3A_26 : i32
    %dma_start3A = arith.constant 0 : i32
    %dma_start3A_28 = tpu.memref_slice %arg7[%rem3A_21, %dma_start3A] : memref<12x64xi32, #tpu.memory_space<vmem>> -> memref<1x64xi32, #tpu.memory_space<vmem>>
    %dma_start3A_29 = tpu.memref_squeeze %dma_start3A_28 : memref<1x64xi32, #tpu.memory_space<vmem>> -> memref<64xi32, #tpu.memory_space<vmem>>
    %dma_start3A_30 = tpu.memref_slice %arg3[%arg0, %mul3A_27] : memref<2x1342464xi32, #tpu.memory_space<hbm>> -> memref<1x64xi32, #tpu.memory_space<hbm>>
    %dma_start3A_31 = tpu.memref_squeeze %dma_start3A_30 : memref<1x64xi32, #tpu.memory_space<hbm>> -> memref<64xi32, #tpu.memory_space<hbm>>
    %dma_start3A_32 = tpu.memref_slice %arg12[%rem3A_21] : memref<12x!tpu.dma_semaphore, #tpu.memory_space<semaphore_mem>> -> memref<1x!tpu.dma_semaphore, #tpu.memory_space<semaphore_mem>>
    %dma_start3A_33 = tpu.memref_squeeze %dma_start3A_32 : memref<1x!tpu.dma_semaphore, #tpu.memory_space<semaphore_mem>> -> memref<!tpu.dma_semaphore, #tpu.memory_space<semaphore_mem>>
    %dma_start3A_34 = arith.constant 0 : i32
    %dma_start3A_35 = tpu.memref_slice %arg7[%rem3A_21, %dma_start3A_34] : memref<12x64xi32, #tpu.memory_space<vmem>> -> memref<1x64xi32, #tpu.memory_space<vmem>>
    %dma_start3A_36 = tpu.memref_squeeze %dma_start3A_35 : memref<1x64xi32, #tpu.memory_space<vmem>> -> memref<64xi32, #tpu.memory_space<vmem>>
    %dma_start3A_37 = tpu.memref_slice %arg3[%arg0, %mul3A_27] : memref<2x1342464xi32, #tpu.memory_space<hbm>> -> memref<1x64xi32, #tpu.memory_space<hbm>>
    %dma_start3A_38 = tpu.memref_squeeze %dma_start3A_37 : memref<1x64xi32, #tpu.memory_space<hbm>> -> memref<64xi32, #tpu.memory_space<hbm>>
    tpu.enqueue_dma source(%dma_start3A_38 : memref<64xi32, #tpu.memory_space<hbm>>) target(%dma_start3A_36 : memref<64xi32, #tpu.memory_space<vmem>>) target_semaphore(%dma_start3A_33 : memref<!tpu.dma_semaphore, #tpu.memory_space<semaphore_mem>>)
    %dma_start3A_39 = arith.constant 0 : i32
    %dma_start3A_40 = tpu.memref_slice %arg8[%rem3A_21, %dma_start3A_39] : memref<12x64xf32, #tpu.memory_space<vmem>> -> memref<1x64xf32, #tpu.memory_space<vmem>>
    %dma_start3A_41 = tpu.memref_squeeze %dma_start3A_40 : memref<1x64xf32, #tpu.memory_space<vmem>> -> memref<64xf32, #tpu.memory_space<vmem>>
    %dma_start3A_42 = tpu.memref_slice %arg5[%mul3A_27] : memref<1342464xf32, #tpu.memory_space<hbm>> -> memref<64xf32, #tpu.memory_space<hbm>>
    %dma_start3A_43 = tpu.memref_slice %arg12[%rem3A_21] : memref<12x!tpu.dma_semaphore, #tpu.memory_space<semaphore_mem>> -> memref<1x!tpu.dma_semaphore, #tpu.memory_space<semaphore_mem>>
    %dma_start3A_44 = tpu.memref_squeeze %dma_start3A_43 : memref<1x!tpu.dma_semaphore, #tpu.memory_space<semaphore_mem>> -> memref<!tpu.dma_semaphore, #tpu.memory_space<semaphore_mem>>
    %dma_start3A_45 = arith.constant 0 : i32
    %dma_start3A_46 = tpu.memref_slice %arg8[%rem3A_21, %dma_start3A_45] : memref<12x64xf32, #tpu.memory_space<vmem>> -> memref<1x64xf32, #tpu.memory_space<vmem>>
    %dma_start3A_47 = tpu.memref_squeeze %dma_start3A_46 : memref<1x64xf32, #tpu.memory_space<vmem>> -> memref<64xf32, #tpu.memory_space<vmem>>
    %dma_start3A_48 = tpu.memref_slice %arg5[%mul3A_27] : memref<1342464xf32, #tpu.memory_space<hbm>> -> memref<64xf32, #tpu.memory_space<hbm>>
    tpu.enqueue_dma source(%dma_start3A_48 : memref<64xf32, #tpu.memory_space<hbm>>) target(%dma_start3A_47 : memref<64xf32, #tpu.memory_space<vmem>>) target_semaphore(%dma_start3A_44 : memref<!tpu.dma_semaphore, #tpu.memory_space<semaphore_mem>>)
    %dma_start3A_49 = arith.constant 0 : i32
    %dma_start3A_50 = tpu.memref_slice %arg9[%rem3A_21, %dma_start3A_49] : memref<12x64xi32, #tpu.memory_space<vmem>> -> memref<1x64xi32, #tpu.memory_space<vmem>>
    %dma_start3A_51 = tpu.memref_squeeze %dma_start3A_50 : memref<1x64xi32, #tpu.memory_space<vmem>> -> memref<64xi32, #tpu.memory_space<vmem>>
    %dma_start3A_52 = tpu.memref_slice %arg4[%mul3A_27] : memref<1342464xi32, #tpu.memory_space<hbm>> -> memref<64xi32, #tpu.memory_space<hbm>>
    %dma_start3A_53 = tpu.memref_slice %arg12[%rem3A_21] : memref<12x!tpu.dma_semaphore, #tpu.memory_space<semaphore_mem>> -> memref<1x!tpu.dma_semaphore, #tpu.memory_space<semaphore_mem>>
    %dma_start3A_54 = tpu.memref_squeeze %dma_start3A_53 : memref<1x!tpu.dma_semaphore, #tpu.memory_space<semaphore_mem>> -> memref<!tpu.dma_semaphore, #tpu.memory_space<semaphore_mem>>
    %dma_start3A_55 = arith.constant 0 : i32
    %dma_start3A_56 = tpu.memref_slice %arg9[%rem3A_21, %dma_start3A_55] : memref<12x64xi32, #tpu.memory_space<vmem>> -> memref<1x64xi32, #tpu.memory_space<vmem>>
    %dma_start3A_57 = tpu.memref_squeeze %dma_start3A_56 : memref<1x64xi32, #tpu.memory_space<vmem>> -> memref<64xi32, #tpu.memory_space<vmem>>
    %dma_start3A_58 = tpu.memref_slice %arg4[%mul3A_27] : memref<1342464xi32, #tpu.memory_space<hbm>> -> memref<64xi32, #tpu.memory_space<hbm>>
    tpu.enqueue_dma source(%dma_start3A_58 : memref<64xi32, #tpu.memory_space<hbm>>) target(%dma_start3A_57 : memref<64xi32, #tpu.memory_space<vmem>>) target_semaphore(%dma_start3A_54 : memref<!tpu.dma_semaphore, #tpu.memory_space<semaphore_mem>>)
    %rem3A_59 = arith.constant 1 : i32
    %rem3A_60 = arith.constant 12 : i32
    %rem3A_61 = arith.remsi %rem3A_59, %rem3A_60 : i32
    %mul3A_62 = arith.constant 1311 : i32
    %mul3A_63 = arith.muli %arg1, %mul3A_62 : i32
    %add3A_64 = arith.constant 1 : i32
    %add3A_65 = arith.addi %mul3A_63, %add3A_64 : i32
    %mul3A_66 = arith.constant 64 : i32
    %mul3A_67 = arith.muli %add3A_65, %mul3A_66 : i32
    %dma_start3A_68 = arith.constant 0 : i32
    %dma_start3A_69 = tpu.memref_slice %arg7[%rem3A_61, %dma_start3A_68] : memref<12x64xi32, #tpu.memory_space<vmem>> -> memref<1x64xi32, #tpu.memory_space<vmem>>
    %dma_start3A_70 = tpu.memref_squeeze %dma_start3A_69 : memref<1x64xi32, #tpu.memory_space<vmem>> -> memref<64xi32, #tpu.memory_space<vmem>>
    %dma_start3A_71 = tpu.memref_slice %arg3[%arg0, %mul3A_67] : memref<2x1342464xi32, #tpu.memory_space<hbm>> -> memref<1x64xi32, #tpu.memory_space<hbm>>
    %dma_start3A_72 = tpu.memref_squeeze %dma_start3A_71 : memref<1x64xi32, #tpu.memory_space<hbm>> -> memref<64xi32, #tpu.memory_space<hbm>>
    %dma_start3A_73 = tpu.memref_slice %arg12[%rem3A_61] : memref<12x!tpu.dma_semaphore, #tpu.memory_space<semaphore_mem>> -> memref<1x!tpu.dma_semaphore, #tpu.memory_space<semaphore_mem>>
    %dma_start3A_74 = tpu.memref_squeeze %dma_start3A_73 : memref<1x!tpu.dma_semaphore, #tpu.memory_space<semaphore_mem>> -> memref<!tpu.dma_semaphore, #tpu.memory_space<semaphore_mem>>
    %dma_start3A_75 = arith.constant 0 : i32
    %dma_start3A_76 = tpu.memref_slice %arg7[%rem3A_61, %dma_start3A_75] : memref<12x64xi32, #tpu.memory_space<vmem>> -> memref<1x64xi32, #tpu.memory_space<vmem>>
    %dma_start3A_77 = tpu.memref_squeeze %dma_start3A_76 : memref<1x64xi32, #tpu.memory_space<vmem>> -> memref<64xi32, #tpu.memory_space<vmem>>
    %dma_start3A_78 = tpu.memref_slice %arg3[%arg0, %mul3A_67] : memref<2x1342464xi32, #tpu.memory_space<hbm>> -> memref<1x64xi32, #tpu.memory_space<hbm>>
    %dma_start3A_79 = tpu.memref_squeeze %dma_start3A_78 : memref<1x64xi32, #tpu.memory_space<hbm>> -> memref<64xi32, #tpu.memory_space<hbm>>
    tpu.enqueue_dma source(%dma_start3A_79 : memref<64xi32, #tpu.memory_space<hbm>>) target(%dma_start3A_77 : memref<64xi32, #tpu.memory_space<vmem>>) target_semaphore(%dma_start3A_74 : memref<!tpu.dma_semaphore, #tpu.memory_space<semaphore_mem>>)
    %dma_start3A_80 = arith.constant 0 : i32
    %dma_start3A_81 = tpu.memref_slice %arg8[%rem3A_61, %dma_start3A_80] : memref<12x64xf32, #tpu.memory_space<vmem>> -> memref<1x64xf32, #tpu.memory_space<vmem>>
    %dma_start3A_82 = tpu.memref_squeeze %dma_start3A_81 : memref<1x64xf32, #tpu.memory_space<vmem>> -> memref<64xf32, #tpu.memory_space<vmem>>
    %dma_start3A_83 = tpu.memref_slice %arg5[%mul3A_67] : memref<1342464xf32, #tpu.memory_space<hbm>> -> memref<64xf32, #tpu.memory_space<hbm>>
    %dma_start3A_84 = tpu.memref_slice %arg12[%rem3A_61] : memref<12x!tpu.dma_semaphore, #tpu.memory_space<semaphore_mem>> -> memref<1x!tpu.dma_semaphore, #tpu.memory_space<semaphore_mem>>
    %dma_start3A_85 = tpu.memref_squeeze %dma_start3A_84 : memref<1x!tpu.dma_semaphore, #tpu.memory_space<semaphore_mem>> -> memref<!tpu.dma_semaphore, #tpu.memory_space<semaphore_mem>>
    %dma_start3A_86 = arith.constant 0 : i32
    %dma_start3A_87 = tpu.memref_slice %arg8[%rem3A_61, %dma_start3A_86] : memref<12x64xf32, #tpu.memory_space<vmem>> -> memref<1x64xf32, #tpu.memory_space<vmem>>
    %dma_start3A_88 = tpu.memref_squeeze %dma_start3A_87 : memref<1x64xf32, #tpu.memory_space<vmem>> -> memref<64xf32, #tpu.memory_space<vmem>>
    %dma_start3A_89 = tpu.memref_slice %arg5[%mul3A_67] : memref<1342464xf32, #tpu.memory_space<hbm>> -> memref<64xf32, #tpu.memory_space<hbm>>
    tpu.enqueue_dma source(%dma_start3A_89 : memref<64xf32, #tpu.memory_space<hbm>>) target(%dma_start3A_88 : memref<64xf32, #tpu.memory_space<vmem>>) target_semaphore(%dma_start3A_85 : memref<!tpu.dma_semaphore, #tpu.memory_space<semaphore_mem>>)
    %dma_start3A_90 = arith.constant 0 : i32
    %dma_start3A_91 = tpu.memref_slice %arg9[%rem3A_61, %dma_start3A_90] : memref<12x64xi32, #tpu.memory_space<vmem>> -> memref<1x64xi32, #tpu.memory_space<vmem>>
    %dma_start3A_92 = tpu.memref_squeeze %dma_start3A_91 : memref<1x64xi32, #tpu.memory_space<vmem>> -> memref<64xi32, #tpu.memory_space<vmem>>
    %dma_start3A_93 = tpu.memref_slice %arg4[%mul3A_67] : memref<1342464xi32, #tpu.memory_space<hbm>> -> memref<64xi32, #tpu.memory_space<hbm>>
    %dma_start3A_94 = tpu.memref_slice %arg12[%rem3A_61] : memref<12x!tpu.dma_semaphore, #tpu.memory_space<semaphore_mem>> -> memref<1x!tpu.dma_semaphore, #tpu.memory_space<semaphore_mem>>
    %dma_start3A_95 = tpu.memref_squeeze %dma_start3A_94 : memref<1x!tpu.dma_semaphore, #tpu.memory_space<semaphore_mem>> -> memref<!tpu.dma_semaphore, #tpu.memory_space<semaphore_mem>>
    %dma_start3A_96 = arith.constant 0 : i32
    %dma_start3A_97 = tpu.memref_slice %arg9[%rem3A_61, %dma_start3A_96] : memref<12x64xi32, #tpu.memory_space<vmem>> -> memref<1x64xi32, #tpu.memory_space<vmem>>
    %dma_start3A_98 = tpu.memref_squeeze %dma_start3A_97 : memref<1x64xi32, #tpu.memory_space<vmem>> -> memref<64xi32, #tpu.memory_space<vmem>>
    %dma_start3A_99 = tpu.memref_slice %arg4[%mul3A_67] : memref<1342464xi32, #tpu.memory_space<hbm>> -> memref<64xi32, #tpu.memory_space<hbm>>
    tpu.enqueue_dma source(%dma_start3A_99 : memref<64xi32, #tpu.memory_space<hbm>>) target(%dma_start3A_98 : memref<64xi32, #tpu.memory_space<vmem>>) target_semaphore(%dma_start3A_95 : memref<!tpu.dma_semaphore, #tpu.memory_space<semaphore_mem>>)
    %rem3A_100 = arith.constant 2 : i32
    %rem3A_101 = arith.constant 12 : i32
    %rem3A_102 = arith.remsi %rem3A_100, %rem3A_101 : i32
    %mul3A_103 = arith.constant 1311 : i32
    %mul3A_104 = arith.muli %arg1, %mul3A_103 : i32
    %add3A_105 = arith.constant 2 : i32
    %add3A_106 = arith.addi %mul3A_104, %add3A_105 : i32
    %mul3A_107 = arith.constant 64 : i32
    %mul3A_108 = arith.muli %add3A_106, %mul3A_107 : i32
    %dma_start3A_109 = arith.constant 0 : i32
    %dma_start3A_110 = tpu.memref_slice %arg7[%rem3A_102, %dma_start3A_109] : memref<12x64xi32, #tpu.memory_space<vmem>> -> memref<1x64xi32, #tpu.memory_space<vmem>>
    %dma_start3A_111 = tpu.memref_squeeze %dma_start3A_110 : memref<1x64xi32, #tpu.memory_space<vmem>> -> memref<64xi32, #tpu.memory_space<vmem>>
    %dma_start3A_112 = tpu.memref_slice %arg3[%arg0, %mul3A_108] : memref<2x1342464xi32, #tpu.memory_space<hbm>> -> memref<1x64xi32, #tpu.memory_space<hbm>>
    %dma_start3A_113 = tpu.memref_squeeze %dma_start3A_112 : memref<1x64xi32, #tpu.memory_space<hbm>> -> memref<64xi32, #tpu.memory_space<hbm>>
    %dma_start3A_114 = tpu.memref_slice %arg12[%rem3A_102] : memref<12x!tpu.dma_semaphore, #tpu.memory_space<semaphore_mem>> -> memref<1x!tpu.dma_semaphore, #tpu.memory_space<semaphore_mem>>
    %dma_start3A_115 = tpu.memref_squeeze %dma_start3A_114 : memref<1x!tpu.dma_semaphore, #tpu.memory_space<semaphore_mem>> -> memref<!tpu.dma_semaphore, #tpu.memory_space<semaphore_mem>>
    %dma_start3A_116 = arith.constant 0 : i32
    %dma_start3A_117 = tpu.memref_slice %arg7[%rem3A_102, %dma_start3A_116] : memref<12x64xi32, #tpu.memory_space<vmem>> -> memref<1x64xi32, #tpu.memory_space<vmem>>
    %dma_start3A_118 = tpu.memref_squeeze %dma_start3A_117 : memref<1x64xi32, #tpu.memory_space<vmem>> -> memref<64xi32, #tpu.memory_space<vmem>>
    %dma_start3A_119 = tpu.memref_slice %arg3[%arg0, %mul3A_108] : memref<2x1342464xi32, #tpu.memory_space<hbm>> -> memref<1x64xi32, #tpu.memory_space<hbm>>
    %dma_start3A_120 = tpu.memref_squeeze %dma_start3A_119 : memref<1x64xi32, #tpu.memory_space<hbm>> -> memref<64xi32, #tpu.memory_space<hbm>>
    tpu.enqueue_dma source(%dma_start3A_120 : memref<64xi32, #tpu.memory_space<hbm>>) target(%dma_start3A_118 : memref<64xi32, #tpu.memory_space<vmem>>) target_semaphore(%dma_start3A_115 : memref<!tpu.dma_semaphore, #tpu.memory_space<semaphore_mem>>)
    %dma_start3A_121 = arith.constant 0 : i32
    %dma_start3A_122 = tpu.memref_slice %arg8[%rem3A_102, %dma_start3A_121] : memref<12x64xf32, #tpu.memory_space<vmem>> -> memref<1x64xf32, #tpu.memory_space<vmem>>
    %dma_start3A_123 = tpu.memref_squeeze %dma_start3A_122 : memref<1x64xf32, #tpu.memory_space<vmem>> -> memref<64xf32, #tpu.memory_space<vmem>>
    %dma_start3A_124 = tpu.memref_slice %arg5[%mul3A_108] : memref<1342464xf32, #tpu.memory_space<hbm>> -> memref<64xf32, #tpu.memory_space<hbm>>
    %dma_start3A_125 = tpu.memref_slice %arg12[%rem3A_102] : memref<12x!tpu.dma_semaphore, #tpu.memory_space<semaphore_mem>> -> memref<1x!tpu.dma_semaphore, #tpu.memory_space<semaphore_mem>>
    %dma_start3A_126 = tpu.memref_squeeze %dma_start3A_125 : memref<1x!tpu.dma_semaphore, #tpu.memory_space<semaphore_mem>> -> memref<!tpu.dma_semaphore, #tpu.memory_space<semaphore_mem>>
    %dma_start3A_127 = arith.constant 0 : i32
    %dma_start3A_128 = tpu.memref_slice %arg8[%rem3A_102, %dma_start3A_127] : memref<12x64xf32, #tpu.memory_space<vmem>> -> memref<1x64xf32, #tpu.memory_space<vmem>>
    %dma_start3A_129 = tpu.memref_squeeze %dma_start3A_128 : memref<1x64xf32, #tpu.memory_space<vmem>> -> memref<64xf32, #tpu.memory_space<vmem>>
    %dma_start3A_130 = tpu.memref_slice %arg5[%mul3A_108] : memref<1342464xf32, #tpu.memory_space<hbm>> -> memref<64xf32, #tpu.memory_space<hbm>>
    tpu.enqueue_dma source(%dma_start3A_130 : memref<64xf32, #tpu.memory_space<hbm>>) target(%dma_start3A_129 : memref<64xf32, #tpu.memory_space<vmem>>) target_semaphore(%dma_start3A_126 : memref<!tpu.dma_semaphore, #tpu.memory_space<semaphore_mem>>)
    %dma_start3A_131 = arith.constant 0 : i32
    %dma_start3A_132 = tpu.memref_slice %arg9[%rem3A_102, %dma_start3A_131] : memref<12x64xi32, #tpu.memory_space<vmem>> -> memref<1x64xi32, #tpu.memory_space<vmem>>
    %dma_start3A_133 = tpu.memref_squeeze %dma_start3A_132 : memref<1x64xi32, #tpu.memory_space<vmem>> -> memref<64xi32, #tpu.memory_space<vmem>>
    %dma_start3A_134 = tpu.memref_slice %arg4[%mul3A_108] : memref<1342464xi32, #tpu.memory_space<hbm>> -> memref<64xi32, #tpu.memory_space<hbm>>
    %dma_start3A_135 = tpu.memref_slice %arg12[%rem3A_102] : memref<12x!tpu.dma_semaphore, #tpu.memory_space<semaphore_mem>> -> memref<1x!tpu.dma_semaphore, #tpu.memory_space<semaphore_mem>>
    %dma_start3A_136 = tpu.memref_squeeze %dma_start3A_135 : memref<1x!tpu.dma_semaphore, #tpu.memory_space<semaphore_mem>> -> memref<!tpu.dma_semaphore, #tpu.memory_space<semaphore_mem>>
    %dma_start3A_137 = arith.constant 0 : i32
    %dma_start3A_138 = tpu.memref_slice %arg9[%rem3A_102, %dma_start3A_137] : memref<12x64xi32, #tpu.memory_space<vmem>> -> memref<1x64xi32, #tpu.memory_space<vmem>>
    %dma_start3A_139 = tpu.memref_squeeze %dma_start3A_138 : memref<1x64xi32, #tpu.memory_space<vmem>> -> memref<64xi32, #tpu.memory_space<vmem>>
    %dma_start3A_140 = tpu.memref_slice %arg4[%mul3A_108] : memref<1342464xi32, #tpu.memory_space<hbm>> -> memref<64xi32, #tpu.memory_space<hbm>>
    tpu.enqueue_dma source(%dma_start3A_140 : memref<64xi32, #tpu.memory_space<hbm>>) target(%dma_start3A_139 : memref<64xi32, #tpu.memory_space<vmem>>) target_semaphore(%dma_start3A_136 : memref<!tpu.dma_semaphore, #tpu.memory_space<semaphore_mem>>)
    %rem3A_141 = arith.constant 3 : i32
    %rem3A_142 = arith.constant 12 : i32
    %rem3A_143 = arith.remsi %rem3A_141, %rem3A_142 : i32
    %mul3A_144 = arith.constant 1311 : i32
    %mul3A_145 = arith.muli %arg1, %mul3A_144 : i32
    %add3A_146 = arith.constant 3 : i32
    %add3A_147 = arith.addi %mul3A_145, %add3A_146 : i32
    %mul3A_148 = arith.constant 64 : i32
    %mul3A_149 = arith.muli %add3A_147, %mul3A_148 : i32
    %dma_start3A_150 = arith.constant 0 : i32
    %dma_start3A_151 = tpu.memref_slice %arg7[%rem3A_143, %dma_start3A_150] : memref<12x64xi32, #tpu.memory_space<vmem>> -> memref<1x64xi32, #tpu.memory_space<vmem>>
    %dma_start3A_152 = tpu.memref_squeeze %dma_start3A_151 : memref<1x64xi32, #tpu.memory_space<vmem>> -> memref<64xi32, #tpu.memory_space<vmem>>
    %dma_start3A_153 = tpu.memref_slice %arg3[%arg0, %mul3A_149] : memref<2x1342464xi32, #tpu.memory_space<hbm>> -> memref<1x64xi32, #tpu.memory_space<hbm>>
    %dma_start3A_154 = tpu.memref_squeeze %dma_start3A_153 : memref<1x64xi32, #tpu.memory_space<hbm>> -> memref<64xi32, #tpu.memory_space<hbm>>
    %dma_start3A_155 = tpu.memref_slice %arg12[%rem3A_143] : memref<12x!tpu.dma_semaphore, #tpu.memory_space<semaphore_mem>> -> memref<1x!tpu.dma_semaphore, #tpu.memory_space<semaphore_mem>>
    %dma_start3A_156 = tpu.memref_squeeze %dma_start3A_155 : memref<1x!tpu.dma_semaphore, #tpu.memory_space<semaphore_mem>> -> memref<!tpu.dma_semaphore, #tpu.memory_space<semaphore_mem>>
    %dma_start3A_157 = arith.constant 0 : i32
    %dma_start3A_158 = tpu.memref_slice %arg7[%rem3A_143, %dma_start3A_157] : memref<12x64xi32, #tpu.memory_space<vmem>> -> memref<1x64xi32, #tpu.memory_space<vmem>>
    %dma_start3A_159 = tpu.memref_squeeze %dma_start3A_158 : memref<1x64xi32, #tpu.memory_space<vmem>> -> memref<64xi32, #tpu.memory_space<vmem>>
    %dma_start3A_160 = tpu.memref_slice %arg3[%arg0, %mul3A_149] : memref<2x1342464xi32, #tpu.memory_space<hbm>> -> memref<1x64xi32, #tpu.memory_space<hbm>>
    %dma_start3A_161 = tpu.memref_squeeze %dma_start3A_160 : memref<1x64xi32, #tpu.memory_space<hbm>> -> memref<64xi32, #tpu.memory_space<hbm>>
    tpu.enqueue_dma source(%dma_start3A_161 : memref<64xi32, #tpu.memory_space<hbm>>) target(%dma_start3A_159 : memref<64xi32, #tpu.memory_space<vmem>>) target_semaphore(%dma_start3A_156 : memref<!tpu.dma_semaphore, #tpu.memory_space<semaphore_mem>>)
    %dma_start3A_162 = arith.constant 0 : i32
    %dma_start3A_163 = tpu.memref_slice %arg8[%rem3A_143, %dma_start3A_162] : memref<12x64xf32, #tpu.memory_space<vmem>> -> memref<1x64xf32, #tpu.memory_space<vmem>>
    %dma_start3A_164 = tpu.memref_squeeze %dma_start3A_163 : memref<1x64xf32, #tpu.memory_space<vmem>> -> memref<64xf32, #tpu.memory_space<vmem>>
    %dma_start3A_165 = tpu.memref_slice %arg5[%mul3A_149] : memref<1342464xf32, #tpu.memory_space<hbm>> -> memref<64xf32, #tpu.memory_space<hbm>>
    %dma_start3A_166 = tpu.memref_slice %arg12[%rem3A_143] : memref<12x!tpu.dma_semaphore, #tpu.memory_space<semaphore_mem>> -> memref<1x!tpu.dma_semaphore, #tpu.memory_space<semaphore_mem>>
    %dma_start3A_167 = tpu.memref_squeeze %dma_start3A_166 : memref<1x!tpu.dma_semaphore, #tpu.memory_space<semaphore_mem>> -> memref<!tpu.dma_semaphore, #tpu.memory_space<semaphore_mem>>
    %dma_start3A_168 = arith.constant 0 : i32
    %dma_start3A_169 = tpu.memref_slice %arg8[%rem3A_143, %dma_start3A_168] : memref<12x64xf32, #tpu.memory_space<vmem>> -> memref<1x64xf32, #tpu.memory_space<vmem>>
    %dma_start3A_170 = tpu.memref_squeeze %dma_start3A_169 : memref<1x64xf32, #tpu.memory_space<vmem>> -> memref<64xf32, #tpu.memory_space<vmem>>
    %dma_start3A_171 = tpu.memref_slice %arg5[%mul3A_149] : memref<1342464xf32, #tpu.memory_space<hbm>> -> memref<64xf32, #tpu.memory_space<hbm>>
    tpu.enqueue_dma source(%dma_start3A_171 : memref<64xf32, #tpu.memory_space<hbm>>) target(%dma_start3A_170 : memref<64xf32, #tpu.memory_space<vmem>>) target_semaphore(%dma_start3A_167 : memref<!tpu.dma_semaphore, #tpu.memory_space<semaphore_mem>>)
    %dma_start3A_172 = arith.constant 0 : i32
    %dma_start3A_173 = tpu.memref_slice %arg9[%rem3A_143, %dma_start3A_172] : memref<12x64xi32, #tpu.memory_space<vmem>> -> memref<1x64xi32, #tpu.memory_space<vmem>>
    %dma_start3A_174 = tpu.memref_squeeze %dma_start3A_173 : memref<1x64xi32, #tpu.memory_space<vmem>> -> memref<64xi32, #tpu.memory_space<vmem>>
    %dma_start3A_175 = tpu.memref_slice %arg4[%mul3A_149] : memref<1342464xi32, #tpu.memory_space<hbm>> -> memref<64xi32, #tpu.memory_space<hbm>>
    %dma_start3A_176 = tpu.memref_slice %arg12[%rem3A_143] : memref<12x!tpu.dma_semaphore, #tpu.memory_space<semaphore_mem>> -> memref<1x!tpu.dma_semaphore, #tpu.memory_space<semaphore_mem>>
    %dma_start3A_177 = tpu.memref_squeeze %dma_start3A_176 : memref<1x!tpu.dma_semaphore, #tpu.memory_space<semaphore_mem>> -> memref<!tpu.dma_semaphore, #tpu.memory_space<semaphore_mem>>
    %dma_start3A_178 = arith.constant 0 : i32
    %dma_start3A_179 = tpu.memref_slice %arg9[%rem3A_143, %dma_start3A_178] : memref<12x64xi32, #tpu.memory_space<vmem>> -> memref<1x64xi32, #tpu.memory_space<vmem>>
    %dma_start3A_180 = tpu.memref_squeeze %dma_start3A_179 : memref<1x64xi32, #tpu.memory_space<vmem>> -> memref<64xi32, #tpu.memory_space<vmem>>
    %dma_start3A_181 = tpu.memref_slice %arg4[%mul3A_149] : memref<1342464xi32, #tpu.memory_space<hbm>> -> memref<64xi32, #tpu.memory_space<hbm>>
    tpu.enqueue_dma source(%dma_start3A_181 : memref<64xi32, #tpu.memory_space<hbm>>) target(%dma_start3A_180 : memref<64xi32, #tpu.memory_space<vmem>>) target_semaphore(%dma_start3A_177 : memref<!tpu.dma_semaphore, #tpu.memory_space<semaphore_mem>>)
    %rem3A_182 = arith.constant 4 : i32
    %rem3A_183 = arith.constant 12 : i32
    %rem3A_184 = arith.remsi %rem3A_182, %rem3A_183 : i32
    %mul3A_185 = arith.constant 1311 : i32
    %mul3A_186 = arith.muli %arg1, %mul3A_185 : i32
    %add3A_187 = arith.constant 4 : i32
    %add3A_188 = arith.addi %mul3A_186, %add3A_187 : i32
    %mul3A_189 = arith.constant 64 : i32
    %mul3A_190 = arith.muli %add3A_188, %mul3A_189 : i32
    %dma_start3A_191 = arith.constant 0 : i32
    %dma_start3A_192 = tpu.memref_slice %arg7[%rem3A_184, %dma_start3A_191] : memref<12x64xi32, #tpu.memory_space<vmem>> -> memref<1x64xi32, #tpu.memory_space<vmem>>
    %dma_start3A_193 = tpu.memref_squeeze %dma_start3A_192 : memref<1x64xi32, #tpu.memory_space<vmem>> -> memref<64xi32, #tpu.memory_space<vmem>>
    %dma_start3A_194 = tpu.memref_slice %arg3[%arg0, %mul3A_190] : memref<2x1342464xi32, #tpu.memory_space<hbm>> -> memref<1x64xi32, #tpu.memory_space<hbm>>
    %dma_start3A_195 = tpu.memref_squeeze %dma_start3A_194 : memref<1x64xi32, #tpu.memory_space<hbm>> -> memref<64xi32, #tpu.memory_space<hbm>>
    %dma_start3A_196 = tpu.memref_slice %arg12[%rem3A_184] : memref<12x!tpu.dma_semaphore, #tpu.memory_space<semaphore_mem>> -> memref<1x!tpu.dma_semaphore, #tpu.memory_space<semaphore_mem>>
    %dma_start3A_197 = tpu.memref_squeeze %dma_start3A_196 : memref<1x!tpu.dma_semaphore, #tpu.memory_space<semaphore_mem>> -> memref<!tpu.dma_semaphore, #tpu.memory_space<semaphore_mem>>
    %dma_start3A_198 = arith.constant 0 : i32
    %dma_start3A_199 = tpu.memref_slice %arg7[%rem3A_184, %dma_start3A_198] : memref<12x64xi32, #tpu.memory_space<vmem>> -> memref<1x64xi32, #tpu.memory_space<vmem>>
    %dma_start3A_200 = tpu.memref_squeeze %dma_start3A_199 : memref<1x64xi32, #tpu.memory_space<vmem>> -> memref<64xi32, #tpu.memory_space<vmem>>
    %dma_start3A_201 = tpu.memref_slice %arg3[%arg0, %mul3A_190] : memref<2x1342464xi32, #tpu.memory_space<hbm>> -> memref<1x64xi32, #tpu.memory_space<hbm>>
    %dma_start3A_202 = tpu.memref_squeeze %dma_start3A_201 : memref<1x64xi32, #tpu.memory_space<hbm>> -> memref<64xi32, #tpu.memory_space<hbm>>
    tpu.enqueue_dma source(%dma_start3A_202 : memref<64xi32, #tpu.memory_space<hbm>>) target(%dma_start3A_200 : memref<64xi32, #tpu.memory_space<vmem>>) target_semaphore(%dma_start3A_197 : memref<!tpu.dma_semaphore, #tpu.memory_space<semaphore_mem>>)
    %dma_start3A_203 = arith.constant 0 : i32
    %dma_start3A_204 = tpu.memref_slice %arg8[%rem3A_184, %dma_start3A_203] : memref<12x64xf32, #tpu.memory_space<vmem>> -> memref<1x64xf32, #tpu.memory_space<vmem>>
    %dma_start3A_205 = tpu.memref_squeeze %dma_start3A_204 : memref<1x64xf32, #tpu.memory_space<vmem>> -> memref<64xf32, #tpu.memory_space<vmem>>
    %dma_start3A_206 = tpu.memref_slice %arg5[%mul3A_190] : memref<1342464xf32, #tpu.memory_space<hbm>> -> memref<64xf32, #tpu.memory_space<hbm>>
    %dma_start3A_207 = tpu.memref_slice %arg12[%rem3A_184] : memref<12x!tpu.dma_semaphore, #tpu.memory_space<semaphore_mem>> -> memref<1x!tpu.dma_semaphore, #tpu.memory_space<semaphore_mem>>
    %dma_start3A_208 = tpu.memref_squeeze %dma_start3A_207 : memref<1x!tpu.dma_semaphore, #tpu.memory_space<semaphore_mem>> -> memref<!tpu.dma_semaphore, #tpu.memory_space<semaphore_mem>>
    %dma_start3A_209 = arith.constant 0 : i32
    %dma_start3A_210 = tpu.memref_slice %arg8[%rem3A_184, %dma_start3A_209] : memref<12x64xf32, #tpu.memory_space<vmem>> -> memref<1x64xf32, #tpu.memory_space<vmem>>
    %dma_start3A_211 = tpu.memref_squeeze %dma_start3A_210 : memref<1x64xf32, #tpu.memory_space<vmem>> -> memref<64xf32, #tpu.memory_space<vmem>>
    %dma_start3A_212 = tpu.memref_slice %arg5[%mul3A_190] : memref<1342464xf32, #tpu.memory_space<hbm>> -> memref<64xf32, #tpu.memory_space<hbm>>
    tpu.enqueue_dma source(%dma_start3A_212 : memref<64xf32, #tpu.memory_space<hbm>>) target(%dma_start3A_211 : memref<64xf32, #tpu.memory_space<vmem>>) target_semaphore(%dma_start3A_208 : memref<!tpu.dma_semaphore, #tpu.memory_space<semaphore_mem>>)
    %dma_start3A_213 = arith.constant 0 : i32
    %dma_start3A_214 = tpu.memref_slice %arg9[%rem3A_184, %dma_start3A_213] : memref<12x64xi32, #tpu.memory_space<vmem>> -> memref<1x64xi32, #tpu.memory_space<vmem>>
    %dma_start3A_215 = tpu.memref_squeeze %dma_start3A_214 : memref<1x64xi32, #tpu.memory_space<vmem>> -> memref<64xi32, #tpu.memory_space<vmem>>
    %dma_start3A_216 = tpu.memref_slice %arg4[%mul3A_190] : memref<1342464xi32, #tpu.memory_space<hbm>> -> memref<64xi32, #tpu.memory_space<hbm>>
    %dma_start3A_217 = tpu.memref_slice %arg12[%rem3A_184] : memref<12x!tpu.dma_semaphore, #tpu.memory_space<semaphore_mem>> -> memref<1x!tpu.dma_semaphore, #tpu.memory_space<semaphore_mem>>
    %dma_start3A_218 = tpu.memref_squeeze %dma_start3A_217 : memref<1x!tpu.dma_semaphore, #tpu.memory_space<semaphore_mem>> -> memref<!tpu.dma_semaphore, #tpu.memory_space<semaphore_mem>>
    %dma_start3A_219 = arith.constant 0 : i32
    %dma_start3A_220 = tpu.memref_slice %arg9[%rem3A_184, %dma_start3A_219] : memref<12x64xi32, #tpu.memory_space<vmem>> -> memref<1x64xi32, #tpu.memory_space<vmem>>
    %dma_start3A_221 = tpu.memref_squeeze %dma_start3A_220 : memref<1x64xi32, #tpu.memory_space<vmem>> -> memref<64xi32, #tpu.memory_space<vmem>>
    %dma_start3A_222 = tpu.memref_slice %arg4[%mul3A_190] : memref<1342464xi32, #tpu.memory_space<hbm>> -> memref<64xi32, #tpu.memory_space<hbm>>
    tpu.enqueue_dma source(%dma_start3A_222 : memref<64xi32, #tpu.memory_space<hbm>>) target(%dma_start3A_221 : memref<64xi32, #tpu.memory_space<vmem>>) target_semaphore(%dma_start3A_218 : memref<!tpu.dma_semaphore, #tpu.memory_space<semaphore_mem>>)
    %rem3A_223 = arith.constant 5 : i32
    %rem3A_224 = arith.constant 12 : i32
    %rem3A_225 = arith.remsi %rem3A_223, %rem3A_224 : i32
    %mul3A_226 = arith.constant 1311 : i32
    %mul3A_227 = arith.muli %arg1, %mul3A_226 : i32
    %add3A_228 = arith.constant 5 : i32
    %add3A_229 = arith.addi %mul3A_227, %add3A_228 : i32
    %mul3A_230 = arith.constant 64 : i32
    %mul3A_231 = arith.muli %add3A_229, %mul3A_230 : i32
    %dma_start3A_232 = arith.constant 0 : i32
    %dma_start3A_233 = tpu.memref_slice %arg7[%rem3A_225, %dma_start3A_232] : memref<12x64xi32, #tpu.memory_space<vmem>> -> memref<1x64xi32, #tpu.memory_space<vmem>>
    %dma_start3A_234 = tpu.memref_squeeze %dma_start3A_233 : memref<1x64xi32, #tpu.memory_space<vmem>> -> memref<64xi32, #tpu.memory_space<vmem>>
    %dma_start3A_235 = tpu.memref_slice %arg3[%arg0, %mul3A_231] : memref<2x1342464xi32, #tpu.memory_space<hbm>> -> memref<1x64xi32, #tpu.memory_space<hbm>>
    %dma_start3A_236 = tpu.memref_squeeze %dma_start3A_235 : memref<1x64xi32, #tpu.memory_space<hbm>> -> memref<64xi32, #tpu.memory_space<hbm>>
    %dma_start3A_237 = tpu.memref_slice %arg12[%rem3A_225] : memref<12x!tpu.dma_semaphore, #tpu.memory_space<semaphore_mem>> -> memref<1x!tpu.dma_semaphore, #tpu.memory_space<semaphore_mem>>
    %dma_start3A_238 = tpu.memref_squeeze %dma_start3A_237 : memref<1x!tpu.dma_semaphore, #tpu.memory_space<semaphore_mem>> -> memref<!tpu.dma_semaphore, #tpu.memory_space<semaphore_mem>>
    %dma_start3A_239 = arith.constant 0 : i32
    %dma_start3A_240 = tpu.memref_slice %arg7[%rem3A_225, %dma_start3A_239] : memref<12x64xi32, #tpu.memory_space<vmem>> -> memref<1x64xi32, #tpu.memory_space<vmem>>
    %dma_start3A_241 = tpu.memref_squeeze %dma_start3A_240 : memref<1x64xi32, #tpu.memory_space<vmem>> -> memref<64xi32, #tpu.memory_space<vmem>>
    %dma_start3A_242 = tpu.memref_slice %arg3[%arg0, %mul3A_231] : memref<2x1342464xi32, #tpu.memory_space<hbm>> -> memref<1x64xi32, #tpu.memory_space<hbm>>
    %dma_start3A_243 = tpu.memref_squeeze %dma_start3A_242 : memref<1x64xi32, #tpu.memory_space<hbm>> -> memref<64xi32, #tpu.memory_space<hbm>>
    tpu.enqueue_dma source(%dma_start3A_243 : memref<64xi32, #tpu.memory_space<hbm>>) target(%dma_start3A_241 : memref<64xi32, #tpu.memory_space<vmem>>) target_semaphore(%dma_start3A_238 : memref<!tpu.dma_semaphore, #tpu.memory_space<semaphore_mem>>)
    %dma_start3A_244 = arith.constant 0 : i32
    %dma_start3A_245 = tpu.memref_slice %arg8[%rem3A_225, %dma_start3A_244] : memref<12x64xf32, #tpu.memory_space<vmem>> -> memref<1x64xf32, #tpu.memory_space<vmem>>
    %dma_start3A_246 = tpu.memref_squeeze %dma_start3A_245 : memref<1x64xf32, #tpu.memory_space<vmem>> -> memref<64xf32, #tpu.memory_space<vmem>>
    %dma_start3A_247 = tpu.memref_slice %arg5[%mul3A_231] : memref<1342464xf32, #tpu.memory_space<hbm>> -> memref<64xf32, #tpu.memory_space<hbm>>
    %dma_start3A_248 = tpu.memref_slice %arg12[%rem3A_225] : memref<12x!tpu.dma_semaphore, #tpu.memory_space<semaphore_mem>> -> memref<1x!tpu.dma_semaphore, #tpu.memory_space<semaphore_mem>>
    %dma_start3A_249 = tpu.memref_squeeze %dma_start3A_248 : memref<1x!tpu.dma_semaphore, #tpu.memory_space<semaphore_mem>> -> memref<!tpu.dma_semaphore, #tpu.memory_space<semaphore_mem>>
    %dma_start3A_250 = arith.constant 0 : i32
    %dma_start3A_251 = tpu.memref_slice %arg8[%rem3A_225, %dma_start3A_250] : memref<12x64xf32, #tpu.memory_space<vmem>> -> memref<1x64xf32, #tpu.memory_space<vmem>>
    %dma_start3A_252 = tpu.memref_squeeze %dma_start3A_251 : memref<1x64xf32, #tpu.memory_space<vmem>> -> memref<64xf32, #tpu.memory_space<vmem>>
    %dma_start3A_253 = tpu.memref_slice %arg5[%mul3A_231] : memref<1342464xf32, #tpu.memory_space<hbm>> -> memref<64xf32, #tpu.memory_space<hbm>>
    tpu.enqueue_dma source(%dma_start3A_253 : memref<64xf32, #tpu.memory_space<hbm>>) target(%dma_start3A_252 : memref<64xf32, #tpu.memory_space<vmem>>) target_semaphore(%dma_start3A_249 : memref<!tpu.dma_semaphore, #tpu.memory_space<semaphore_mem>>)
    %dma_start3A_254 = arith.constant 0 : i32
    %dma_start3A_255 = tpu.memref_slice %arg9[%rem3A_225, %dma_start3A_254] : memref<12x64xi32, #tpu.memory_space<vmem>> -> memref<1x64xi32, #tpu.memory_space<vmem>>
    %dma_start3A_256 = tpu.memref_squeeze %dma_start3A_255 : memref<1x64xi32, #tpu.memory_space<vmem>> -> memref<64xi32, #tpu.memory_space<vmem>>
    %dma_start3A_257 = tpu.memref_slice %arg4[%mul3A_231] : memref<1342464xi32, #tpu.memory_space<hbm>> -> memref<64xi32, #tpu.memory_space<hbm>>
    %dma_start3A_258 = tpu.memref_slice %arg12[%rem3A_225] : memref<12x!tpu.dma_semaphore, #tpu.memory_space<semaphore_mem>> -> memref<1x!tpu.dma_semaphore, #tpu.memory_space<semaphore_mem>>
    %dma_start3A_259 = tpu.memref_squeeze %dma_start3A_258 : memref<1x!tpu.dma_semaphore, #tpu.memory_space<semaphore_mem>> -> memref<!tpu.dma_semaphore, #tpu.memory_space<semaphore_mem>>
    %dma_start3A_260 = arith.constant 0 : i32
    %dma_start3A_261 = tpu.memref_slice %arg9[%rem3A_225, %dma_start3A_260] : memref<12x64xi32, #tpu.memory_space<vmem>> -> memref<1x64xi32, #tpu.memory_space<vmem>>
    %dma_start3A_262 = tpu.memref_squeeze %dma_start3A_261 : memref<1x64xi32, #tpu.memory_space<vmem>> -> memref<64xi32, #tpu.memory_space<vmem>>
    %dma_start3A_263 = tpu.memref_slice %arg4[%mul3A_231] : memref<1342464xi32, #tpu.memory_space<hbm>> -> memref<64xi32, #tpu.memory_space<hbm>>
    tpu.enqueue_dma source(%dma_start3A_263 : memref<64xi32, #tpu.memory_space<hbm>>) target(%dma_start3A_262 : memref<64xi32, #tpu.memory_space<vmem>>) target_semaphore(%dma_start3A_259 : memref<!tpu.dma_semaphore, #tpu.memory_space<semaphore_mem>>)
    %rem3A_264 = arith.constant 6 : i32
    %rem3A_265 = arith.constant 12 : i32
    %rem3A_266 = arith.remsi %rem3A_264, %rem3A_265 : i32
    %mul3A_267 = arith.constant 1311 : i32
    %mul3A_268 = arith.muli %arg1, %mul3A_267 : i32
    %add3A_269 = arith.constant 6 : i32
    %add3A_270 = arith.addi %mul3A_268, %add3A_269 : i32
    %mul3A_271 = arith.constant 64 : i32
    %mul3A_272 = arith.muli %add3A_270, %mul3A_271 : i32
    %dma_start3A_273 = arith.constant 0 : i32
    %dma_start3A_274 = tpu.memref_slice %arg7[%rem3A_266, %dma_start3A_273] : memref<12x64xi32, #tpu.memory_space<vmem>> -> memref<1x64xi32, #tpu.memory_space<vmem>>
    %dma_start3A_275 = tpu.memref_squeeze %dma_start3A_274 : memref<1x64xi32, #tpu.memory_space<vmem>> -> memref<64xi32, #tpu.memory_space<vmem>>
    %dma_start3A_276 = tpu.memref_slice %arg3[%arg0, %mul3A_272] : memref<2x1342464xi32, #tpu.memory_space<hbm>> -> memref<1x64xi32, #tpu.memory_space<hbm>>
    %dma_start3A_277 = tpu.memref_squeeze %dma_start3A_276 : memref<1x64xi32, #tpu.memory_space<hbm>> -> memref<64xi32, #tpu.memory_space<hbm>>
    %dma_start3A_278 = tpu.memref_slice %arg12[%rem3A_266] : memref<12x!tpu.dma_semaphore, #tpu.memory_space<semaphore_mem>> -> memref<1x!tpu.dma_semaphore, #tpu.memory_space<semaphore_mem>>
    %dma_start3A_279 = tpu.memref_squeeze %dma_start3A_278 : memref<1x!tpu.dma_semaphore, #tpu.memory_space<semaphore_mem>> -> memref<!tpu.dma_semaphore, #tpu.memory_space<semaphore_mem>>
    %dma_start3A_280 = arith.constant 0 : i32
    %dma_start3A_281 = tpu.memref_slice %arg7[%rem3A_266, %dma_start3A_280] : memref<12x64xi32, #tpu.memory_space<vmem>> -> memref<1x64xi32, #tpu.memory_space<vmem>>
    %dma_start3A_282 = tpu.memref_squeeze %dma_start3A_281 : memref<1x64xi32, #tpu.memory_space<vmem>> -> memref<64xi32, #tpu.memory_space<vmem>>
    %dma_start3A_283 = tpu.memref_slice %arg3[%arg0, %mul3A_272] : memref<2x1342464xi32, #tpu.memory_space<hbm>> -> memref<1x64xi32, #tpu.memory_space<hbm>>
    %dma_start3A_284 = tpu.memref_squeeze %dma_start3A_283 : memref<1x64xi32, #tpu.memory_space<hbm>> -> memref<64xi32, #tpu.memory_space<hbm>>
    tpu.enqueue_dma source(%dma_start3A_284 : memref<64xi32, #tpu.memory_space<hbm>>) target(%dma_start3A_282 : memref<64xi32, #tpu.memory_space<vmem>>) target_semaphore(%dma_start3A_279 : memref<!tpu.dma_semaphore, #tpu.memory_space<semaphore_mem>>)
    %dma_start3A_285 = arith.constant 0 : i32
    %dma_start3A_286 = tpu.memref_slice %arg8[%rem3A_266, %dma_start3A_285] : memref<12x64xf32, #tpu.memory_space<vmem>> -> memref<1x64xf32, #tpu.memory_space<vmem>>
    %dma_start3A_287 = tpu.memref_squeeze %dma_start3A_286 : memref<1x64xf32, #tpu.memory_space<vmem>> -> memref<64xf32, #tpu.memory_space<vmem>>
    %dma_start3A_288 = tpu.memref_slice %arg5[%mul3A_272] : memref<1342464xf32, #tpu.memory_space<hbm>> -> memref<64xf32, #tpu.memory_space<hbm>>
    %dma_start3A_289 = tpu.memref_slice %arg12[%rem3A_266] : memref<12x!tpu.dma_semaphore, #tpu.memory_space<semaphore_mem>> -> memref<1x!tpu.dma_semaphore, #tpu.memory_space<semaphore_mem>>
    %dma_start3A_290 = tpu.memref_squeeze %dma_start3A_289 : memref<1x!tpu.dma_semaphore, #tpu.memory_space<semaphore_mem>> -> memref<!tpu.dma_semaphore, #tpu.memory_space<semaphore_mem>>
    %dma_start3A_291 = arith.constant 0 : i32
    %dma_start3A_292 = tpu.memref_slice %arg8[%rem3A_266, %dma_start3A_291] : memref<12x64xf32, #tpu.memory_space<vmem>> -> memref<1x64xf32, #tpu.memory_space<vmem>>
    %dma_start3A_293 = tpu.memref_squeeze %dma_start3A_292 : memref<1x64xf32, #tpu.memory_space<vmem>> -> memref<64xf32, #tpu.memory_space<vmem>>
    %dma_start3A_294 = tpu.memref_slice %arg5[%mul3A_272] : memref<1342464xf32, #tpu.memory_space<hbm>> -> memref<64xf32, #tpu.memory_space<hbm>>
    tpu.enqueue_dma source(%dma_start3A_294 : memref<64xf32, #tpu.memory_space<hbm>>) target(%dma_start3A_293 : memref<64xf32, #tpu.memory_space<vmem>>) target_semaphore(%dma_start3A_290 : memref<!tpu.dma_semaphore, #tpu.memory_space<semaphore_mem>>)
    %dma_start3A_295 = arith.constant 0 : i32
    %dma_start3A_296 = tpu.memref_slice %arg9[%rem3A_266, %dma_start3A_295] : memref<12x64xi32, #tpu.memory_space<vmem>> -> memref<1x64xi32, #tpu.memory_space<vmem>>
    %dma_start3A_297 = tpu.memref_squeeze %dma_start3A_296 : memref<1x64xi32, #tpu.memory_space<vmem>> -> memref<64xi32, #tpu.memory_space<vmem>>
    %dma_start3A_298 = tpu.memref_slice %arg4[%mul3A_272] : memref<1342464xi32, #tpu.memory_space<hbm>> -> memref<64xi32, #tpu.memory_space<hbm>>
    %dma_start3A_299 = tpu.memref_slice %arg12[%rem3A_266] : memref<12x!tpu.dma_semaphore, #tpu.memory_space<semaphore_mem>> -> memref<1x!tpu.dma_semaphore, #tpu.memory_space<semaphore_mem>>
    %dma_start3A_300 = tpu.memref_squeeze %dma_start3A_299 : memref<1x!tpu.dma_semaphore, #tpu.memory_space<semaphore_mem>> -> memref<!tpu.dma_semaphore, #tpu.memory_space<semaphore_mem>>
    %dma_start3A_301 = arith.constant 0 : i32
    %dma_start3A_302 = tpu.memref_slice %arg9[%rem3A_266, %dma_start3A_301] : memref<12x64xi32, #tpu.memory_space<vmem>> -> memref<1x64xi32, #tpu.memory_space<vmem>>
    %dma_start3A_303 = tpu.memref_squeeze %dma_start3A_302 : memref<1x64xi32, #tpu.memory_space<vmem>> -> memref<64xi32, #tpu.memory_space<vmem>>
    %dma_start3A_304 = tpu.memref_slice %arg4[%mul3A_272] : memref<1342464xi32, #tpu.memory_space<hbm>> -> memref<64xi32, #tpu.memory_space<hbm>>
    tpu.enqueue_dma source(%dma_start3A_304 : memref<64xi32, #tpu.memory_space<hbm>>) target(%dma_start3A_303 : memref<64xi32, #tpu.memory_space<vmem>>) target_semaphore(%dma_start3A_300 : memref<!tpu.dma_semaphore, #tpu.memory_space<semaphore_mem>>)
    %rem3A_305 = arith.constant 7 : i32
    %rem3A_306 = arith.constant 12 : i32
    %rem3A_307 = arith.remsi %rem3A_305, %rem3A_306 : i32
    %mul3A_308 = arith.constant 1311 : i32
    %mul3A_309 = arith.muli %arg1, %mul3A_308 : i32
    %add3A_310 = arith.constant 7 : i32
    %add3A_311 = arith.addi %mul3A_309, %add3A_310 : i32
    %mul3A_312 = arith.constant 64 : i32
    %mul3A_313 = arith.muli %add3A_311, %mul3A_312 : i32
    %dma_start3A_314 = arith.constant 0 : i32
    %dma_start3A_315 = tpu.memref_slice %arg7[%rem3A_307, %dma_start3A_314] : memref<12x64xi32, #tpu.memory_space<vmem>> -> memref<1x64xi32, #tpu.memory_space<vmem>>
    %dma_start3A_316 = tpu.memref_squeeze %dma_start3A_315 : memref<1x64xi32, #tpu.memory_space<vmem>> -> memref<64xi32, #tpu.memory_space<vmem>>
    %dma_start3A_317 = tpu.memref_slice %arg3[%arg0, %mul3A_313] : memref<2x1342464xi32, #tpu.memory_space<hbm>> -> memref<1x64xi32, #tpu.memory_space<hbm>>
    %dma_start3A_318 = tpu.memref_squeeze %dma_start3A_317 : memref<1x64xi32, #tpu.memory_space<hbm>> -> memref<64xi32, #tpu.memory_space<hbm>>
    %dma_start3A_319 = tpu.memref_slice %arg12[%rem3A_307] : memref<12x!tpu.dma_semaphore, #tpu.memory_space<semaphore_mem>> -> memref<1x!tpu.dma_semaphore, #tpu.memory_space<semaphore_mem>>
    %dma_start3A_320 = tpu.memref_squeeze %dma_start3A_319 : memref<1x!tpu.dma_semaphore, #tpu.memory_space<semaphore_mem>> -> memref<!tpu.dma_semaphore, #tpu.memory_space<semaphore_mem>>
    %dma_start3A_321 = arith.constant 0 : i32
    %dma_start3A_322 = tpu.memref_slice %arg7[%rem3A_307, %dma_start3A_321] : memref<12x64xi32, #tpu.memory_space<vmem>> -> memref<1x64xi32, #tpu.memory_space<vmem>>
    %dma_start3A_323 = tpu.memref_squeeze %dma_start3A_322 : memref<1x64xi32, #tpu.memory_space<vmem>> -> memref<64xi32, #tpu.memory_space<vmem>>
    %dma_start3A_324 = tpu.memref_slice %arg3[%arg0, %mul3A_313] : memref<2x1342464xi32, #tpu.memory_space<hbm>> -> memref<1x64xi32, #tpu.memory_space<hbm>>
    %dma_start3A_325 = tpu.memref_squeeze %dma_start3A_324 : memref<1x64xi32, #tpu.memory_space<hbm>> -> memref<64xi32, #tpu.memory_space<hbm>>
    tpu.enqueue_dma source(%dma_start3A_325 : memref<64xi32, #tpu.memory_space<hbm>>) target(%dma_start3A_323 : memref<64xi32, #tpu.memory_space<vmem>>) target_semaphore(%dma_start3A_320 : memref<!tpu.dma_semaphore, #tpu.memory_space<semaphore_mem>>)
    %dma_start3A_326 = arith.constant 0 : i32
    %dma_start3A_327 = tpu.memref_slice %arg8[%rem3A_307, %dma_start3A_326] : memref<12x64xf32, #tpu.memory_space<vmem>> -> memref<1x64xf32, #tpu.memory_space<vmem>>
    %dma_start3A_328 = tpu.memref_squeeze %dma_start3A_327 : memref<1x64xf32, #tpu.memory_space<vmem>> -> memref<64xf32, #tpu.memory_space<vmem>>
    %dma_start3A_329 = tpu.memref_slice %arg5[%mul3A_313] : memref<1342464xf32, #tpu.memory_space<hbm>> -> memref<64xf32, #tpu.memory_space<hbm>>
    %dma_start3A_330 = tpu.memref_slice %arg12[%rem3A_307] : memref<12x!tpu.dma_semaphore, #tpu.memory_space<semaphore_mem>> -> memref<1x!tpu.dma_semaphore, #tpu.memory_space<semaphore_mem>>
    %dma_start3A_331 = tpu.memref_squeeze %dma_start3A_330 : memref<1x!tpu.dma_semaphore, #tpu.memory_space<semaphore_mem>> -> memref<!tpu.dma_semaphore, #tpu.memory_space<semaphore_mem>>
    %dma_start3A_332 = arith.constant 0 : i32
    %dma_start3A_333 = tpu.memref_slice %arg8[%rem3A_307, %dma_start3A_332] : memref<12x64xf32, #tpu.memory_space<vmem>> -> memref<1x64xf32, #tpu.memory_space<vmem>>
    %dma_start3A_334 = tpu.memref_squeeze %dma_start3A_333 : memref<1x64xf32, #tpu.memory_space<vmem>> -> memref<64xf32, #tpu.memory_space<vmem>>
    %dma_start3A_335 = tpu.memref_slice %arg5[%mul3A_313] : memref<1342464xf32, #tpu.memory_space<hbm>> -> memref<64xf32, #tpu.memory_space<hbm>>
    tpu.enqueue_dma source(%dma_start3A_335 : memref<64xf32, #tpu.memory_space<hbm>>) target(%dma_start3A_334 : memref<64xf32, #tpu.memory_space<vmem>>) target_semaphore(%dma_start3A_331 : memref<!tpu.dma_semaphore, #tpu.memory_space<semaphore_mem>>)
    %dma_start3A_336 = arith.constant 0 : i32
    %dma_start3A_337 = tpu.memref_slice %arg9[%rem3A_307, %dma_start3A_336] : memref<12x64xi32, #tpu.memory_space<vmem>> -> memref<1x64xi32, #tpu.memory_space<vmem>>
    %dma_start3A_338 = tpu.memref_squeeze %dma_start3A_337 : memref<1x64xi32, #tpu.memory_space<vmem>> -> memref<64xi32, #tpu.memory_space<vmem>>
    %dma_start3A_339 = tpu.memref_slice %arg4[%mul3A_313] : memref<1342464xi32, #tpu.memory_space<hbm>> -> memref<64xi32, #tpu.memory_space<hbm>>
    %dma_start3A_340 = tpu.memref_slice %arg12[%rem3A_307] : memref<12x!tpu.dma_semaphore, #tpu.memory_space<semaphore_mem>> -> memref<1x!tpu.dma_semaphore, #tpu.memory_space<semaphore_mem>>
    %dma_start3A_341 = tpu.memref_squeeze %dma_start3A_340 : memref<1x!tpu.dma_semaphore, #tpu.memory_space<semaphore_mem>> -> memref<!tpu.dma_semaphore, #tpu.memory_space<semaphore_mem>>
    %dma_start3A_342 = arith.constant 0 : i32
    %dma_start3A_343 = tpu.memref_slice %arg9[%rem3A_307, %dma_start3A_342] : memref<12x64xi32, #tpu.memory_space<vmem>> -> memref<1x64xi32, #tpu.memory_space<vmem>>
    %dma_start3A_344 = tpu.memref_squeeze %dma_start3A_343 : memref<1x64xi32, #tpu.memory_space<vmem>> -> memref<64xi32, #tpu.memory_space<vmem>>
    %dma_start3A_345 = tpu.memref_slice %arg4[%mul3A_313] : memref<1342464xi32, #tpu.memory_space<hbm>> -> memref<64xi32, #tpu.memory_space<hbm>>
    tpu.enqueue_dma source(%dma_start3A_345 : memref<64xi32, #tpu.memory_space<hbm>>) target(%dma_start3A_344 : memref<64xi32, #tpu.memory_space<vmem>>) target_semaphore(%dma_start3A_341 : memref<!tpu.dma_semaphore, #tpu.memory_space<semaphore_mem>>)
    %rem3A_346 = arith.constant 8 : i32
    %rem3A_347 = arith.constant 12 : i32
    %rem3A_348 = arith.remsi %rem3A_346, %rem3A_347 : i32
    %mul3A_349 = arith.constant 1311 : i32
    %mul3A_350 = arith.muli %arg1, %mul3A_349 : i32
    %add3A_351 = arith.constant 8 : i32
    %add3A_352 = arith.addi %mul3A_350, %add3A_351 : i32
    %mul3A_353 = arith.constant 64 : i32
    %mul3A_354 = arith.muli %add3A_352, %mul3A_353 : i32
    %dma_start3A_355 = arith.constant 0 : i32
    %dma_start3A_356 = tpu.memref_slice %arg7[%rem3A_348, %dma_start3A_355] : memref<12x64xi32, #tpu.memory_space<vmem>> -> memref<1x64xi32, #tpu.memory_space<vmem>>
    %dma_start3A_357 = tpu.memref_squeeze %dma_start3A_356 : memref<1x64xi32, #tpu.memory_space<vmem>> -> memref<64xi32, #tpu.memory_space<vmem>>
    %dma_start3A_358 = tpu.memref_slice %arg3[%arg0, %mul3A_354] : memref<2x1342464xi32, #tpu.memory_space<hbm>> -> memref<1x64xi32, #tpu.memory_space<hbm>>
    %dma_start3A_359 = tpu.memref_squeeze %dma_start3A_358 : memref<1x64xi32, #tpu.memory_space<hbm>> -> memref<64xi32, #tpu.memory_space<hbm>>
    %dma_start3A_360 = tpu.memref_slice %arg12[%rem3A_348] : memref<12x!tpu.dma_semaphore, #tpu.memory_space<semaphore_mem>> -> memref<1x!tpu.dma_semaphore, #tpu.memory_space<semaphore_mem>>
    %dma_start3A_361 = tpu.memref_squeeze %dma_start3A_360 : memref<1x!tpu.dma_semaphore, #tpu.memory_space<semaphore_mem>> -> memref<!tpu.dma_semaphore, #tpu.memory_space<semaphore_mem>>
    %dma_start3A_362 = arith.constant 0 : i32
    %dma_start3A_363 = tpu.memref_slice %arg7[%rem3A_348, %dma_start3A_362] : memref<12x64xi32, #tpu.memory_space<vmem>> -> memref<1x64xi32, #tpu.memory_space<vmem>>
    %dma_start3A_364 = tpu.memref_squeeze %dma_start3A_363 : memref<1x64xi32, #tpu.memory_space<vmem>> -> memref<64xi32, #tpu.memory_space<vmem>>
    %dma_start3A_365 = tpu.memref_slice %arg3[%arg0, %mul3A_354] : memref<2x1342464xi32, #tpu.memory_space<hbm>> -> memref<1x64xi32, #tpu.memory_space<hbm>>
    %dma_start3A_366 = tpu.memref_squeeze %dma_start3A_365 : memref<1x64xi32, #tpu.memory_space<hbm>> -> memref<64xi32, #tpu.memory_space<hbm>>
    tpu.enqueue_dma source(%dma_start3A_366 : memref<64xi32, #tpu.memory_space<hbm>>) target(%dma_start3A_364 : memref<64xi32, #tpu.memory_space<vmem>>) target_semaphore(%dma_start3A_361 : memref<!tpu.dma_semaphore, #tpu.memory_space<semaphore_mem>>)
    %dma_start3A_367 = arith.constant 0 : i32
    %dma_start3A_368 = tpu.memref_slice %arg8[%rem3A_348, %dma_start3A_367] : memref<12x64xf32, #tpu.memory_space<vmem>> -> memref<1x64xf32, #tpu.memory_space<vmem>>
    %dma_start3A_369 = tpu.memref_squeeze %dma_start3A_368 : memref<1x64xf32, #tpu.memory_space<vmem>> -> memref<64xf32, #tpu.memory_space<vmem>>
    %dma_start3A_370 = tpu.memref_slice %arg5[%mul3A_354] : memref<1342464xf32, #tpu.memory_space<hbm>> -> memref<64xf32, #tpu.memory_space<hbm>>
    %dma_start3A_371 = tpu.memref_slice %arg12[%rem3A_348] : memref<12x!tpu.dma_semaphore, #tpu.memory_space<semaphore_mem>> -> memref<1x!tpu.dma_semaphore, #tpu.memory_space<semaphore_mem>>
    %dma_start3A_372 = tpu.memref_squeeze %dma_start3A_371 : memref<1x!tpu.dma_semaphore, #tpu.memory_space<semaphore_mem>> -> memref<!tpu.dma_semaphore, #tpu.memory_space<semaphore_mem>>
    %dma_start3A_373 = arith.constant 0 : i32
    %dma_start3A_374 = tpu.memref_slice %arg8[%rem3A_348, %dma_start3A_373] : memref<12x64xf32, #tpu.memory_space<vmem>> -> memref<1x64xf32, #tpu.memory_space<vmem>>
    %dma_start3A_375 = tpu.memref_squeeze %dma_start3A_374 : memref<1x64xf32, #tpu.memory_space<vmem>> -> memref<64xf32, #tpu.memory_space<vmem>>
    %dma_start3A_376 = tpu.memref_slice %arg5[%mul3A_354] : memref<1342464xf32, #tpu.memory_space<hbm>> -> memref<64xf32, #tpu.memory_space<hbm>>
    tpu.enqueue_dma source(%dma_start3A_376 : memref<64xf32, #tpu.memory_space<hbm>>) target(%dma_start3A_375 : memref<64xf32, #tpu.memory_space<vmem>>) target_semaphore(%dma_start3A_372 : memref<!tpu.dma_semaphore, #tpu.memory_space<semaphore_mem>>)
    %dma_start3A_377 = arith.constant 0 : i32
    %dma_start3A_378 = tpu.memref_slice %arg9[%rem3A_348, %dma_start3A_377] : memref<12x64xi32, #tpu.memory_space<vmem>> -> memref<1x64xi32, #tpu.memory_space<vmem>>
    %dma_start3A_379 = tpu.memref_squeeze %dma_start3A_378 : memref<1x64xi32, #tpu.memory_space<vmem>> -> memref<64xi32, #tpu.memory_space<vmem>>
    %dma_start3A_380 = tpu.memref_slice %arg4[%mul3A_354] : memref<1342464xi32, #tpu.memory_space<hbm>> -> memref<64xi32, #tpu.memory_space<hbm>>
    %dma_start3A_381 = tpu.memref_slice %arg12[%rem3A_348] : memref<12x!tpu.dma_semaphore, #tpu.memory_space<semaphore_mem>> -> memref<1x!tpu.dma_semaphore, #tpu.memory_space<semaphore_mem>>
    %dma_start3A_382 = tpu.memref_squeeze %dma_start3A_381 : memref<1x!tpu.dma_semaphore, #tpu.memory_space<semaphore_mem>> -> memref<!tpu.dma_semaphore, #tpu.memory_space<semaphore_mem>>
    %dma_start3A_383 = arith.constant 0 : i32
    %dma_start3A_384 = tpu.memref_slice %arg9[%rem3A_348, %dma_start3A_383] : memref<12x64xi32, #tpu.memory_space<vmem>> -> memref<1x64xi32, #tpu.memory_space<vmem>>
    %dma_start3A_385 = tpu.memref_squeeze %dma_start3A_384 : memref<1x64xi32, #tpu.memory_space<vmem>> -> memref<64xi32, #tpu.memory_space<vmem>>
    %dma_start3A_386 = tpu.memref_slice %arg4[%mul3A_354] : memref<1342464xi32, #tpu.memory_space<hbm>> -> memref<64xi32, #tpu.memory_space<hbm>>
    tpu.enqueue_dma source(%dma_start3A_386 : memref<64xi32, #tpu.memory_space<hbm>>) target(%dma_start3A_385 : memref<64xi32, #tpu.memory_space<vmem>>) target_semaphore(%dma_start3A_382 : memref<!tpu.dma_semaphore, #tpu.memory_space<semaphore_mem>>)
    %dma_wait3A = arith.constant 0 : i32
    %dma_wait3A_387 = arith.constant 0 : i32
    %dma_wait3A_388 = arith.constant 0 : i32
    %dma_wait3A_389 = arith.constant 0 : i32
    %dma_wait3A_390 = tpu.memref_slice %arg7[%dma_wait3A_387, %dma_wait3A_389] : memref<12x64xi32, #tpu.memory_space<vmem>> -> memref<1x64xi32, #tpu.memory_space<vmem>>
    %dma_wait3A_391 = tpu.memref_squeeze %dma_wait3A_390 : memref<1x64xi32, #tpu.memory_space<vmem>> -> memref<64xi32, #tpu.memory_space<vmem>>
    %dma_wait3A_392 = arith.constant 0 : i32
    %dma_wait3A_393 = tpu.memref_slice %arg3[%dma_wait3A, %dma_wait3A_392] : memref<2x1342464xi32, #tpu.memory_space<hbm>> -> memref<1x64xi32, #tpu.memory_space<hbm>>
    %dma_wait3A_394 = tpu.memref_squeeze %dma_wait3A_393 : memref<1x64xi32, #tpu.memory_space<hbm>> -> memref<64xi32, #tpu.memory_space<hbm>>
    %dma_wait3A_395 = tpu.memref_slice %arg12[%dma_wait3A_388] : memref<12x!tpu.dma_semaphore, #tpu.memory_space<semaphore_mem>> -> memref<1x!tpu.dma_semaphore, #tpu.memory_space<semaphore_mem>>
    %dma_wait3A_396 = tpu.memref_squeeze %dma_wait3A_395 : memref<1x!tpu.dma_semaphore, #tpu.memory_space<semaphore_mem>> -> memref<!tpu.dma_semaphore, #tpu.memory_space<semaphore_mem>>
    %dma_wait3A_397 = arith.constant 0 : i32
    %dma_wait3A_398 = tpu.memref_slice %arg7[%dma_wait3A_387, %dma_wait3A_397] : memref<12x64xi32, #tpu.memory_space<vmem>> -> memref<1x64xi32, #tpu.memory_space<vmem>>
    %dma_wait3A_399 = tpu.memref_squeeze %dma_wait3A_398 : memref<1x64xi32, #tpu.memory_space<vmem>> -> memref<64xi32, #tpu.memory_space<vmem>>
    %dma_wait3A_400 = arith.constant 0 : i32
    %dma_wait3A_401 = tpu.memref_slice %arg3[%dma_wait3A, %dma_wait3A_400] : memref<2x1342464xi32, #tpu.memory_space<hbm>> -> memref<1x64xi32, #tpu.memory_space<hbm>>
    %dma_wait3A_402 = tpu.memref_squeeze %dma_wait3A_401 : memref<1x64xi32, #tpu.memory_space<hbm>> -> memref<64xi32, #tpu.memory_space<hbm>>
    tpu.wait_dma2 semaphore(%dma_wait3A_396 : memref<!tpu.dma_semaphore, #tpu.memory_space<semaphore_mem>>) src(%dma_wait3A_402 : memref<64xi32, #tpu.memory_space<hbm>>) dst(%dma_wait3A_399 : memref<64xi32, #tpu.memory_space<vmem>>)
    %dma_wait3A_403 = arith.constant 0 : i32
    %dma_wait3A_404 = arith.constant 0 : i32
    %dma_wait3A_405 = arith.constant 0 : i32
    %dma_wait3A_406 = tpu.memref_slice %arg8[%dma_wait3A_403, %dma_wait3A_405] : memref<12x64xf32, #tpu.memory_space<vmem>> -> memref<1x64xf32, #tpu.memory_space<vmem>>
    %dma_wait3A_407 = tpu.memref_squeeze %dma_wait3A_406 : memref<1x64xf32, #tpu.memory_space<vmem>> -> memref<64xf32, #tpu.memory_space<vmem>>
    %dma_wait3A_408 = arith.constant 0 : i32
    %dma_wait3A_409 = tpu.memref_slice %arg5[%dma_wait3A_408] : memref<1342464xf32, #tpu.memory_space<hbm>> -> memref<64xf32, #tpu.memory_space<hbm>>
    %dma_wait3A_410 = tpu.memref_slice %arg12[%dma_wait3A_404] : memref<12x!tpu.dma_semaphore, #tpu.memory_space<semaphore_mem>> -> memref<1x!tpu.dma_semaphore, #tpu.memory_space<semaphore_mem>>
    %dma_wait3A_411 = tpu.memref_squeeze %dma_wait3A_410 : memref<1x!tpu.dma_semaphore, #tpu.memory_space<semaphore_mem>> -> memref<!tpu.dma_semaphore, #tpu.memory_space<semaphore_mem>>
    %dma_wait3A_412 = arith.constant 0 : i32
    %dma_wait3A_413 = tpu.memref_slice %arg8[%dma_wait3A_403, %dma_wait3A_412] : memref<12x64xf32, #tpu.memory_space<vmem>> -> memref<1x64xf32, #tpu.memory_space<vmem>>
    %dma_wait3A_414 = tpu.memref_squeeze %dma_wait3A_413 : memref<1x64xf32, #tpu.memory_space<vmem>> -> memref<64xf32, #tpu.memory_space<vmem>>
    %dma_wait3A_415 = arith.constant 0 : i32
    %dma_wait3A_416 = tpu.memref_slice %arg5[%dma_wait3A_415] : memref<1342464xf32, #tpu.memory_space<hbm>> -> memref<64xf32, #tpu.memory_space<hbm>>
    tpu.wait_dma2 semaphore(%dma_wait3A_411 : memref<!tpu.dma_semaphore, #tpu.memory_space<semaphore_mem>>) src(%dma_wait3A_416 : memref<64xf32, #tpu.memory_space<hbm>>) dst(%dma_wait3A_414 : memref<64xf32, #tpu.memory_space<vmem>>)
    %dma_wait3A_417 = arith.constant 0 : i32
    %dma_wait3A_418 = arith.constant 0 : i32
    %dma_wait3A_419 = arith.constant 0 : i32
    %dma_wait3A_420 = tpu.memref_slice %arg9[%dma_wait3A_417, %dma_wait3A_419] : memref<12x64xi32, #tpu.memory_space<vmem>> -> memref<1x64xi32, #tpu.memory_space<vmem>>
    %dma_wait3A_421 = tpu.memref_squeeze %dma_wait3A_420 : memref<1x64xi32, #tpu.memory_space<vmem>> -> memref<64xi32, #tpu.memory_space<vmem>>
    %dma_wait3A_422 = arith.constant 0 : i32
    %dma_wait3A_423 = tpu.memref_slice %arg4[%dma_wait3A_422] : memref<1342464xi32, #tpu.memory_space<hbm>> -> memref<64xi32, #tpu.memory_space<hbm>>
    %dma_wait3A_424 = tpu.memref_slice %arg12[%dma_wait3A_418] : memref<12x!tpu.dma_semaphore, #tpu.memory_space<semaphore_mem>> -> memref<1x!tpu.dma_semaphore, #tpu.memory_space<semaphore_mem>>
    %dma_wait3A_425 = tpu.memref_squeeze %dma_wait3A_424 : memref<1x!tpu.dma_semaphore, #tpu.memory_space<semaphore_mem>> -> memref<!tpu.dma_semaphore, #tpu.memory_space<semaphore_mem>>
    %dma_wait3A_426 = arith.constant 0 : i32
    %dma_wait3A_427 = tpu.memref_slice %arg9[%dma_wait3A_417, %dma_wait3A_426] : memref<12x64xi32, #tpu.memory_space<vmem>> -> memref<1x64xi32, #tpu.memory_space<vmem>>
    %dma_wait3A_428 = tpu.memref_squeeze %dma_wait3A_427 : memref<1x64xi32, #tpu.memory_space<vmem>> -> memref<64xi32, #tpu.memory_space<vmem>>
    %dma_wait3A_429 = arith.constant 0 : i32
    %dma_wait3A_430 = tpu.memref_slice %arg4[%dma_wait3A_429] : memref<1342464xi32, #tpu.memory_space<hbm>> -> memref<64xi32, #tpu.memory_space<hbm>>
    tpu.wait_dma2 semaphore(%dma_wait3A_425 : memref<!tpu.dma_semaphore, #tpu.memory_space<semaphore_mem>>) src(%dma_wait3A_430 : memref<64xi32, #tpu.memory_space<hbm>>) dst(%dma_wait3A_428 : memref<64xi32, #tpu.memory_space<vmem>>)
    %dma_start3A_431 = arith.constant 0 : i32
    %dma_start3A_432 = arith.constant 0 : i32
    %dma_start3A_433 = arith.constant 0 : i32
    %dma_start3A_434 = arith.constant 0 : i32
    %dma_start3A_435 = tpu.memref_slice %arg10[%dma_start3A_433, %dma_start3A_434] : memref<448x128xf32, #tpu.memory_space<vmem>> -> memref<64x128xf32, #tpu.memory_space<vmem>>
    %dma_start3A_436 = arith.constant 0 : i32
    %dma_start3A_437 = tpu.memref_slice %arg7[%dma_start3A_431, %dma_start3A_436] : memref<12x64xi32, #tpu.memory_space<vmem>> -> memref<1x64xi32, #tpu.memory_space<vmem>>
    %dma_start3A_438 = tpu.memref_squeeze %dma_start3A_437 : memref<1x64xi32, #tpu.memory_space<vmem>> -> memref<64xi32, #tpu.memory_space<vmem>>
    %dma_start3A_439 = arith.constant 0 : i32
    %dma_start3A_440 = arith.constant 0 : i32
    %dma_start3A_441 = tpu.memref_slice %arg2[%dma_start3A_439, %dma_start3A_440] : memref<32768x128xf32, #tpu.memory_space<hbm>> -> memref<32768x128xf32, #tpu.memory_space<hbm>>
    %dma_start3A_442 = tpu.memref_slice %arg13[%dma_start3A_432] : memref<7x!tpu.dma_semaphore, #tpu.memory_space<semaphore_mem>> -> memref<1x!tpu.dma_semaphore, #tpu.memory_space<semaphore_mem>>
    %dma_start3A_443 = tpu.memref_squeeze %dma_start3A_442 : memref<1x!tpu.dma_semaphore, #tpu.memory_space<semaphore_mem>> -> memref<!tpu.dma_semaphore, #tpu.memory_space<semaphore_mem>>
    tpu.enqueue_indirect_dma source(%dma_start3A_441 : memref<32768x128xf32, #tpu.memory_space<hbm>>) target(%dma_start3A_435 : memref<64x128xf32, #tpu.memory_space<vmem>>) offsets(%dma_start3A_438 : memref<64xi32, #tpu.memory_space<vmem>>) semaphore(%dma_start3A_443 : memref<!tpu.dma_semaphore, #tpu.memory_space<semaphore_mem>>)
    %dma_wait3A_444 = arith.constant 0 : i32
    %dma_wait3A_445 = arith.constant 1 : i32
    %dma_wait3A_446 = arith.constant 1 : i32
    %dma_wait3A_447 = arith.constant 0 : i32
    %dma_wait3A_448 = tpu.memref_slice %arg7[%dma_wait3A_445, %dma_wait3A_447] : memref<12x64xi32, #tpu.memory_space<vmem>> -> memref<1x64xi32, #tpu.memory_space<vmem>>
    %dma_wait3A_449 = tpu.memref_squeeze %dma_wait3A_448 : memref<1x64xi32, #tpu.memory_space<vmem>> -> memref<64xi32, #tpu.memory_space<vmem>>
    %dma_wait3A_450 = arith.constant 0 : i32
    %dma_wait3A_451 = tpu.memref_slice %arg3[%dma_wait3A_444, %dma_wait3A_450] : memref<2x1342464xi32, #tpu.memory_space<hbm>> -> memref<1x64xi32, #tpu.memory_space<hbm>>
    %dma_wait3A_452 = tpu.memref_squeeze %dma_wait3A_451 : memref<1x64xi32, #tpu.memory_space<hbm>> -> memref<64xi32, #tpu.memory_space<hbm>>
    %dma_wait3A_453 = tpu.memref_slice %arg12[%dma_wait3A_446] : memref<12x!tpu.dma_semaphore, #tpu.memory_space<semaphore_mem>> -> memref<1x!tpu.dma_semaphore, #tpu.memory_space<semaphore_mem>>
    %dma_wait3A_454 = tpu.memref_squeeze %dma_wait3A_453 : memref<1x!tpu.dma_semaphore, #tpu.memory_space<semaphore_mem>> -> memref<!tpu.dma_semaphore, #tpu.memory_space<semaphore_mem>>
    %dma_wait3A_455 = arith.constant 0 : i32
    %dma_wait3A_456 = tpu.memref_slice %arg7[%dma_wait3A_445, %dma_wait3A_455] : memref<12x64xi32, #tpu.memory_space<vmem>> -> memref<1x64xi32, #tpu.memory_space<vmem>>
    %dma_wait3A_457 = tpu.memref_squeeze %dma_wait3A_456 : memref<1x64xi32, #tpu.memory_space<vmem>> -> memref<64xi32, #tpu.memory_space<vmem>>
    %dma_wait3A_458 = arith.constant 0 : i32
    %dma_wait3A_459 = tpu.memref_slice %arg3[%dma_wait3A_444, %dma_wait3A_458] : memref<2x1342464xi32, #tpu.memory_space<hbm>> -> memref<1x64xi32, #tpu.memory_space<hbm>>
    %dma_wait3A_460 = tpu.memref_squeeze %dma_wait3A_459 : memref<1x64xi32, #tpu.memory_space<hbm>> -> memref<64xi32, #tpu.memory_space<hbm>>
    tpu.wait_dma2 semaphore(%dma_wait3A_454 : memref<!tpu.dma_semaphore, #tpu.memory_space<semaphore_mem>>) src(%dma_wait3A_460 : memref<64xi32, #tpu.memory_space<hbm>>) dst(%dma_wait3A_457 : memref<64xi32, #tpu.memory_space<vmem>>)
    %dma_wait3A_461 = arith.constant 1 : i32
    %dma_wait3A_462 = arith.constant 1 : i32
    %dma_wait3A_463 = arith.constant 0 : i32
    %dma_wait3A_464 = tpu.memref_slice %arg8[%dma_wait3A_461, %dma_wait3A_463] : memref<12x64xf32, #tpu.memory_space<vmem>> -> memref<1x64xf32, #tpu.memory_space<vmem>>
    %dma_wait3A_465 = tpu.memref_squeeze %dma_wait3A_464 : memref<1x64xf32, #tpu.memory_space<vmem>> -> memref<64xf32, #tpu.memory_space<vmem>>
    %dma_wait3A_466 = arith.constant 0 : i32
    %dma_wait3A_467 = tpu.memref_slice %arg5[%dma_wait3A_466] : memref<1342464xf32, #tpu.memory_space<hbm>> -> memref<64xf32, #tpu.memory_space<hbm>>
    %dma_wait3A_468 = tpu.memref_slice %arg12[%dma_wait3A_462] : memref<12x!tpu.dma_semaphore, #tpu.memory_space<semaphore_mem>> -> memref<1x!tpu.dma_semaphore, #tpu.memory_space<semaphore_mem>>
    %dma_wait3A_469 = tpu.memref_squeeze %dma_wait3A_468 : memref<1x!tpu.dma_semaphore, #tpu.memory_space<semaphore_mem>> -> memref<!tpu.dma_semaphore, #tpu.memory_space<semaphore_mem>>
    %dma_wait3A_470 = arith.constant 0 : i32
    %dma_wait3A_471 = tpu.memref_slice %arg8[%dma_wait3A_461, %dma_wait3A_470] : memref<12x64xf32, #tpu.memory_space<vmem>> -> memref<1x64xf32, #tpu.memory_space<vmem>>
    %dma_wait3A_472 = tpu.memref_squeeze %dma_wait3A_471 : memref<1x64xf32, #tpu.memory_space<vmem>> -> memref<64xf32, #tpu.memory_space<vmem>>
    %dma_wait3A_473 = arith.constant 0 : i32
    %dma_wait3A_474 = tpu.memref_slice %arg5[%dma_wait3A_473] : memref<1342464xf32, #tpu.memory_space<hbm>> -> memref<64xf32, #tpu.memory_space<hbm>>
    tpu.wait_dma2 semaphore(%dma_wait3A_469 : memref<!tpu.dma_semaphore, #tpu.memory_space<semaphore_mem>>) src(%dma_wait3A_474 : memref<64xf32, #tpu.memory_space<hbm>>) dst(%dma_wait3A_472 : memref<64xf32, #tpu.memory_space<vmem>>)
    %dma_wait3A_475 = arith.constant 1 : i32
    %dma_wait3A_476 = arith.constant 1 : i32
    %dma_wait3A_477 = arith.constant 0 : i32
    %dma_wait3A_478 = tpu.memref_slice %arg9[%dma_wait3A_475, %dma_wait3A_477] : memref<12x64xi32, #tpu.memory_space<vmem>> -> memref<1x64xi32, #tpu.memory_space<vmem>>
    %dma_wait3A_479 = tpu.memref_squeeze %dma_wait3A_478 : memref<1x64xi32, #tpu.memory_space<vmem>> -> memref<64xi32, #tpu.memory_space<vmem>>
    %dma_wait3A_480 = arith.constant 0 : i32
    %dma_wait3A_481 = tpu.memref_slice %arg4[%dma_wait3A_480] : memref<1342464xi32, #tpu.memory_space<hbm>> -> memref<64xi32, #tpu.memory_space<hbm>>
    %dma_wait3A_482 = tpu.memref_slice %arg12[%dma_wait3A_476] : memref<12x!tpu.dma_semaphore, #tpu.memory_space<semaphore_mem>> -> memref<1x!tpu.dma_semaphore, #tpu.memory_space<semaphore_mem>>
    %dma_wait3A_483 = tpu.memref_squeeze %dma_wait3A_482 : memref<1x!tpu.dma_semaphore, #tpu.memory_space<semaphore_mem>> -> memref<!tpu.dma_semaphore, #tpu.memory_space<semaphore_mem>>
    %dma_wait3A_484 = arith.constant 0 : i32
    %dma_wait3A_485 = tpu.memref_slice %arg9[%dma_wait3A_475, %dma_wait3A_484] : memref<12x64xi32, #tpu.memory_space<vmem>> -> memref<1x64xi32, #tpu.memory_space<vmem>>
    %dma_wait3A_486 = tpu.memref_squeeze %dma_wait3A_485 : memref<1x64xi32, #tpu.memory_space<vmem>> -> memref<64xi32, #tpu.memory_space<vmem>>
    %dma_wait3A_487 = arith.constant 0 : i32
    %dma_wait3A_488 = tpu.memref_slice %arg4[%dma_wait3A_487] : memref<1342464xi32, #tpu.memory_space<hbm>> -> memref<64xi32, #tpu.memory_space<hbm>>
    tpu.wait_dma2 semaphore(%dma_wait3A_483 : memref<!tpu.dma_semaphore, #tpu.memory_space<semaphore_mem>>) src(%dma_wait3A_488 : memref<64xi32, #tpu.memory_space<hbm>>) dst(%dma_wait3A_486 : memref<64xi32, #tpu.memory_space<vmem>>)
    %dma_start3A_489 = arith.constant 1 : i32
    %dma_start3A_490 = arith.constant 1 : i32
    %dma_start3A_491 = arith.constant 64 : i32
    %dma_start3A_492 = arith.constant 0 : i32
    %dma_start3A_493 = tpu.memref_slice %arg10[%dma_start3A_491, %dma_start3A_492] : memref<448x128xf32, #tpu.memory_space<vmem>> -> memref<64x128xf32, #tpu.memory_space<vmem>>
    %dma_start3A_494 = arith.constant 0 : i32
    %dma_start3A_495 = tpu.memref_slice %arg7[%dma_start3A_489, %dma_start3A_494] : memref<12x64xi32, #tpu.memory_space<vmem>> -> memref<1x64xi32, #tpu.memory_space<vmem>>
    %dma_start3A_496 = tpu.memref_squeeze %dma_start3A_495 : memref<1x64xi32, #tpu.memory_space<vmem>> -> memref<64xi32, #tpu.memory_space<vmem>>
    %dma_start3A_497 = arith.constant 0 : i32
    %dma_start3A_498 = arith.constant 0 : i32
    %dma_start3A_499 = tpu.memref_slice %arg2[%dma_start3A_497, %dma_start3A_498] : memref<32768x128xf32, #tpu.memory_space<hbm>> -> memref<32768x128xf32, #tpu.memory_space<hbm>>
    %dma_start3A_500 = tpu.memref_slice %arg13[%dma_start3A_490] : memref<7x!tpu.dma_semaphore, #tpu.memory_space<semaphore_mem>> -> memref<1x!tpu.dma_semaphore, #tpu.memory_space<semaphore_mem>>
    %dma_start3A_501 = tpu.memref_squeeze %dma_start3A_500 : memref<1x!tpu.dma_semaphore, #tpu.memory_space<semaphore_mem>> -> memref<!tpu.dma_semaphore, #tpu.memory_space<semaphore_mem>>
    tpu.enqueue_indirect_dma source(%dma_start3A_499 : memref<32768x128xf32, #tpu.memory_space<hbm>>) target(%dma_start3A_493 : memref<64x128xf32, #tpu.memory_space<vmem>>) offsets(%dma_start3A_496 : memref<64xi32, #tpu.memory_space<vmem>>) semaphore(%dma_start3A_501 : memref<!tpu.dma_semaphore, #tpu.memory_space<semaphore_mem>>)
    %dma_wait3A_502 = arith.constant 0 : i32
    %dma_wait3A_503 = arith.constant 2 : i32
    %dma_wait3A_504 = arith.constant 2 : i32
    %dma_wait3A_505 = arith.constant 0 : i32
    %dma_wait3A_506 = tpu.memref_slice %arg7[%dma_wait3A_503, %dma_wait3A_505] : memref<12x64xi32, #tpu.memory_space<vmem>> -> memref<1x64xi32, #tpu.memory_space<vmem>>
    %dma_wait3A_507 = tpu.memref_squeeze %dma_wait3A_506 : memref<1x64xi32, #tpu.memory_space<vmem>> -> memref<64xi32, #tpu.memory_space<vmem>>
    %dma_wait3A_508 = arith.constant 0 : i32
    %dma_wait3A_509 = tpu.memref_slice %arg3[%dma_wait3A_502, %dma_wait3A_508] : memref<2x1342464xi32, #tpu.memory_space<hbm>> -> memref<1x64xi32, #tpu.memory_space<hbm>>
    %dma_wait3A_510 = tpu.memref_squeeze %dma_wait3A_509 : memref<1x64xi32, #tpu.memory_space<hbm>> -> memref<64xi32, #tpu.memory_space<hbm>>
    %dma_wait3A_511 = tpu.memref_slice %arg12[%dma_wait3A_504] : memref<12x!tpu.dma_semaphore, #tpu.memory_space<semaphore_mem>> -> memref<1x!tpu.dma_semaphore, #tpu.memory_space<semaphore_mem>>
    %dma_wait3A_512 = tpu.memref_squeeze %dma_wait3A_511 : memref<1x!tpu.dma_semaphore, #tpu.memory_space<semaphore_mem>> -> memref<!tpu.dma_semaphore, #tpu.memory_space<semaphore_mem>>
    %dma_wait3A_513 = arith.constant 0 : i32
    %dma_wait3A_514 = tpu.memref_slice %arg7[%dma_wait3A_503, %dma_wait3A_513] : memref<12x64xi32, #tpu.memory_space<vmem>> -> memref<1x64xi32, #tpu.memory_space<vmem>>
    %dma_wait3A_515 = tpu.memref_squeeze %dma_wait3A_514 : memref<1x64xi32, #tpu.memory_space<vmem>> -> memref<64xi32, #tpu.memory_space<vmem>>
    %dma_wait3A_516 = arith.constant 0 : i32
    %dma_wait3A_517 = tpu.memref_slice %arg3[%dma_wait3A_502, %dma_wait3A_516] : memref<2x1342464xi32, #tpu.memory_space<hbm>> -> memref<1x64xi32, #tpu.memory_space<hbm>>
    %dma_wait3A_518 = tpu.memref_squeeze %dma_wait3A_517 : memref<1x64xi32, #tpu.memory_space<hbm>> -> memref<64xi32, #tpu.memory_space<hbm>>
    tpu.wait_dma2 semaphore(%dma_wait3A_512 : memref<!tpu.dma_semaphore, #tpu.memory_space<semaphore_mem>>) src(%dma_wait3A_518 : memref<64xi32, #tpu.memory_space<hbm>>) dst(%dma_wait3A_515 : memref<64xi32, #tpu.memory_space<vmem>>)
    %dma_wait3A_519 = arith.constant 2 : i32
    %dma_wait3A_520 = arith.constant 2 : i32
    %dma_wait3A_521 = arith.constant 0 : i32
    %dma_wait3A_522 = tpu.memref_slice %arg8[%dma_wait3A_519, %dma_wait3A_521] : memref<12x64xf32, #tpu.memory_space<vmem>> -> memref<1x64xf32, #tpu.memory_space<vmem>>
    %dma_wait3A_523 = tpu.memref_squeeze %dma_wait3A_522 : memref<1x64xf32, #tpu.memory_space<vmem>> -> memref<64xf32, #tpu.memory_space<vmem>>
    %dma_wait3A_524 = arith.constant 0 : i32
    %dma_wait3A_525 = tpu.memref_slice %arg5[%dma_wait3A_524] : memref<1342464xf32, #tpu.memory_space<hbm>> -> memref<64xf32, #tpu.memory_space<hbm>>
    %dma_wait3A_526 = tpu.memref_slice %arg12[%dma_wait3A_520] : memref<12x!tpu.dma_semaphore, #tpu.memory_space<semaphore_mem>> -> memref<1x!tpu.dma_semaphore, #tpu.memory_space<semaphore_mem>>
    %dma_wait3A_527 = tpu.memref_squeeze %dma_wait3A_526 : memref<1x!tpu.dma_semaphore, #tpu.memory_space<semaphore_mem>> -> memref<!tpu.dma_semaphore, #tpu.memory_space<semaphore_mem>>
    %dma_wait3A_528 = arith.constant 0 : i32
    %dma_wait3A_529 = tpu.memref_slice %arg8[%dma_wait3A_519, %dma_wait3A_528] : memref<12x64xf32, #tpu.memory_space<vmem>> -> memref<1x64xf32, #tpu.memory_space<vmem>>
    %dma_wait3A_530 = tpu.memref_squeeze %dma_wait3A_529 : memref<1x64xf32, #tpu.memory_space<vmem>> -> memref<64xf32, #tpu.memory_space<vmem>>
    %dma_wait3A_531 = arith.constant 0 : i32
    %dma_wait3A_532 = tpu.memref_slice %arg5[%dma_wait3A_531] : memref<1342464xf32, #tpu.memory_space<hbm>> -> memref<64xf32, #tpu.memory_space<hbm>>
    tpu.wait_dma2 semaphore(%dma_wait3A_527 : memref<!tpu.dma_semaphore, #tpu.memory_space<semaphore_mem>>) src(%dma_wait3A_532 : memref<64xf32, #tpu.memory_space<hbm>>) dst(%dma_wait3A_530 : memref<64xf32, #tpu.memory_space<vmem>>)
    %dma_wait3A_533 = arith.constant 2 : i32
    %dma_wait3A_534 = arith.constant 2 : i32
    %dma_wait3A_535 = arith.constant 0 : i32
    %dma_wait3A_536 = tpu.memref_slice %arg9[%dma_wait3A_533, %dma_wait3A_535] : memref<12x64xi32, #tpu.memory_space<vmem>> -> memref<1x64xi32, #tpu.memory_space<vmem>>
    %dma_wait3A_537 = tpu.memref_squeeze %dma_wait3A_536 : memref<1x64xi32, #tpu.memory_space<vmem>> -> memref<64xi32, #tpu.memory_space<vmem>>
    %dma_wait3A_538 = arith.constant 0 : i32
    %dma_wait3A_539 = tpu.memref_slice %arg4[%dma_wait3A_538] : memref<1342464xi32, #tpu.memory_space<hbm>> -> memref<64xi32, #tpu.memory_space<hbm>>
    %dma_wait3A_540 = tpu.memref_slice %arg12[%dma_wait3A_534] : memref<12x!tpu.dma_semaphore, #tpu.memory_space<semaphore_mem>> -> memref<1x!tpu.dma_semaphore, #tpu.memory_space<semaphore_mem>>
    %dma_wait3A_541 = tpu.memref_squeeze %dma_wait3A_540 : memref<1x!tpu.dma_semaphore, #tpu.memory_space<semaphore_mem>> -> memref<!tpu.dma_semaphore, #tpu.memory_space<semaphore_mem>>
    %dma_wait3A_542 = arith.constant 0 : i32
    %dma_wait3A_543 = tpu.memref_slice %arg9[%dma_wait3A_533, %dma_wait3A_542] : memref<12x64xi32, #tpu.memory_space<vmem>> -> memref<1x64xi32, #tpu.memory_space<vmem>>
    %dma_wait3A_544 = tpu.memref_squeeze %dma_wait3A_543 : memref<1x64xi32, #tpu.memory_space<vmem>> -> memref<64xi32, #tpu.memory_space<vmem>>
    %dma_wait3A_545 = arith.constant 0 : i32
    %dma_wait3A_546 = tpu.memref_slice %arg4[%dma_wait3A_545] : memref<1342464xi32, #tpu.memory_space<hbm>> -> memref<64xi32, #tpu.memory_space<hbm>>
    tpu.wait_dma2 semaphore(%dma_wait3A_541 : memref<!tpu.dma_semaphore, #tpu.memory_space<semaphore_mem>>) src(%dma_wait3A_546 : memref<64xi32, #tpu.memory_space<hbm>>) dst(%dma_wait3A_544 : memref<64xi32, #tpu.memory_space<vmem>>)
    %dma_start3A_547 = arith.constant 2 : i32
    %dma_start3A_548 = arith.constant 2 : i32
    %dma_start3A_549 = arith.constant 128 : i32
    %dma_start3A_550 = arith.constant 0 : i32
    %dma_start3A_551 = tpu.memref_slice %arg10[%dma_start3A_549, %dma_start3A_550] : memref<448x128xf32, #tpu.memory_space<vmem>> -> memref<64x128xf32, #tpu.memory_space<vmem>>
    %dma_start3A_552 = arith.constant 0 : i32
    %dma_start3A_553 = tpu.memref_slice %arg7[%dma_start3A_547, %dma_start3A_552] : memref<12x64xi32, #tpu.memory_space<vmem>> -> memref<1x64xi32, #tpu.memory_space<vmem>>
    %dma_start3A_554 = tpu.memref_squeeze %dma_start3A_553 : memref<1x64xi32, #tpu.memory_space<vmem>> -> memref<64xi32, #tpu.memory_space<vmem>>
    %dma_start3A_555 = arith.constant 0 : i32
    %dma_start3A_556 = arith.constant 0 : i32
    %dma_start3A_557 = tpu.memref_slice %arg2[%dma_start3A_555, %dma_start3A_556] : memref<32768x128xf32, #tpu.memory_space<hbm>> -> memref<32768x128xf32, #tpu.memory_space<hbm>>
    %dma_start3A_558 = tpu.memref_slice %arg13[%dma_start3A_548] : memref<7x!tpu.dma_semaphore, #tpu.memory_space<semaphore_mem>> -> memref<1x!tpu.dma_semaphore, #tpu.memory_space<semaphore_mem>>
    %dma_start3A_559 = tpu.memref_squeeze %dma_start3A_558 : memref<1x!tpu.dma_semaphore, #tpu.memory_space<semaphore_mem>> -> memref<!tpu.dma_semaphore, #tpu.memory_space<semaphore_mem>>
    tpu.enqueue_indirect_dma source(%dma_start3A_557 : memref<32768x128xf32, #tpu.memory_space<hbm>>) target(%dma_start3A_551 : memref<64x128xf32, #tpu.memory_space<vmem>>) offsets(%dma_start3A_554 : memref<64xi32, #tpu.memory_space<vmem>>) semaphore(%dma_start3A_559 : memref<!tpu.dma_semaphore, #tpu.memory_space<semaphore_mem>>)
    %dma_wait3A_560 = arith.constant 0 : i32
    %dma_wait3A_561 = arith.constant 3 : i32
    %dma_wait3A_562 = arith.constant 3 : i32
    %dma_wait3A_563 = arith.constant 0 : i32
    %dma_wait3A_564 = tpu.memref_slice %arg7[%dma_wait3A_561, %dma_wait3A_563] : memref<12x64xi32, #tpu.memory_space<vmem>> -> memref<1x64xi32, #tpu.memory_space<vmem>>
    %dma_wait3A_565 = tpu.memref_squeeze %dma_wait3A_564 : memref<1x64xi32, #tpu.memory_space<vmem>> -> memref<64xi32, #tpu.memory_space<vmem>>
    %dma_wait3A_566 = arith.constant 0 : i32
    %dma_wait3A_567 = tpu.memref_slice %arg3[%dma_wait3A_560, %dma_wait3A_566] : memref<2x1342464xi32, #tpu.memory_space<hbm>> -> memref<1x64xi32, #tpu.memory_space<hbm>>
    %dma_wait3A_568 = tpu.memref_squeeze %dma_wait3A_567 : memref<1x64xi32, #tpu.memory_space<hbm>> -> memref<64xi32, #tpu.memory_space<hbm>>
    %dma_wait3A_569 = tpu.memref_slice %arg12[%dma_wait3A_562] : memref<12x!tpu.dma_semaphore, #tpu.memory_space<semaphore_mem>> -> memref<1x!tpu.dma_semaphore, #tpu.memory_space<semaphore_mem>>
    %dma_wait3A_570 = tpu.memref_squeeze %dma_wait3A_569 : memref<1x!tpu.dma_semaphore, #tpu.memory_space<semaphore_mem>> -> memref<!tpu.dma_semaphore, #tpu.memory_space<semaphore_mem>>
    %dma_wait3A_571 = arith.constant 0 : i32
    %dma_wait3A_572 = tpu.memref_slice %arg7[%dma_wait3A_561, %dma_wait3A_571] : memref<12x64xi32, #tpu.memory_space<vmem>> -> memref<1x64xi32, #tpu.memory_space<vmem>>
    %dma_wait3A_573 = tpu.memref_squeeze %dma_wait3A_572 : memref<1x64xi32, #tpu.memory_space<vmem>> -> memref<64xi32, #tpu.memory_space<vmem>>
    %dma_wait3A_574 = arith.constant 0 : i32
    %dma_wait3A_575 = tpu.memref_slice %arg3[%dma_wait3A_560, %dma_wait3A_574] : memref<2x1342464xi32, #tpu.memory_space<hbm>> -> memref<1x64xi32, #tpu.memory_space<hbm>>
    %dma_wait3A_576 = tpu.memref_squeeze %dma_wait3A_575 : memref<1x64xi32, #tpu.memory_space<hbm>> -> memref<64xi32, #tpu.memory_space<hbm>>
    tpu.wait_dma2 semaphore(%dma_wait3A_570 : memref<!tpu.dma_semaphore, #tpu.memory_space<semaphore_mem>>) src(%dma_wait3A_576 : memref<64xi32, #tpu.memory_space<hbm>>) dst(%dma_wait3A_573 : memref<64xi32, #tpu.memory_space<vmem>>)
    %dma_wait3A_577 = arith.constant 3 : i32
    %dma_wait3A_578 = arith.constant 3 : i32
    %dma_wait3A_579 = arith.constant 0 : i32
    %dma_wait3A_580 = tpu.memref_slice %arg8[%dma_wait3A_577, %dma_wait3A_579] : memref<12x64xf32, #tpu.memory_space<vmem>> -> memref<1x64xf32, #tpu.memory_space<vmem>>
    %dma_wait3A_581 = tpu.memref_squeeze %dma_wait3A_580 : memref<1x64xf32, #tpu.memory_space<vmem>> -> memref<64xf32, #tpu.memory_space<vmem>>
    %dma_wait3A_582 = arith.constant 0 : i32
    %dma_wait3A_583 = tpu.memref_slice %arg5[%dma_wait3A_582] : memref<1342464xf32, #tpu.memory_space<hbm>> -> memref<64xf32, #tpu.memory_space<hbm>>
    %dma_wait3A_584 = tpu.memref_slice %arg12[%dma_wait3A_578] : memref<12x!tpu.dma_semaphore, #tpu.memory_space<semaphore_mem>> -> memref<1x!tpu.dma_semaphore, #tpu.memory_space<semaphore_mem>>
    %dma_wait3A_585 = tpu.memref_squeeze %dma_wait3A_584 : memref<1x!tpu.dma_semaphore, #tpu.memory_space<semaphore_mem>> -> memref<!tpu.dma_semaphore, #tpu.memory_space<semaphore_mem>>
    %dma_wait3A_586 = arith.constant 0 : i32
    %dma_wait3A_587 = tpu.memref_slice %arg8[%dma_wait3A_577, %dma_wait3A_586] : memref<12x64xf32, #tpu.memory_space<vmem>> -> memref<1x64xf32, #tpu.memory_space<vmem>>
    %dma_wait3A_588 = tpu.memref_squeeze %dma_wait3A_587 : memref<1x64xf32, #tpu.memory_space<vmem>> -> memref<64xf32, #tpu.memory_space<vmem>>
    %dma_wait3A_589 = arith.constant 0 : i32
    %dma_wait3A_590 = tpu.memref_slice %arg5[%dma_wait3A_589] : memref<1342464xf32, #tpu.memory_space<hbm>> -> memref<64xf32, #tpu.memory_space<hbm>>
    tpu.wait_dma2 semaphore(%dma_wait3A_585 : memref<!tpu.dma_semaphore, #tpu.memory_space<semaphore_mem>>) src(%dma_wait3A_590 : memref<64xf32, #tpu.memory_space<hbm>>) dst(%dma_wait3A_588 : memref<64xf32, #tpu.memory_space<vmem>>)
    %dma_wait3A_591 = arith.constant 3 : i32
    %dma_wait3A_592 = arith.constant 3 : i32
    %dma_wait3A_593 = arith.constant 0 : i32
    %dma_wait3A_594 = tpu.memref_slice %arg9[%dma_wait3A_591, %dma_wait3A_593] : memref<12x64xi32, #tpu.memory_space<vmem>> -> memref<1x64xi32, #tpu.memory_space<vmem>>
    %dma_wait3A_595 = tpu.memref_squeeze %dma_wait3A_594 : memref<1x64xi32, #tpu.memory_space<vmem>> -> memref<64xi32, #tpu.memory_space<vmem>>
    %dma_wait3A_596 = arith.constant 0 : i32
    %dma_wait3A_597 = tpu.memref_slice %arg4[%dma_wait3A_596] : memref<1342464xi32, #tpu.memory_space<hbm>> -> memref<64xi32, #tpu.memory_space<hbm>>
    %dma_wait3A_598 = tpu.memref_slice %arg12[%dma_wait3A_592] : memref<12x!tpu.dma_semaphore, #tpu.memory_space<semaphore_mem>> -> memref<1x!tpu.dma_semaphore, #tpu.memory_space<semaphore_mem>>
    %dma_wait3A_599 = tpu.memref_squeeze %dma_wait3A_598 : memref<1x!tpu.dma_semaphore, #tpu.memory_space<semaphore_mem>> -> memref<!tpu.dma_semaphore, #tpu.memory_space<semaphore_mem>>
    %dma_wait3A_600 = arith.constant 0 : i32
    %dma_wait3A_601 = tpu.memref_slice %arg9[%dma_wait3A_591, %dma_wait3A_600] : memref<12x64xi32, #tpu.memory_space<vmem>> -> memref<1x64xi32, #tpu.memory_space<vmem>>
    %dma_wait3A_602 = tpu.memref_squeeze %dma_wait3A_601 : memref<1x64xi32, #tpu.memory_space<vmem>> -> memref<64xi32, #tpu.memory_space<vmem>>
    %dma_wait3A_603 = arith.constant 0 : i32
    %dma_wait3A_604 = tpu.memref_slice %arg4[%dma_wait3A_603] : memref<1342464xi32, #tpu.memory_space<hbm>> -> memref<64xi32, #tpu.memory_space<hbm>>
    tpu.wait_dma2 semaphore(%dma_wait3A_599 : memref<!tpu.dma_semaphore, #tpu.memory_space<semaphore_mem>>) src(%dma_wait3A_604 : memref<64xi32, #tpu.memory_space<hbm>>) dst(%dma_wait3A_602 : memref<64xi32, #tpu.memory_space<vmem>>)
    %dma_start3A_605 = arith.constant 3 : i32
    %dma_start3A_606 = arith.constant 3 : i32
    %dma_start3A_607 = arith.constant 192 : i32
    %dma_start3A_608 = arith.constant 0 : i32
    %dma_start3A_609 = tpu.memref_slice %arg10[%dma_start3A_607, %dma_start3A_608] : memref<448x128xf32, #tpu.memory_space<vmem>> -> memref<64x128xf32, #tpu.memory_space<vmem>>
    %dma_start3A_610 = arith.constant 0 : i32
    %dma_start3A_611 = tpu.memref_slice %arg7[%dma_start3A_605, %dma_start3A_610] : memref<12x64xi32, #tpu.memory_space<vmem>> -> memref<1x64xi32, #tpu.memory_space<vmem>>
    %dma_start3A_612 = tpu.memref_squeeze %dma_start3A_611 : memref<1x64xi32, #tpu.memory_space<vmem>> -> memref<64xi32, #tpu.memory_space<vmem>>
    %dma_start3A_613 = arith.constant 0 : i32
    %dma_start3A_614 = arith.constant 0 : i32
    %dma_start3A_615 = tpu.memref_slice %arg2[%dma_start3A_613, %dma_start3A_614] : memref<32768x128xf32, #tpu.memory_space<hbm>> -> memref<32768x128xf32, #tpu.memory_space<hbm>>
    %dma_start3A_616 = tpu.memref_slice %arg13[%dma_start3A_606] : memref<7x!tpu.dma_semaphore, #tpu.memory_space<semaphore_mem>> -> memref<1x!tpu.dma_semaphore, #tpu.memory_space<semaphore_mem>>
    %dma_start3A_617 = tpu.memref_squeeze %dma_start3A_616 : memref<1x!tpu.dma_semaphore, #tpu.memory_space<semaphore_mem>> -> memref<!tpu.dma_semaphore, #tpu.memory_space<semaphore_mem>>
    tpu.enqueue_indirect_dma source(%dma_start3A_615 : memref<32768x128xf32, #tpu.memory_space<hbm>>) target(%dma_start3A_609 : memref<64x128xf32, #tpu.memory_space<vmem>>) offsets(%dma_start3A_612 : memref<64xi32, #tpu.memory_space<vmem>>) semaphore(%dma_start3A_617 : memref<!tpu.dma_semaphore, #tpu.memory_space<semaphore_mem>>)
    %scan3A_618 = arith.constant 0 : i32
    %scan3A_619 = arith.constant 0 : i32
    %scan3A_620 = arith.constant 1311 : i32
    %scan3A_621 = arith.addi %scan3A_619, %scan3A_620 : i32
    %scan3A_622 = arith.constant 1 : i32
    scf.for %scan3A_740 = %scan3A_619 to %scan3A_621 step %scan3A_622  : i32 {
      %add3A_741 = arith.constant 4 : i32
      %add3A_742 = arith.addi %scan3A_740, %add3A_741 : i32
      %lt3A = arith.constant 1311 : i32
      %lt3A_743 = arith.cmpi slt, %add3A_742, %lt3A : i32
      %convert_element_type3A = arith.extui %lt3A_743 : i1 to i32
      %cond3A = arith.constant 0 : i32
      %cond3A_744 = arith.cmpi ne, %convert_element_type3A, %cond3A : i32
      scf.if %cond3A_744 {
        %add3A_779 = arith.constant 4 : i32
        %add3A_780 = arith.addi %scan3A_740, %add3A_779 : i32
        %rem3A_781 = arith.constant 12 : i32
        %rem3A_782 = arith.remsi %add3A_780, %rem3A_781 : i32
        %rem3A_783 = arith.constant 7 : i32
        %rem3A_784 = arith.remsi %add3A_780, %rem3A_783 : i32
        %dma_wait3A_785 = arith.constant 0 : i32
        %dma_wait3A_786 = arith.constant 0 : i32
        %dma_wait3A_787 = tpu.memref_slice %arg7[%rem3A_782, %dma_wait3A_786] : memref<12x64xi32, #tpu.memory_space<vmem>> -> memref<1x64xi32, #tpu.memory_space<vmem>>
        %dma_wait3A_788 = tpu.memref_squeeze %dma_wait3A_787 : memref<1x64xi32, #tpu.memory_space<vmem>> -> memref<64xi32, #tpu.memory_space<vmem>>
        %dma_wait3A_789 = arith.constant 0 : i32
        %dma_wait3A_790 = tpu.memref_slice %arg3[%dma_wait3A_785, %dma_wait3A_789] : memref<2x1342464xi32, #tpu.memory_space<hbm>> -> memref<1x64xi32, #tpu.memory_space<hbm>>
        %dma_wait3A_791 = tpu.memref_squeeze %dma_wait3A_790 : memref<1x64xi32, #tpu.memory_space<hbm>> -> memref<64xi32, #tpu.memory_space<hbm>>
        %dma_wait3A_792 = tpu.memref_slice %arg12[%rem3A_782] : memref<12x!tpu.dma_semaphore, #tpu.memory_space<semaphore_mem>> -> memref<1x!tpu.dma_semaphore, #tpu.memory_space<semaphore_mem>>
        %dma_wait3A_793 = tpu.memref_squeeze %dma_wait3A_792 : memref<1x!tpu.dma_semaphore, #tpu.memory_space<semaphore_mem>> -> memref<!tpu.dma_semaphore, #tpu.memory_space<semaphore_mem>>
        %dma_wait3A_794 = arith.constant 0 : i32
        %dma_wait3A_795 = tpu.memref_slice %arg7[%rem3A_782, %dma_wait3A_794] : memref<12x64xi32, #tpu.memory_space<vmem>> -> memref<1x64xi32, #tpu.memory_space<vmem>>
        %dma_wait3A_796 = tpu.memref_squeeze %dma_wait3A_795 : memref<1x64xi32, #tpu.memory_space<vmem>> -> memref<64xi32, #tpu.memory_space<vmem>>
        %dma_wait3A_797 = arith.constant 0 : i32
        %dma_wait3A_798 = tpu.memref_slice %arg3[%dma_wait3A_785, %dma_wait3A_797] : memref<2x1342464xi32, #tpu.memory_space<hbm>> -> memref<1x64xi32, #tpu.memory_space<hbm>>
        %dma_wait3A_799 = tpu.memref_squeeze %dma_wait3A_798 : memref<1x64xi32, #tpu.memory_space<hbm>> -> memref<64xi32, #tpu.memory_space<hbm>>
        tpu.wait_dma2 semaphore(%dma_wait3A_793 : memref<!tpu.dma_semaphore, #tpu.memory_space<semaphore_mem>>) src(%dma_wait3A_799 : memref<64xi32, #tpu.memory_space<hbm>>) dst(%dma_wait3A_796 : memref<64xi32, #tpu.memory_space<vmem>>)
        %dma_wait3A_800 = arith.constant 0 : i32
        %dma_wait3A_801 = tpu.memref_slice %arg8[%rem3A_782, %dma_wait3A_800] : memref<12x64xf32, #tpu.memory_space<vmem>> -> memref<1x64xf32, #tpu.memory_space<vmem>>
        %dma_wait3A_802 = tpu.memref_squeeze %dma_wait3A_801 : memref<1x64xf32, #tpu.memory_space<vmem>> -> memref<64xf32, #tpu.memory_space<vmem>>
        %dma_wait3A_803 = arith.constant 0 : i32
        %dma_wait3A_804 = tpu.memref_slice %arg5[%dma_wait3A_803] : memref<1342464xf32, #tpu.memory_space<hbm>> -> memref<64xf32, #tpu.memory_space<hbm>>
        %dma_wait3A_805 = tpu.memref_slice %arg12[%rem3A_782] : memref<12x!tpu.dma_semaphore, #tpu.memory_space<semaphore_mem>> -> memref<1x!tpu.dma_semaphore, #tpu.memory_space<semaphore_mem>>
        %dma_wait3A_806 = tpu.memref_squeeze %dma_wait3A_805 : memref<1x!tpu.dma_semaphore, #tpu.memory_space<semaphore_mem>> -> memref<!tpu.dma_semaphore, #tpu.memory_space<semaphore_mem>>
        %dma_wait3A_807 = arith.constant 0 : i32
        %dma_wait3A_808 = tpu.memref_slice %arg8[%rem3A_782, %dma_wait3A_807] : memref<12x64xf32, #tpu.memory_space<vmem>> -> memref<1x64xf32, #tpu.memory_space<vmem>>
        %dma_wait3A_809 = tpu.memref_squeeze %dma_wait3A_808 : memref<1x64xf32, #tpu.memory_space<vmem>> -> memref<64xf32, #tpu.memory_space<vmem>>
        %dma_wait3A_810 = arith.constant 0 : i32
        %dma_wait3A_811 = tpu.memref_slice %arg5[%dma_wait3A_810] : memref<1342464xf32, #tpu.memory_space<hbm>> -> memref<64xf32, #tpu.memory_space<hbm>>
        tpu.wait_dma2 semaphore(%dma_wait3A_806 : memref<!tpu.dma_semaphore, #tpu.memory_space<semaphore_mem>>) src(%dma_wait3A_811 : memref<64xf32, #tpu.memory_space<hbm>>) dst(%dma_wait3A_809 : memref<64xf32, #tpu.memory_space<vmem>>)
        %dma_wait3A_812 = arith.constant 0 : i32
        %dma_wait3A_813 = tpu.memref_slice %arg9[%rem3A_782, %dma_wait3A_812] : memref<12x64xi32, #tpu.memory_space<vmem>> -> memref<1x64xi32, #tpu.memory_space<vmem>>
        %dma_wait3A_814 = tpu.memref_squeeze %dma_wait3A_813 : memref<1x64xi32, #tpu.memory_space<vmem>> -> memref<64xi32, #tpu.memory_space<vmem>>
        %dma_wait3A_815 = arith.constant 0 : i32
        %dma_wait3A_816 = tpu.memref_slice %arg4[%dma_wait3A_815] : memref<1342464xi32, #tpu.memory_space<hbm>> -> memref<64xi32, #tpu.memory_space<hbm>>
        %dma_wait3A_817 = tpu.memref_slice %arg12[%rem3A_782] : memref<12x!tpu.dma_semaphore, #tpu.memory_space<semaphore_mem>> -> memref<1x!tpu.dma_semaphore, #tpu.memory_space<semaphore_mem>>
        %dma_wait3A_818 = tpu.memref_squeeze %dma_wait3A_817 : memref<1x!tpu.dma_semaphore, #tpu.memory_space<semaphore_mem>> -> memref<!tpu.dma_semaphore, #tpu.memory_space<semaphore_mem>>
        %dma_wait3A_819 = arith.constant 0 : i32
        %dma_wait3A_820 = tpu.memref_slice %arg9[%rem3A_782, %dma_wait3A_819] : memref<12x64xi32, #tpu.memory_space<vmem>> -> memref<1x64xi32, #tpu.memory_space<vmem>>
        %dma_wait3A_821 = tpu.memref_squeeze %dma_wait3A_820 : memref<1x64xi32, #tpu.memory_space<vmem>> -> memref<64xi32, #tpu.memory_space<vmem>>
        %dma_wait3A_822 = arith.constant 0 : i32
        %dma_wait3A_823 = tpu.memref_slice %arg4[%dma_wait3A_822] : memref<1342464xi32, #tpu.memory_space<hbm>> -> memref<64xi32, #tpu.memory_space<hbm>>
        tpu.wait_dma2 semaphore(%dma_wait3A_818 : memref<!tpu.dma_semaphore, #tpu.memory_space<semaphore_mem>>) src(%dma_wait3A_823 : memref<64xi32, #tpu.memory_space<hbm>>) dst(%dma_wait3A_821 : memref<64xi32, #tpu.memory_space<vmem>>)
        %ge3A = arith.constant 7 : i32
        %ge3A_824 = arith.cmpi sge, %add3A_780, %ge3A : i32
        %convert_element_type3A_825 = arith.extui %ge3A_824 : i1 to i32
        %cond3A_826 = arith.constant 0 : i32
        %cond3A_827 = arith.cmpi ne, %convert_element_type3A_825, %cond3A_826 : i32
        scf.if %cond3A_827 {
          %add3A_848 = arith.constant 12 : i32
          %add3A_849 = arith.addi %add3A_780, %add3A_848 : i32
          %sub3A_850 = arith.constant 7 : i32
          %sub3A_851 = arith.subi %add3A_849, %sub3A_850 : i32
          %rem3A_852 = arith.constant 12 : i32
          %rem3A_853 = arith.remsi %sub3A_851, %rem3A_852 : i32
          %mul3A_854 = arith.constant 64 : i32
          %mul3A_855 = arith.muli %rem3A_784, %mul3A_854 : i32
          %dma_wait3A_856 = arith.constant 0 : i32
          %dma_wait3A_857 = tpu.memref_slice %arg10[%mul3A_855, %dma_wait3A_856] : memref<448x128xf32, #tpu.memory_space<vmem>> -> memref<64x128xf32, #tpu.memory_space<vmem>>
          %dma_wait3A_858 = arith.constant 0 : i32
          %dma_wait3A_859 = tpu.memref_slice %arg9[%rem3A_853, %dma_wait3A_858] : memref<12x64xi32, #tpu.memory_space<vmem>> -> memref<1x64xi32, #tpu.memory_space<vmem>>
          %dma_wait3A_860 = tpu.memref_squeeze %dma_wait3A_859 : memref<1x64xi32, #tpu.memory_space<vmem>> -> memref<64xi32, #tpu.memory_space<vmem>>
          %dma_wait3A_861 = arith.constant 0 : i32
          %dma_wait3A_862 = arith.constant 0 : i32
          %dma_wait3A_863 = tpu.memref_slice %arg11[%dma_wait3A_861, %dma_wait3A_862] : memref<8192x128xf32, #tpu.memory_space<vmem_shared>> -> memref<8192x128xf32, #tpu.memory_space<vmem_shared>>
          %dma_wait3A_864 = tpu.memref_slice %arg14[%rem3A_784] : memref<7x!tpu.dma_semaphore, #tpu.memory_space<semaphore_mem>> -> memref<1x!tpu.dma_semaphore, #tpu.memory_space<semaphore_mem>>
          %dma_wait3A_865 = tpu.memref_squeeze %dma_wait3A_864 : memref<1x!tpu.dma_semaphore, #tpu.memory_space<semaphore_mem>> -> memref<!tpu.dma_semaphore, #tpu.memory_space<semaphore_mem>>
          tpu.wait_indirect_dma semaphore(%dma_wait3A_865 : memref<!tpu.dma_semaphore, #tpu.memory_space<semaphore_mem>>) src(%dma_wait3A_857 : memref<64x128xf32, #tpu.memory_space<vmem>>) dst(%dma_wait3A_863 : memref<8192x128xf32, #tpu.memory_space<vmem_shared>>)
        } else {
        }
        %mul3A_828 = arith.constant 64 : i32
        %mul3A_829 = arith.muli %rem3A_784, %mul3A_828 : i32
        %dma_start3A_830 = arith.constant 0 : i32
        %dma_start3A_831 = tpu.memref_slice %arg10[%mul3A_829, %dma_start3A_830] : memref<448x128xf32, #tpu.memory_space<vmem>> -> memref<64x128xf32, #tpu.memory_space<vmem>>
        %dma_start3A_832 = arith.constant 0 : i32
        %dma_start3A_833 = tpu.memref_slice %arg7[%rem3A_782, %dma_start3A_832] : memref<12x64xi32, #tpu.memory_space<vmem>> -> memref<1x64xi32, #tpu.memory_space<vmem>>
        %dma_start3A_834 = tpu.memref_squeeze %dma_start3A_833 : memref<1x64xi32, #tpu.memory_space<vmem>> -> memref<64xi32, #tpu.memory_space<vmem>>
        %dma_start3A_835 = arith.constant 0 : i32
        %dma_start3A_836 = arith.constant 0 : i32
        %dma_start3A_837 = tpu.memref_slice %arg2[%dma_start3A_835, %dma_start3A_836] : memref<32768x128xf32, #tpu.memory_space<hbm>> -> memref<32768x128xf32, #tpu.memory_space<hbm>>
        %dma_start3A_838 = tpu.memref_slice %arg13[%rem3A_784] : memref<7x!tpu.dma_semaphore, #tpu.memory_space<semaphore_mem>> -> memref<1x!tpu.dma_semaphore, #tpu.memory_space<semaphore_mem>>
        %dma_start3A_839 = tpu.memref_squeeze %dma_start3A_838 : memref<1x!tpu.dma_semaphore, #tpu.memory_space<semaphore_mem>> -> memref<!tpu.dma_semaphore, #tpu.memory_space<semaphore_mem>>
        tpu.enqueue_indirect_dma source(%dma_start3A_837 : memref<32768x128xf32, #tpu.memory_space<hbm>>) target(%dma_start3A_831 : memref<64x128xf32, #tpu.memory_space<vmem>>) offsets(%dma_start3A_834 : memref<64xi32, #tpu.memory_space<vmem>>) semaphore(%dma_start3A_839 : memref<!tpu.dma_semaphore, #tpu.memory_space<semaphore_mem>>)
        %add3A_840 = arith.constant 9 : i32
        %add3A_841 = arith.addi %add3A_780, %add3A_840 : i32
        %sub3A = arith.constant 4 : i32
        %sub3A_842 = arith.subi %add3A_841, %sub3A : i32
        %lt3A_843 = arith.constant 1311 : i32
        %lt3A_844 = arith.cmpi slt, %sub3A_842, %lt3A_843 : i32
        %convert_element_type3A_845 = arith.extui %lt3A_844 : i1 to i32
        %cond3A_846 = arith.constant 0 : i32
        %cond3A_847 = arith.cmpi ne, %convert_element_type3A_845, %cond3A_846 : i32
        scf.if %cond3A_847 {
          %add3A_848 = arith.constant 9 : i32
          %add3A_849 = arith.addi %add3A_780, %add3A_848 : i32
          %sub3A_850 = arith.constant 4 : i32
          %sub3A_851 = arith.subi %add3A_849, %sub3A_850 : i32
          %rem3A_852 = arith.constant 12 : i32
          %rem3A_853 = arith.remsi %sub3A_851, %rem3A_852 : i32
          %mul3A_854 = arith.constant 1311 : i32
          %mul3A_855 = arith.muli %arg1, %mul3A_854 : i32
          %add3A_856 = arith.addi %mul3A_855, %sub3A_851 : i32
          %mul3A_857 = arith.constant 64 : i32
          %mul3A_858 = arith.muli %add3A_856, %mul3A_857 : i32
          %dma_start3A_859 = arith.constant 0 : i32
          %dma_start3A_860 = tpu.memref_slice %arg7[%rem3A_853, %dma_start3A_859] : memref<12x64xi32, #tpu.memory_space<vmem>> -> memref<1x64xi32, #tpu.memory_space<vmem>>
          %dma_start3A_861 = tpu.memref_squeeze %dma_start3A_860 : memref<1x64xi32, #tpu.memory_space<vmem>> -> memref<64xi32, #tpu.memory_space<vmem>>
          %dma_start3A_862 = tpu.memref_slice %arg3[%arg0, %mul3A_858] : memref<2x1342464xi32, #tpu.memory_space<hbm>> -> memref<1x64xi32, #tpu.memory_space<hbm>>
          %dma_start3A_863 = tpu.memref_squeeze %dma_start3A_862 : memref<1x64xi32, #tpu.memory_space<hbm>> -> memref<64xi32, #tpu.memory_space<hbm>>
          %dma_start3A_864 = tpu.memref_slice %arg12[%rem3A_853] : memref<12x!tpu.dma_semaphore, #tpu.memory_space<semaphore_mem>> -> memref<1x!tpu.dma_semaphore, #tpu.memory_space<semaphore_mem>>
          %dma_start3A_865 = tpu.memref_squeeze %dma_start3A_864 : memref<1x!tpu.dma_semaphore, #tpu.memory_space<semaphore_mem>> -> memref<!tpu.dma_semaphore, #tpu.memory_space<semaphore_mem>>
          %dma_start3A_866 = arith.constant 0 : i32
          %dma_start3A_867 = tpu.memref_slice %arg7[%rem3A_853, %dma_start3A_866] : memref<12x64xi32, #tpu.memory_space<vmem>> -> memref<1x64xi32, #tpu.memory_space<vmem>>
          %dma_start3A_868 = tpu.memref_squeeze %dma_start3A_867 : memref<1x64xi32, #tpu.memory_space<vmem>> -> memref<64xi32, #tpu.memory_space<vmem>>
          %dma_start3A_869 = tpu.memref_slice %arg3[%arg0, %mul3A_858] : memref<2x1342464xi32, #tpu.memory_space<hbm>> -> memref<1x64xi32, #tpu.memory_space<hbm>>
          %dma_start3A_870 = tpu.memref_squeeze %dma_start3A_869 : memref<1x64xi32, #tpu.memory_space<hbm>> -> memref<64xi32, #tpu.memory_space<hbm>>
          tpu.enqueue_dma source(%dma_start3A_870 : memref<64xi32, #tpu.memory_space<hbm>>) target(%dma_start3A_868 : memref<64xi32, #tpu.memory_space<vmem>>) target_semaphore(%dma_start3A_865 : memref<!tpu.dma_semaphore, #tpu.memory_space<semaphore_mem>>)
          %dma_start3A_871 = arith.constant 0 : i32
          %dma_start3A_872 = tpu.memref_slice %arg8[%rem3A_853, %dma_start3A_871] : memref<12x64xf32, #tpu.memory_space<vmem>> -> memref<1x64xf32, #tpu.memory_space<vmem>>
          %dma_start3A_873 = tpu.memref_squeeze %dma_start3A_872 : memref<1x64xf32, #tpu.memory_space<vmem>> -> memref<64xf32, #tpu.memory_space<vmem>>
          %dma_start3A_874 = tpu.memref_slice %arg5[%mul3A_858] : memref<1342464xf32, #tpu.memory_space<hbm>> -> memref<64xf32, #tpu.memory_space<hbm>>
          %dma_start3A_875 = tpu.memref_slice %arg12[%rem3A_853] : memref<12x!tpu.dma_semaphore, #tpu.memory_space<semaphore_mem>> -> memref<1x!tpu.dma_semaphore, #tpu.memory_space<semaphore_mem>>
          %dma_start3A_876 = tpu.memref_squeeze %dma_start3A_875 : memref<1x!tpu.dma_semaphore, #tpu.memory_space<semaphore_mem>> -> memref<!tpu.dma_semaphore, #tpu.memory_space<semaphore_mem>>
          %dma_start3A_877 = arith.constant 0 : i32
          %dma_start3A_878 = tpu.memref_slice %arg8[%rem3A_853, %dma_start3A_877] : memref<12x64xf32, #tpu.memory_space<vmem>> -> memref<1x64xf32, #tpu.memory_space<vmem>>
          %dma_start3A_879 = tpu.memref_squeeze %dma_start3A_878 : memref<1x64xf32, #tpu.memory_space<vmem>> -> memref<64xf32, #tpu.memory_space<vmem>>
          %dma_start3A_880 = tpu.memref_slice %arg5[%mul3A_858] : memref<1342464xf32, #tpu.memory_space<hbm>> -> memref<64xf32, #tpu.memory_space<hbm>>
          tpu.enqueue_dma source(%dma_start3A_880 : memref<64xf32, #tpu.memory_space<hbm>>) target(%dma_start3A_879 : memref<64xf32, #tpu.memory_space<vmem>>) target_semaphore(%dma_start3A_876 : memref<!tpu.dma_semaphore, #tpu.memory_space<semaphore_mem>>)
          %dma_start3A_881 = arith.constant 0 : i32
          %dma_start3A_882 = tpu.memref_slice %arg9[%rem3A_853, %dma_start3A_881] : memref<12x64xi32, #tpu.memory_space<vmem>> -> memref<1x64xi32, #tpu.memory_space<vmem>>
          %dma_start3A_883 = tpu.memref_squeeze %dma_start3A_882 : memref<1x64xi32, #tpu.memory_space<vmem>> -> memref<64xi32, #tpu.memory_space<vmem>>
          %dma_start3A_884 = tpu.memref_slice %arg4[%mul3A_858] : memref<1342464xi32, #tpu.memory_space<hbm>> -> memref<64xi32, #tpu.memory_space<hbm>>
          %dma_start3A_885 = tpu.memref_slice %arg12[%rem3A_853] : memref<12x!tpu.dma_semaphore, #tpu.memory_space<semaphore_mem>> -> memref<1x!tpu.dma_semaphore, #tpu.memory_space<semaphore_mem>>
          %dma_start3A_886 = tpu.memref_squeeze %dma_start3A_885 : memref<1x!tpu.dma_semaphore, #tpu.memory_space<semaphore_mem>> -> memref<!tpu.dma_semaphore, #tpu.memory_space<semaphore_mem>>
          %dma_start3A_887 = arith.constant 0 : i32
          %dma_start3A_888 = tpu.memref_slice %arg9[%rem3A_853, %dma_start3A_887] : memref<12x64xi32, #tpu.memory_space<vmem>> -> memref<1x64xi32, #tpu.memory_space<vmem>>
          %dma_start3A_889 = tpu.memref_squeeze %dma_start3A_888 : memref<1x64xi32, #tpu.memory_space<vmem>> -> memref<64xi32, #tpu.memory_space<vmem>>
          %dma_start3A_890 = tpu.memref_slice %arg4[%mul3A_858] : memref<1342464xi32, #tpu.memory_space<hbm>> -> memref<64xi32, #tpu.memory_space<hbm>>
          tpu.enqueue_dma source(%dma_start3A_890 : memref<64xi32, #tpu.memory_space<hbm>>) target(%dma_start3A_889 : memref<64xi32, #tpu.memory_space<vmem>>) target_semaphore(%dma_start3A_886 : memref<!tpu.dma_semaphore, #tpu.memory_space<semaphore_mem>>)
        } else {
        }
      } else {
      }
      %rem3A_745 = arith.constant 12 : i32
      %rem3A_746 = arith.remsi %scan3A_740, %rem3A_745 : i32
      %rem3A_747 = arith.constant 7 : i32
      %rem3A_748 = arith.remsi %scan3A_740, %rem3A_747 : i32
      %mul3A_749 = arith.constant 64 : i32
      %mul3A_750 = arith.muli %rem3A_748, %mul3A_749 : i32
      %dma_wait3A_751 = arith.constant 0 : i32
      %dma_wait3A_752 = tpu.memref_slice %arg10[%mul3A_750, %dma_wait3A_751] : memref<448x128xf32, #tpu.memory_space<vmem>> -> memref<64x128xf32, #tpu.memory_space<vmem>>
      %dma_wait3A_753 = arith.constant 0 : i32
      %dma_wait3A_754 = tpu.memref_slice %arg7[%rem3A_746, %dma_wait3A_753] : memref<12x64xi32, #tpu.memory_space<vmem>> -> memref<1x64xi32, #tpu.memory_space<vmem>>
      %dma_wait3A_755 = tpu.memref_squeeze %dma_wait3A_754 : memref<1x64xi32, #tpu.memory_space<vmem>> -> memref<64xi32, #tpu.memory_space<vmem>>
      %dma_wait3A_756 = arith.constant 0 : i32
      %dma_wait3A_757 = arith.constant 0 : i32
      %dma_wait3A_758 = tpu.memref_slice %arg2[%dma_wait3A_756, %dma_wait3A_757] : memref<32768x128xf32, #tpu.memory_space<hbm>> -> memref<32768x128xf32, #tpu.memory_space<hbm>>
      %dma_wait3A_759 = tpu.memref_slice %arg13[%rem3A_748] : memref<7x!tpu.dma_semaphore, #tpu.memory_space<semaphore_mem>> -> memref<1x!tpu.dma_semaphore, #tpu.memory_space<semaphore_mem>>
      %dma_wait3A_760 = tpu.memref_squeeze %dma_wait3A_759 : memref<1x!tpu.dma_semaphore, #tpu.memory_space<semaphore_mem>> -> memref<!tpu.dma_semaphore, #tpu.memory_space<semaphore_mem>>
      tpu.wait_indirect_dma semaphore(%dma_wait3A_760 : memref<!tpu.dma_semaphore, #tpu.memory_space<semaphore_mem>>) src(%dma_wait3A_758 : memref<32768x128xf32, #tpu.memory_space<hbm>>) dst(%dma_wait3A_752 : memref<64x128xf32, #tpu.memory_space<vmem>>)
      %scan3A_761 = arith.constant 0 : i32
      %scan3A_762 = arith.constant 0 : i32
      %scan3A_763 = arith.constant 4 : i32
      %scan3A_764 = arith.addi %scan3A_762, %scan3A_763 : i32
      %scan3A_765 = arith.constant 1 : i32
      scf.for %scan3A_779 = %scan3A_762 to %scan3A_764 step %scan3A_765  : i32 {
        %mul3A_780 = arith.constant 16 : i32
        %mul3A_781 = arith.muli %scan3A_779, %mul3A_780 : i32
        %get3A = arith.index_cast %rem3A_746 : i32 to index
        %get3A_782 = arith.index_cast %mul3A_781 : i32 to index
        %get3A_783 = tpu.vector_load %arg8[%get3A, %get3A_782] {strides = array<i32>} : memref<12x64xf32, #tpu.memory_space<vmem>>, vector<1x16xf32>,
        %get3A_784 = vector.shape_cast %get3A_783 : vector<1x16xf32> to vector<16xf32>
        %mul3A_785 = arith.constant 16 : i32
        %mul3A_786 = arith.muli %scan3A_779, %mul3A_785 : i32
        %add3A_787 = arith.constant 0 : i32
        %add3A_788 = arith.addi %mul3A_786, %add3A_787 : i32
        %slice3A = vector.extract_strided_slice %get3A_784 {offsets = [0], sizes = [1], strides = [1]} : vector<16xf32> to vector<1xf32>
        %squeeze3A = vector.extract %slice3A[0] : f32 from vector<1xf32>
        %mul3A_789 = arith.constant 64 : i32
        %mul3A_790 = arith.muli %rem3A_748, %mul3A_789 : i32
        %add3A_791 = arith.addi %mul3A_790, %add3A_788 : i32
        %get3A_792 = arith.index_cast %add3A_791 : i32 to index
        %get3A_793 = arith.constant 0 : index
        %get3A_794 = tpu.vector_load %arg10[%get3A_792, %get3A_793] {strides = array<i32>} : memref<448x128xf32, #tpu.memory_space<vmem>>, vector<1x16xf32>,
        %get3A_795 = vector.shape_cast %get3A_794 : vector<1x16xf32> to vector<16xf32>
        %mul3A_796 = vector.broadcast %squeeze3A : f32 to vector<16xf32>
        %mul3A_797 = arith.mulf %get3A_795, %mul3A_796 : vector<16xf32>
        %swap3A = arith.index_cast %add3A_791 : i32 to index
        %swap3A_798 = arith.constant 0 : index
        %swap3A_799 = tpu.vector_load %arg10[%swap3A, %swap3A_798] {strides = array<i32>} : memref<448x128xf32, #tpu.memory_space<vmem>>, vector<1x16xf32>,
        %swap3A_800 = vector.shape_cast %swap3A_799 : vector<1x16xf32> to vector<16xf32>
        %swap3A_801 = vector.shape_cast %mul3A_797 : vector<16xf32> to vector<1x16xf32>
        tpu.vector_store %arg10[%swap3A, %swap3A_798], %swap3A_801 {strides = array<i32>} : memref<448x128xf32, #tpu.memory_space<vmem>>, vector<1x16xf32>,
        %get3A_802 = arith.index_cast %add3A_791 : i32 to index
        %get3A_803 = arith.constant 16 : index
        %get3A_804 = tpu.vector_load %arg10[%get3A_802, %get3A_803] {strides = array<i32>} : memref<448x128xf32, #tpu.memory_space<vmem>>, vector<1x16xf32>,
        %get3A_805 = vector.shape_cast %get3A_804 : vector<1x16xf32> to vector<16xf32>
        %mul3A_806 = vector.broadcast %squeeze3A : f32 to vector<16xf32>
        %mul3A_807 = arith.mulf %get3A_805, %mul3A_806 : vector<16xf32>
        %swap3A_808 = arith.index_cast %add3A_791 : i32 to index
        %swap3A_809 = arith.constant 16 : index
        %swap3A_810 = tpu.vector_load %arg10[%swap3A_808, %swap3A_809] {strides = array<i32>} : memref<448x128xf32, #tpu.memory_space<vmem>>, vector<1x16xf32>,
        %swap3A_811 = vector.shape_cast %swap3A_810 : vector<1x16xf32> to vector<16xf32>
        %swap3A_812 = vector.shape_cast %mul3A_807 : vector<16xf32> to vector<1x16xf32>
        tpu.vector_store %arg10[%swap3A_808, %swap3A_809], %swap3A_812 {strides = array<i32>} : memref<448x128xf32, #tpu.memory_space<vmem>>, vector<1x16xf32>,
        %get3A_813 = arith.index_cast %add3A_791 : i32 to index
        %get3A_814 = arith.constant 32 : index
        %get3A_815 = tpu.vector_load %arg10[%get3A_813, %get3A_814] {strides = array<i32>} : memref<448x128xf32, #tpu.memory_space<vmem>>, vector<1x16xf32>,
        %get3A_816 = vector.shape_cast %get3A_815 : vector<1x16xf32> to vector<16xf32>
        %mul3A_817 = vector.broadcast %squeeze3A : f32 to vector<16xf32>
        %mul3A_818 = arith.mulf %get3A_816, %mul3A_817 : vector<16xf32>
        %swap3A_819 = arith.index_cast %add3A_791 : i32 to index
        %swap3A_820 = arith.constant 32 : index
        %swap3A_821 = tpu.vector_load %arg10[%swap3A_819, %swap3A_820] {strides = array<i32>} : memref<448x128xf32, #tpu.memory_space<vmem>>, vector<1x16xf32>,
        %swap3A_822 = vector.shape_cast %swap3A_821 : vector<1x16xf32> to vector<16xf32>
        %swap3A_823 = vector.shape_cast %mul3A_818 : vector<16xf32> to vector<1x16xf32>
        tpu.vector_store %arg10[%swap3A_819, %swap3A_820], %swap3A_823 {strides = array<i32>} : memref<448x128xf32, #tpu.memory_space<vmem>>, vector<1x16xf32>,
        %get3A_824 = arith.index_cast %add3A_791 : i32 to index
        %get3A_825 = arith.constant 48 : index
        %get3A_826 = tpu.vector_load %arg10[%get3A_824, %get3A_825] {strides = array<i32>} : memref<448x128xf32, #tpu.memory_space<vmem>>, vector<1x16xf32>,
        %get3A_827 = vector.shape_cast %get3A_826 : vector<1x16xf32> to vector<16xf32>
        %mul3A_828 = vector.broadcast %squeeze3A : f32 to vector<16xf32>
        %mul3A_829 = arith.mulf %get3A_827, %mul3A_828 : vector<16xf32>
        %swap3A_830 = arith.index_cast %add3A_791 : i32 to index
        %swap3A_831 = arith.constant 48 : index
        %swap3A_832 = tpu.vector_load %arg10[%swap3A_830, %swap3A_831] {strides = array<i32>} : memref<448x128xf32, #tpu.memory_space<vmem>>, vector<1x16xf32>,
        %swap3A_833 = vector.shape_cast %swap3A_832 : vector<1x16xf32> to vector<16xf32>
        %swap3A_834 = vector.shape_cast %mul3A_829 : vector<16xf32> to vector<1x16xf32>
        tpu.vector_store %arg10[%swap3A_830, %swap3A_831], %swap3A_834 {strides = array<i32>} : memref<448x128xf32, #tpu.memory_space<vmem>>, vector<1x16xf32>,
        %get3A_835 = arith.index_cast %add3A_791 : i32 to index
        %get3A_836 = arith.constant 64 : index
        %get3A_837 = tpu.vector_load %arg10[%get3A_835, %get3A_836] {strides = array<i32>} : memref<448x128xf32, #tpu.memory_space<vmem>>, vector<1x16xf32>,
        %get3A_838 = vector.shape_cast %get3A_837 : vector<1x16xf32> to vector<16xf32>
        %mul3A_839 = vector.broadcast %squeeze3A : f32 to vector<16xf32>
        %mul3A_840 = arith.mulf %get3A_838, %mul3A_839 : vector<16xf32>
        %swap3A_841 = arith.index_cast %add3A_791 : i32 to index
        %swap3A_842 = arith.constant 64 : index
        %swap3A_843 = tpu.vector_load %arg10[%swap3A_841, %swap3A_842] {strides = array<i32>} : memref<448x128xf32, #tpu.memory_space<vmem>>, vector<1x16xf32>,
        %swap3A_844 = vector.shape_cast %swap3A_843 : vector<1x16xf32> to vector<16xf32>
        %swap3A_845 = vector.shape_cast %mul3A_840 : vector<16xf32> to vector<1x16xf32>
        tpu.vector_store %arg10[%swap3A_841, %swap3A_842], %swap3A_845 {strides = array<i32>} : memref<448x128xf32, #tpu.memory_space<vmem>>, vector<1x16xf32>,
        %get3A_846 = arith.index_cast %add3A_791 : i32 to index
        %get3A_847 = arith.constant 80 : index
        %get3A_848 = tpu.vector_load %arg10[%get3A_846, %get3A_847] {strides = array<i32>} : memref<448x128xf32, #tpu.memory_space<vmem>>, vector<1x16xf32>,
        %get3A_849 = vector.shape_cast %get3A_848 : vector<1x16xf32> to vector<16xf32>
        %mul3A_850 = vector.broadcast %squeeze3A : f32 to vector<16xf32>
        %mul3A_851 = arith.mulf %get3A_849, %mul3A_850 : vector<16xf32>
        %swap3A_852 = arith.index_cast %add3A_791 : i32 to index
        %swap3A_853 = arith.constant 80 : index
        %swap3A_854 = tpu.vector_load %arg10[%swap3A_852, %swap3A_853] {strides = array<i32>} : memref<448x128xf32, #tpu.memory_space<vmem>>, vector<1x16xf32>,
        %swap3A_855 = vector.shape_cast %swap3A_854 : vector<1x16xf32> to vector<16xf32>
        %swap3A_856 = vector.shape_cast %mul3A_851 : vector<16xf32> to vector<1x16xf32>
        tpu.vector_store %arg10[%swap3A_852, %swap3A_853], %swap3A_856 {strides = array<i32>} : memref<448x128xf32, #tpu.memory_space<vmem>>, vector<1x16xf32>,
        %get3A_857 = arith.index_cast %add3A_791 : i32 to index
        %get3A_858 = arith.constant 96 : index
        %get3A_859 = tpu.vector_load %arg10[%get3A_857, %get3A_858] {strides = array<i32>} : memref<448x128xf32, #tpu.memory_space<vmem>>, vector<1x16xf32>,
        %get3A_860 = vector.shape_cast %get3A_859 : vector<1x16xf32> to vector<16xf32>
        %mul3A_861 = vector.broadcast %squeeze3A : f32 to vector<16xf32>
        %mul3A_862 = arith.mulf %get3A_860, %mul3A_861 : vector<16xf32>
        %swap3A_863 = arith.index_cast %add3A_791 : i32 to index
        %swap3A_864 = arith.constant 96 : index
        %swap3A_865 = tpu.vector_load %arg10[%swap3A_863, %swap3A_864] {strides = array<i32>} : memref<448x128xf32, #tpu.memory_space<vmem>>, vector<1x16xf32>,
        %swap3A_866 = vector.shape_cast %swap3A_865 : vector<1x16xf32> to vector<16xf32>
        %swap3A_867 = vector.shape_cast %mul3A_862 : vector<16xf32> to vector<1x16xf32>
        tpu.vector_store %arg10[%swap3A_863, %swap3A_864], %swap3A_867 {strides = array<i32>} : memref<448x128xf32, #tpu.memory_space<vmem>>, vector<1x16xf32>,
        %get3A_868 = arith.index_cast %add3A_791 : i32 to index
        %get3A_869 = arith.constant 112 : index
        %get3A_870 = tpu.vector_load %arg10[%get3A_868, %get3A_869] {strides = array<i32>} : memref<448x128xf32, #tpu.memory_space<vmem>>, vector<1x16xf32>,
        %get3A_871 = vector.shape_cast %get3A_870 : vector<1x16xf32> to vector<16xf32>
        %mul3A_872 = vector.broadcast %squeeze3A : f32 to vector<16xf32>
        %mul3A_873 = arith.mulf %get3A_871, %mul3A_872 : vector<16xf32>
        %swap3A_874 = arith.index_cast %add3A_791 : i32 to index
        %swap3A_875 = arith.constant 112 : index
        %swap3A_876 = tpu.vector_load %arg10[%swap3A_874, %swap3A_875] {strides = array<i32>} : memref<448x128xf32, #tpu.memory_space<vmem>>, vector<1x16xf32>,
        %swap3A_877 = vector.shape_cast %swap3A_876 : vector<1x16xf32> to vector<16xf32>
        %swap3A_878 = vector.shape_cast %mul3A_873 : vector<16xf32> to vector<1x16xf32>
        tpu.vector_store %arg10[%swap3A_874, %swap3A_875], %swap3A_878 {strides = array<i32>} : memref<448x128xf32, #tpu.memory_space<vmem>>, vector<1x16xf32>,
        %mul3A_879 = arith.constant 16 : i32
        %mul3A_880 = arith.muli %scan3A_779, %mul3A_879 : i32
        %add3A_881 = arith.constant 1 : i32
        %add3A_882 = arith.addi %mul3A_880, %add3A_881 : i32
        %slice3A_883 = vector.extract_strided_slice %get3A_784 {offsets = [1], sizes = [1], strides = [1]} : vector<16xf32> to vector<1xf32>
        %squeeze3A_884 = vector.extract %slice3A_883[0] : f32 from vector<1xf32>
        %mul3A_885 = arith.constant 64 : i32
        %mul3A_886 = arith.muli %rem3A_748, %mul3A_885 : i32
        %add3A_887 = arith.addi %mul3A_886, %add3A_882 : i32
        %get3A_888 = arith.index_cast %add3A_887 : i32 to index
        %get3A_889 = arith.constant 0 : index
        %get3A_890 = tpu.vector_load %arg10[%get3A_888, %get3A_889] {strides = array<i32>} : memref<448x128xf32, #tpu.memory_space<vmem>>, vector<1x16xf32>,
        %get3A_891 = vector.shape_cast %get3A_890 : vector<1x16xf32> to vector<16xf32>
        %mul3A_892 = vector.broadcast %squeeze3A_884 : f32 to vector<16xf32>
        %mul3A_893 = arith.mulf %get3A_891, %mul3A_892 : vector<16xf32>
        %swap3A_894 = arith.index_cast %add3A_887 : i32 to index
        %swap3A_895 = arith.constant 0 : index
        %swap3A_896 = tpu.vector_load %arg10[%swap3A_894, %swap3A_895] {strides = array<i32>} : memref<448x128xf32, #tpu.memory_space<vmem>>, vector<1x16xf32>,
        %swap3A_897 = vector.shape_cast %swap3A_896 : vector<1x16xf32> to vector<16xf32>
        %swap3A_898 = vector.shape_cast %mul3A_893 : vector<16xf32> to vector<1x16xf32>
        tpu.vector_store %arg10[%swap3A_894, %swap3A_895], %swap3A_898 {strides = array<i32>} : memref<448x128xf32, #tpu.memory_space<vmem>>, vector<1x16xf32>,
        %get3A_899 = arith.index_cast %add3A_887 : i32 to index
        %get3A_900 = arith.constant 16 : index
        %get3A_901 = tpu.vector_load %arg10[%get3A_899, %get3A_900] {strides = array<i32>} : memref<448x128xf32, #tpu.memory_space<vmem>>, vector<1x16xf32>,
        %get3A_902 = vector.shape_cast %get3A_901 : vector<1x16xf32> to vector<16xf32>
        %mul3A_903 = vector.broadcast %squeeze3A_884 : f32 to vector<16xf32>
        %mul3A_904 = arith.mulf %get3A_902, %mul3A_903 : vector<16xf32>
        %swap3A_905 = arith.index_cast %add3A_887 : i32 to index
        %swap3A_906 = arith.constant 16 : index
        %swap3A_907 = tpu.vector_load %arg10[%swap3A_905, %swap3A_906] {strides = array<i32>} : memref<448x128xf32, #tpu.memory_space<vmem>>, vector<1x16xf32>,
        %swap3A_908 = vector.shape_cast %swap3A_907 : vector<1x16xf32> to vector<16xf32>
        %swap3A_909 = vector.shape_cast %mul3A_904 : vector<16xf32> to vector<1x16xf32>
        tpu.vector_store %arg10[%swap3A_905, %swap3A_906], %swap3A_909 {strides = array<i32>} : memref<448x128xf32, #tpu.memory_space<vmem>>, vector<1x16xf32>,
        %get3A_910 = arith.index_cast %add3A_887 : i32 to index
        %get3A_911 = arith.constant 32 : index
        %get3A_912 = tpu.vector_load %arg10[%get3A_910, %get3A_911] {strides = array<i32>} : memref<448x128xf32, #tpu.memory_space<vmem>>, vector<1x16xf32>,
        %get3A_913 = vector.shape_cast %get3A_912 : vector<1x16xf32> to vector<16xf32>
        %mul3A_914 = vector.broadcast %squeeze3A_884 : f32 to vector<16xf32>
        %mul3A_915 = arith.mulf %get3A_913, %mul3A_914 : vector<16xf32>
        %swap3A_916 = arith.index_cast %add3A_887 : i32 to index
        %swap3A_917 = arith.constant 32 : index
        %swap3A_918 = tpu.vector_load %arg10[%swap3A_916, %swap3A_917] {strides = array<i32>} : memref<448x128xf32, #tpu.memory_space<vmem>>, vector<1x16xf32>,
        %swap3A_919 = vector.shape_cast %swap3A_918 : vector<1x16xf32> to vector<16xf32>
        %swap3A_920 = vector.shape_cast %mul3A_915 : vector<16xf32> to vector<1x16xf32>
        tpu.vector_store %arg10[%swap3A_916, %swap3A_917], %swap3A_920 {strides = array<i32>} : memref<448x128xf32, #tpu.memory_space<vmem>>, vector<1x16xf32>,
        %get3A_921 = arith.index_cast %add3A_887 : i32 to index
        %get3A_922 = arith.constant 48 : index
        %get3A_923 = tpu.vector_load %arg10[%get3A_921, %get3A_922] {strides = array<i32>} : memref<448x128xf32, #tpu.memory_space<vmem>>, vector<1x16xf32>,
        %get3A_924 = vector.shape_cast %get3A_923 : vector<1x16xf32> to vector<16xf32>
        %mul3A_925 = vector.broadcast %squeeze3A_884 : f32 to vector<16xf32>
        %mul3A_926 = arith.mulf %get3A_924, %mul3A_925 : vector<16xf32>
        %swap3A_927 = arith.index_cast %add3A_887 : i32 to index
        %swap3A_928 = arith.constant 48 : index
        %swap3A_929 = tpu.vector_load %arg10[%swap3A_927, %swap3A_928] {strides = array<i32>} : memref<448x128xf32, #tpu.memory_space<vmem>>, vector<1x16xf32>,
        %swap3A_930 = vector.shape_cast %swap3A_929 : vector<1x16xf32> to vector<16xf32>
        %swap3A_931 = vector.shape_cast %mul3A_926 : vector<16xf32> to vector<1x16xf32>
        tpu.vector_store %arg10[%swap3A_927, %swap3A_928], %swap3A_931 {strides = array<i32>} : memref<448x128xf32, #tpu.memory_space<vmem>>, vector<1x16xf32>,
        %get3A_932 = arith.index_cast %add3A_887 : i32 to index
        %get3A_933 = arith.constant 64 : index
        %get3A_934 = tpu.vector_load %arg10[%get3A_932, %get3A_933] {strides = array<i32>} : memref<448x128xf32, #tpu.memory_space<vmem>>, vector<1x16xf32>,
        %get3A_935 = vector.shape_cast %get3A_934 : vector<1x16xf32> to vector<16xf32>
        %mul3A_936 = vector.broadcast %squeeze3A_884 : f32 to vector<16xf32>
        %mul3A_937 = arith.mulf %get3A_935, %mul3A_936 : vector<16xf32>
        %swap3A_938 = arith.index_cast %add3A_887 : i32 to index
        %swap3A_939 = arith.constant 64 : index
        %swap3A_940 = tpu.vector_load %arg10[%swap3A_938, %swap3A_939] {strides = array<i32>} : memref<448x128xf32, #tpu.memory_space<vmem>>, vector<1x16xf32>,
        %swap3A_941 = vector.shape_cast %swap3A_940 : vector<1x16xf32> to vector<16xf32>
        %swap3A_942 = vector.shape_cast %mul3A_937 : vector<16xf32> to vector<1x16xf32>
        tpu.vector_store %arg10[%swap3A_938, %swap3A_939], %swap3A_942 {strides = array<i32>} : memref<448x128xf32, #tpu.memory_space<vmem>>, vector<1x16xf32>,
        %get3A_943 = arith.index_cast %add3A_887 : i32 to index
        %get3A_944 = arith.constant 80 : index
        %get3A_945 = tpu.vector_load %arg10[%get3A_943, %get3A_944] {strides = array<i32>} : memref<448x128xf32, #tpu.memory_space<vmem>>, vector<1x16xf32>,
        %get3A_946 = vector.shape_cast %get3A_945 : vector<1x16xf32> to vector<16xf32>
        %mul3A_947 = vector.broadcast %squeeze3A_884 : f32 to vector<16xf32>
        %mul3A_948 = arith.mulf %get3A_946, %mul3A_947 : vector<16xf32>
        %swap3A_949 = arith.index_cast %add3A_887 : i32 to index
        %swap3A_950 = arith.constant 80 : index
        %swap3A_951 = tpu.vector_load %arg10[%swap3A_949, %swap3A_950] {strides = array<i32>} : memref<448x128xf32, #tpu.memory_space<vmem>>, vector<1x16xf32>,
        %swap3A_952 = vector.shape_cast %swap3A_951 : vector<1x16xf32> to vector<16xf32>
        %swap3A_953 = vector.shape_cast %mul3A_948 : vector<16xf32> to vector<1x16xf32>
        tpu.vector_store %arg10[%swap3A_949, %swap3A_950], %swap3A_953 {strides = array<i32>} : memref<448x128xf32, #tpu.memory_space<vmem>>, vector<1x16xf32>,
        %get3A_954 = arith.index_cast %add3A_887 : i32 to index
        %get3A_955 = arith.constant 96 : index
        %get3A_956 = tpu.vector_load %arg10[%get3A_954, %get3A_955] {strides = array<i32>} : memref<448x128xf32, #tpu.memory_space<vmem>>, vector<1x16xf32>,
        %get3A_957 = vector.shape_cast %get3A_956 : vector<1x16xf32> to vector<16xf32>
        %mul3A_958 = vector.broadcast %squeeze3A_884 : f32 to vector<16xf32>
        %mul3A_959 = arith.mulf %get3A_957, %mul3A_958 : vector<16xf32>
        %swap3A_960 = arith.index_cast %add3A_887 : i32 to index
        %swap3A_961 = arith.constant 96 : index
        %swap3A_962 = tpu.vector_load %arg10[%swap3A_960, %swap3A_961] {strides = array<i32>} : memref<448x128xf32, #tpu.memory_space<vmem>>, vector<1x16xf32>,
        %swap3A_963 = vector.shape_cast %swap3A_962 : vector<1x16xf32> to vector<16xf32>
        %swap3A_964 = vector.shape_cast %mul3A_959 : vector<16xf32> to vector<1x16xf32>
        tpu.vector_store %arg10[%swap3A_960, %swap3A_961], %swap3A_964 {strides = array<i32>} : memref<448x128xf32, #tpu.memory_space<vmem>>, vector<1x16xf32>,
        %get3A_965 = arith.index_cast %add3A_887 : i32 to index
        %get3A_966 = arith.constant 112 : index
        %get3A_967 = tpu.vector_load %arg10[%get3A_965, %get3A_966] {strides = array<i32>} : memref<448x128xf32, #tpu.memory_space<vmem>>, vector<1x16xf32>,
        %get3A_968 = vector.shape_cast %get3A_967 : vector<1x16xf32> to vector<16xf32>
        %mul3A_969 = vector.broadcast %squeeze3A_884 : f32 to vector<16xf32>
        %mul3A_970 = arith.mulf %get3A_968, %mul3A_969 : vector<16xf32>
        %swap3A_971 = arith.index_cast %add3A_887 : i32 to index
        %swap3A_972 = arith.constant 112 : index
        %swap3A_973 = tpu.vector_load %arg10[%swap3A_971, %swap3A_972] {strides = array<i32>} : memref<448x128xf32, #tpu.memory_space<vmem>>, vector<1x16xf32>,
        %swap3A_974 = vector.shape_cast %swap3A_973 : vector<1x16xf32> to vector<16xf32>
        %swap3A_975 = vector.shape_cast %mul3A_970 : vector<16xf32> to vector<1x16xf32>
        tpu.vector_store %arg10[%swap3A_971, %swap3A_972], %swap3A_975 {strides = array<i32>} : memref<448x128xf32, #tpu.memory_space<vmem>>, vector<1x16xf32>,
        %mul3A_976 = arith.constant 16 : i32
        %mul3A_977 = arith.muli %scan3A_779, %mul3A_976 : i32
        %add3A_978 = arith.constant 2 : i32
        %add3A_979 = arith.addi %mul3A_977, %add3A_978 : i32
        %slice3A_980 = vector.extract_strided_slice %get3A_784 {offsets = [2], sizes = [1], strides = [1]} : vector<16xf32> to vector<1xf32>
        %squeeze3A_981 = vector.extract %slice3A_980[0] : f32 from vector<1xf32>
        %mul3A_982 = arith.constant 64 : i32
        %mul3A_983 = arith.muli %rem3A_748, %mul3A_982 : i32
        %add3A_984 = arith.addi %mul3A_983, %add3A_979 : i32
        %get3A_985 = arith.index_cast %add3A_984 : i32 to index
        %get3A_986 = arith.constant 0 : index
        %get3A_987 = tpu.vector_load %arg10[%get3A_985, %get3A_986] {strides = array<i32>} : memref<448x128xf32, #tpu.memory_space<vmem>>, vector<1x16xf32>,
        %get3A_988 = vector.shape_cast %get3A_987 : vector<1x16xf32> to vector<16xf32>
        %mul3A_989 = vector.broadcast %squeeze3A_981 : f32 to vector<16xf32>
        %mul3A_990 = arith.mulf %get3A_988, %mul3A_989 : vector<16xf32>
        %swap3A_991 = arith.index_cast %add3A_984 : i32 to index
        %swap3A_992 = arith.constant 0 : index
        %swap3A_993 = tpu.vector_load %arg10[%swap3A_991, %swap3A_992] {strides = array<i32>} : memref<448x128xf32, #tpu.memory_space<vmem>>, vector<1x16xf32>,
        %swap3A_994 = vector.shape_cast %swap3A_993 : vector<1x16xf32> to vector<16xf32>
        %swap3A_995 = vector.shape_cast %mul3A_990 : vector<16xf32> to vector<1x16xf32>
        tpu.vector_store %arg10[%swap3A_991, %swap3A_992], %swap3A_995 {strides = array<i32>} : memref<448x128xf32, #tpu.memory_space<vmem>>, vector<1x16xf32>,
        %get3A_996 = arith.index_cast %add3A_984 : i32 to index
        %get3A_997 = arith.constant 16 : index
        %get3A_998 = tpu.vector_load %arg10[%get3A_996, %get3A_997] {strides = array<i32>} : memref<448x128xf32, #tpu.memory_space<vmem>>, vector<1x16xf32>,
        %get3A_999 = vector.shape_cast %get3A_998 : vector<1x16xf32> to vector<16xf32>
        %mul3A_1000 = vector.broadcast %squeeze3A_981 : f32 to vector<16xf32>
        %mul3A_1001 = arith.mulf %get3A_999, %mul3A_1000 : vector<16xf32>
        %swap3A_1002 = arith.index_cast %add3A_984 : i32 to index
        %swap3A_1003 = arith.constant 16 : index
        %swap3A_1004 = tpu.vector_load %arg10[%swap3A_1002, %swap3A_1003] {strides = array<i32>} : memref<448x128xf32, #tpu.memory_space<vmem>>, vector<1x16xf32>,
        %swap3A_1005 = vector.shape_cast %swap3A_1004 : vector<1x16xf32> to vector<16xf32>
        %swap3A_1006 = vector.shape_cast %mul3A_1001 : vector<16xf32> to vector<1x16xf32>
        tpu.vector_store %arg10[%swap3A_1002, %swap3A_1003], %swap3A_1006 {strides = array<i32>} : memref<448x128xf32, #tpu.memory_space<vmem>>, vector<1x16xf32>,
        %get3A_1007 = arith.index_cast %add3A_984 : i32 to index
        %get3A_1008 = arith.constant 32 : index
        %get3A_1009 = tpu.vector_load %arg10[%get3A_1007, %get3A_1008] {strides = array<i32>} : memref<448x128xf32, #tpu.memory_space<vmem>>, vector<1x16xf32>,
        %get3A_1010 = vector.shape_cast %get3A_1009 : vector<1x16xf32> to vector<16xf32>
        %mul3A_1011 = vector.broadcast %squeeze3A_981 : f32 to vector<16xf32>
        %mul3A_1012 = arith.mulf %get3A_1010, %mul3A_1011 : vector<16xf32>
        %swap3A_1013 = arith.index_cast %add3A_984 : i32 to index
        %swap3A_1014 = arith.constant 32 : index
        %swap3A_1015 = tpu.vector_load %arg10[%swap3A_1013, %swap3A_1014] {strides = array<i32>} : memref<448x128xf32, #tpu.memory_space<vmem>>, vector<1x16xf32>,
        %swap3A_1016 = vector.shape_cast %swap3A_1015 : vector<1x16xf32> to vector<16xf32>
        %swap3A_1017 = vector.shape_cast %mul3A_1012 : vector<16xf32> to vector<1x16xf32>
        tpu.vector_store %arg10[%swap3A_1013, %swap3A_1014], %swap3A_1017 {strides = array<i32>} : memref<448x128xf32, #tpu.memory_space<vmem>>, vector<1x16xf32>,
        %get3A_1018 = arith.index_cast %add3A_984 : i32 to index
        %get3A_1019 = arith.constant 48 : index
        %get3A_1020 = tpu.vector_load %arg10[%get3A_1018, %get3A_1019] {strides = array<i32>} : memref<448x128xf32, #tpu.memory_space<vmem>>, vector<1x16xf32>,
        %get3A_1021 = vector.shape_cast %get3A_1020 : vector<1x16xf32> to vector<16xf32>
        %mul3A_1022 = vector.broadcast %squeeze3A_981 : f32 to vector<16xf32>
        %mul3A_1023 = arith.mulf %get3A_1021, %mul3A_1022 : vector<16xf32>
        %swap3A_1024 = arith.index_cast %add3A_984 : i32 to index
        %swap3A_1025 = arith.constant 48 : index
        %swap3A_1026 = tpu.vector_load %arg10[%swap3A_1024, %swap3A_1025] {strides = array<i32>} : memref<448x128xf32, #tpu.memory_space<vmem>>, vector<1x16xf32>,
        %swap3A_1027 = vector.shape_cast %swap3A_1026 : vector<1x16xf32> to vector<16xf32>
        %swap3A_1028 = vector.shape_cast %mul3A_1023 : vector<16xf32> to vector<1x16xf32>
        tpu.vector_store %arg10[%swap3A_1024, %swap3A_1025], %swap3A_1028 {strides = array<i32>} : memref<448x128xf32, #tpu.memory_space<vmem>>, vector<1x16xf32>,
        %get3A_1029 = arith.index_cast %add3A_984 : i32 to index
        %get3A_1030 = arith.constant 64 : index
        %get3A_1031 = tpu.vector_load %arg10[%get3A_1029, %get3A_1030] {strides = array<i32>} : memref<448x128xf32, #tpu.memory_space<vmem>>, vector<1x16xf32>,
        %get3A_1032 = vector.shape_cast %get3A_1031 : vector<1x16xf32> to vector<16xf32>
        %mul3A_1033 = vector.broadcast %squeeze3A_981 : f32 to vector<16xf32>
        %mul3A_1034 = arith.mulf %get3A_1032, %mul3A_1033 : vector<16xf32>
        %swap3A_1035 = arith.index_cast %add3A_984 : i32 to index
        %swap3A_1036 = arith.constant 64 : index
        %swap3A_1037 = tpu.vector_load %arg10[%swap3A_1035, %swap3A_1036] {strides = array<i32>} : memref<448x128xf32, #tpu.memory_space<vmem>>, vector<1x16xf32>,
        %swap3A_1038 = vector.shape_cast %swap3A_1037 : vector<1x16xf32> to vector<16xf32>
        %swap3A_1039 = vector.shape_cast %mul3A_1034 : vector<16xf32> to vector<1x16xf32>
        tpu.vector_store %arg10[%swap3A_1035, %swap3A_1036], %swap3A_1039 {strides = array<i32>} : memref<448x128xf32, #tpu.memory_space<vmem>>, vector<1x16xf32>,
        %get3A_1040 = arith.index_cast %add3A_984 : i32 to index
        %get3A_1041 = arith.constant 80 : index
        %get3A_1042 = tpu.vector_load %arg10[%get3A_1040, %get3A_1041] {strides = array<i32>} : memref<448x128xf32, #tpu.memory_space<vmem>>, vector<1x16xf32>,
        %get3A_1043 = vector.shape_cast %get3A_1042 : vector<1x16xf32> to vector<16xf32>
        %mul3A_1044 = vector.broadcast %squeeze3A_981 : f32 to vector<16xf32>
        %mul3A_1045 = arith.mulf %get3A_1043, %mul3A_1044 : vector<16xf32>
        %swap3A_1046 = arith.index_cast %add3A_984 : i32 to index
        %swap3A_1047 = arith.constant 80 : index
        %swap3A_1048 = tpu.vector_load %arg10[%swap3A_1046, %swap3A_1047] {strides = array<i32>} : memref<448x128xf32, #tpu.memory_space<vmem>>, vector<1x16xf32>,
        %swap3A_1049 = vector.shape_cast %swap3A_1048 : vector<1x16xf32> to vector<16xf32>
        %swap3A_1050 = vector.shape_cast %mul3A_1045 : vector<16xf32> to vector<1x16xf32>
        tpu.vector_store %arg10[%swap3A_1046, %swap3A_1047], %swap3A_1050 {strides = array<i32>} : memref<448x128xf32, #tpu.memory_space<vmem>>, vector<1x16xf32>,
        %get3A_1051 = arith.index_cast %add3A_984 : i32 to index
        %get3A_1052 = arith.constant 96 : index
        %get3A_1053 = tpu.vector_load %arg10[%get3A_1051, %get3A_1052] {strides = array<i32>} : memref<448x128xf32, #tpu.memory_space<vmem>>, vector<1x16xf32>,
        %get3A_1054 = vector.shape_cast %get3A_1053 : vector<1x16xf32> to vector<16xf32>
        %mul3A_1055 = vector.broadcast %squeeze3A_981 : f32 to vector<16xf32>
        %mul3A_1056 = arith.mulf %get3A_1054, %mul3A_1055 : vector<16xf32>
        %swap3A_1057 = arith.index_cast %add3A_984 : i32 to index
        %swap3A_1058 = arith.constant 96 : index
        %swap3A_1059 = tpu.vector_load %arg10[%swap3A_1057, %swap3A_1058] {strides = array<i32>} : memref<448x128xf32, #tpu.memory_space<vmem>>, vector<1x16xf32>,
        %swap3A_1060 = vector.shape_cast %swap3A_1059 : vector<1x16xf32> to vector<16xf32>
        %swap3A_1061 = vector.shape_cast %mul3A_1056 : vector<16xf32> to vector<1x16xf32>
        tpu.vector_store %arg10[%swap3A_1057, %swap3A_1058], %swap3A_1061 {strides = array<i32>} : memref<448x128xf32, #tpu.memory_space<vmem>>, vector<1x16xf32>,
        %get3A_1062 = arith.index_cast %add3A_984 : i32 to index
        %get3A_1063 = arith.constant 112 : index
        %get3A_1064 = tpu.vector_load %arg10[%get3A_1062, %get3A_1063] {strides = array<i32>} : memref<448x128xf32, #tpu.memory_space<vmem>>, vector<1x16xf32>,
        %get3A_1065 = vector.shape_cast %get3A_1064 : vector<1x16xf32> to vector<16xf32>
        %mul3A_1066 = vector.broadcast %squeeze3A_981 : f32 to vector<16xf32>
        %mul3A_1067 = arith.mulf %get3A_1065, %mul3A_1066 : vector<16xf32>
        %swap3A_1068 = arith.index_cast %add3A_984 : i32 to index
        %swap3A_1069 = arith.constant 112 : index
        %swap3A_1070 = tpu.vector_load %arg10[%swap3A_1068, %swap3A_1069] {strides = array<i32>} : memref<448x128xf32, #tpu.memory_space<vmem>>, vector<1x16xf32>,
        %swap3A_1071 = vector.shape_cast %swap3A_1070 : vector<1x16xf32> to vector<16xf32>
        %swap3A_1072 = vector.shape_cast %mul3A_1067 : vector<16xf32> to vector<1x16xf32>
        tpu.vector_store %arg10[%swap3A_1068, %swap3A_1069], %swap3A_1072 {strides = array<i32>} : memref<448x128xf32, #tpu.memory_space<vmem>>, vector<1x16xf32>,
        %mul3A_1073 = arith.constant 16 : i32
        %mul3A_1074 = arith.muli %scan3A_779, %mul3A_1073 : i32
        %add3A_1075 = arith.constant 3 : i32
        %add3A_1076 = arith.addi %mul3A_1074, %add3A_1075 : i32
        %slice3A_1077 = vector.extract_strided_slice %get3A_784 {offsets = [3], sizes = [1], strides = [1]} : vector<16xf32> to vector<1xf32>
        %squeeze3A_1078 = vector.extract %slice3A_1077[0] : f32 from vector<1xf32>
        %mul3A_1079 = arith.constant 64 : i32
        %mul3A_1080 = arith.muli %rem3A_748, %mul3A_1079 : i32
        %add3A_1081 = arith.addi %mul3A_1080, %add3A_1076 : i32
        %get3A_1082 = arith.index_cast %add3A_1081 : i32 to index
        %get3A_1083 = arith.constant 0 : index
        %get3A_1084 = tpu.vector_load %arg10[%get3A_1082, %get3A_1083] {strides = array<i32>} : memref<448x128xf32, #tpu.memory_space<vmem>>, vector<1x16xf32>,
        %get3A_1085 = vector.shape_cast %get3A_1084 : vector<1x16xf32> to vector<16xf32>
        %mul3A_1086 = vector.broadcast %squeeze3A_1078 : f32 to vector<16xf32>
        %mul3A_1087 = arith.mulf %get3A_1085, %mul3A_1086 : vector<16xf32>
        %swap3A_1088 = arith.index_cast %add3A_1081 : i32 to index
        %swap3A_1089 = arith.constant 0 : index
        %swap3A_1090 = tpu.vector_load %arg10[%swap3A_1088, %swap3A_1089] {strides = array<i32>} : memref<448x128xf32, #tpu.memory_space<vmem>>, vector<1x16xf32>,
        %swap3A_1091 = vector.shape_cast %swap3A_1090 : vector<1x16xf32> to vector<16xf32>
        %swap3A_1092 = vector.shape_cast %mul3A_1087 : vector<16xf32> to vector<1x16xf32>
        tpu.vector_store %arg10[%swap3A_1088, %swap3A_1089], %swap3A_1092 {strides = array<i32>} : memref<448x128xf32, #tpu.memory_space<vmem>>, vector<1x16xf32>,
        %get3A_1093 = arith.index_cast %add3A_1081 : i32 to index
        %get3A_1094 = arith.constant 16 : index
        %get3A_1095 = tpu.vector_load %arg10[%get3A_1093, %get3A_1094] {strides = array<i32>} : memref<448x128xf32, #tpu.memory_space<vmem>>, vector<1x16xf32>,
        %get3A_1096 = vector.shape_cast %get3A_1095 : vector<1x16xf32> to vector<16xf32>
        %mul3A_1097 = vector.broadcast %squeeze3A_1078 : f32 to vector<16xf32>
        %mul3A_1098 = arith.mulf %get3A_1096, %mul3A_1097 : vector<16xf32>
        %swap3A_1099 = arith.index_cast %add3A_1081 : i32 to index
        %swap3A_1100 = arith.constant 16 : index
        %swap3A_1101 = tpu.vector_load %arg10[%swap3A_1099, %swap3A_1100] {strides = array<i32>} : memref<448x128xf32, #tpu.memory_space<vmem>>, vector<1x16xf32>,
        %swap3A_1102 = vector.shape_cast %swap3A_1101 : vector<1x16xf32> to vector<16xf32>
        %swap3A_1103 = vector.shape_cast %mul3A_1098 : vector<16xf32> to vector<1x16xf32>
        tpu.vector_store %arg10[%swap3A_1099, %swap3A_1100], %swap3A_1103 {strides = array<i32>} : memref<448x128xf32, #tpu.memory_space<vmem>>, vector<1x16xf32>,
        %get3A_1104 = arith.index_cast %add3A_1081 : i32 to index
        %get3A_1105 = arith.constant 32 : index
        %get3A_1106 = tpu.vector_load %arg10[%get3A_1104, %get3A_1105] {strides = array<i32>} : memref<448x128xf32, #tpu.memory_space<vmem>>, vector<1x16xf32>,
        %get3A_1107 = vector.shape_cast %get3A_1106 : vector<1x16xf32> to vector<16xf32>
        %mul3A_1108 = vector.broadcast %squeeze3A_1078 : f32 to vector<16xf32>
        %mul3A_1109 = arith.mulf %get3A_1107, %mul3A_1108 : vector<16xf32>
        %swap3A_1110 = arith.index_cast %add3A_1081 : i32 to index
        %swap3A_1111 = arith.constant 32 : index
        %swap3A_1112 = tpu.vector_load %arg10[%swap3A_1110, %swap3A_1111] {strides = array<i32>} : memref<448x128xf32, #tpu.memory_space<vmem>>, vector<1x16xf32>,
        %swap3A_1113 = vector.shape_cast %swap3A_1112 : vector<1x16xf32> to vector<16xf32>
        %swap3A_1114 = vector.shape_cast %mul3A_1109 : vector<16xf32> to vector<1x16xf32>
        tpu.vector_store %arg10[%swap3A_1110, %swap3A_1111], %swap3A_1114 {strides = array<i32>} : memref<448x128xf32, #tpu.memory_space<vmem>>, vector<1x16xf32>,
        %get3A_1115 = arith.index_cast %add3A_1081 : i32 to index
        %get3A_1116 = arith.constant 48 : index
        %get3A_1117 = tpu.vector_load %arg10[%get3A_1115, %get3A_1116] {strides = array<i32>} : memref<448x128xf32, #tpu.memory_space<vmem>>, vector<1x16xf32>,
        %get3A_1118 = vector.shape_cast %get3A_1117 : vector<1x16xf32> to vector<16xf32>
        %mul3A_1119 = vector.broadcast %squeeze3A_1078 : f32 to vector<16xf32>
        %mul3A_1120 = arith.mulf %get3A_1118, %mul3A_1119 : vector<16xf32>
        %swap3A_1121 = arith.index_cast %add3A_1081 : i32 to index
        %swap3A_1122 = arith.constant 48 : index
        %swap3A_1123 = tpu.vector_load %arg10[%swap3A_1121, %swap3A_1122] {strides = array<i32>} : memref<448x128xf32, #tpu.memory_space<vmem>>, vector<1x16xf32>,
        %swap3A_1124 = vector.shape_cast %swap3A_1123 : vector<1x16xf32> to vector<16xf32>
        %swap3A_1125 = vector.shape_cast %mul3A_1120 : vector<16xf32> to vector<1x16xf32>
        tpu.vector_store %arg10[%swap3A_1121, %swap3A_1122], %swap3A_1125 {strides = array<i32>} : memref<448x128xf32, #tpu.memory_space<vmem>>, vector<1x16xf32>,
        %get3A_1126 = arith.index_cast %add3A_1081 : i32 to index
        %get3A_1127 = arith.constant 64 : index
        %get3A_1128 = tpu.vector_load %arg10[%get3A_1126, %get3A_1127] {strides = array<i32>} : memref<448x128xf32, #tpu.memory_space<vmem>>, vector<1x16xf32>,
        %get3A_1129 = vector.shape_cast %get3A_1128 : vector<1x16xf32> to vector<16xf32>
        %mul3A_1130 = vector.broadcast %squeeze3A_1078 : f32 to vector<16xf32>
        %mul3A_1131 = arith.mulf %get3A_1129, %mul3A_1130 : vector<16xf32>
        %swap3A_1132 = arith.index_cast %add3A_1081 : i32 to index
        %swap3A_1133 = arith.constant 64 : index
        %swap3A_1134 = tpu.vector_load %arg10[%swap3A_1132, %swap3A_1133] {strides = array<i32>} : memref<448x128xf32, #tpu.memory_space<vmem>>, vector<1x16xf32>,
        %swap3A_1135 = vector.shape_cast %swap3A_1134 : vector<1x16xf32> to vector<16xf32>
        %swap3A_1136 = vector.shape_cast %mul3A_1131 : vector<16xf32> to vector<1x16xf32>
        tpu.vector_store %arg10[%swap3A_1132, %swap3A_1133], %swap3A_1136 {strides = array<i32>} : memref<448x128xf32, #tpu.memory_space<vmem>>, vector<1x16xf32>,
        %get3A_1137 = arith.index_cast %add3A_1081 : i32 to index
        %get3A_1138 = arith.constant 80 : index
        %get3A_1139 = tpu.vector_load %arg10[%get3A_1137, %get3A_1138] {strides = array<i32>} : memref<448x128xf32, #tpu.memory_space<vmem>>, vector<1x16xf32>,
        %get3A_1140 = vector.shape_cast %get3A_1139 : vector<1x16xf32> to vector<16xf32>
        %mul3A_1141 = vector.broadcast %squeeze3A_1078 : f32 to vector<16xf32>
        %mul3A_1142 = arith.mulf %get3A_1140, %mul3A_1141 : vector<16xf32>
        %swap3A_1143 = arith.index_cast %add3A_1081 : i32 to index
        %swap3A_1144 = arith.constant 80 : index
        %swap3A_1145 = tpu.vector_load %arg10[%swap3A_1143, %swap3A_1144] {strides = array<i32>} : memref<448x128xf32, #tpu.memory_space<vmem>>, vector<1x16xf32>,
        %swap3A_1146 = vector.shape_cast %swap3A_1145 : vector<1x16xf32> to vector<16xf32>
        %swap3A_1147 = vector.shape_cast %mul3A_1142 : vector<16xf32> to vector<1x16xf32>
        tpu.vector_store %arg10[%swap3A_1143, %swap3A_1144], %swap3A_1147 {strides = array<i32>} : memref<448x128xf32, #tpu.memory_space<vmem>>, vector<1x16xf32>,
        %get3A_1148 = arith.index_cast %add3A_1081 : i32 to index
        %get3A_1149 = arith.constant 96 : index
        %get3A_1150 = tpu.vector_load %arg10[%get3A_1148, %get3A_1149] {strides = array<i32>} : memref<448x128xf32, #tpu.memory_space<vmem>>, vector<1x16xf32>,
        %get3A_1151 = vector.shape_cast %get3A_1150 : vector<1x16xf32> to vector<16xf32>
        %mul3A_1152 = vector.broadcast %squeeze3A_1078 : f32 to vector<16xf32>
        %mul3A_1153 = arith.mulf %get3A_1151, %mul3A_1152 : vector<16xf32>
        %swap3A_1154 = arith.index_cast %add3A_1081 : i32 to index
        %swap3A_1155 = arith.constant 96 : index
        %swap3A_1156 = tpu.vector_load %arg10[%swap3A_1154, %swap3A_1155] {strides = array<i32>} : memref<448x128xf32, #tpu.memory_space<vmem>>, vector<1x16xf32>,
        %swap3A_1157 = vector.shape_cast %swap3A_1156 : vector<1x16xf32> to vector<16xf32>
        %swap3A_1158 = vector.shape_cast %mul3A_1153 : vector<16xf32> to vector<1x16xf32>
        tpu.vector_store %arg10[%swap3A_1154, %swap3A_1155], %swap3A_1158 {strides = array<i32>} : memref<448x128xf32, #tpu.memory_space<vmem>>, vector<1x16xf32>,
        %get3A_1159 = arith.index_cast %add3A_1081 : i32 to index
        %get3A_1160 = arith.constant 112 : index
        %get3A_1161 = tpu.vector_load %arg10[%get3A_1159, %get3A_1160] {strides = array<i32>} : memref<448x128xf32, #tpu.memory_space<vmem>>, vector<1x16xf32>,
        %get3A_1162 = vector.shape_cast %get3A_1161 : vector<1x16xf32> to vector<16xf32>
        %mul3A_1163 = vector.broadcast %squeeze3A_1078 : f32 to vector<16xf32>
        %mul3A_1164 = arith.mulf %get3A_1162, %mul3A_1163 : vector<16xf32>
        %swap3A_1165 = arith.index_cast %add3A_1081 : i32 to index
        %swap3A_1166 = arith.constant 112 : index
        %swap3A_1167 = tpu.vector_load %arg10[%swap3A_1165, %swap3A_1166] {strides = array<i32>} : memref<448x128xf32, #tpu.memory_space<vmem>>, vector<1x16xf32>,
        %swap3A_1168 = vector.shape_cast %swap3A_1167 : vector<1x16xf32> to vector<16xf32>
        %swap3A_1169 = vector.shape_cast %mul3A_1164 : vector<16xf32> to vector<1x16xf32>
        tpu.vector_store %arg10[%swap3A_1165, %swap3A_1166], %swap3A_1169 {strides = array<i32>} : memref<448x128xf32, #tpu.memory_space<vmem>>, vector<1x16xf32>,
        %mul3A_1170 = arith.constant 16 : i32
        %mul3A_1171 = arith.muli %scan3A_779, %mul3A_1170 : i32
        %add3A_1172 = arith.constant 4 : i32
        %add3A_1173 = arith.addi %mul3A_1171, %add3A_1172 : i32
        %slice3A_1174 = vector.extract_strided_slice %get3A_784 {offsets = [4], sizes = [1], strides = [1]} : vector<16xf32> to vector<1xf32>
        %squeeze3A_1175 = vector.extract %slice3A_1174[0] : f32 from vector<1xf32>
        %mul3A_1176 = arith.constant 64 : i32
        %mul3A_1177 = arith.muli %rem3A_748, %mul3A_1176 : i32
        %add3A_1178 = arith.addi %mul3A_1177, %add3A_1173 : i32
        %get3A_1179 = arith.index_cast %add3A_1178 : i32 to index
        %get3A_1180 = arith.constant 0 : index
        %get3A_1181 = tpu.vector_load %arg10[%get3A_1179, %get3A_1180] {strides = array<i32>} : memref<448x128xf32, #tpu.memory_space<vmem>>, vector<1x16xf32>,
        %get3A_1182 = vector.shape_cast %get3A_1181 : vector<1x16xf32> to vector<16xf32>
        %mul3A_1183 = vector.broadcast %squeeze3A_1175 : f32 to vector<16xf32>
        %mul3A_1184 = arith.mulf %get3A_1182, %mul3A_1183 : vector<16xf32>
        %swap3A_1185 = arith.index_cast %add3A_1178 : i32 to index
        %swap3A_1186 = arith.constant 0 : index
        %swap3A_1187 = tpu.vector_load %arg10[%swap3A_1185, %swap3A_1186] {strides = array<i32>} : memref<448x128xf32, #tpu.memory_space<vmem>>, vector<1x16xf32>,
        %swap3A_1188 = vector.shape_cast %swap3A_1187 : vector<1x16xf32> to vector<16xf32>
        %swap3A_1189 = vector.shape_cast %mul3A_1184 : vector<16xf32> to vector<1x16xf32>
        tpu.vector_store %arg10[%swap3A_1185, %swap3A_1186], %swap3A_1189 {strides = array<i32>} : memref<448x128xf32, #tpu.memory_space<vmem>>, vector<1x16xf32>,
        %get3A_1190 = arith.index_cast %add3A_1178 : i32 to index
        %get3A_1191 = arith.constant 16 : index
        %get3A_1192 = tpu.vector_load %arg10[%get3A_1190, %get3A_1191] {strides = array<i32>} : memref<448x128xf32, #tpu.memory_space<vmem>>, vector<1x16xf32>,
        %get3A_1193 = vector.shape_cast %get3A_1192 : vector<1x16xf32> to vector<16xf32>
        %mul3A_1194 = vector.broadcast %squeeze3A_1175 : f32 to vector<16xf32>
        %mul3A_1195 = arith.mulf %get3A_1193, %mul3A_1194 : vector<16xf32>
        %swap3A_1196 = arith.index_cast %add3A_1178 : i32 to index
        %swap3A_1197 = arith.constant 16 : index
        %swap3A_1198 = tpu.vector_load %arg10[%swap3A_1196, %swap3A_1197] {strides = array<i32>} : memref<448x128xf32, #tpu.memory_space<vmem>>, vector<1x16xf32>,
        %swap3A_1199 = vector.shape_cast %swap3A_1198 : vector<1x16xf32> to vector<16xf32>
        %swap3A_1200 = vector.shape_cast %mul3A_1195 : vector<16xf32> to vector<1x16xf32>
        tpu.vector_store %arg10[%swap3A_1196, %swap3A_1197], %swap3A_1200 {strides = array<i32>} : memref<448x128xf32, #tpu.memory_space<vmem>>, vector<1x16xf32>,
        %get3A_1201 = arith.index_cast %add3A_1178 : i32 to index
        %get3A_1202 = arith.constant 32 : index
        %get3A_1203 = tpu.vector_load %arg10[%get3A_1201, %get3A_1202] {strides = array<i32>} : memref<448x128xf32, #tpu.memory_space<vmem>>, vector<1x16xf32>,
        %get3A_1204 = vector.shape_cast %get3A_1203 : vector<1x16xf32> to vector<16xf32>
        %mul3A_1205 = vector.broadcast %squeeze3A_1175 : f32 to vector<16xf32>
        %mul3A_1206 = arith.mulf %get3A_1204, %mul3A_1205 : vector<16xf32>
        %swap3A_1207 = arith.index_cast %add3A_1178 : i32 to index
        %swap3A_1208 = arith.constant 32 : index
        %swap3A_1209 = tpu.vector_load %arg10[%swap3A_1207, %swap3A_1208] {strides = array<i32>} : memref<448x128xf32, #tpu.memory_space<vmem>>, vector<1x16xf32>,
        %swap3A_1210 = vector.shape_cast %swap3A_1209 : vector<1x16xf32> to vector<16xf32>
        %swap3A_1211 = vector.shape_cast %mul3A_1206 : vector<16xf32> to vector<1x16xf32>
        tpu.vector_store %arg10[%swap3A_1207, %swap3A_1208], %swap3A_1211 {strides = array<i32>} : memref<448x128xf32, #tpu.memory_space<vmem>>, vector<1x16xf32>,
        %get3A_1212 = arith.index_cast %add3A_1178 : i32 to index
        %get3A_1213 = arith.constant 48 : index
        %get3A_1214 = tpu.vector_load %arg10[%get3A_1212, %get3A_1213] {strides = array<i32>} : memref<448x128xf32, #tpu.memory_space<vmem>>, vector<1x16xf32>,
        %get3A_1215 = vector.shape_cast %get3A_1214 : vector<1x16xf32> to vector<16xf32>
        %mul3A_1216 = vector.broadcast %squeeze3A_1175 : f32 to vector<16xf32>
        %mul3A_1217 = arith.mulf %get3A_1215, %mul3A_1216 : vector<16xf32>
        %swap3A_1218 = arith.index_cast %add3A_1178 : i32 to index
        %swap3A_1219 = arith.constant 48 : index
        %swap3A_1220 = tpu.vector_load %arg10[%swap3A_1218, %swap3A_1219] {strides = array<i32>} : memref<448x128xf32, #tpu.memory_space<vmem>>, vector<1x16xf32>,
        %swap3A_1221 = vector.shape_cast %swap3A_1220 : vector<1x16xf32> to vector<16xf32>
        %swap3A_1222 = vector.shape_cast %mul3A_1217 : vector<16xf32> to vector<1x16xf32>
        tpu.vector_store %arg10[%swap3A_1218, %swap3A_1219], %swap3A_1222 {strides = array<i32>} : memref<448x128xf32, #tpu.memory_space<vmem>>, vector<1x16xf32>,
        %get3A_1223 = arith.index_cast %add3A_1178 : i32 to index
        %get3A_1224 = arith.constant 64 : index
        %get3A_1225 = tpu.vector_load %arg10[%get3A_1223, %get3A_1224] {strides = array<i32>} : memref<448x128xf32, #tpu.memory_space<vmem>>, vector<1x16xf32>,
        %get3A_1226 = vector.shape_cast %get3A_1225 : vector<1x16xf32> to vector<16xf32>
        %mul3A_1227 = vector.broadcast %squeeze3A_1175 : f32 to vector<16xf32>
        %mul3A_1228 = arith.mulf %get3A_1226, %mul3A_1227 : vector<16xf32>
        %swap3A_1229 = arith.index_cast %add3A_1178 : i32 to index
        %swap3A_1230 = arith.constant 64 : index
        %swap3A_1231 = tpu.vector_load %arg10[%swap3A_1229, %swap3A_1230] {strides = array<i32>} : memref<448x128xf32, #tpu.memory_space<vmem>>, vector<1x16xf32>,
        %swap3A_1232 = vector.shape_cast %swap3A_1231 : vector<1x16xf32> to vector<16xf32>
        %swap3A_1233 = vector.shape_cast %mul3A_1228 : vector<16xf32> to vector<1x16xf32>
        tpu.vector_store %arg10[%swap3A_1229, %swap3A_1230], %swap3A_1233 {strides = array<i32>} : memref<448x128xf32, #tpu.memory_space<vmem>>, vector<1x16xf32>,
        %get3A_1234 = arith.index_cast %add3A_1178 : i32 to index
        %get3A_1235 = arith.constant 80 : index
        %get3A_1236 = tpu.vector_load %arg10[%get3A_1234, %get3A_1235] {strides = array<i32>} : memref<448x128xf32, #tpu.memory_space<vmem>>, vector<1x16xf32>,
        %get3A_1237 = vector.shape_cast %get3A_1236 : vector<1x16xf32> to vector<16xf32>
        %mul3A_1238 = vector.broadcast %squeeze3A_1175 : f32 to vector<16xf32>
        %mul3A_1239 = arith.mulf %get3A_1237, %mul3A_1238 : vector<16xf32>
        %swap3A_1240 = arith.index_cast %add3A_1178 : i32 to index
        %swap3A_1241 = arith.constant 80 : index
        %swap3A_1242 = tpu.vector_load %arg10[%swap3A_1240, %swap3A_1241] {strides = array<i32>} : memref<448x128xf32, #tpu.memory_space<vmem>>, vector<1x16xf32>,
        %swap3A_1243 = vector.shape_cast %swap3A_1242 : vector<1x16xf32> to vector<16xf32>
        %swap3A_1244 = vector.shape_cast %mul3A_1239 : vector<16xf32> to vector<1x16xf32>
        tpu.vector_store %arg10[%swap3A_1240, %swap3A_1241], %swap3A_1244 {strides = array<i32>} : memref<448x128xf32, #tpu.memory_space<vmem>>, vector<1x16xf32>,
        %get3A_1245 = arith.index_cast %add3A_1178 : i32 to index
        %get3A_1246 = arith.constant 96 : index
        %get3A_1247 = tpu.vector_load %arg10[%get3A_1245, %get3A_1246] {strides = array<i32>} : memref<448x128xf32, #tpu.memory_space<vmem>>, vector<1x16xf32>,
        %get3A_1248 = vector.shape_cast %get3A_1247 : vector<1x16xf32> to vector<16xf32>
        %mul3A_1249 = vector.broadcast %squeeze3A_1175 : f32 to vector<16xf32>
        %mul3A_1250 = arith.mulf %get3A_1248, %mul3A_1249 : vector<16xf32>
        %swap3A_1251 = arith.index_cast %add3A_1178 : i32 to index
        %swap3A_1252 = arith.constant 96 : index
        %swap3A_1253 = tpu.vector_load %arg10[%swap3A_1251, %swap3A_1252] {strides = array<i32>} : memref<448x128xf32, #tpu.memory_space<vmem>>, vector<1x16xf32>,
        %swap3A_1254 = vector.shape_cast %swap3A_1253 : vector<1x16xf32> to vector<16xf32>
        %swap3A_1255 = vector.shape_cast %mul3A_1250 : vector<16xf32> to vector<1x16xf32>
        tpu.vector_store %arg10[%swap3A_1251, %swap3A_1252], %swap3A_1255 {strides = array<i32>} : memref<448x128xf32, #tpu.memory_space<vmem>>, vector<1x16xf32>,
        %get3A_1256 = arith.index_cast %add3A_1178 : i32 to index
        %get3A_1257 = arith.constant 112 : index
        %get3A_1258 = tpu.vector_load %arg10[%get3A_1256, %get3A_1257] {strides = array<i32>} : memref<448x128xf32, #tpu.memory_space<vmem>>, vector<1x16xf32>,
        %get3A_1259 = vector.shape_cast %get3A_1258 : vector<1x16xf32> to vector<16xf32>
        %mul3A_1260 = vector.broadcast %squeeze3A_1175 : f32 to vector<16xf32>
        %mul3A_1261 = arith.mulf %get3A_1259, %mul3A_1260 : vector<16xf32>
        %swap3A_1262 = arith.index_cast %add3A_1178 : i32 to index
        %swap3A_1263 = arith.constant 112 : index
        %swap3A_1264 = tpu.vector_load %arg10[%swap3A_1262, %swap3A_1263] {strides = array<i32>} : memref<448x128xf32, #tpu.memory_space<vmem>>, vector<1x16xf32>,
        %swap3A_1265 = vector.shape_cast %swap3A_1264 : vector<1x16xf32> to vector<16xf32>
        %swap3A_1266 = vector.shape_cast %mul3A_1261 : vector<16xf32> to vector<1x16xf32>
        tpu.vector_store %arg10[%swap3A_1262, %swap3A_1263], %swap3A_1266 {strides = array<i32>} : memref<448x128xf32, #tpu.memory_space<vmem>>, vector<1x16xf32>,
        %mul3A_1267 = arith.constant 16 : i32
        %mul3A_1268 = arith.muli %scan3A_779, %mul3A_1267 : i32
        %add3A_1269 = arith.constant 5 : i32
        %add3A_1270 = arith.addi %mul3A_1268, %add3A_1269 : i32
        %slice3A_1271 = vector.extract_strided_slice %get3A_784 {offsets = [5], sizes = [1], strides = [1]} : vector<16xf32> to vector<1xf32>
        %squeeze3A_1272 = vector.extract %slice3A_1271[0] : f32 from vector<1xf32>
        %mul3A_1273 = arith.constant 64 : i32
        %mul3A_1274 = arith.muli %rem3A_748, %mul3A_1273 : i32
        %add3A_1275 = arith.addi %mul3A_1274, %add3A_1270 : i32
        %get3A_1276 = arith.index_cast %add3A_1275 : i32 to index
        %get3A_1277 = arith.constant 0 : index
        %get3A_1278 = tpu.vector_load %arg10[%get3A_1276, %get3A_1277] {strides = array<i32>} : memref<448x128xf32, #tpu.memory_space<vmem>>, vector<1x16xf32>,
        %get3A_1279 = vector.shape_cast %get3A_1278 : vector<1x16xf32> to vector<16xf32>
        %mul3A_1280 = vector.broadcast %squeeze3A_1272 : f32 to vector<16xf32>
        %mul3A_1281 = arith.mulf %get3A_1279, %mul3A_1280 : vector<16xf32>
        %swap3A_1282 = arith.index_cast %add3A_1275 : i32 to index
        %swap3A_1283 = arith.constant 0 : index
        %swap3A_1284 = tpu.vector_load %arg10[%swap3A_1282, %swap3A_1283] {strides = array<i32>} : memref<448x128xf32, #tpu.memory_space<vmem>>, vector<1x16xf32>,
        %swap3A_1285 = vector.shape_cast %swap3A_1284 : vector<1x16xf32> to vector<16xf32>
        %swap3A_1286 = vector.shape_cast %mul3A_1281 : vector<16xf32> to vector<1x16xf32>
        tpu.vector_store %arg10[%swap3A_1282, %swap3A_1283], %swap3A_1286 {strides = array<i32>} : memref<448x128xf32, #tpu.memory_space<vmem>>, vector<1x16xf32>,
        %get3A_1287 = arith.index_cast %add3A_1275 : i32 to index
        %get3A_1288 = arith.constant 16 : index
        %get3A_1289 = tpu.vector_load %arg10[%get3A_1287, %get3A_1288] {strides = array<i32>} : memref<448x128xf32, #tpu.memory_space<vmem>>, vector<1x16xf32>,
        %get3A_1290 = vector.shape_cast %get3A_1289 : vector<1x16xf32> to vector<16xf32>
        %mul3A_1291 = vector.broadcast %squeeze3A_1272 : f32 to vector<16xf32>
        %mul3A_1292 = arith.mulf %get3A_1290, %mul3A_1291 : vector<16xf32>
        %swap3A_1293 = arith.index_cast %add3A_1275 : i32 to index
        %swap3A_1294 = arith.constant 16 : index
        %swap3A_1295 = tpu.vector_load %arg10[%swap3A_1293, %swap3A_1294] {strides = array<i32>} : memref<448x128xf32, #tpu.memory_space<vmem>>, vector<1x16xf32>,
        %swap3A_1296 = vector.shape_cast %swap3A_1295 : vector<1x16xf32> to vector<16xf32>
        %swap3A_1297 = vector.shape_cast %mul3A_1292 : vector<16xf32> to vector<1x16xf32>
        tpu.vector_store %arg10[%swap3A_1293, %swap3A_1294], %swap3A_1297 {strides = array<i32>} : memref<448x128xf32, #tpu.memory_space<vmem>>, vector<1x16xf32>,
        %get3A_1298 = arith.index_cast %add3A_1275 : i32 to index
        %get3A_1299 = arith.constant 32 : index
        %get3A_1300 = tpu.vector_load %arg10[%get3A_1298, %get3A_1299] {strides = array<i32>} : memref<448x128xf32, #tpu.memory_space<vmem>>, vector<1x16xf32>,
        %get3A_1301 = vector.shape_cast %get3A_1300 : vector<1x16xf32> to vector<16xf32>
        %mul3A_1302 = vector.broadcast %squeeze3A_1272 : f32 to vector<16xf32>
        %mul3A_1303 = arith.mulf %get3A_1301, %mul3A_1302 : vector<16xf32>
        %swap3A_1304 = arith.index_cast %add3A_1275 : i32 to index
        %swap3A_1305 = arith.constant 32 : index
        %swap3A_1306 = tpu.vector_load %arg10[%swap3A_1304, %swap3A_1305] {strides = array<i32>} : memref<448x128xf32, #tpu.memory_space<vmem>>, vector<1x16xf32>,
        %swap3A_1307 = vector.shape_cast %swap3A_1306 : vector<1x16xf32> to vector<16xf32>
        %swap3A_1308 = vector.shape_cast %mul3A_1303 : vector<16xf32> to vector<1x16xf32>
        tpu.vector_store %arg10[%swap3A_1304, %swap3A_1305], %swap3A_1308 {strides = array<i32>} : memref<448x128xf32, #tpu.memory_space<vmem>>, vector<1x16xf32>,
        %get3A_1309 = arith.index_cast %add3A_1275 : i32 to index
        %get3A_1310 = arith.constant 48 : index
        %get3A_1311 = tpu.vector_load %arg10[%get3A_1309, %get3A_1310] {strides = array<i32>} : memref<448x128xf32, #tpu.memory_space<vmem>>, vector<1x16xf32>,
        %get3A_1312 = vector.shape_cast %get3A_1311 : vector<1x16xf32> to vector<16xf32>
        %mul3A_1313 = vector.broadcast %squeeze3A_1272 : f32 to vector<16xf32>
        %mul3A_1314 = arith.mulf %get3A_1312, %mul3A_1313 : vector<16xf32>
        %swap3A_1315 = arith.index_cast %add3A_1275 : i32 to index
        %swap3A_1316 = arith.constant 48 : index
        %swap3A_1317 = tpu.vector_load %arg10[%swap3A_1315, %swap3A_1316] {strides = array<i32>} : memref<448x128xf32, #tpu.memory_space<vmem>>, vector<1x16xf32>,
        %swap3A_1318 = vector.shape_cast %swap3A_1317 : vector<1x16xf32> to vector<16xf32>
        %swap3A_1319 = vector.shape_cast %mul3A_1314 : vector<16xf32> to vector<1x16xf32>
        tpu.vector_store %arg10[%swap3A_1315, %swap3A_1316], %swap3A_1319 {strides = array<i32>} : memref<448x128xf32, #tpu.memory_space<vmem>>, vector<1x16xf32>,
        %get3A_1320 = arith.index_cast %add3A_1275 : i32 to index
        %get3A_1321 = arith.constant 64 : index
        %get3A_1322 = tpu.vector_load %arg10[%get3A_1320, %get3A_1321] {strides = array<i32>} : memref<448x128xf32, #tpu.memory_space<vmem>>, vector<1x16xf32>,
        %get3A_1323 = vector.shape_cast %get3A_1322 : vector<1x16xf32> to vector<16xf32>
        %mul3A_1324 = vector.broadcast %squeeze3A_1272 : f32 to vector<16xf32>
        %mul3A_1325 = arith.mulf %get3A_1323, %mul3A_1324 : vector<16xf32>
        %swap3A_1326 = arith.index_cast %add3A_1275 : i32 to index
        %swap3A_1327 = arith.constant 64 : index
        %swap3A_1328 = tpu.vector_load %arg10[%swap3A_1326, %swap3A_1327] {strides = array<i32>} : memref<448x128xf32, #tpu.memory_space<vmem>>, vector<1x16xf32>,
        %swap3A_1329 = vector.shape_cast %swap3A_1328 : vector<1x16xf32> to vector<16xf32>
        %swap3A_1330 = vector.shape_cast %mul3A_1325 : vector<16xf32> to vector<1x16xf32>
        tpu.vector_store %arg10[%swap3A_1326, %swap3A_1327], %swap3A_1330 {strides = array<i32>} : memref<448x128xf32, #tpu.memory_space<vmem>>, vector<1x16xf32>,
        %get3A_1331 = arith.index_cast %add3A_1275 : i32 to index
        %get3A_1332 = arith.constant 80 : index
        %get3A_1333 = tpu.vector_load %arg10[%get3A_1331, %get3A_1332] {strides = array<i32>} : memref<448x128xf32, #tpu.memory_space<vmem>>, vector<1x16xf32>,
        %get3A_1334 = vector.shape_cast %get3A_1333 : vector<1x16xf32> to vector<16xf32>
        %mul3A_1335 = vector.broadcast %squeeze3A_1272 : f32 to vector<16xf32>
        %mul3A_1336 = arith.mulf %get3A_1334, %mul3A_1335 : vector<16xf32>
        %swap3A_1337 = arith.index_cast %add3A_1275 : i32 to index
        %swap3A_1338 = arith.constant 80 : index
        %swap3A_1339 = tpu.vector_load %arg10[%swap3A_1337, %swap3A_1338] {strides = array<i32>} : memref<448x128xf32, #tpu.memory_space<vmem>>, vector<1x16xf32>,
        %swap3A_1340 = vector.shape_cast %swap3A_1339 : vector<1x16xf32> to vector<16xf32>
        %swap3A_1341 = vector.shape_cast %mul3A_1336 : vector<16xf32> to vector<1x16xf32>
        tpu.vector_store %arg10[%swap3A_1337, %swap3A_1338], %swap3A_1341 {strides = array<i32>} : memref<448x128xf32, #tpu.memory_space<vmem>>, vector<1x16xf32>,
        %get3A_1342 = arith.index_cast %add3A_1275 : i32 to index
        %get3A_1343 = arith.constant 96 : index
        %get3A_1344 = tpu.vector_load %arg10[%get3A_1342, %get3A_1343] {strides = array<i32>} : memref<448x128xf32, #tpu.memory_space<vmem>>, vector<1x16xf32>,
        %get3A_1345 = vector.shape_cast %get3A_1344 : vector<1x16xf32> to vector<16xf32>
        %mul3A_1346 = vector.broadcast %squeeze3A_1272 : f32 to vector<16xf32>
        %mul3A_1347 = arith.mulf %get3A_1345, %mul3A_1346 : vector<16xf32>
        %swap3A_1348 = arith.index_cast %add3A_1275 : i32 to index
        %swap3A_1349 = arith.constant 96 : index
        %swap3A_1350 = tpu.vector_load %arg10[%swap3A_1348, %swap3A_1349] {strides = array<i32>} : memref<448x128xf32, #tpu.memory_space<vmem>>, vector<1x16xf32>,
        %swap3A_1351 = vector.shape_cast %swap3A_1350 : vector<1x16xf32> to vector<16xf32>
        %swap3A_1352 = vector.shape_cast %mul3A_1347 : vector<16xf32> to vector<1x16xf32>
        tpu.vector_store %arg10[%swap3A_1348, %swap3A_1349], %swap3A_1352 {strides = array<i32>} : memref<448x128xf32, #tpu.memory_space<vmem>>, vector<1x16xf32>,
        %get3A_1353 = arith.index_cast %add3A_1275 : i32 to index
        %get3A_1354 = arith.constant 112 : index
        %get3A_1355 = tpu.vector_load %arg10[%get3A_1353, %get3A_1354] {strides = array<i32>} : memref<448x128xf32, #tpu.memory_space<vmem>>, vector<1x16xf32>,
        %get3A_1356 = vector.shape_cast %get3A_1355 : vector<1x16xf32> to vector<16xf32>
        %mul3A_1357 = vector.broadcast %squeeze3A_1272 : f32 to vector<16xf32>
        %mul3A_1358 = arith.mulf %get3A_1356, %mul3A_1357 : vector<16xf32>
        %swap3A_1359 = arith.index_cast %add3A_1275 : i32 to index
        %swap3A_1360 = arith.constant 112 : index
        %swap3A_1361 = tpu.vector_load %arg10[%swap3A_1359, %swap3A_1360] {strides = array<i32>} : memref<448x128xf32, #tpu.memory_space<vmem>>, vector<1x16xf32>,
        %swap3A_1362 = vector.shape_cast %swap3A_1361 : vector<1x16xf32> to vector<16xf32>
        %swap3A_1363 = vector.shape_cast %mul3A_1358 : vector<16xf32> to vector<1x16xf32>
        tpu.vector_store %arg10[%swap3A_1359, %swap3A_1360], %swap3A_1363 {strides = array<i32>} : memref<448x128xf32, #tpu.memory_space<vmem>>, vector<1x16xf32>,
        %mul3A_1364 = arith.constant 16 : i32
        %mul3A_1365 = arith.muli %scan3A_779, %mul3A_1364 : i32
        %add3A_1366 = arith.constant 6 : i32
        %add3A_1367 = arith.addi %mul3A_1365, %add3A_1366 : i32
        %slice3A_1368 = vector.extract_strided_slice %get3A_784 {offsets = [6], sizes = [1], strides = [1]} : vector<16xf32> to vector<1xf32>
        %squeeze3A_1369 = vector.extract %slice3A_1368[0] : f32 from vector<1xf32>
        %mul3A_1370 = arith.constant 64 : i32
        %mul3A_1371 = arith.muli %rem3A_748, %mul3A_1370 : i32
        %add3A_1372 = arith.addi %mul3A_1371, %add3A_1367 : i32
        %get3A_1373 = arith.index_cast %add3A_1372 : i32 to index
        %get3A_1374 = arith.constant 0 : index
        %get3A_1375 = tpu.vector_load %arg10[%get3A_1373, %get3A_1374] {strides = array<i32>} : memref<448x128xf32, #tpu.memory_space<vmem>>, vector<1x16xf32>,
        %get3A_1376 = vector.shape_cast %get3A_1375 : vector<1x16xf32> to vector<16xf32>
        %mul3A_1377 = vector.broadcast %squeeze3A_1369 : f32 to vector<16xf32>
        %mul3A_1378 = arith.mulf %get3A_1376, %mul3A_1377 : vector<16xf32>
        %swap3A_1379 = arith.index_cast %add3A_1372 : i32 to index
        %swap3A_1380 = arith.constant 0 : index
        %swap3A_1381 = tpu.vector_load %arg10[%swap3A_1379, %swap3A_1380] {strides = array<i32>} : memref<448x128xf32, #tpu.memory_space<vmem>>, vector<1x16xf32>,
        %swap3A_1382 = vector.shape_cast %swap3A_1381 : vector<1x16xf32> to vector<16xf32>
        %swap3A_1383 = vector.shape_cast %mul3A_1378 : vector<16xf32> to vector<1x16xf32>
        tpu.vector_store %arg10[%swap3A_1379, %swap3A_1380], %swap3A_1383 {strides = array<i32>} : memref<448x128xf32, #tpu.memory_space<vmem>>, vector<1x16xf32>,
        %get3A_1384 = arith.index_cast %add3A_1372 : i32 to index
        %get3A_1385 = arith.constant 16 : index
        %get3A_1386 = tpu.vector_load %arg10[%get3A_1384, %get3A_1385] {strides = array<i32>} : memref<448x128xf32, #tpu.memory_space<vmem>>, vector<1x16xf32>,
        %get3A_1387 = vector.shape_cast %get3A_1386 : vector<1x16xf32> to vector<16xf32>
        %mul3A_1388 = vector.broadcast %squeeze3A_1369 : f32 to vector<16xf32>
        %mul3A_1389 = arith.mulf %get3A_1387, %mul3A_1388 : vector<16xf32>
        %swap3A_1390 = arith.index_cast %add3A_1372 : i32 to index
        %swap3A_1391 = arith.constant 16 : index
        %swap3A_1392 = tpu.vector_load %arg10[%swap3A_1390, %swap3A_1391] {strides = array<i32>} : memref<448x128xf32, #tpu.memory_space<vmem>>, vector<1x16xf32>,
        %swap3A_1393 = vector.shape_cast %swap3A_1392 : vector<1x16xf32> to vector<16xf32>
        %swap3A_1394 = vector.shape_cast %mul3A_1389 : vector<16xf32> to vector<1x16xf32>
        tpu.vector_store %arg10[%swap3A_1390, %swap3A_1391], %swap3A_1394 {strides = array<i32>} : memref<448x128xf32, #tpu.memory_space<vmem>>, vector<1x16xf32>,
        %get3A_1395 = arith.index_cast %add3A_1372 : i32 to index
        %get3A_1396 = arith.constant 32 : index
        %get3A_1397 = tpu.vector_load %arg10[%get3A_1395, %get3A_1396] {strides = array<i32>} : memref<448x128xf32, #tpu.memory_space<vmem>>, vector<1x16xf32>,
        %get3A_1398 = vector.shape_cast %get3A_1397 : vector<1x16xf32> to vector<16xf32>
        %mul3A_1399 = vector.broadcast %squeeze3A_1369 : f32 to vector<16xf32>
        %mul3A_1400 = arith.mulf %get3A_1398, %mul3A_1399 : vector<16xf32>
        %swap3A_1401 = arith.index_cast %add3A_1372 : i32 to index
        %swap3A_1402 = arith.constant 32 : index
        %swap3A_1403 = tpu.vector_load %arg10[%swap3A_1401, %swap3A_1402] {strides = array<i32>} : memref<448x128xf32, #tpu.memory_space<vmem>>, vector<1x16xf32>,
        %swap3A_1404 = vector.shape_cast %swap3A_1403 : vector<1x16xf32> to vector<16xf32>
        %swap3A_1405 = vector.shape_cast %mul3A_1400 : vector<16xf32> to vector<1x16xf32>
        tpu.vector_store %arg10[%swap3A_1401, %swap3A_1402], %swap3A_1405 {strides = array<i32>} : memref<448x128xf32, #tpu.memory_space<vmem>>, vector<1x16xf32>,
        %get3A_1406 = arith.index_cast %add3A_1372 : i32 to index
        %get3A_1407 = arith.constant 48 : index
        %get3A_1408 = tpu.vector_load %arg10[%get3A_1406, %get3A_1407] {strides = array<i32>} : memref<448x128xf32, #tpu.memory_space<vmem>>, vector<1x16xf32>,
        %get3A_1409 = vector.shape_cast %get3A_1408 : vector<1x16xf32> to vector<16xf32>
        %mul3A_1410 = vector.broadcast %squeeze3A_1369 : f32 to vector<16xf32>
        %mul3A_1411 = arith.mulf %get3A_1409, %mul3A_1410 : vector<16xf32>
        %swap3A_1412 = arith.index_cast %add3A_1372 : i32 to index
        %swap3A_1413 = arith.constant 48 : index
        %swap3A_1414 = tpu.vector_load %arg10[%swap3A_1412, %swap3A_1413] {strides = array<i32>} : memref<448x128xf32, #tpu.memory_space<vmem>>, vector<1x16xf32>,
        %swap3A_1415 = vector.shape_cast %swap3A_1414 : vector<1x16xf32> to vector<16xf32>
        %swap3A_1416 = vector.shape_cast %mul3A_1411 : vector<16xf32> to vector<1x16xf32>
        tpu.vector_store %arg10[%swap3A_1412, %swap3A_1413], %swap3A_1416 {strides = array<i32>} : memref<448x128xf32, #tpu.memory_space<vmem>>, vector<1x16xf32>,
        %get3A_1417 = arith.index_cast %add3A_1372 : i32 to index
        %get3A_1418 = arith.constant 64 : index
        %get3A_1419 = tpu.vector_load %arg10[%get3A_1417, %get3A_1418] {strides = array<i32>} : memref<448x128xf32, #tpu.memory_space<vmem>>, vector<1x16xf32>,
        %get3A_1420 = vector.shape_cast %get3A_1419 : vector<1x16xf32> to vector<16xf32>
        %mul3A_1421 = vector.broadcast %squeeze3A_1369 : f32 to vector<16xf32>
        %mul3A_1422 = arith.mulf %get3A_1420, %mul3A_1421 : vector<16xf32>
        %swap3A_1423 = arith.index_cast %add3A_1372 : i32 to index
        %swap3A_1424 = arith.constant 64 : index
        %swap3A_1425 = tpu.vector_load %arg10[%swap3A_1423, %swap3A_1424] {strides = array<i32>} : memref<448x128xf32, #tpu.memory_space<vmem>>, vector<1x16xf32>,
        %swap3A_1426 = vector.shape_cast %swap3A_1425 : vector<1x16xf32> to vector<16xf32>
        %swap3A_1427 = vector.shape_cast %mul3A_1422 : vector<16xf32> to vector<1x16xf32>
        tpu.vector_store %arg10[%swap3A_1423, %swap3A_1424], %swap3A_1427 {strides = array<i32>} : memref<448x128xf32, #tpu.memory_space<vmem>>, vector<1x16xf32>,
        %get3A_1428 = arith.index_cast %add3A_1372 : i32 to index
        %get3A_1429 = arith.constant 80 : index
        %get3A_1430 = tpu.vector_load %arg10[%get3A_1428, %get3A_1429] {strides = array<i32>} : memref<448x128xf32, #tpu.memory_space<vmem>>, vector<1x16xf32>,
        %get3A_1431 = vector.shape_cast %get3A_1430 : vector<1x16xf32> to vector<16xf32>
        %mul3A_1432 = vector.broadcast %squeeze3A_1369 : f32 to vector<16xf32>
        %mul3A_1433 = arith.mulf %get3A_1431, %mul3A_1432 : vector<16xf32>
        %swap3A_1434 = arith.index_cast %add3A_1372 : i32 to index
        %swap3A_1435 = arith.constant 80 : index
        %swap3A_1436 = tpu.vector_load %arg10[%swap3A_1434, %swap3A_1435] {strides = array<i32>} : memref<448x128xf32, #tpu.memory_space<vmem>>, vector<1x16xf32>,
        %swap3A_1437 = vector.shape_cast %swap3A_1436 : vector<1x16xf32> to vector<16xf32>
        %swap3A_1438 = vector.shape_cast %mul3A_1433 : vector<16xf32> to vector<1x16xf32>
        tpu.vector_store %arg10[%swap3A_1434, %swap3A_1435], %swap3A_1438 {strides = array<i32>} : memref<448x128xf32, #tpu.memory_space<vmem>>, vector<1x16xf32>,
        %get3A_1439 = arith.index_cast %add3A_1372 : i32 to index
        %get3A_1440 = arith.constant 96 : index
        %get3A_1441 = tpu.vector_load %arg10[%get3A_1439, %get3A_1440] {strides = array<i32>} : memref<448x128xf32, #tpu.memory_space<vmem>>, vector<1x16xf32>,
        %get3A_1442 = vector.shape_cast %get3A_1441 : vector<1x16xf32> to vector<16xf32>
        %mul3A_1443 = vector.broadcast %squeeze3A_1369 : f32 to vector<16xf32>
        %mul3A_1444 = arith.mulf %get3A_1442, %mul3A_1443 : vector<16xf32>
        %swap3A_1445 = arith.index_cast %add3A_1372 : i32 to index
        %swap3A_1446 = arith.constant 96 : index
        %swap3A_1447 = tpu.vector_load %arg10[%swap3A_1445, %swap3A_1446] {strides = array<i32>} : memref<448x128xf32, #tpu.memory_space<vmem>>, vector<1x16xf32>,
        %swap3A_1448 = vector.shape_cast %swap3A_1447 : vector<1x16xf32> to vector<16xf32>
        %swap3A_1449 = vector.shape_cast %mul3A_1444 : vector<16xf32> to vector<1x16xf32>
        tpu.vector_store %arg10[%swap3A_1445, %swap3A_1446], %swap3A_1449 {strides = array<i32>} : memref<448x128xf32, #tpu.memory_space<vmem>>, vector<1x16xf32>,
        %get3A_1450 = arith.index_cast %add3A_1372 : i32 to index
        %get3A_1451 = arith.constant 112 : index
        %get3A_1452 = tpu.vector_load %arg10[%get3A_1450, %get3A_1451] {strides = array<i32>} : memref<448x128xf32, #tpu.memory_space<vmem>>, vector<1x16xf32>,
        %get3A_1453 = vector.shape_cast %get3A_1452 : vector<1x16xf32> to vector<16xf32>
        %mul3A_1454 = vector.broadcast %squeeze3A_1369 : f32 to vector<16xf32>
        %mul3A_1455 = arith.mulf %get3A_1453, %mul3A_1454 : vector<16xf32>
        %swap3A_1456 = arith.index_cast %add3A_1372 : i32 to index
        %swap3A_1457 = arith.constant 112 : index
        %swap3A_1458 = tpu.vector_load %arg10[%swap3A_1456, %swap3A_1457] {strides = array<i32>} : memref<448x128xf32, #tpu.memory_space<vmem>>, vector<1x16xf32>,
        %swap3A_1459 = vector.shape_cast %swap3A_1458 : vector<1x16xf32> to vector<16xf32>
        %swap3A_1460 = vector.shape_cast %mul3A_1455 : vector<16xf32> to vector<1x16xf32>
        tpu.vector_store %arg10[%swap3A_1456, %swap3A_1457], %swap3A_1460 {strides = array<i32>} : memref<448x128xf32, #tpu.memory_space<vmem>>, vector<1x16xf32>,
        %mul3A_1461 = arith.constant 16 : i32
        %mul3A_1462 = arith.muli %scan3A_779, %mul3A_1461 : i32
        %add3A_1463 = arith.constant 7 : i32
        %add3A_1464 = arith.addi %mul3A_1462, %add3A_1463 : i32
        %slice3A_1465 = vector.extract_strided_slice %get3A_784 {offsets = [7], sizes = [1], strides = [1]} : vector<16xf32> to vector<1xf32>
        %squeeze3A_1466 = vector.extract %slice3A_1465[0] : f32 from vector<1xf32>
        %mul3A_1467 = arith.constant 64 : i32
        %mul3A_1468 = arith.muli %rem3A_748, %mul3A_1467 : i32
        %add3A_1469 = arith.addi %mul3A_1468, %add3A_1464 : i32
        %get3A_1470 = arith.index_cast %add3A_1469 : i32 to index
        %get3A_1471 = arith.constant 0 : index
        %get3A_1472 = tpu.vector_load %arg10[%get3A_1470, %get3A_1471] {strides = array<i32>} : memref<448x128xf32, #tpu.memory_space<vmem>>, vector<1x16xf32>,
        %get3A_1473 = vector.shape_cast %get3A_1472 : vector<1x16xf32> to vector<16xf32>
        %mul3A_1474 = vector.broadcast %squeeze3A_1466 : f32 to vector<16xf32>
        %mul3A_1475 = arith.mulf %get3A_1473, %mul3A_1474 : vector<16xf32>
        %swap3A_1476 = arith.index_cast %add3A_1469 : i32 to index
        %swap3A_1477 = arith.constant 0 : index
        %swap3A_1478 = tpu.vector_load %arg10[%swap3A_1476, %swap3A_1477] {strides = array<i32>} : memref<448x128xf32, #tpu.memory_space<vmem>>, vector<1x16xf32>,
        %swap3A_1479 = vector.shape_cast %swap3A_1478 : vector<1x16xf32> to vector<16xf32>
        %swap3A_1480 = vector.shape_cast %mul3A_1475 : vector<16xf32> to vector<1x16xf32>
        tpu.vector_store %arg10[%swap3A_1476, %swap3A_1477], %swap3A_1480 {strides = array<i32>} : memref<448x128xf32, #tpu.memory_space<vmem>>, vector<1x16xf32>,
        %get3A_1481 = arith.index_cast %add3A_1469 : i32 to index
        %get3A_1482 = arith.constant 16 : index
        %get3A_1483 = tpu.vector_load %arg10[%get3A_1481, %get3A_1482] {strides = array<i32>} : memref<448x128xf32, #tpu.memory_space<vmem>>, vector<1x16xf32>,
        %get3A_1484 = vector.shape_cast %get3A_1483 : vector<1x16xf32> to vector<16xf32>
        %mul3A_1485 = vector.broadcast %squeeze3A_1466 : f32 to vector<16xf32>
        %mul3A_1486 = arith.mulf %get3A_1484, %mul3A_1485 : vector<16xf32>
        %swap3A_1487 = arith.index_cast %add3A_1469 : i32 to index
        %swap3A_1488 = arith.constant 16 : index
        %swap3A_1489 = tpu.vector_load %arg10[%swap3A_1487, %swap3A_1488] {strides = array<i32>} : memref<448x128xf32, #tpu.memory_space<vmem>>, vector<1x16xf32>,
        %swap3A_1490 = vector.shape_cast %swap3A_1489 : vector<1x16xf32> to vector<16xf32>
        %swap3A_1491 = vector.shape_cast %mul3A_1486 : vector<16xf32> to vector<1x16xf32>
        tpu.vector_store %arg10[%swap3A_1487, %swap3A_1488], %swap3A_1491 {strides = array<i32>} : memref<448x128xf32, #tpu.memory_space<vmem>>, vector<1x16xf32>,
        %get3A_1492 = arith.index_cast %add3A_1469 : i32 to index
        %get3A_1493 = arith.constant 32 : index
        %get3A_1494 = tpu.vector_load %arg10[%get3A_1492, %get3A_1493] {strides = array<i32>} : memref<448x128xf32, #tpu.memory_space<vmem>>, vector<1x16xf32>,
        %get3A_1495 = vector.shape_cast %get3A_1494 : vector<1x16xf32> to vector<16xf32>
        %mul3A_1496 = vector.broadcast %squeeze3A_1466 : f32 to vector<16xf32>
        %mul3A_1497 = arith.mulf %get3A_1495, %mul3A_1496 : vector<16xf32>
        %swap3A_1498 = arith.index_cast %add3A_1469 : i32 to index
        %swap3A_1499 = arith.constant 32 : index
        %swap3A_1500 = tpu.vector_load %arg10[%swap3A_1498, %swap3A_1499] {strides = array<i32>} : memref<448x128xf32, #tpu.memory_space<vmem>>, vector<1x16xf32>,
        %swap3A_1501 = vector.shape_cast %swap3A_1500 : vector<1x16xf32> to vector<16xf32>
        %swap3A_1502 = vector.shape_cast %mul3A_1497 : vector<16xf32> to vector<1x16xf32>
        tpu.vector_store %arg10[%swap3A_1498, %swap3A_1499], %swap3A_1502 {strides = array<i32>} : memref<448x128xf32, #tpu.memory_space<vmem>>, vector<1x16xf32>,
        %get3A_1503 = arith.index_cast %add3A_1469 : i32 to index
        %get3A_1504 = arith.constant 48 : index
        %get3A_1505 = tpu.vector_load %arg10[%get3A_1503, %get3A_1504] {strides = array<i32>} : memref<448x128xf32, #tpu.memory_space<vmem>>, vector<1x16xf32>,
        %get3A_1506 = vector.shape_cast %get3A_1505 : vector<1x16xf32> to vector<16xf32>
        %mul3A_1507 = vector.broadcast %squeeze3A_1466 : f32 to vector<16xf32>
        %mul3A_1508 = arith.mulf %get3A_1506, %mul3A_1507 : vector<16xf32>
        %swap3A_1509 = arith.index_cast %add3A_1469 : i32 to index
        %swap3A_1510 = arith.constant 48 : index
        %swap3A_1511 = tpu.vector_load %arg10[%swap3A_1509, %swap3A_1510] {strides = array<i32>} : memref<448x128xf32, #tpu.memory_space<vmem>>, vector<1x16xf32>,
        %swap3A_1512 = vector.shape_cast %swap3A_1511 : vector<1x16xf32> to vector<16xf32>
        %swap3A_1513 = vector.shape_cast %mul3A_1508 : vector<16xf32> to vector<1x16xf32>
        tpu.vector_store %arg10[%swap3A_1509, %swap3A_1510], %swap3A_1513 {strides = array<i32>} : memref<448x128xf32, #tpu.memory_space<vmem>>, vector<1x16xf32>,
        %get3A_1514 = arith.index_cast %add3A_1469 : i32 to index
        %get3A_1515 = arith.constant 64 : index
        %get3A_1516 = tpu.vector_load %arg10[%get3A_1514, %get3A_1515] {strides = array<i32>} : memref<448x128xf32, #tpu.memory_space<vmem>>, vector<1x16xf32>,
        %get3A_1517 = vector.shape_cast %get3A_1516 : vector<1x16xf32> to vector<16xf32>
        %mul3A_1518 = vector.broadcast %squeeze3A_1466 : f32 to vector<16xf32>
        %mul3A_1519 = arith.mulf %get3A_1517, %mul3A_1518 : vector<16xf32>
        %swap3A_1520 = arith.index_cast %add3A_1469 : i32 to index
        %swap3A_1521 = arith.constant 64 : index
        %swap3A_1522 = tpu.vector_load %arg10[%swap3A_1520, %swap3A_1521] {strides = array<i32>} : memref<448x128xf32, #tpu.memory_space<vmem>>, vector<1x16xf32>,
        %swap3A_1523 = vector.shape_cast %swap3A_1522 : vector<1x16xf32> to vector<16xf32>
        %swap3A_1524 = vector.shape_cast %mul3A_1519 : vector<16xf32> to vector<1x16xf32>
        tpu.vector_store %arg10[%swap3A_1520, %swap3A_1521], %swap3A_1524 {strides = array<i32>} : memref<448x128xf32, #tpu.memory_space<vmem>>, vector<1x16xf32>,
        %get3A_1525 = arith.index_cast %add3A_1469 : i32 to index
        %get3A_1526 = arith.constant 80 : index
        %get3A_1527 = tpu.vector_load %arg10[%get3A_1525, %get3A_1526] {strides = array<i32>} : memref<448x128xf32, #tpu.memory_space<vmem>>, vector<1x16xf32>,
        %get3A_1528 = vector.shape_cast %get3A_1527 : vector<1x16xf32> to vector<16xf32>
        %mul3A_1529 = vector.broadcast %squeeze3A_1466 : f32 to vector<16xf32>
        %mul3A_1530 = arith.mulf %get3A_1528, %mul3A_1529 : vector<16xf32>
        %swap3A_1531 = arith.index_cast %add3A_1469 : i32 to index
        %swap3A_1532 = arith.constant 80 : index
        %swap3A_1533 = tpu.vector_load %arg10[%swap3A_1531, %swap3A_1532] {strides = array<i32>} : memref<448x128xf32, #tpu.memory_space<vmem>>, vector<1x16xf32>,
        %swap3A_1534 = vector.shape_cast %swap3A_1533 : vector<1x16xf32> to vector<16xf32>
        %swap3A_1535 = vector.shape_cast %mul3A_1530 : vector<16xf32> to vector<1x16xf32>
        tpu.vector_store %arg10[%swap3A_1531, %swap3A_1532], %swap3A_1535 {strides = array<i32>} : memref<448x128xf32, #tpu.memory_space<vmem>>, vector<1x16xf32>,
        %get3A_1536 = arith.index_cast %add3A_1469 : i32 to index
        %get3A_1537 = arith.constant 96 : index
        %get3A_1538 = tpu.vector_load %arg10[%get3A_1536, %get3A_1537] {strides = array<i32>} : memref<448x128xf32, #tpu.memory_space<vmem>>, vector<1x16xf32>,
        %get3A_1539 = vector.shape_cast %get3A_1538 : vector<1x16xf32> to vector<16xf32>
        %mul3A_1540 = vector.broadcast %squeeze3A_1466 : f32 to vector<16xf32>
        %mul3A_1541 = arith.mulf %get3A_1539, %mul3A_1540 : vector<16xf32>
        %swap3A_1542 = arith.index_cast %add3A_1469 : i32 to index
        %swap3A_1543 = arith.constant 96 : index
        %swap3A_1544 = tpu.vector_load %arg10[%swap3A_1542, %swap3A_1543] {strides = array<i32>} : memref<448x128xf32, #tpu.memory_space<vmem>>, vector<1x16xf32>,
        %swap3A_1545 = vector.shape_cast %swap3A_1544 : vector<1x16xf32> to vector<16xf32>
        %swap3A_1546 = vector.shape_cast %mul3A_1541 : vector<16xf32> to vector<1x16xf32>
        tpu.vector_store %arg10[%swap3A_1542, %swap3A_1543], %swap3A_1546 {strides = array<i32>} : memref<448x128xf32, #tpu.memory_space<vmem>>, vector<1x16xf32>,
        %get3A_1547 = arith.index_cast %add3A_1469 : i32 to index
        %get3A_1548 = arith.constant 112 : index
        %get3A_1549 = tpu.vector_load %arg10[%get3A_1547, %get3A_1548] {strides = array<i32>} : memref<448x128xf32, #tpu.memory_space<vmem>>, vector<1x16xf32>,
        %get3A_1550 = vector.shape_cast %get3A_1549 : vector<1x16xf32> to vector<16xf32>
        %mul3A_1551 = vector.broadcast %squeeze3A_1466 : f32 to vector<16xf32>
        %mul3A_1552 = arith.mulf %get3A_1550, %mul3A_1551 : vector<16xf32>
        %swap3A_1553 = arith.index_cast %add3A_1469 : i32 to index
        %swap3A_1554 = arith.constant 112 : index
        %swap3A_1555 = tpu.vector_load %arg10[%swap3A_1553, %swap3A_1554] {strides = array<i32>} : memref<448x128xf32, #tpu.memory_space<vmem>>, vector<1x16xf32>,
        %swap3A_1556 = vector.shape_cast %swap3A_1555 : vector<1x16xf32> to vector<16xf32>
        %swap3A_1557 = vector.shape_cast %mul3A_1552 : vector<16xf32> to vector<1x16xf32>
        tpu.vector_store %arg10[%swap3A_1553, %swap3A_1554], %swap3A_1557 {strides = array<i32>} : memref<448x128xf32, #tpu.memory_space<vmem>>, vector<1x16xf32>,
        %mul3A_1558 = arith.constant 16 : i32
        %mul3A_1559 = arith.muli %scan3A_779, %mul3A_1558 : i32
        %add3A_1560 = arith.constant 8 : i32
        %add3A_1561 = arith.addi %mul3A_1559, %add3A_1560 : i32
        %slice3A_1562 = vector.extract_strided_slice %get3A_784 {offsets = [8], sizes = [1], strides = [1]} : vector<16xf32> to vector<1xf32>
        %squeeze3A_1563 = vector.extract %slice3A_1562[0] : f32 from vector<1xf32>
        %mul3A_1564 = arith.constant 64 : i32
        %mul3A_1565 = arith.muli %rem3A_748, %mul3A_1564 : i32
        %add3A_1566 = arith.addi %mul3A_1565, %add3A_1561 : i32
        %get3A_1567 = arith.index_cast %add3A_1566 : i32 to index
        %get3A_1568 = arith.constant 0 : index
        %get3A_1569 = tpu.vector_load %arg10[%get3A_1567, %get3A_1568] {strides = array<i32>} : memref<448x128xf32, #tpu.memory_space<vmem>>, vector<1x16xf32>,
        %get3A_1570 = vector.shape_cast %get3A_1569 : vector<1x16xf32> to vector<16xf32>
        %mul3A_1571 = vector.broadcast %squeeze3A_1563 : f32 to vector<16xf32>
        %mul3A_1572 = arith.mulf %get3A_1570, %mul3A_1571 : vector<16xf32>
        %swap3A_1573 = arith.index_cast %add3A_1566 : i32 to index
        %swap3A_1574 = arith.constant 0 : index
        %swap3A_1575 = tpu.vector_load %arg10[%swap3A_1573, %swap3A_1574] {strides = array<i32>} : memref<448x128xf32, #tpu.memory_space<vmem>>, vector<1x16xf32>,
        %swap3A_1576 = vector.shape_cast %swap3A_1575 : vector<1x16xf32> to vector<16xf32>
        %swap3A_1577 = vector.shape_cast %mul3A_1572 : vector<16xf32> to vector<1x16xf32>
        tpu.vector_store %arg10[%swap3A_1573, %swap3A_1574], %swap3A_1577 {strides = array<i32>} : memref<448x128xf32, #tpu.memory_space<vmem>>, vector<1x16xf32>,
        %get3A_1578 = arith.index_cast %add3A_1566 : i32 to index
        %get3A_1579 = arith.constant 16 : index
        %get3A_1580 = tpu.vector_load %arg10[%get3A_1578, %get3A_1579] {strides = array<i32>} : memref<448x128xf32, #tpu.memory_space<vmem>>, vector<1x16xf32>,
        %get3A_1581 = vector.shape_cast %get3A_1580 : vector<1x16xf32> to vector<16xf32>
        %mul3A_1582 = vector.broadcast %squeeze3A_1563 : f32 to vector<16xf32>
        %mul3A_1583 = arith.mulf %get3A_1581, %mul3A_1582 : vector<16xf32>
        %swap3A_1584 = arith.index_cast %add3A_1566 : i32 to index
        %swap3A_1585 = arith.constant 16 : index
        %swap3A_1586 = tpu.vector_load %arg10[%swap3A_1584, %swap3A_1585] {strides = array<i32>} : memref<448x128xf32, #tpu.memory_space<vmem>>, vector<1x16xf32>,
        %swap3A_1587 = vector.shape_cast %swap3A_1586 : vector<1x16xf32> to vector<16xf32>
        %swap3A_1588 = vector.shape_cast %mul3A_1583 : vector<16xf32> to vector<1x16xf32>
        tpu.vector_store %arg10[%swap3A_1584, %swap3A_1585], %swap3A_1588 {strides = array<i32>} : memref<448x128xf32, #tpu.memory_space<vmem>>, vector<1x16xf32>,
        %get3A_1589 = arith.index_cast %add3A_1566 : i32 to index
        %get3A_1590 = arith.constant 32 : index
        %get3A_1591 = tpu.vector_load %arg10[%get3A_1589, %get3A_1590] {strides = array<i32>} : memref<448x128xf32, #tpu.memory_space<vmem>>, vector<1x16xf32>,
        %get3A_1592 = vector.shape_cast %get3A_1591 : vector<1x16xf32> to vector<16xf32>
        %mul3A_1593 = vector.broadcast %squeeze3A_1563 : f32 to vector<16xf32>
        %mul3A_1594 = arith.mulf %get3A_1592, %mul3A_1593 : vector<16xf32>
        %swap3A_1595 = arith.index_cast %add3A_1566 : i32 to index
        %swap3A_1596 = arith.constant 32 : index
        %swap3A_1597 = tpu.vector_load %arg10[%swap3A_1595, %swap3A_1596] {strides = array<i32>} : memref<448x128xf32, #tpu.memory_space<vmem>>, vector<1x16xf32>,
        %swap3A_1598 = vector.shape_cast %swap3A_1597 : vector<1x16xf32> to vector<16xf32>
        %swap3A_1599 = vector.shape_cast %mul3A_1594 : vector<16xf32> to vector<1x16xf32>
        tpu.vector_store %arg10[%swap3A_1595, %swap3A_1596], %swap3A_1599 {strides = array<i32>} : memref<448x128xf32, #tpu.memory_space<vmem>>, vector<1x16xf32>,
        %get3A_1600 = arith.index_cast %add3A_1566 : i32 to index
        %get3A_1601 = arith.constant 48 : index
        %get3A_1602 = tpu.vector_load %arg10[%get3A_1600, %get3A_1601] {strides = array<i32>} : memref<448x128xf32, #tpu.memory_space<vmem>>, vector<1x16xf32>,
        %get3A_1603 = vector.shape_cast %get3A_1602 : vector<1x16xf32> to vector<16xf32>
        %mul3A_1604 = vector.broadcast %squeeze3A_1563 : f32 to vector<16xf32>
        %mul3A_1605 = arith.mulf %get3A_1603, %mul3A_1604 : vector<16xf32>
        %swap3A_1606 = arith.index_cast %add3A_1566 : i32 to index
        %swap3A_1607 = arith.constant 48 : index
        %swap3A_1608 = tpu.vector_load %arg10[%swap3A_1606, %swap3A_1607] {strides = array<i32>} : memref<448x128xf32, #tpu.memory_space<vmem>>, vector<1x16xf32>,
        %swap3A_1609 = vector.shape_cast %swap3A_1608 : vector<1x16xf32> to vector<16xf32>
        %swap3A_1610 = vector.shape_cast %mul3A_1605 : vector<16xf32> to vector<1x16xf32>
        tpu.vector_store %arg10[%swap3A_1606, %swap3A_1607], %swap3A_1610 {strides = array<i32>} : memref<448x128xf32, #tpu.memory_space<vmem>>, vector<1x16xf32>,
        %get3A_1611 = arith.index_cast %add3A_1566 : i32 to index
        %get3A_1612 = arith.constant 64 : index
        %get3A_1613 = tpu.vector_load %arg10[%get3A_1611, %get3A_1612] {strides = array<i32>} : memref<448x128xf32, #tpu.memory_space<vmem>>, vector<1x16xf32>,
        %get3A_1614 = vector.shape_cast %get3A_1613 : vector<1x16xf32> to vector<16xf32>
        %mul3A_1615 = vector.broadcast %squeeze3A_1563 : f32 to vector<16xf32>
        %mul3A_1616 = arith.mulf %get3A_1614, %mul3A_1615 : vector<16xf32>
        %swap3A_1617 = arith.index_cast %add3A_1566 : i32 to index
        %swap3A_1618 = arith.constant 64 : index
        %swap3A_1619 = tpu.vector_load %arg10[%swap3A_1617, %swap3A_1618] {strides = array<i32>} : memref<448x128xf32, #tpu.memory_space<vmem>>, vector<1x16xf32>,
        %swap3A_1620 = vector.shape_cast %swap3A_1619 : vector<1x16xf32> to vector<16xf32>
        %swap3A_1621 = vector.shape_cast %mul3A_1616 : vector<16xf32> to vector<1x16xf32>
        tpu.vector_store %arg10[%swap3A_1617, %swap3A_1618], %swap3A_1621 {strides = array<i32>} : memref<448x128xf32, #tpu.memory_space<vmem>>, vector<1x16xf32>,
        %get3A_1622 = arith.index_cast %add3A_1566 : i32 to index
        %get3A_1623 = arith.constant 80 : index
        %get3A_1624 = tpu.vector_load %arg10[%get3A_1622, %get3A_1623] {strides = array<i32>} : memref<448x128xf32, #tpu.memory_space<vmem>>, vector<1x16xf32>,
        %get3A_1625 = vector.shape_cast %get3A_1624 : vector<1x16xf32> to vector<16xf32>
        %mul3A_1626 = vector.broadcast %squeeze3A_1563 : f32 to vector<16xf32>
        %mul3A_1627 = arith.mulf %get3A_1625, %mul3A_1626 : vector<16xf32>
        %swap3A_1628 = arith.index_cast %add3A_1566 : i32 to index
        %swap3A_1629 = arith.constant 80 : index
        %swap3A_1630 = tpu.vector_load %arg10[%swap3A_1628, %swap3A_1629] {strides = array<i32>} : memref<448x128xf32, #tpu.memory_space<vmem>>, vector<1x16xf32>,
        %swap3A_1631 = vector.shape_cast %swap3A_1630 : vector<1x16xf32> to vector<16xf32>
        %swap3A_1632 = vector.shape_cast %mul3A_1627 : vector<16xf32> to vector<1x16xf32>
        tpu.vector_store %arg10[%swap3A_1628, %swap3A_1629], %swap3A_1632 {strides = array<i32>} : memref<448x128xf32, #tpu.memory_space<vmem>>, vector<1x16xf32>,
        %get3A_1633 = arith.index_cast %add3A_1566 : i32 to index
        %get3A_1634 = arith.constant 96 : index
        %get3A_1635 = tpu.vector_load %arg10[%get3A_1633, %get3A_1634] {strides = array<i32>} : memref<448x128xf32, #tpu.memory_space<vmem>>, vector<1x16xf32>,
        %get3A_1636 = vector.shape_cast %get3A_1635 : vector<1x16xf32> to vector<16xf32>
        %mul3A_1637 = vector.broadcast %squeeze3A_1563 : f32 to vector<16xf32>
        %mul3A_1638 = arith.mulf %get3A_1636, %mul3A_1637 : vector<16xf32>
        %swap3A_1639 = arith.index_cast %add3A_1566 : i32 to index
        %swap3A_1640 = arith.constant 96 : index
        %swap3A_1641 = tpu.vector_load %arg10[%swap3A_1639, %swap3A_1640] {strides = array<i32>} : memref<448x128xf32, #tpu.memory_space<vmem>>, vector<1x16xf32>,
        %swap3A_1642 = vector.shape_cast %swap3A_1641 : vector<1x16xf32> to vector<16xf32>
        %swap3A_1643 = vector.shape_cast %mul3A_1638 : vector<16xf32> to vector<1x16xf32>
        tpu.vector_store %arg10[%swap3A_1639, %swap3A_1640], %swap3A_1643 {strides = array<i32>} : memref<448x128xf32, #tpu.memory_space<vmem>>, vector<1x16xf32>,
        %get3A_1644 = arith.index_cast %add3A_1566 : i32 to index
        %get3A_1645 = arith.constant 112 : index
        %get3A_1646 = tpu.vector_load %arg10[%get3A_1644, %get3A_1645] {strides = array<i32>} : memref<448x128xf32, #tpu.memory_space<vmem>>, vector<1x16xf32>,
        %get3A_1647 = vector.shape_cast %get3A_1646 : vector<1x16xf32> to vector<16xf32>
        %mul3A_1648 = vector.broadcast %squeeze3A_1563 : f32 to vector<16xf32>
        %mul3A_1649 = arith.mulf %get3A_1647, %mul3A_1648 : vector<16xf32>
        %swap3A_1650 = arith.index_cast %add3A_1566 : i32 to index
        %swap3A_1651 = arith.constant 112 : index
        %swap3A_1652 = tpu.vector_load %arg10[%swap3A_1650, %swap3A_1651] {strides = array<i32>} : memref<448x128xf32, #tpu.memory_space<vmem>>, vector<1x16xf32>,
        %swap3A_1653 = vector.shape_cast %swap3A_1652 : vector<1x16xf32> to vector<16xf32>
        %swap3A_1654 = vector.shape_cast %mul3A_1649 : vector<16xf32> to vector<1x16xf32>
        tpu.vector_store %arg10[%swap3A_1650, %swap3A_1651], %swap3A_1654 {strides = array<i32>} : memref<448x128xf32, #tpu.memory_space<vmem>>, vector<1x16xf32>,
        %mul3A_1655 = arith.constant 16 : i32
        %mul3A_1656 = arith.muli %scan3A_779, %mul3A_1655 : i32
        %add3A_1657 = arith.constant 9 : i32
        %add3A_1658 = arith.addi %mul3A_1656, %add3A_1657 : i32
        %slice3A_1659 = vector.extract_strided_slice %get3A_784 {offsets = [9], sizes = [1], strides = [1]} : vector<16xf32> to vector<1xf32>
        %squeeze3A_1660 = vector.extract %slice3A_1659[0] : f32 from vector<1xf32>
        %mul3A_1661 = arith.constant 64 : i32
        %mul3A_1662 = arith.muli %rem3A_748, %mul3A_1661 : i32
        %add3A_1663 = arith.addi %mul3A_1662, %add3A_1658 : i32
        %get3A_1664 = arith.index_cast %add3A_1663 : i32 to index
        %get3A_1665 = arith.constant 0 : index
        %get3A_1666 = tpu.vector_load %arg10[%get3A_1664, %get3A_1665] {strides = array<i32>} : memref<448x128xf32, #tpu.memory_space<vmem>>, vector<1x16xf32>,
        %get3A_1667 = vector.shape_cast %get3A_1666 : vector<1x16xf32> to vector<16xf32>
        %mul3A_1668 = vector.broadcast %squeeze3A_1660 : f32 to vector<16xf32>
        %mul3A_1669 = arith.mulf %get3A_1667, %mul3A_1668 : vector<16xf32>
        %swap3A_1670 = arith.index_cast %add3A_1663 : i32 to index
        %swap3A_1671 = arith.constant 0 : index
        %swap3A_1672 = tpu.vector_load %arg10[%swap3A_1670, %swap3A_1671] {strides = array<i32>} : memref<448x128xf32, #tpu.memory_space<vmem>>, vector<1x16xf32>,
        %swap3A_1673 = vector.shape_cast %swap3A_1672 : vector<1x16xf32> to vector<16xf32>
        %swap3A_1674 = vector.shape_cast %mul3A_1669 : vector<16xf32> to vector<1x16xf32>
        tpu.vector_store %arg10[%swap3A_1670, %swap3A_1671], %swap3A_1674 {strides = array<i32>} : memref<448x128xf32, #tpu.memory_space<vmem>>, vector<1x16xf32>,
        %get3A_1675 = arith.index_cast %add3A_1663 : i32 to index
        %get3A_1676 = arith.constant 16 : index
        %get3A_1677 = tpu.vector_load %arg10[%get3A_1675, %get3A_1676] {strides = array<i32>} : memref<448x128xf32, #tpu.memory_space<vmem>>, vector<1x16xf32>,
        %get3A_1678 = vector.shape_cast %get3A_1677 : vector<1x16xf32> to vector<16xf32>
        %mul3A_1679 = vector.broadcast %squeeze3A_1660 : f32 to vector<16xf32>
        %mul3A_1680 = arith.mulf %get3A_1678, %mul3A_1679 : vector<16xf32>
        %swap3A_1681 = arith.index_cast %add3A_1663 : i32 to index
        %swap3A_1682 = arith.constant 16 : index
        %swap3A_1683 = tpu.vector_load %arg10[%swap3A_1681, %swap3A_1682] {strides = array<i32>} : memref<448x128xf32, #tpu.memory_space<vmem>>, vector<1x16xf32>,
        %swap3A_1684 = vector.shape_cast %swap3A_1683 : vector<1x16xf32> to vector<16xf32>
        %swap3A_1685 = vector.shape_cast %mul3A_1680 : vector<16xf32> to vector<1x16xf32>
        tpu.vector_store %arg10[%swap3A_1681, %swap3A_1682], %swap3A_1685 {strides = array<i32>} : memref<448x128xf32, #tpu.memory_space<vmem>>, vector<1x16xf32>,
        %get3A_1686 = arith.index_cast %add3A_1663 : i32 to index
        %get3A_1687 = arith.constant 32 : index
        %get3A_1688 = tpu.vector_load %arg10[%get3A_1686, %get3A_1687] {strides = array<i32>} : memref<448x128xf32, #tpu.memory_space<vmem>>, vector<1x16xf32>,
        %get3A_1689 = vector.shape_cast %get3A_1688 : vector<1x16xf32> to vector<16xf32>
        %mul3A_1690 = vector.broadcast %squeeze3A_1660 : f32 to vector<16xf32>
        %mul3A_1691 = arith.mulf %get3A_1689, %mul3A_1690 : vector<16xf32>
        %swap3A_1692 = arith.index_cast %add3A_1663 : i32 to index
        %swap3A_1693 = arith.constant 32 : index
        %swap3A_1694 = tpu.vector_load %arg10[%swap3A_1692, %swap3A_1693] {strides = array<i32>} : memref<448x128xf32, #tpu.memory_space<vmem>>, vector<1x16xf32>,
        %swap3A_1695 = vector.shape_cast %swap3A_1694 : vector<1x16xf32> to vector<16xf32>
        %swap3A_1696 = vector.shape_cast %mul3A_1691 : vector<16xf32> to vector<1x16xf32>
        tpu.vector_store %arg10[%swap3A_1692, %swap3A_1693], %swap3A_1696 {strides = array<i32>} : memref<448x128xf32, #tpu.memory_space<vmem>>, vector<1x16xf32>,
        %get3A_1697 = arith.index_cast %add3A_1663 : i32 to index
        %get3A_1698 = arith.constant 48 : index
        %get3A_1699 = tpu.vector_load %arg10[%get3A_1697, %get3A_1698] {strides = array<i32>} : memref<448x128xf32, #tpu.memory_space<vmem>>, vector<1x16xf32>,
        %get3A_1700 = vector.shape_cast %get3A_1699 : vector<1x16xf32> to vector<16xf32>
        %mul3A_1701 = vector.broadcast %squeeze3A_1660 : f32 to vector<16xf32>
        %mul3A_1702 = arith.mulf %get3A_1700, %mul3A_1701 : vector<16xf32>
        %swap3A_1703 = arith.index_cast %add3A_1663 : i32 to index
        %swap3A_1704 = arith.constant 48 : index
        %swap3A_1705 = tpu.vector_load %arg10[%swap3A_1703, %swap3A_1704] {strides = array<i32>} : memref<448x128xf32, #tpu.memory_space<vmem>>, vector<1x16xf32>,
        %swap3A_1706 = vector.shape_cast %swap3A_1705 : vector<1x16xf32> to vector<16xf32>
        %swap3A_1707 = vector.shape_cast %mul3A_1702 : vector<16xf32> to vector<1x16xf32>
        tpu.vector_store %arg10[%swap3A_1703, %swap3A_1704], %swap3A_1707 {strides = array<i32>} : memref<448x128xf32, #tpu.memory_space<vmem>>, vector<1x16xf32>,
        %get3A_1708 = arith.index_cast %add3A_1663 : i32 to index
        %get3A_1709 = arith.constant 64 : index
        %get3A_1710 = tpu.vector_load %arg10[%get3A_1708, %get3A_1709] {strides = array<i32>} : memref<448x128xf32, #tpu.memory_space<vmem>>, vector<1x16xf32>,
        %get3A_1711 = vector.shape_cast %get3A_1710 : vector<1x16xf32> to vector<16xf32>
        %mul3A_1712 = vector.broadcast %squeeze3A_1660 : f32 to vector<16xf32>
        %mul3A_1713 = arith.mulf %get3A_1711, %mul3A_1712 : vector<16xf32>
        %swap3A_1714 = arith.index_cast %add3A_1663 : i32 to index
        %swap3A_1715 = arith.constant 64 : index
        %swap3A_1716 = tpu.vector_load %arg10[%swap3A_1714, %swap3A_1715] {strides = array<i32>} : memref<448x128xf32, #tpu.memory_space<vmem>>, vector<1x16xf32>,
        %swap3A_1717 = vector.shape_cast %swap3A_1716 : vector<1x16xf32> to vector<16xf32>
        %swap3A_1718 = vector.shape_cast %mul3A_1713 : vector<16xf32> to vector<1x16xf32>
        tpu.vector_store %arg10[%swap3A_1714, %swap3A_1715], %swap3A_1718 {strides = array<i32>} : memref<448x128xf32, #tpu.memory_space<vmem>>, vector<1x16xf32>,
        %get3A_1719 = arith.index_cast %add3A_1663 : i32 to index
        %get3A_1720 = arith.constant 80 : index
        %get3A_1721 = tpu.vector_load %arg10[%get3A_1719, %get3A_1720] {strides = array<i32>} : memref<448x128xf32, #tpu.memory_space<vmem>>, vector<1x16xf32>,
        %get3A_1722 = vector.shape_cast %get3A_1721 : vector<1x16xf32> to vector<16xf32>
        %mul3A_1723 = vector.broadcast %squeeze3A_1660 : f32 to vector<16xf32>
        %mul3A_1724 = arith.mulf %get3A_1722, %mul3A_1723 : vector<16xf32>
        %swap3A_1725 = arith.index_cast %add3A_1663 : i32 to index
        %swap3A_1726 = arith.constant 80 : index
        %swap3A_1727 = tpu.vector_load %arg10[%swap3A_1725, %swap3A_1726] {strides = array<i32>} : memref<448x128xf32, #tpu.memory_space<vmem>>, vector<1x16xf32>,
        %swap3A_1728 = vector.shape_cast %swap3A_1727 : vector<1x16xf32> to vector<16xf32>
        %swap3A_1729 = vector.shape_cast %mul3A_1724 : vector<16xf32> to vector<1x16xf32>
        tpu.vector_store %arg10[%swap3A_1725, %swap3A_1726], %swap3A_1729 {strides = array<i32>} : memref<448x128xf32, #tpu.memory_space<vmem>>, vector<1x16xf32>,
        %get3A_1730 = arith.index_cast %add3A_1663 : i32 to index
        %get3A_1731 = arith.constant 96 : index
        %get3A_1732 = tpu.vector_load %arg10[%get3A_1730, %get3A_1731] {strides = array<i32>} : memref<448x128xf32, #tpu.memory_space<vmem>>, vector<1x16xf32>,
        %get3A_1733 = vector.shape_cast %get3A_1732 : vector<1x16xf32> to vector<16xf32>
        %mul3A_1734 = vector.broadcast %squeeze3A_1660 : f32 to vector<16xf32>
        %mul3A_1735 = arith.mulf %get3A_1733, %mul3A_1734 : vector<16xf32>
        %swap3A_1736 = arith.index_cast %add3A_1663 : i32 to index
        %swap3A_1737 = arith.constant 96 : index
        %swap3A_1738 = tpu.vector_load %arg10[%swap3A_1736, %swap3A_1737] {strides = array<i32>} : memref<448x128xf32, #tpu.memory_space<vmem>>, vector<1x16xf32>,
        %swap3A_1739 = vector.shape_cast %swap3A_1738 : vector<1x16xf32> to vector<16xf32>
        %swap3A_1740 = vector.shape_cast %mul3A_1735 : vector<16xf32> to vector<1x16xf32>
        tpu.vector_store %arg10[%swap3A_1736, %swap3A_1737], %swap3A_1740 {strides = array<i32>} : memref<448x128xf32, #tpu.memory_space<vmem>>, vector<1x16xf32>,
        %get3A_1741 = arith.index_cast %add3A_1663 : i32 to index
        %get3A_1742 = arith.constant 112 : index
        %get3A_1743 = tpu.vector_load %arg10[%get3A_1741, %get3A_1742] {strides = array<i32>} : memref<448x128xf32, #tpu.memory_space<vmem>>, vector<1x16xf32>,
        %get3A_1744 = vector.shape_cast %get3A_1743 : vector<1x16xf32> to vector<16xf32>
        %mul3A_1745 = vector.broadcast %squeeze3A_1660 : f32 to vector<16xf32>
        %mul3A_1746 = arith.mulf %get3A_1744, %mul3A_1745 : vector<16xf32>
        %swap3A_1747 = arith.index_cast %add3A_1663 : i32 to index
        %swap3A_1748 = arith.constant 112 : index
        %swap3A_1749 = tpu.vector_load %arg10[%swap3A_1747, %swap3A_1748] {strides = array<i32>} : memref<448x128xf32, #tpu.memory_space<vmem>>, vector<1x16xf32>,
        %swap3A_1750 = vector.shape_cast %swap3A_1749 : vector<1x16xf32> to vector<16xf32>
        %swap3A_1751 = vector.shape_cast %mul3A_1746 : vector<16xf32> to vector<1x16xf32>
        tpu.vector_store %arg10[%swap3A_1747, %swap3A_1748], %swap3A_1751 {strides = array<i32>} : memref<448x128xf32, #tpu.memory_space<vmem>>, vector<1x16xf32>,
        %mul3A_1752 = arith.constant 16 : i32
        %mul3A_1753 = arith.muli %scan3A_779, %mul3A_1752 : i32
        %add3A_1754 = arith.constant 10 : i32
        %add3A_1755 = arith.addi %mul3A_1753, %add3A_1754 : i32
        %slice3A_1756 = vector.extract_strided_slice %get3A_784 {offsets = [10], sizes = [1], strides = [1]} : vector<16xf32> to vector<1xf32>
        %squeeze3A_1757 = vector.extract %slice3A_1756[0] : f32 from vector<1xf32>
        %mul3A_1758 = arith.constant 64 : i32
        %mul3A_1759 = arith.muli %rem3A_748, %mul3A_1758 : i32
        %add3A_1760 = arith.addi %mul3A_1759, %add3A_1755 : i32
        %get3A_1761 = arith.index_cast %add3A_1760 : i32 to index
        %get3A_1762 = arith.constant 0 : index
        %get3A_1763 = tpu.vector_load %arg10[%get3A_1761, %get3A_1762] {strides = array<i32>} : memref<448x128xf32, #tpu.memory_space<vmem>>, vector<1x16xf32>,
        %get3A_1764 = vector.shape_cast %get3A_1763 : vector<1x16xf32> to vector<16xf32>
        %mul3A_1765 = vector.broadcast %squeeze3A_1757 : f32 to vector<16xf32>
        %mul3A_1766 = arith.mulf %get3A_1764, %mul3A_1765 : vector<16xf32>
        %swap3A_1767 = arith.index_cast %add3A_1760 : i32 to index
        %swap3A_1768 = arith.constant 0 : index
        %swap3A_1769 = tpu.vector_load %arg10[%swap3A_1767, %swap3A_1768] {strides = array<i32>} : memref<448x128xf32, #tpu.memory_space<vmem>>, vector<1x16xf32>,
        %swap3A_1770 = vector.shape_cast %swap3A_1769 : vector<1x16xf32> to vector<16xf32>
        %swap3A_1771 = vector.shape_cast %mul3A_1766 : vector<16xf32> to vector<1x16xf32>
        tpu.vector_store %arg10[%swap3A_1767, %swap3A_1768], %swap3A_1771 {strides = array<i32>} : memref<448x128xf32, #tpu.memory_space<vmem>>, vector<1x16xf32>,
        %get3A_1772 = arith.index_cast %add3A_1760 : i32 to index
        %get3A_1773 = arith.constant 16 : index
        %get3A_1774 = tpu.vector_load %arg10[%get3A_1772, %get3A_1773] {strides = array<i32>} : memref<448x128xf32, #tpu.memory_space<vmem>>, vector<1x16xf32>,
        %get3A_1775 = vector.shape_cast %get3A_1774 : vector<1x16xf32> to vector<16xf32>
        %mul3A_1776 = vector.broadcast %squeeze3A_1757 : f32 to vector<16xf32>
        %mul3A_1777 = arith.mulf %get3A_1775, %mul3A_1776 : vector<16xf32>
        %swap3A_1778 = arith.index_cast %add3A_1760 : i32 to index
        %swap3A_1779 = arith.constant 16 : index
        %swap3A_1780 = tpu.vector_load %arg10[%swap3A_1778, %swap3A_1779] {strides = array<i32>} : memref<448x128xf32, #tpu.memory_space<vmem>>, vector<1x16xf32>,
        %swap3A_1781 = vector.shape_cast %swap3A_1780 : vector<1x16xf32> to vector<16xf32>
        %swap3A_1782 = vector.shape_cast %mul3A_1777 : vector<16xf32> to vector<1x16xf32>
        tpu.vector_store %arg10[%swap3A_1778, %swap3A_1779], %swap3A_1782 {strides = array<i32>} : memref<448x128xf32, #tpu.memory_space<vmem>>, vector<1x16xf32>,
        %get3A_1783 = arith.index_cast %add3A_1760 : i32 to index
        %get3A_1784 = arith.constant 32 : index
        %get3A_1785 = tpu.vector_load %arg10[%get3A_1783, %get3A_1784] {strides = array<i32>} : memref<448x128xf32, #tpu.memory_space<vmem>>, vector<1x16xf32>,
        %get3A_1786 = vector.shape_cast %get3A_1785 : vector<1x16xf32> to vector<16xf32>
        %mul3A_1787 = vector.broadcast %squeeze3A_1757 : f32 to vector<16xf32>
        %mul3A_1788 = arith.mulf %get3A_1786, %mul3A_1787 : vector<16xf32>
        %swap3A_1789 = arith.index_cast %add3A_1760 : i32 to index
        %swap3A_1790 = arith.constant 32 : index
        %swap3A_1791 = tpu.vector_load %arg10[%swap3A_1789, %swap3A_1790] {strides = array<i32>} : memref<448x128xf32, #tpu.memory_space<vmem>>, vector<1x16xf32>,
        %swap3A_1792 = vector.shape_cast %swap3A_1791 : vector<1x16xf32> to vector<16xf32>
        %swap3A_1793 = vector.shape_cast %mul3A_1788 : vector<16xf32> to vector<1x16xf32>
        tpu.vector_store %arg10[%swap3A_1789, %swap3A_1790], %swap3A_1793 {strides = array<i32>} : memref<448x128xf32, #tpu.memory_space<vmem>>, vector<1x16xf32>,
        %get3A_1794 = arith.index_cast %add3A_1760 : i32 to index
        %get3A_1795 = arith.constant 48 : index
        %get3A_1796 = tpu.vector_load %arg10[%get3A_1794, %get3A_1795] {strides = array<i32>} : memref<448x128xf32, #tpu.memory_space<vmem>>, vector<1x16xf32>,
        %get3A_1797 = vector.shape_cast %get3A_1796 : vector<1x16xf32> to vector<16xf32>
        %mul3A_1798 = vector.broadcast %squeeze3A_1757 : f32 to vector<16xf32>
        %mul3A_1799 = arith.mulf %get3A_1797, %mul3A_1798 : vector<16xf32>
        %swap3A_1800 = arith.index_cast %add3A_1760 : i32 to index
        %swap3A_1801 = arith.constant 48 : index
        %swap3A_1802 = tpu.vector_load %arg10[%swap3A_1800, %swap3A_1801] {strides = array<i32>} : memref<448x128xf32, #tpu.memory_space<vmem>>, vector<1x16xf32>,
        %swap3A_1803 = vector.shape_cast %swap3A_1802 : vector<1x16xf32> to vector<16xf32>
        %swap3A_1804 = vector.shape_cast %mul3A_1799 : vector<16xf32> to vector<1x16xf32>
        tpu.vector_store %arg10[%swap3A_1800, %swap3A_1801], %swap3A_1804 {strides = array<i32>} : memref<448x128xf32, #tpu.memory_space<vmem>>, vector<1x16xf32>,
        %get3A_1805 = arith.index_cast %add3A_1760 : i32 to index
        %get3A_1806 = arith.constant 64 : index
        %get3A_1807 = tpu.vector_load %arg10[%get3A_1805, %get3A_1806] {strides = array<i32>} : memref<448x128xf32, #tpu.memory_space<vmem>>, vector<1x16xf32>,
        %get3A_1808 = vector.shape_cast %get3A_1807 : vector<1x16xf32> to vector<16xf32>
        %mul3A_1809 = vector.broadcast %squeeze3A_1757 : f32 to vector<16xf32>
        %mul3A_1810 = arith.mulf %get3A_1808, %mul3A_1809 : vector<16xf32>
        %swap3A_1811 = arith.index_cast %add3A_1760 : i32 to index
        %swap3A_1812 = arith.constant 64 : index
        %swap3A_1813 = tpu.vector_load %arg10[%swap3A_1811, %swap3A_1812] {strides = array<i32>} : memref<448x128xf32, #tpu.memory_space<vmem>>, vector<1x16xf32>,
        %swap3A_1814 = vector.shape_cast %swap3A_1813 : vector<1x16xf32> to vector<16xf32>
        %swap3A_1815 = vector.shape_cast %mul3A_1810 : vector<16xf32> to vector<1x16xf32>
        tpu.vector_store %arg10[%swap3A_1811, %swap3A_1812], %swap3A_1815 {strides = array<i32>} : memref<448x128xf32, #tpu.memory_space<vmem>>, vector<1x16xf32>,
        %get3A_1816 = arith.index_cast %add3A_1760 : i32 to index
        %get3A_1817 = arith.constant 80 : index
        %get3A_1818 = tpu.vector_load %arg10[%get3A_1816, %get3A_1817] {strides = array<i32>} : memref<448x128xf32, #tpu.memory_space<vmem>>, vector<1x16xf32>,
        %get3A_1819 = vector.shape_cast %get3A_1818 : vector<1x16xf32> to vector<16xf32>
        %mul3A_1820 = vector.broadcast %squeeze3A_1757 : f32 to vector<16xf32>
        %mul3A_1821 = arith.mulf %get3A_1819, %mul3A_1820 : vector<16xf32>
        %swap3A_1822 = arith.index_cast %add3A_1760 : i32 to index
        %swap3A_1823 = arith.constant 80 : index
        %swap3A_1824 = tpu.vector_load %arg10[%swap3A_1822, %swap3A_1823] {strides = array<i32>} : memref<448x128xf32, #tpu.memory_space<vmem>>, vector<1x16xf32>,
        %swap3A_1825 = vector.shape_cast %swap3A_1824 : vector<1x16xf32> to vector<16xf32>
        %swap3A_1826 = vector.shape_cast %mul3A_1821 : vector<16xf32> to vector<1x16xf32>
        tpu.vector_store %arg10[%swap3A_1822, %swap3A_1823], %swap3A_1826 {strides = array<i32>} : memref<448x128xf32, #tpu.memory_space<vmem>>, vector<1x16xf32>,
        %get3A_1827 = arith.index_cast %add3A_1760 : i32 to index
        %get3A_1828 = arith.constant 96 : index
        %get3A_1829 = tpu.vector_load %arg10[%get3A_1827, %get3A_1828] {strides = array<i32>} : memref<448x128xf32, #tpu.memory_space<vmem>>, vector<1x16xf32>,
        %get3A_1830 = vector.shape_cast %get3A_1829 : vector<1x16xf32> to vector<16xf32>
        %mul3A_1831 = vector.broadcast %squeeze3A_1757 : f32 to vector<16xf32>
        %mul3A_1832 = arith.mulf %get3A_1830, %mul3A_1831 : vector<16xf32>
        %swap3A_1833 = arith.index_cast %add3A_1760 : i32 to index
        %swap3A_1834 = arith.constant 96 : index
        %swap3A_1835 = tpu.vector_load %arg10[%swap3A_1833, %swap3A_1834] {strides = array<i32>} : memref<448x128xf32, #tpu.memory_space<vmem>>, vector<1x16xf32>,
        %swap3A_1836 = vector.shape_cast %swap3A_1835 : vector<1x16xf32> to vector<16xf32>
        %swap3A_1837 = vector.shape_cast %mul3A_1832 : vector<16xf32> to vector<1x16xf32>
        tpu.vector_store %arg10[%swap3A_1833, %swap3A_1834], %swap3A_1837 {strides = array<i32>} : memref<448x128xf32, #tpu.memory_space<vmem>>, vector<1x16xf32>,
        %get3A_1838 = arith.index_cast %add3A_1760 : i32 to index
        %get3A_1839 = arith.constant 112 : index
        %get3A_1840 = tpu.vector_load %arg10[%get3A_1838, %get3A_1839] {strides = array<i32>} : memref<448x128xf32, #tpu.memory_space<vmem>>, vector<1x16xf32>,
        %get3A_1841 = vector.shape_cast %get3A_1840 : vector<1x16xf32> to vector<16xf32>
        %mul3A_1842 = vector.broadcast %squeeze3A_1757 : f32 to vector<16xf32>
        %mul3A_1843 = arith.mulf %get3A_1841, %mul3A_1842 : vector<16xf32>
        %swap3A_1844 = arith.index_cast %add3A_1760 : i32 to index
        %swap3A_1845 = arith.constant 112 : index
        %swap3A_1846 = tpu.vector_load %arg10[%swap3A_1844, %swap3A_1845] {strides = array<i32>} : memref<448x128xf32, #tpu.memory_space<vmem>>, vector<1x16xf32>,
        %swap3A_1847 = vector.shape_cast %swap3A_1846 : vector<1x16xf32> to vector<16xf32>
        %swap3A_1848 = vector.shape_cast %mul3A_1843 : vector<16xf32> to vector<1x16xf32>
        tpu.vector_store %arg10[%swap3A_1844, %swap3A_1845], %swap3A_1848 {strides = array<i32>} : memref<448x128xf32, #tpu.memory_space<vmem>>, vector<1x16xf32>,
        %mul3A_1849 = arith.constant 16 : i32
        %mul3A_1850 = arith.muli %scan3A_779, %mul3A_1849 : i32
        %add3A_1851 = arith.constant 11 : i32
        %add3A_1852 = arith.addi %mul3A_1850, %add3A_1851 : i32
        %slice3A_1853 = vector.extract_strided_slice %get3A_784 {offsets = [11], sizes = [1], strides = [1]} : vector<16xf32> to vector<1xf32>
        %squeeze3A_1854 = vector.extract %slice3A_1853[0] : f32 from vector<1xf32>
        %mul3A_1855 = arith.constant 64 : i32
        %mul3A_1856 = arith.muli %rem3A_748, %mul3A_1855 : i32
        %add3A_1857 = arith.addi %mul3A_1856, %add3A_1852 : i32
        %get3A_1858 = arith.index_cast %add3A_1857 : i32 to index
        %get3A_1859 = arith.constant 0 : index
        %get3A_1860 = tpu.vector_load %arg10[%get3A_1858, %get3A_1859] {strides = array<i32>} : memref<448x128xf32, #tpu.memory_space<vmem>>, vector<1x16xf32>,
        %get3A_1861 = vector.shape_cast %get3A_1860 : vector<1x16xf32> to vector<16xf32>
        %mul3A_1862 = vector.broadcast %squeeze3A_1854 : f32 to vector<16xf32>
        %mul3A_1863 = arith.mulf %get3A_1861, %mul3A_1862 : vector<16xf32>
        %swap3A_1864 = arith.index_cast %add3A_1857 : i32 to index
        %swap3A_1865 = arith.constant 0 : index
        %swap3A_1866 = tpu.vector_load %arg10[%swap3A_1864, %swap3A_1865] {strides = array<i32>} : memref<448x128xf32, #tpu.memory_space<vmem>>, vector<1x16xf32>,
        %swap3A_1867 = vector.shape_cast %swap3A_1866 : vector<1x16xf32> to vector<16xf32>
        %swap3A_1868 = vector.shape_cast %mul3A_1863 : vector<16xf32> to vector<1x16xf32>
        tpu.vector_store %arg10[%swap3A_1864, %swap3A_1865], %swap3A_1868 {strides = array<i32>} : memref<448x128xf32, #tpu.memory_space<vmem>>, vector<1x16xf32>,
        %get3A_1869 = arith.index_cast %add3A_1857 : i32 to index
        %get3A_1870 = arith.constant 16 : index
        %get3A_1871 = tpu.vector_load %arg10[%get3A_1869, %get3A_1870] {strides = array<i32>} : memref<448x128xf32, #tpu.memory_space<vmem>>, vector<1x16xf32>,
        %get3A_1872 = vector.shape_cast %get3A_1871 : vector<1x16xf32> to vector<16xf32>
        %mul3A_1873 = vector.broadcast %squeeze3A_1854 : f32 to vector<16xf32>
        %mul3A_1874 = arith.mulf %get3A_1872, %mul3A_1873 : vector<16xf32>
        %swap3A_1875 = arith.index_cast %add3A_1857 : i32 to index
        %swap3A_1876 = arith.constant 16 : index
        %swap3A_1877 = tpu.vector_load %arg10[%swap3A_1875, %swap3A_1876] {strides = array<i32>} : memref<448x128xf32, #tpu.memory_space<vmem>>, vector<1x16xf32>,
        %swap3A_1878 = vector.shape_cast %swap3A_1877 : vector<1x16xf32> to vector<16xf32>
        %swap3A_1879 = vector.shape_cast %mul3A_1874 : vector<16xf32> to vector<1x16xf32>
        tpu.vector_store %arg10[%swap3A_1875, %swap3A_1876], %swap3A_1879 {strides = array<i32>} : memref<448x128xf32, #tpu.memory_space<vmem>>, vector<1x16xf32>,
        %get3A_1880 = arith.index_cast %add3A_1857 : i32 to index
        %get3A_1881 = arith.constant 32 : index
        %get3A_1882 = tpu.vector_load %arg10[%get3A_1880, %get3A_1881] {strides = array<i32>} : memref<448x128xf32, #tpu.memory_space<vmem>>, vector<1x16xf32>,
        %get3A_1883 = vector.shape_cast %get3A_1882 : vector<1x16xf32> to vector<16xf32>
        %mul3A_1884 = vector.broadcast %squeeze3A_1854 : f32 to vector<16xf32>
        %mul3A_1885 = arith.mulf %get3A_1883, %mul3A_1884 : vector<16xf32>
        %swap3A_1886 = arith.index_cast %add3A_1857 : i32 to index
        %swap3A_1887 = arith.constant 32 : index
        %swap3A_1888 = tpu.vector_load %arg10[%swap3A_1886, %swap3A_1887] {strides = array<i32>} : memref<448x128xf32, #tpu.memory_space<vmem>>, vector<1x16xf32>,
        %swap3A_1889 = vector.shape_cast %swap3A_1888 : vector<1x16xf32> to vector<16xf32>
        %swap3A_1890 = vector.shape_cast %mul3A_1885 : vector<16xf32> to vector<1x16xf32>
        tpu.vector_store %arg10[%swap3A_1886, %swap3A_1887], %swap3A_1890 {strides = array<i32>} : memref<448x128xf32, #tpu.memory_space<vmem>>, vector<1x16xf32>,
        %get3A_1891 = arith.index_cast %add3A_1857 : i32 to index
        %get3A_1892 = arith.constant 48 : index
        %get3A_1893 = tpu.vector_load %arg10[%get3A_1891, %get3A_1892] {strides = array<i32>} : memref<448x128xf32, #tpu.memory_space<vmem>>, vector<1x16xf32>,
        %get3A_1894 = vector.shape_cast %get3A_1893 : vector<1x16xf32> to vector<16xf32>
        %mul3A_1895 = vector.broadcast %squeeze3A_1854 : f32 to vector<16xf32>
        %mul3A_1896 = arith.mulf %get3A_1894, %mul3A_1895 : vector<16xf32>
        %swap3A_1897 = arith.index_cast %add3A_1857 : i32 to index
        %swap3A_1898 = arith.constant 48 : index
        %swap3A_1899 = tpu.vector_load %arg10[%swap3A_1897, %swap3A_1898] {strides = array<i32>} : memref<448x128xf32, #tpu.memory_space<vmem>>, vector<1x16xf32>,
        %swap3A_1900 = vector.shape_cast %swap3A_1899 : vector<1x16xf32> to vector<16xf32>
        %swap3A_1901 = vector.shape_cast %mul3A_1896 : vector<16xf32> to vector<1x16xf32>
        tpu.vector_store %arg10[%swap3A_1897, %swap3A_1898], %swap3A_1901 {strides = array<i32>} : memref<448x128xf32, #tpu.memory_space<vmem>>, vector<1x16xf32>,
        %get3A_1902 = arith.index_cast %add3A_1857 : i32 to index
        %get3A_1903 = arith.constant 64 : index
        %get3A_1904 = tpu.vector_load %arg10[%get3A_1902, %get3A_1903] {strides = array<i32>} : memref<448x128xf32, #tpu.memory_space<vmem>>, vector<1x16xf32>,
        %get3A_1905 = vector.shape_cast %get3A_1904 : vector<1x16xf32> to vector<16xf32>
        %mul3A_1906 = vector.broadcast %squeeze3A_1854 : f32 to vector<16xf32>
        %mul3A_1907 = arith.mulf %get3A_1905, %mul3A_1906 : vector<16xf32>
        %swap3A_1908 = arith.index_cast %add3A_1857 : i32 to index
        %swap3A_1909 = arith.constant 64 : index
        %swap3A_1910 = tpu.vector_load %arg10[%swap3A_1908, %swap3A_1909] {strides = array<i32>} : memref<448x128xf32, #tpu.memory_space<vmem>>, vector<1x16xf32>,
        %swap3A_1911 = vector.shape_cast %swap3A_1910 : vector<1x16xf32> to vector<16xf32>
        %swap3A_1912 = vector.shape_cast %mul3A_1907 : vector<16xf32> to vector<1x16xf32>
        tpu.vector_store %arg10[%swap3A_1908, %swap3A_1909], %swap3A_1912 {strides = array<i32>} : memref<448x128xf32, #tpu.memory_space<vmem>>, vector<1x16xf32>,
        %get3A_1913 = arith.index_cast %add3A_1857 : i32 to index
        %get3A_1914 = arith.constant 80 : index
        %get3A_1915 = tpu.vector_load %arg10[%get3A_1913, %get3A_1914] {strides = array<i32>} : memref<448x128xf32, #tpu.memory_space<vmem>>, vector<1x16xf32>,
        %get3A_1916 = vector.shape_cast %get3A_1915 : vector<1x16xf32> to vector<16xf32>
        %mul3A_1917 = vector.broadcast %squeeze3A_1854 : f32 to vector<16xf32>
        %mul3A_1918 = arith.mulf %get3A_1916, %mul3A_1917 : vector<16xf32>
        %swap3A_1919 = arith.index_cast %add3A_1857 : i32 to index
        %swap3A_1920 = arith.constant 80 : index
        %swap3A_1921 = tpu.vector_load %arg10[%swap3A_1919, %swap3A_1920] {strides = array<i32>} : memref<448x128xf32, #tpu.memory_space<vmem>>, vector<1x16xf32>,
        %swap3A_1922 = vector.shape_cast %swap3A_1921 : vector<1x16xf32> to vector<16xf32>
        %swap3A_1923 = vector.shape_cast %mul3A_1918 : vector<16xf32> to vector<1x16xf32>
        tpu.vector_store %arg10[%swap3A_1919, %swap3A_1920], %swap3A_1923 {strides = array<i32>} : memref<448x128xf32, #tpu.memory_space<vmem>>, vector<1x16xf32>,
        %get3A_1924 = arith.index_cast %add3A_1857 : i32 to index
        %get3A_1925 = arith.constant 96 : index
        %get3A_1926 = tpu.vector_load %arg10[%get3A_1924, %get3A_1925] {strides = array<i32>} : memref<448x128xf32, #tpu.memory_space<vmem>>, vector<1x16xf32>,
        %get3A_1927 = vector.shape_cast %get3A_1926 : vector<1x16xf32> to vector<16xf32>
        %mul3A_1928 = vector.broadcast %squeeze3A_1854 : f32 to vector<16xf32>
        %mul3A_1929 = arith.mulf %get3A_1927, %mul3A_1928 : vector<16xf32>
        %swap3A_1930 = arith.index_cast %add3A_1857 : i32 to index
        %swap3A_1931 = arith.constant 96 : index
        %swap3A_1932 = tpu.vector_load %arg10[%swap3A_1930, %swap3A_1931] {strides = array<i32>} : memref<448x128xf32, #tpu.memory_space<vmem>>, vector<1x16xf32>,
        %swap3A_1933 = vector.shape_cast %swap3A_1932 : vector<1x16xf32> to vector<16xf32>
        %swap3A_1934 = vector.shape_cast %mul3A_1929 : vector<16xf32> to vector<1x16xf32>
        tpu.vector_store %arg10[%swap3A_1930, %swap3A_1931], %swap3A_1934 {strides = array<i32>} : memref<448x128xf32, #tpu.memory_space<vmem>>, vector<1x16xf32>,
        %get3A_1935 = arith.index_cast %add3A_1857 : i32 to index
        %get3A_1936 = arith.constant 112 : index
        %get3A_1937 = tpu.vector_load %arg10[%get3A_1935, %get3A_1936] {strides = array<i32>} : memref<448x128xf32, #tpu.memory_space<vmem>>, vector<1x16xf32>,
        %get3A_1938 = vector.shape_cast %get3A_1937 : vector<1x16xf32> to vector<16xf32>
        %mul3A_1939 = vector.broadcast %squeeze3A_1854 : f32 to vector<16xf32>
        %mul3A_1940 = arith.mulf %get3A_1938, %mul3A_1939 : vector<16xf32>
        %swap3A_1941 = arith.index_cast %add3A_1857 : i32 to index
        %swap3A_1942 = arith.constant 112 : index
        %swap3A_1943 = tpu.vector_load %arg10[%swap3A_1941, %swap3A_1942] {strides = array<i32>} : memref<448x128xf32, #tpu.memory_space<vmem>>, vector<1x16xf32>,
        %swap3A_1944 = vector.shape_cast %swap3A_1943 : vector<1x16xf32> to vector<16xf32>
        %swap3A_1945 = vector.shape_cast %mul3A_1940 : vector<16xf32> to vector<1x16xf32>
        tpu.vector_store %arg10[%swap3A_1941, %swap3A_1942], %swap3A_1945 {strides = array<i32>} : memref<448x128xf32, #tpu.memory_space<vmem>>, vector<1x16xf32>,
        %mul3A_1946 = arith.constant 16 : i32
        %mul3A_1947 = arith.muli %scan3A_779, %mul3A_1946 : i32
        %add3A_1948 = arith.constant 12 : i32
        %add3A_1949 = arith.addi %mul3A_1947, %add3A_1948 : i32
        %slice3A_1950 = vector.extract_strided_slice %get3A_784 {offsets = [12], sizes = [1], strides = [1]} : vector<16xf32> to vector<1xf32>
        %squeeze3A_1951 = vector.extract %slice3A_1950[0] : f32 from vector<1xf32>
        %mul3A_1952 = arith.constant 64 : i32
        %mul3A_1953 = arith.muli %rem3A_748, %mul3A_1952 : i32
        %add3A_1954 = arith.addi %mul3A_1953, %add3A_1949 : i32
        %get3A_1955 = arith.index_cast %add3A_1954 : i32 to index
        %get3A_1956 = arith.constant 0 : index
        %get3A_1957 = tpu.vector_load %arg10[%get3A_1955, %get3A_1956] {strides = array<i32>} : memref<448x128xf32, #tpu.memory_space<vmem>>, vector<1x16xf32>,
        %get3A_1958 = vector.shape_cast %get3A_1957 : vector<1x16xf32> to vector<16xf32>
        %mul3A_1959 = vector.broadcast %squeeze3A_1951 : f32 to vector<16xf32>
        %mul3A_1960 = arith.mulf %get3A_1958, %mul3A_1959 : vector<16xf32>
        %swap3A_1961 = arith.index_cast %add3A_1954 : i32 to index
        %swap3A_1962 = arith.constant 0 : index
        %swap3A_1963 = tpu.vector_load %arg10[%swap3A_1961, %swap3A_1962] {strides = array<i32>} : memref<448x128xf32, #tpu.memory_space<vmem>>, vector<1x16xf32>,
        %swap3A_1964 = vector.shape_cast %swap3A_1963 : vector<1x16xf32> to vector<16xf32>
        %swap3A_1965 = vector.shape_cast %mul3A_1960 : vector<16xf32> to vector<1x16xf32>
        tpu.vector_store %arg10[%swap3A_1961, %swap3A_1962], %swap3A_1965 {strides = array<i32>} : memref<448x128xf32, #tpu.memory_space<vmem>>, vector<1x16xf32>,
        %get3A_1966 = arith.index_cast %add3A_1954 : i32 to index
        %get3A_1967 = arith.constant 16 : index
        %get3A_1968 = tpu.vector_load %arg10[%get3A_1966, %get3A_1967] {strides = array<i32>} : memref<448x128xf32, #tpu.memory_space<vmem>>, vector<1x16xf32>,
        %get3A_1969 = vector.shape_cast %get3A_1968 : vector<1x16xf32> to vector<16xf32>
        %mul3A_1970 = vector.broadcast %squeeze3A_1951 : f32 to vector<16xf32>
        %mul3A_1971 = arith.mulf %get3A_1969, %mul3A_1970 : vector<16xf32>
        %swap3A_1972 = arith.index_cast %add3A_1954 : i32 to index
        %swap3A_1973 = arith.constant 16 : index
        %swap3A_1974 = tpu.vector_load %arg10[%swap3A_1972, %swap3A_1973] {strides = array<i32>} : memref<448x128xf32, #tpu.memory_space<vmem>>, vector<1x16xf32>,
        %swap3A_1975 = vector.shape_cast %swap3A_1974 : vector<1x16xf32> to vector<16xf32>
        %swap3A_1976 = vector.shape_cast %mul3A_1971 : vector<16xf32> to vector<1x16xf32>
        tpu.vector_store %arg10[%swap3A_1972, %swap3A_1973], %swap3A_1976 {strides = array<i32>} : memref<448x128xf32, #tpu.memory_space<vmem>>, vector<1x16xf32>,
        %get3A_1977 = arith.index_cast %add3A_1954 : i32 to index
        %get3A_1978 = arith.constant 32 : index
        %get3A_1979 = tpu.vector_load %arg10[%get3A_1977, %get3A_1978] {strides = array<i32>} : memref<448x128xf32, #tpu.memory_space<vmem>>, vector<1x16xf32>,
        %get3A_1980 = vector.shape_cast %get3A_1979 : vector<1x16xf32> to vector<16xf32>
        %mul3A_1981 = vector.broadcast %squeeze3A_1951 : f32 to vector<16xf32>
        %mul3A_1982 = arith.mulf %get3A_1980, %mul3A_1981 : vector<16xf32>
        %swap3A_1983 = arith.index_cast %add3A_1954 : i32 to index
        %swap3A_1984 = arith.constant 32 : index
        %swap3A_1985 = tpu.vector_load %arg10[%swap3A_1983, %swap3A_1984] {strides = array<i32>} : memref<448x128xf32, #tpu.memory_space<vmem>>, vector<1x16xf32>,
        %swap3A_1986 = vector.shape_cast %swap3A_1985 : vector<1x16xf32> to vector<16xf32>
        %swap3A_1987 = vector.shape_cast %mul3A_1982 : vector<16xf32> to vector<1x16xf32>
        tpu.vector_store %arg10[%swap3A_1983, %swap3A_1984], %swap3A_1987 {strides = array<i32>} : memref<448x128xf32, #tpu.memory_space<vmem>>, vector<1x16xf32>,
        %get3A_1988 = arith.index_cast %add3A_1954 : i32 to index
        %get3A_1989 = arith.constant 48 : index
        %get3A_1990 = tpu.vector_load %arg10[%get3A_1988, %get3A_1989] {strides = array<i32>} : memref<448x128xf32, #tpu.memory_space<vmem>>, vector<1x16xf32>,
        %get3A_1991 = vector.shape_cast %get3A_1990 : vector<1x16xf32> to vector<16xf32>
        %mul3A_1992 = vector.broadcast %squeeze3A_1951 : f32 to vector<16xf32>
        %mul3A_1993 = arith.mulf %get3A_1991, %mul3A_1992 : vector<16xf32>
        %swap3A_1994 = arith.index_cast %add3A_1954 : i32 to index
        %swap3A_1995 = arith.constant 48 : index
        %swap3A_1996 = tpu.vector_load %arg10[%swap3A_1994, %swap3A_1995] {strides = array<i32>} : memref<448x128xf32, #tpu.memory_space<vmem>>, vector<1x16xf32>,
        %swap3A_1997 = vector.shape_cast %swap3A_1996 : vector<1x16xf32> to vector<16xf32>
        %swap3A_1998 = vector.shape_cast %mul3A_1993 : vector<16xf32> to vector<1x16xf32>
        tpu.vector_store %arg10[%swap3A_1994, %swap3A_1995], %swap3A_1998 {strides = array<i32>} : memref<448x128xf32, #tpu.memory_space<vmem>>, vector<1x16xf32>,
        %get3A_1999 = arith.index_cast %add3A_1954 : i32 to index
        %get3A_2000 = arith.constant 64 : index
        %get3A_2001 = tpu.vector_load %arg10[%get3A_1999, %get3A_2000] {strides = array<i32>} : memref<448x128xf32, #tpu.memory_space<vmem>>, vector<1x16xf32>,
        %get3A_2002 = vector.shape_cast %get3A_2001 : vector<1x16xf32> to vector<16xf32>
        %mul3A_2003 = vector.broadcast %squeeze3A_1951 : f32 to vector<16xf32>
        %mul3A_2004 = arith.mulf %get3A_2002, %mul3A_2003 : vector<16xf32>
        %swap3A_2005 = arith.index_cast %add3A_1954 : i32 to index
        %swap3A_2006 = arith.constant 64 : index
        %swap3A_2007 = tpu.vector_load %arg10[%swap3A_2005, %swap3A_2006] {strides = array<i32>} : memref<448x128xf32, #tpu.memory_space<vmem>>, vector<1x16xf32>,
        %swap3A_2008 = vector.shape_cast %swap3A_2007 : vector<1x16xf32> to vector<16xf32>
        %swap3A_2009 = vector.shape_cast %mul3A_2004 : vector<16xf32> to vector<1x16xf32>
        tpu.vector_store %arg10[%swap3A_2005, %swap3A_2006], %swap3A_2009 {strides = array<i32>} : memref<448x128xf32, #tpu.memory_space<vmem>>, vector<1x16xf32>,
        %get3A_2010 = arith.index_cast %add3A_1954 : i32 to index
        %get3A_2011 = arith.constant 80 : index
        %get3A_2012 = tpu.vector_load %arg10[%get3A_2010, %get3A_2011] {strides = array<i32>} : memref<448x128xf32, #tpu.memory_space<vmem>>, vector<1x16xf32>,
        %get3A_2013 = vector.shape_cast %get3A_2012 : vector<1x16xf32> to vector<16xf32>
        %mul3A_2014 = vector.broadcast %squeeze3A_1951 : f32 to vector<16xf32>
        %mul3A_2015 = arith.mulf %get3A_2013, %mul3A_2014 : vector<16xf32>
        %swap3A_2016 = arith.index_cast %add3A_1954 : i32 to index
        %swap3A_2017 = arith.constant 80 : index
        %swap3A_2018 = tpu.vector_load %arg10[%swap3A_2016, %swap3A_2017] {strides = array<i32>} : memref<448x128xf32, #tpu.memory_space<vmem>>, vector<1x16xf32>,
        %swap3A_2019 = vector.shape_cast %swap3A_2018 : vector<1x16xf32> to vector<16xf32>
        %swap3A_2020 = vector.shape_cast %mul3A_2015 : vector<16xf32> to vector<1x16xf32>
        tpu.vector_store %arg10[%swap3A_2016, %swap3A_2017], %swap3A_2020 {strides = array<i32>} : memref<448x128xf32, #tpu.memory_space<vmem>>, vector<1x16xf32>,
        %get3A_2021 = arith.index_cast %add3A_1954 : i32 to index
        %get3A_2022 = arith.constant 96 : index
        %get3A_2023 = tpu.vector_load %arg10[%get3A_2021, %get3A_2022] {strides = array<i32>} : memref<448x128xf32, #tpu.memory_space<vmem>>, vector<1x16xf32>,
        %get3A_2024 = vector.shape_cast %get3A_2023 : vector<1x16xf32> to vector<16xf32>
        %mul3A_2025 = vector.broadcast %squeeze3A_1951 : f32 to vector<16xf32>
        %mul3A_2026 = arith.mulf %get3A_2024, %mul3A_2025 : vector<16xf32>
        %swap3A_2027 = arith.index_cast %add3A_1954 : i32 to index
        %swap3A_2028 = arith.constant 96 : index
        %swap3A_2029 = tpu.vector_load %arg10[%swap3A_2027, %swap3A_2028] {strides = array<i32>} : memref<448x128xf32, #tpu.memory_space<vmem>>, vector<1x16xf32>,
        %swap3A_2030 = vector.shape_cast %swap3A_2029 : vector<1x16xf32> to vector<16xf32>
        %swap3A_2031 = vector.shape_cast %mul3A_2026 : vector<16xf32> to vector<1x16xf32>
        tpu.vector_store %arg10[%swap3A_2027, %swap3A_2028], %swap3A_2031 {strides = array<i32>} : memref<448x128xf32, #tpu.memory_space<vmem>>, vector<1x16xf32>,
        %get3A_2032 = arith.index_cast %add3A_1954 : i32 to index
        %get3A_2033 = arith.constant 112 : index
        %get3A_2034 = tpu.vector_load %arg10[%get3A_2032, %get3A_2033] {strides = array<i32>} : memref<448x128xf32, #tpu.memory_space<vmem>>, vector<1x16xf32>,
        %get3A_2035 = vector.shape_cast %get3A_2034 : vector<1x16xf32> to vector<16xf32>
        %mul3A_2036 = vector.broadcast %squeeze3A_1951 : f32 to vector<16xf32>
        %mul3A_2037 = arith.mulf %get3A_2035, %mul3A_2036 : vector<16xf32>
        %swap3A_2038 = arith.index_cast %add3A_1954 : i32 to index
        %swap3A_2039 = arith.constant 112 : index
        %swap3A_2040 = tpu.vector_load %arg10[%swap3A_2038, %swap3A_2039] {strides = array<i32>} : memref<448x128xf32, #tpu.memory_space<vmem>>, vector<1x16xf32>,
        %swap3A_2041 = vector.shape_cast %swap3A_2040 : vector<1x16xf32> to vector<16xf32>
        %swap3A_2042 = vector.shape_cast %mul3A_2037 : vector<16xf32> to vector<1x16xf32>
        tpu.vector_store %arg10[%swap3A_2038, %swap3A_2039], %swap3A_2042 {strides = array<i32>} : memref<448x128xf32, #tpu.memory_space<vmem>>, vector<1x16xf32>,
        %mul3A_2043 = arith.constant 16 : i32
        %mul3A_2044 = arith.muli %scan3A_779, %mul3A_2043 : i32
        %add3A_2045 = arith.constant 13 : i32
        %add3A_2046 = arith.addi %mul3A_2044, %add3A_2045 : i32
        %slice3A_2047 = vector.extract_strided_slice %get3A_784 {offsets = [13], sizes = [1], strides = [1]} : vector<16xf32> to vector<1xf32>
        %squeeze3A_2048 = vector.extract %slice3A_2047[0] : f32 from vector<1xf32>
        %mul3A_2049 = arith.constant 64 : i32
        %mul3A_2050 = arith.muli %rem3A_748, %mul3A_2049 : i32
        %add3A_2051 = arith.addi %mul3A_2050, %add3A_2046 : i32
        %get3A_2052 = arith.index_cast %add3A_2051 : i32 to index
        %get3A_2053 = arith.constant 0 : index
        %get3A_2054 = tpu.vector_load %arg10[%get3A_2052, %get3A_2053] {strides = array<i32>} : memref<448x128xf32, #tpu.memory_space<vmem>>, vector<1x16xf32>,
        %get3A_2055 = vector.shape_cast %get3A_2054 : vector<1x16xf32> to vector<16xf32>
        %mul3A_2056 = vector.broadcast %squeeze3A_2048 : f32 to vector<16xf32>
        %mul3A_2057 = arith.mulf %get3A_2055, %mul3A_2056 : vector<16xf32>
        %swap3A_2058 = arith.index_cast %add3A_2051 : i32 to index
        %swap3A_2059 = arith.constant 0 : index
        %swap3A_2060 = tpu.vector_load %arg10[%swap3A_2058, %swap3A_2059] {strides = array<i32>} : memref<448x128xf32, #tpu.memory_space<vmem>>, vector<1x16xf32>,
        %swap3A_2061 = vector.shape_cast %swap3A_2060 : vector<1x16xf32> to vector<16xf32>
        %swap3A_2062 = vector.shape_cast %mul3A_2057 : vector<16xf32> to vector<1x16xf32>
        tpu.vector_store %arg10[%swap3A_2058, %swap3A_2059], %swap3A_2062 {strides = array<i32>} : memref<448x128xf32, #tpu.memory_space<vmem>>, vector<1x16xf32>,
        %get3A_2063 = arith.index_cast %add3A_2051 : i32 to index
        %get3A_2064 = arith.constant 16 : index
        %get3A_2065 = tpu.vector_load %arg10[%get3A_2063, %get3A_2064] {strides = array<i32>} : memref<448x128xf32, #tpu.memory_space<vmem>>, vector<1x16xf32>,
        %get3A_2066 = vector.shape_cast %get3A_2065 : vector<1x16xf32> to vector<16xf32>
        %mul3A_2067 = vector.broadcast %squeeze3A_2048 : f32 to vector<16xf32>
        %mul3A_2068 = arith.mulf %get3A_2066, %mul3A_2067 : vector<16xf32>
        %swap3A_2069 = arith.index_cast %add3A_2051 : i32 to index
        %swap3A_2070 = arith.constant 16 : index
        %swap3A_2071 = tpu.vector_load %arg10[%swap3A_2069, %swap3A_2070] {strides = array<i32>} : memref<448x128xf32, #tpu.memory_space<vmem>>, vector<1x16xf32>,
        %swap3A_2072 = vector.shape_cast %swap3A_2071 : vector<1x16xf32> to vector<16xf32>
        %swap3A_2073 = vector.shape_cast %mul3A_2068 : vector<16xf32> to vector<1x16xf32>
        tpu.vector_store %arg10[%swap3A_2069, %swap3A_2070], %swap3A_2073 {strides = array<i32>} : memref<448x128xf32, #tpu.memory_space<vmem>>, vector<1x16xf32>,
        %get3A_2074 = arith.index_cast %add3A_2051 : i32 to index
        %get3A_2075 = arith.constant 32 : index
        %get3A_2076 = tpu.vector_load %arg10[%get3A_2074, %get3A_2075] {strides = array<i32>} : memref<448x128xf32, #tpu.memory_space<vmem>>, vector<1x16xf32>,
        %get3A_2077 = vector.shape_cast %get3A_2076 : vector<1x16xf32> to vector<16xf32>
        %mul3A_2078 = vector.broadcast %squeeze3A_2048 : f32 to vector<16xf32>
        %mul3A_2079 = arith.mulf %get3A_2077, %mul3A_2078 : vector<16xf32>
        %swap3A_2080 = arith.index_cast %add3A_2051 : i32 to index
        %swap3A_2081 = arith.constant 32 : index
        %swap3A_2082 = tpu.vector_load %arg10[%swap3A_2080, %swap3A_2081] {strides = array<i32>} : memref<448x128xf32, #tpu.memory_space<vmem>>, vector<1x16xf32>,
        %swap3A_2083 = vector.shape_cast %swap3A_2082 : vector<1x16xf32> to vector<16xf32>
        %swap3A_2084 = vector.shape_cast %mul3A_2079 : vector<16xf32> to vector<1x16xf32>
        tpu.vector_store %arg10[%swap3A_2080, %swap3A_2081], %swap3A_2084 {strides = array<i32>} : memref<448x128xf32, #tpu.memory_space<vmem>>, vector<1x16xf32>,
        %get3A_2085 = arith.index_cast %add3A_2051 : i32 to index
        %get3A_2086 = arith.constant 48 : index
        %get3A_2087 = tpu.vector_load %arg10[%get3A_2085, %get3A_2086] {strides = array<i32>} : memref<448x128xf32, #tpu.memory_space<vmem>>, vector<1x16xf32>,
        %get3A_2088 = vector.shape_cast %get3A_2087 : vector<1x16xf32> to vector<16xf32>
        %mul3A_2089 = vector.broadcast %squeeze3A_2048 : f32 to vector<16xf32>
        %mul3A_2090 = arith.mulf %get3A_2088, %mul3A_2089 : vector<16xf32>
        %swap3A_2091 = arith.index_cast %add3A_2051 : i32 to index
        %swap3A_2092 = arith.constant 48 : index
        %swap3A_2093 = tpu.vector_load %arg10[%swap3A_2091, %swap3A_2092] {strides = array<i32>} : memref<448x128xf32, #tpu.memory_space<vmem>>, vector<1x16xf32>,
        %swap3A_2094 = vector.shape_cast %swap3A_2093 : vector<1x16xf32> to vector<16xf32>
        %swap3A_2095 = vector.shape_cast %mul3A_2090 : vector<16xf32> to vector<1x16xf32>
        tpu.vector_store %arg10[%swap3A_2091, %swap3A_2092], %swap3A_2095 {strides = array<i32>} : memref<448x128xf32, #tpu.memory_space<vmem>>, vector<1x16xf32>,
        %get3A_2096 = arith.index_cast %add3A_2051 : i32 to index
        %get3A_2097 = arith.constant 64 : index
        %get3A_2098 = tpu.vector_load %arg10[%get3A_2096, %get3A_2097] {strides = array<i32>} : memref<448x128xf32, #tpu.memory_space<vmem>>, vector<1x16xf32>,
        %get3A_2099 = vector.shape_cast %get3A_2098 : vector<1x16xf32> to vector<16xf32>
        %mul3A_2100 = vector.broadcast %squeeze3A_2048 : f32 to vector<16xf32>
        %mul3A_2101 = arith.mulf %get3A_2099, %mul3A_2100 : vector<16xf32>
        %swap3A_2102 = arith.index_cast %add3A_2051 : i32 to index
        %swap3A_2103 = arith.constant 64 : index
        %swap3A_2104 = tpu.vector_load %arg10[%swap3A_2102, %swap3A_2103] {strides = array<i32>} : memref<448x128xf32, #tpu.memory_space<vmem>>, vector<1x16xf32>,
        %swap3A_2105 = vector.shape_cast %swap3A_2104 : vector<1x16xf32> to vector<16xf32>
        %swap3A_2106 = vector.shape_cast %mul3A_2101 : vector<16xf32> to vector<1x16xf32>
        tpu.vector_store %arg10[%swap3A_2102, %swap3A_2103], %swap3A_2106 {strides = array<i32>} : memref<448x128xf32, #tpu.memory_space<vmem>>, vector<1x16xf32>,
        %get3A_2107 = arith.index_cast %add3A_2051 : i32 to index
        %get3A_2108 = arith.constant 80 : index
        %get3A_2109 = tpu.vector_load %arg10[%get3A_2107, %get3A_2108] {strides = array<i32>} : memref<448x128xf32, #tpu.memory_space<vmem>>, vector<1x16xf32>,
        %get3A_2110 = vector.shape_cast %get3A_2109 : vector<1x16xf32> to vector<16xf32>
        %mul3A_2111 = vector.broadcast %squeeze3A_2048 : f32 to vector<16xf32>
        %mul3A_2112 = arith.mulf %get3A_2110, %mul3A_2111 : vector<16xf32>
        %swap3A_2113 = arith.index_cast %add3A_2051 : i32 to index
        %swap3A_2114 = arith.constant 80 : index
        %swap3A_2115 = tpu.vector_load %arg10[%swap3A_2113, %swap3A_2114] {strides = array<i32>} : memref<448x128xf32, #tpu.memory_space<vmem>>, vector<1x16xf32>,
        %swap3A_2116 = vector.shape_cast %swap3A_2115 : vector<1x16xf32> to vector<16xf32>
        %swap3A_2117 = vector.shape_cast %mul3A_2112 : vector<16xf32> to vector<1x16xf32>
        tpu.vector_store %arg10[%swap3A_2113, %swap3A_2114], %swap3A_2117 {strides = array<i32>} : memref<448x128xf32, #tpu.memory_space<vmem>>, vector<1x16xf32>,
        %get3A_2118 = arith.index_cast %add3A_2051 : i32 to index
        %get3A_2119 = arith.constant 96 : index
        %get3A_2120 = tpu.vector_load %arg10[%get3A_2118, %get3A_2119] {strides = array<i32>} : memref<448x128xf32, #tpu.memory_space<vmem>>, vector<1x16xf32>,
        %get3A_2121 = vector.shape_cast %get3A_2120 : vector<1x16xf32> to vector<16xf32>
        %mul3A_2122 = vector.broadcast %squeeze3A_2048 : f32 to vector<16xf32>
        %mul3A_2123 = arith.mulf %get3A_2121, %mul3A_2122 : vector<16xf32>
        %swap3A_2124 = arith.index_cast %add3A_2051 : i32 to index
        %swap3A_2125 = arith.constant 96 : index
        %swap3A_2126 = tpu.vector_load %arg10[%swap3A_2124, %swap3A_2125] {strides = array<i32>} : memref<448x128xf32, #tpu.memory_space<vmem>>, vector<1x16xf32>,
        %swap3A_2127 = vector.shape_cast %swap3A_2126 : vector<1x16xf32> to vector<16xf32>
        %swap3A_2128 = vector.shape_cast %mul3A_2123 : vector<16xf32> to vector<1x16xf32>
        tpu.vector_store %arg10[%swap3A_2124, %swap3A_2125], %swap3A_2128 {strides = array<i32>} : memref<448x128xf32, #tpu.memory_space<vmem>>, vector<1x16xf32>,
        %get3A_2129 = arith.index_cast %add3A_2051 : i32 to index
        %get3A_2130 = arith.constant 112 : index
        %get3A_2131 = tpu.vector_load %arg10[%get3A_2129, %get3A_2130] {strides = array<i32>} : memref<448x128xf32, #tpu.memory_space<vmem>>, vector<1x16xf32>,
        %get3A_2132 = vector.shape_cast %get3A_2131 : vector<1x16xf32> to vector<16xf32>
        %mul3A_2133 = vector.broadcast %squeeze3A_2048 : f32 to vector<16xf32>
        %mul3A_2134 = arith.mulf %get3A_2132, %mul3A_2133 : vector<16xf32>
        %swap3A_2135 = arith.index_cast %add3A_2051 : i32 to index
        %swap3A_2136 = arith.constant 112 : index
        %swap3A_2137 = tpu.vector_load %arg10[%swap3A_2135, %swap3A_2136] {strides = array<i32>} : memref<448x128xf32, #tpu.memory_space<vmem>>, vector<1x16xf32>,
        %swap3A_2138 = vector.shape_cast %swap3A_2137 : vector<1x16xf32> to vector<16xf32>
        %swap3A_2139 = vector.shape_cast %mul3A_2134 : vector<16xf32> to vector<1x16xf32>
        tpu.vector_store %arg10[%swap3A_2135, %swap3A_2136], %swap3A_2139 {strides = array<i32>} : memref<448x128xf32, #tpu.memory_space<vmem>>, vector<1x16xf32>,
        %mul3A_2140 = arith.constant 16 : i32
        %mul3A_2141 = arith.muli %scan3A_779, %mul3A_2140 : i32
        %add3A_2142 = arith.constant 14 : i32
        %add3A_2143 = arith.addi %mul3A_2141, %add3A_2142 : i32
        %slice3A_2144 = vector.extract_strided_slice %get3A_784 {offsets = [14], sizes = [1], strides = [1]} : vector<16xf32> to vector<1xf32>
        %squeeze3A_2145 = vector.extract %slice3A_2144[0] : f32 from vector<1xf32>
        %mul3A_2146 = arith.constant 64 : i32
        %mul3A_2147 = arith.muli %rem3A_748, %mul3A_2146 : i32
        %add3A_2148 = arith.addi %mul3A_2147, %add3A_2143 : i32
        %get3A_2149 = arith.index_cast %add3A_2148 : i32 to index
        %get3A_2150 = arith.constant 0 : index
        %get3A_2151 = tpu.vector_load %arg10[%get3A_2149, %get3A_2150] {strides = array<i32>} : memref<448x128xf32, #tpu.memory_space<vmem>>, vector<1x16xf32>,
        %get3A_2152 = vector.shape_cast %get3A_2151 : vector<1x16xf32> to vector<16xf32>
        %mul3A_2153 = vector.broadcast %squeeze3A_2145 : f32 to vector<16xf32>
        %mul3A_2154 = arith.mulf %get3A_2152, %mul3A_2153 : vector<16xf32>
        %swap3A_2155 = arith.index_cast %add3A_2148 : i32 to index
        %swap3A_2156 = arith.constant 0 : index
        %swap3A_2157 = tpu.vector_load %arg10[%swap3A_2155, %swap3A_2156] {strides = array<i32>} : memref<448x128xf32, #tpu.memory_space<vmem>>, vector<1x16xf32>,
        %swap3A_2158 = vector.shape_cast %swap3A_2157 : vector<1x16xf32> to vector<16xf32>
        %swap3A_2159 = vector.shape_cast %mul3A_2154 : vector<16xf32> to vector<1x16xf32>
        tpu.vector_store %arg10[%swap3A_2155, %swap3A_2156], %swap3A_2159 {strides = array<i32>} : memref<448x128xf32, #tpu.memory_space<vmem>>, vector<1x16xf32>,
        %get3A_2160 = arith.index_cast %add3A_2148 : i32 to index
        %get3A_2161 = arith.constant 16 : index
        %get3A_2162 = tpu.vector_load %arg10[%get3A_2160, %get3A_2161] {strides = array<i32>} : memref<448x128xf32, #tpu.memory_space<vmem>>, vector<1x16xf32>,
        %get3A_2163 = vector.shape_cast %get3A_2162 : vector<1x16xf32> to vector<16xf32>
        %mul3A_2164 = vector.broadcast %squeeze3A_2145 : f32 to vector<16xf32>
        %mul3A_2165 = arith.mulf %get3A_2163, %mul3A_2164 : vector<16xf32>
        %swap3A_2166 = arith.index_cast %add3A_2148 : i32 to index
        %swap3A_2167 = arith.constant 16 : index
        %swap3A_2168 = tpu.vector_load %arg10[%swap3A_2166, %swap3A_2167] {strides = array<i32>} : memref<448x128xf32, #tpu.memory_space<vmem>>, vector<1x16xf32>,
        %swap3A_2169 = vector.shape_cast %swap3A_2168 : vector<1x16xf32> to vector<16xf32>
        %swap3A_2170 = vector.shape_cast %mul3A_2165 : vector<16xf32> to vector<1x16xf32>
        tpu.vector_store %arg10[%swap3A_2166, %swap3A_2167], %swap3A_2170 {strides = array<i32>} : memref<448x128xf32, #tpu.memory_space<vmem>>, vector<1x16xf32>,
        %get3A_2171 = arith.index_cast %add3A_2148 : i32 to index
        %get3A_2172 = arith.constant 32 : index
        %get3A_2173 = tpu.vector_load %arg10[%get3A_2171, %get3A_2172] {strides = array<i32>} : memref<448x128xf32, #tpu.memory_space<vmem>>, vector<1x16xf32>,
        %get3A_2174 = vector.shape_cast %get3A_2173 : vector<1x16xf32> to vector<16xf32>
        %mul3A_2175 = vector.broadcast %squeeze3A_2145 : f32 to vector<16xf32>
        %mul3A_2176 = arith.mulf %get3A_2174, %mul3A_2175 : vector<16xf32>
        %swap3A_2177 = arith.index_cast %add3A_2148 : i32 to index
        %swap3A_2178 = arith.constant 32 : index
        %swap3A_2179 = tpu.vector_load %arg10[%swap3A_2177, %swap3A_2178] {strides = array<i32>} : memref<448x128xf32, #tpu.memory_space<vmem>>, vector<1x16xf32>,
        %swap3A_2180 = vector.shape_cast %swap3A_2179 : vector<1x16xf32> to vector<16xf32>
        %swap3A_2181 = vector.shape_cast %mul3A_2176 : vector<16xf32> to vector<1x16xf32>
        tpu.vector_store %arg10[%swap3A_2177, %swap3A_2178], %swap3A_2181 {strides = array<i32>} : memref<448x128xf32, #tpu.memory_space<vmem>>, vector<1x16xf32>,
        %get3A_2182 = arith.index_cast %add3A_2148 : i32 to index
        %get3A_2183 = arith.constant 48 : index
        %get3A_2184 = tpu.vector_load %arg10[%get3A_2182, %get3A_2183] {strides = array<i32>} : memref<448x128xf32, #tpu.memory_space<vmem>>, vector<1x16xf32>,
        %get3A_2185 = vector.shape_cast %get3A_2184 : vector<1x16xf32> to vector<16xf32>
        %mul3A_2186 = vector.broadcast %squeeze3A_2145 : f32 to vector<16xf32>
        %mul3A_2187 = arith.mulf %get3A_2185, %mul3A_2186 : vector<16xf32>
        %swap3A_2188 = arith.index_cast %add3A_2148 : i32 to index
        %swap3A_2189 = arith.constant 48 : index
        %swap3A_2190 = tpu.vector_load %arg10[%swap3A_2188, %swap3A_2189] {strides = array<i32>} : memref<448x128xf32, #tpu.memory_space<vmem>>, vector<1x16xf32>,
        %swap3A_2191 = vector.shape_cast %swap3A_2190 : vector<1x16xf32> to vector<16xf32>
        %swap3A_2192 = vector.shape_cast %mul3A_2187 : vector<16xf32> to vector<1x16xf32>
        tpu.vector_store %arg10[%swap3A_2188, %swap3A_2189], %swap3A_2192 {strides = array<i32>} : memref<448x128xf32, #tpu.memory_space<vmem>>, vector<1x16xf32>,
        %get3A_2193 = arith.index_cast %add3A_2148 : i32 to index
        %get3A_2194 = arith.constant 64 : index
        %get3A_2195 = tpu.vector_load %arg10[%get3A_2193, %get3A_2194] {strides = array<i32>} : memref<448x128xf32, #tpu.memory_space<vmem>>, vector<1x16xf32>,
        %get3A_2196 = vector.shape_cast %get3A_2195 : vector<1x16xf32> to vector<16xf32>
        %mul3A_2197 = vector.broadcast %squeeze3A_2145 : f32 to vector<16xf32>
        %mul3A_2198 = arith.mulf %get3A_2196, %mul3A_2197 : vector<16xf32>
        %swap3A_2199 = arith.index_cast %add3A_2148 : i32 to index
        %swap3A_2200 = arith.constant 64 : index
        %swap3A_2201 = tpu.vector_load %arg10[%swap3A_2199, %swap3A_2200] {strides = array<i32>} : memref<448x128xf32, #tpu.memory_space<vmem>>, vector<1x16xf32>,
        %swap3A_2202 = vector.shape_cast %swap3A_2201 : vector<1x16xf32> to vector<16xf32>
        %swap3A_2203 = vector.shape_cast %mul3A_2198 : vector<16xf32> to vector<1x16xf32>
        tpu.vector_store %arg10[%swap3A_2199, %swap3A_2200], %swap3A_2203 {strides = array<i32>} : memref<448x128xf32, #tpu.memory_space<vmem>>, vector<1x16xf32>,
        %get3A_2204 = arith.index_cast %add3A_2148 : i32 to index
        %get3A_2205 = arith.constant 80 : index
        %get3A_2206 = tpu.vector_load %arg10[%get3A_2204, %get3A_2205] {strides = array<i32>} : memref<448x128xf32, #tpu.memory_space<vmem>>, vector<1x16xf32>,
        %get3A_2207 = vector.shape_cast %get3A_2206 : vector<1x16xf32> to vector<16xf32>
        %mul3A_2208 = vector.broadcast %squeeze3A_2145 : f32 to vector<16xf32>
        %mul3A_2209 = arith.mulf %get3A_2207, %mul3A_2208 : vector<16xf32>
        %swap3A_2210 = arith.index_cast %add3A_2148 : i32 to index
        %swap3A_2211 = arith.constant 80 : index
        %swap3A_2212 = tpu.vector_load %arg10[%swap3A_2210, %swap3A_2211] {strides = array<i32>} : memref<448x128xf32, #tpu.memory_space<vmem>>, vector<1x16xf32>,
        %swap3A_2213 = vector.shape_cast %swap3A_2212 : vector<1x16xf32> to vector<16xf32>
        %swap3A_2214 = vector.shape_cast %mul3A_2209 : vector<16xf32> to vector<1x16xf32>
        tpu.vector_store %arg10[%swap3A_2210, %swap3A_2211], %swap3A_2214 {strides = array<i32>} : memref<448x128xf32, #tpu.memory_space<vmem>>, vector<1x16xf32>,
        %get3A_2215 = arith.index_cast %add3A_2148 : i32 to index
        %get3A_2216 = arith.constant 96 : index
        %get3A_2217 = tpu.vector_load %arg10[%get3A_2215, %get3A_2216] {strides = array<i32>} : memref<448x128xf32, #tpu.memory_space<vmem>>, vector<1x16xf32>,
        %get3A_2218 = vector.shape_cast %get3A_2217 : vector<1x16xf32> to vector<16xf32>
        %mul3A_2219 = vector.broadcast %squeeze3A_2145 : f32 to vector<16xf32>
        %mul3A_2220 = arith.mulf %get3A_2218, %mul3A_2219 : vector<16xf32>
        %swap3A_2221 = arith.index_cast %add3A_2148 : i32 to index
        %swap3A_2222 = arith.constant 96 : index
        %swap3A_2223 = tpu.vector_load %arg10[%swap3A_2221, %swap3A_2222] {strides = array<i32>} : memref<448x128xf32, #tpu.memory_space<vmem>>, vector<1x16xf32>,
        %swap3A_2224 = vector.shape_cast %swap3A_2223 : vector<1x16xf32> to vector<16xf32>
        %swap3A_2225 = vector.shape_cast %mul3A_2220 : vector<16xf32> to vector<1x16xf32>
        tpu.vector_store %arg10[%swap3A_2221, %swap3A_2222], %swap3A_2225 {strides = array<i32>} : memref<448x128xf32, #tpu.memory_space<vmem>>, vector<1x16xf32>,
        %get3A_2226 = arith.index_cast %add3A_2148 : i32 to index
        %get3A_2227 = arith.constant 112 : index
        %get3A_2228 = tpu.vector_load %arg10[%get3A_2226, %get3A_2227] {strides = array<i32>} : memref<448x128xf32, #tpu.memory_space<vmem>>, vector<1x16xf32>,
        %get3A_2229 = vector.shape_cast %get3A_2228 : vector<1x16xf32> to vector<16xf32>
        %mul3A_2230 = vector.broadcast %squeeze3A_2145 : f32 to vector<16xf32>
        %mul3A_2231 = arith.mulf %get3A_2229, %mul3A_2230 : vector<16xf32>
        %swap3A_2232 = arith.index_cast %add3A_2148 : i32 to index
        %swap3A_2233 = arith.constant 112 : index
        %swap3A_2234 = tpu.vector_load %arg10[%swap3A_2232, %swap3A_2233] {strides = array<i32>} : memref<448x128xf32, #tpu.memory_space<vmem>>, vector<1x16xf32>,
        %swap3A_2235 = vector.shape_cast %swap3A_2234 : vector<1x16xf32> to vector<16xf32>
        %swap3A_2236 = vector.shape_cast %mul3A_2231 : vector<16xf32> to vector<1x16xf32>
        tpu.vector_store %arg10[%swap3A_2232, %swap3A_2233], %swap3A_2236 {strides = array<i32>} : memref<448x128xf32, #tpu.memory_space<vmem>>, vector<1x16xf32>,
        %mul3A_2237 = arith.constant 16 : i32
        %mul3A_2238 = arith.muli %scan3A_779, %mul3A_2237 : i32
        %add3A_2239 = arith.constant 15 : i32
        %add3A_2240 = arith.addi %mul3A_2238, %add3A_2239 : i32
        %slice3A_2241 = vector.extract_strided_slice %get3A_784 {offsets = [15], sizes = [1], strides = [1]} : vector<16xf32> to vector<1xf32>
        %squeeze3A_2242 = vector.extract %slice3A_2241[0] : f32 from vector<1xf32>
        %mul3A_2243 = arith.constant 64 : i32
        %mul3A_2244 = arith.muli %rem3A_748, %mul3A_2243 : i32
        %add3A_2245 = arith.addi %mul3A_2244, %add3A_2240 : i32
        %get3A_2246 = arith.index_cast %add3A_2245 : i32 to index
        %get3A_2247 = arith.constant 0 : index
        %get3A_2248 = tpu.vector_load %arg10[%get3A_2246, %get3A_2247] {strides = array<i32>} : memref<448x128xf32, #tpu.memory_space<vmem>>, vector<1x16xf32>,
        %get3A_2249 = vector.shape_cast %get3A_2248 : vector<1x16xf32> to vector<16xf32>
        %mul3A_2250 = vector.broadcast %squeeze3A_2242 : f32 to vector<16xf32>
        %mul3A_2251 = arith.mulf %get3A_2249, %mul3A_2250 : vector<16xf32>
        %swap3A_2252 = arith.index_cast %add3A_2245 : i32 to index
        %swap3A_2253 = arith.constant 0 : index
        %swap3A_2254 = tpu.vector_load %arg10[%swap3A_2252, %swap3A_2253] {strides = array<i32>} : memref<448x128xf32, #tpu.memory_space<vmem>>, vector<1x16xf32>,
        %swap3A_2255 = vector.shape_cast %swap3A_2254 : vector<1x16xf32> to vector<16xf32>
        %swap3A_2256 = vector.shape_cast %mul3A_2251 : vector<16xf32> to vector<1x16xf32>
        tpu.vector_store %arg10[%swap3A_2252, %swap3A_2253], %swap3A_2256 {strides = array<i32>} : memref<448x128xf32, #tpu.memory_space<vmem>>, vector<1x16xf32>,
        %get3A_2257 = arith.index_cast %add3A_2245 : i32 to index
        %get3A_2258 = arith.constant 16 : index
        %get3A_2259 = tpu.vector_load %arg10[%get3A_2257, %get3A_2258] {strides = array<i32>} : memref<448x128xf32, #tpu.memory_space<vmem>>, vector<1x16xf32>,
        %get3A_2260 = vector.shape_cast %get3A_2259 : vector<1x16xf32> to vector<16xf32>
        %mul3A_2261 = vector.broadcast %squeeze3A_2242 : f32 to vector<16xf32>
        %mul3A_2262 = arith.mulf %get3A_2260, %mul3A_2261 : vector<16xf32>
        %swap3A_2263 = arith.index_cast %add3A_2245 : i32 to index
        %swap3A_2264 = arith.constant 16 : index
        %swap3A_2265 = tpu.vector_load %arg10[%swap3A_2263, %swap3A_2264] {strides = array<i32>} : memref<448x128xf32, #tpu.memory_space<vmem>>, vector<1x16xf32>,
        %swap3A_2266 = vector.shape_cast %swap3A_2265 : vector<1x16xf32> to vector<16xf32>
        %swap3A_2267 = vector.shape_cast %mul3A_2262 : vector<16xf32> to vector<1x16xf32>
        tpu.vector_store %arg10[%swap3A_2263, %swap3A_2264], %swap3A_2267 {strides = array<i32>} : memref<448x128xf32, #tpu.memory_space<vmem>>, vector<1x16xf32>,
        %get3A_2268 = arith.index_cast %add3A_2245 : i32 to index
        %get3A_2269 = arith.constant 32 : index
        %get3A_2270 = tpu.vector_load %arg10[%get3A_2268, %get3A_2269] {strides = array<i32>} : memref<448x128xf32, #tpu.memory_space<vmem>>, vector<1x16xf32>,
        %get3A_2271 = vector.shape_cast %get3A_2270 : vector<1x16xf32> to vector<16xf32>
        %mul3A_2272 = vector.broadcast %squeeze3A_2242 : f32 to vector<16xf32>
        %mul3A_2273 = arith.mulf %get3A_2271, %mul3A_2272 : vector<16xf32>
        %swap3A_2274 = arith.index_cast %add3A_2245 : i32 to index
        %swap3A_2275 = arith.constant 32 : index
        %swap3A_2276 = tpu.vector_load %arg10[%swap3A_2274, %swap3A_2275] {strides = array<i32>} : memref<448x128xf32, #tpu.memory_space<vmem>>, vector<1x16xf32>,
        %swap3A_2277 = vector.shape_cast %swap3A_2276 : vector<1x16xf32> to vector<16xf32>
        %swap3A_2278 = vector.shape_cast %mul3A_2273 : vector<16xf32> to vector<1x16xf32>
        tpu.vector_store %arg10[%swap3A_2274, %swap3A_2275], %swap3A_2278 {strides = array<i32>} : memref<448x128xf32, #tpu.memory_space<vmem>>, vector<1x16xf32>,
        %get3A_2279 = arith.index_cast %add3A_2245 : i32 to index
        %get3A_2280 = arith.constant 48 : index
        %get3A_2281 = tpu.vector_load %arg10[%get3A_2279, %get3A_2280] {strides = array<i32>} : memref<448x128xf32, #tpu.memory_space<vmem>>, vector<1x16xf32>,
        %get3A_2282 = vector.shape_cast %get3A_2281 : vector<1x16xf32> to vector<16xf32>
        %mul3A_2283 = vector.broadcast %squeeze3A_2242 : f32 to vector<16xf32>
        %mul3A_2284 = arith.mulf %get3A_2282, %mul3A_2283 : vector<16xf32>
        %swap3A_2285 = arith.index_cast %add3A_2245 : i32 to index
        %swap3A_2286 = arith.constant 48 : index
        %swap3A_2287 = tpu.vector_load %arg10[%swap3A_2285, %swap3A_2286] {strides = array<i32>} : memref<448x128xf32, #tpu.memory_space<vmem>>, vector<1x16xf32>,
        %swap3A_2288 = vector.shape_cast %swap3A_2287 : vector<1x16xf32> to vector<16xf32>
        %swap3A_2289 = vector.shape_cast %mul3A_2284 : vector<16xf32> to vector<1x16xf32>
        tpu.vector_store %arg10[%swap3A_2285, %swap3A_2286], %swap3A_2289 {strides = array<i32>} : memref<448x128xf32, #tpu.memory_space<vmem>>, vector<1x16xf32>,
        %get3A_2290 = arith.index_cast %add3A_2245 : i32 to index
        %get3A_2291 = arith.constant 64 : index
        %get3A_2292 = tpu.vector_load %arg10[%get3A_2290, %get3A_2291] {strides = array<i32>} : memref<448x128xf32, #tpu.memory_space<vmem>>, vector<1x16xf32>,
        %get3A_2293 = vector.shape_cast %get3A_2292 : vector<1x16xf32> to vector<16xf32>
        %mul3A_2294 = vector.broadcast %squeeze3A_2242 : f32 to vector<16xf32>
        %mul3A_2295 = arith.mulf %get3A_2293, %mul3A_2294 : vector<16xf32>
        %swap3A_2296 = arith.index_cast %add3A_2245 : i32 to index
        %swap3A_2297 = arith.constant 64 : index
        %swap3A_2298 = tpu.vector_load %arg10[%swap3A_2296, %swap3A_2297] {strides = array<i32>} : memref<448x128xf32, #tpu.memory_space<vmem>>, vector<1x16xf32>,
        %swap3A_2299 = vector.shape_cast %swap3A_2298 : vector<1x16xf32> to vector<16xf32>
        %swap3A_2300 = vector.shape_cast %mul3A_2295 : vector<16xf32> to vector<1x16xf32>
        tpu.vector_store %arg10[%swap3A_2296, %swap3A_2297], %swap3A_2300 {strides = array<i32>} : memref<448x128xf32, #tpu.memory_space<vmem>>, vector<1x16xf32>,
        %get3A_2301 = arith.index_cast %add3A_2245 : i32 to index
        %get3A_2302 = arith.constant 80 : index
        %get3A_2303 = tpu.vector_load %arg10[%get3A_2301, %get3A_2302] {strides = array<i32>} : memref<448x128xf32, #tpu.memory_space<vmem>>, vector<1x16xf32>,
        %get3A_2304 = vector.shape_cast %get3A_2303 : vector<1x16xf32> to vector<16xf32>
        %mul3A_2305 = vector.broadcast %squeeze3A_2242 : f32 to vector<16xf32>
        %mul3A_2306 = arith.mulf %get3A_2304, %mul3A_2305 : vector<16xf32>
        %swap3A_2307 = arith.index_cast %add3A_2245 : i32 to index
        %swap3A_2308 = arith.constant 80 : index
        %swap3A_2309 = tpu.vector_load %arg10[%swap3A_2307, %swap3A_2308] {strides = array<i32>} : memref<448x128xf32, #tpu.memory_space<vmem>>, vector<1x16xf32>,
        %swap3A_2310 = vector.shape_cast %swap3A_2309 : vector<1x16xf32> to vector<16xf32>
        %swap3A_2311 = vector.shape_cast %mul3A_2306 : vector<16xf32> to vector<1x16xf32>
        tpu.vector_store %arg10[%swap3A_2307, %swap3A_2308], %swap3A_2311 {strides = array<i32>} : memref<448x128xf32, #tpu.memory_space<vmem>>, vector<1x16xf32>,
        %get3A_2312 = arith.index_cast %add3A_2245 : i32 to index
        %get3A_2313 = arith.constant 96 : index
        %get3A_2314 = tpu.vector_load %arg10[%get3A_2312, %get3A_2313] {strides = array<i32>} : memref<448x128xf32, #tpu.memory_space<vmem>>, vector<1x16xf32>,
        %get3A_2315 = vector.shape_cast %get3A_2314 : vector<1x16xf32> to vector<16xf32>
        %mul3A_2316 = vector.broadcast %squeeze3A_2242 : f32 to vector<16xf32>
        %mul3A_2317 = arith.mulf %get3A_2315, %mul3A_2316 : vector<16xf32>
        %swap3A_2318 = arith.index_cast %add3A_2245 : i32 to index
        %swap3A_2319 = arith.constant 96 : index
        %swap3A_2320 = tpu.vector_load %arg10[%swap3A_2318, %swap3A_2319] {strides = array<i32>} : memref<448x128xf32, #tpu.memory_space<vmem>>, vector<1x16xf32>,
        %swap3A_2321 = vector.shape_cast %swap3A_2320 : vector<1x16xf32> to vector<16xf32>
        %swap3A_2322 = vector.shape_cast %mul3A_2317 : vector<16xf32> to vector<1x16xf32>
        tpu.vector_store %arg10[%swap3A_2318, %swap3A_2319], %swap3A_2322 {strides = array<i32>} : memref<448x128xf32, #tpu.memory_space<vmem>>, vector<1x16xf32>,
        %get3A_2323 = arith.index_cast %add3A_2245 : i32 to index
        %get3A_2324 = arith.constant 112 : index
        %get3A_2325 = tpu.vector_load %arg10[%get3A_2323, %get3A_2324] {strides = array<i32>} : memref<448x128xf32, #tpu.memory_space<vmem>>, vector<1x16xf32>,
        %get3A_2326 = vector.shape_cast %get3A_2325 : vector<1x16xf32> to vector<16xf32>
        %mul3A_2327 = vector.broadcast %squeeze3A_2242 : f32 to vector<16xf32>
        %mul3A_2328 = arith.mulf %get3A_2326, %mul3A_2327 : vector<16xf32>
        %swap3A_2329 = arith.index_cast %add3A_2245 : i32 to index
        %swap3A_2330 = arith.constant 112 : index
        %swap3A_2331 = tpu.vector_load %arg10[%swap3A_2329, %swap3A_2330] {strides = array<i32>} : memref<448x128xf32, #tpu.memory_space<vmem>>, vector<1x16xf32>,
        %swap3A_2332 = vector.shape_cast %swap3A_2331 : vector<1x16xf32> to vector<16xf32>
        %swap3A_2333 = vector.shape_cast %mul3A_2328 : vector<16xf32> to vector<1x16xf32>
        tpu.vector_store %arg10[%swap3A_2329, %swap3A_2330], %swap3A_2333 {strides = array<i32>} : memref<448x128xf32, #tpu.memory_space<vmem>>, vector<1x16xf32>,
      }
      %scan3A_766 = arith.constant 4 : i32
      %mul3A_767 = arith.constant 64 : i32
      %mul3A_768 = arith.muli %rem3A_748, %mul3A_767 : i32
      %dma_start3A_769 = arith.constant 0 : i32
      %dma_start3A_770 = tpu.memref_slice %arg10[%mul3A_768, %dma_start3A_769] : memref<448x128xf32, #tpu.memory_space<vmem>> -> memref<64x128xf32, #tpu.memory_space<vmem>>
      %dma_start3A_771 = arith.constant 0 : i32
      %dma_start3A_772 = tpu.memref_slice %arg9[%rem3A_746, %dma_start3A_771] : memref<12x64xi32, #tpu.memory_space<vmem>> -> memref<1x64xi32, #tpu.memory_space<vmem>>
      %dma_start3A_773 = tpu.memref_squeeze %dma_start3A_772 : memref<1x64xi32, #tpu.memory_space<vmem>> -> memref<64xi32, #tpu.memory_space<vmem>>
      %dma_start3A_774 = arith.constant 0 : i32
      %dma_start3A_775 = arith.constant 0 : i32
      %dma_start3A_776 = tpu.memref_slice %arg11[%dma_start3A_774, %dma_start3A_775] : memref<8192x128xf32, #tpu.memory_space<vmem_shared>> -> memref<8192x128xf32, #tpu.memory_space<vmem_shared>>
      %dma_start3A_777 = tpu.memref_slice %arg14[%rem3A_748] : memref<7x!tpu.dma_semaphore, #tpu.memory_space<semaphore_mem>> -> memref<1x!tpu.dma_semaphore, #tpu.memory_space<semaphore_mem>>
      %dma_start3A_778 = tpu.memref_squeeze %dma_start3A_777 : memref<1x!tpu.dma_semaphore, #tpu.memory_space<semaphore_mem>> -> memref<!tpu.dma_semaphore, #tpu.memory_space<semaphore_mem>>
      tpu.enqueue_indirect_dma source(%dma_start3A_770 : memref<64x128xf32, #tpu.memory_space<vmem>>) target(%dma_start3A_776 : memref<8192x128xf32, #tpu.memory_space<vmem_shared>>) offsets(%dma_start3A_773 : memref<64xi32, #tpu.memory_space<vmem>>) semaphore(%dma_start3A_778 : memref<!tpu.dma_semaphore, #tpu.memory_space<semaphore_mem>>) {add = true}
    }
    %scan3A_623 = arith.constant 1311 : i32
    %dma_wait3A_624 = arith.constant 8 : i32
    %dma_wait3A_625 = arith.constant 2 : i32
    %dma_wait3A_626 = arith.constant 128 : i32
    %dma_wait3A_627 = arith.constant 0 : i32
    %dma_wait3A_628 = tpu.memref_slice %arg10[%dma_wait3A_626, %dma_wait3A_627] : memref<448x128xf32, #tpu.memory_space<vmem>> -> memref<64x128xf32, #tpu.memory_space<vmem>>
    %dma_wait3A_629 = arith.constant 0 : i32
    %dma_wait3A_630 = tpu.memref_slice %arg9[%dma_wait3A_624, %dma_wait3A_629] : memref<12x64xi32, #tpu.memory_space<vmem>> -> memref<1x64xi32, #tpu.memory_space<vmem>>
    %dma_wait3A_631 = tpu.memref_squeeze %dma_wait3A_630 : memref<1x64xi32, #tpu.memory_space<vmem>> -> memref<64xi32, #tpu.memory_space<vmem>>
    %dma_wait3A_632 = arith.constant 0 : i32
    %dma_wait3A_633 = arith.constant 0 : i32
    %dma_wait3A_634 = tpu.memref_slice %arg11[%dma_wait3A_632, %dma_wait3A_633] : memref<8192x128xf32, #tpu.memory_space<vmem_shared>> -> memref<8192x128xf32, #tpu.memory_space<vmem_shared>>
    %dma_wait3A_635 = tpu.memref_slice %arg14[%dma_wait3A_625] : memref<7x!tpu.dma_semaphore, #tpu.memory_space<semaphore_mem>> -> memref<1x!tpu.dma_semaphore, #tpu.memory_space<semaphore_mem>>
    %dma_wait3A_636 = tpu.memref_squeeze %dma_wait3A_635 : memref<1x!tpu.dma_semaphore, #tpu.memory_space<semaphore_mem>> -> memref<!tpu.dma_semaphore, #tpu.memory_space<semaphore_mem>>
    tpu.wait_indirect_dma semaphore(%dma_wait3A_636 : memref<!tpu.dma_semaphore, #tpu.memory_space<semaphore_mem>>) src(%dma_wait3A_628 : memref<64x128xf32, #tpu.memory_space<vmem>>) dst(%dma_wait3A_634 : memref<8192x128xf32, #tpu.memory_space<vmem_shared>>)
    %dma_wait3A_637 = arith.constant 9 : i32
    %dma_wait3A_638 = arith.constant 3 : i32
    %dma_wait3A_639 = arith.constant 192 : i32
    %dma_wait3A_640 = arith.constant 0 : i32
    %dma_wait3A_641 = tpu.memref_slice %arg10[%dma_wait3A_639, %dma_wait3A_640] : memref<448x128xf32, #tpu.memory_space<vmem>> -> memref<64x128xf32, #tpu.memory_space<vmem>>
    %dma_wait3A_642 = arith.constant 0 : i32
    %dma_wait3A_643 = tpu.memref_slice %arg9[%dma_wait3A_637, %dma_wait3A_642] : memref<12x64xi32, #tpu.memory_space<vmem>> -> memref<1x64xi32, #tpu.memory_space<vmem>>
    %dma_wait3A_644 = tpu.memref_squeeze %dma_wait3A_643 : memref<1x64xi32, #tpu.memory_space<vmem>> -> memref<64xi32, #tpu.memory_space<vmem>>
    %dma_wait3A_645 = arith.constant 0 : i32
    %dma_wait3A_646 = arith.constant 0 : i32
    %dma_wait3A_647 = tpu.memref_slice %arg11[%dma_wait3A_645, %dma_wait3A_646] : memref<8192x128xf32, #tpu.memory_space<vmem_shared>> -> memref<8192x128xf32, #tpu.memory_space<vmem_shared>>
    %dma_wait3A_648 = tpu.memref_slice %arg14[%dma_wait3A_638] : memref<7x!tpu.dma_semaphore, #tpu.memory_space<semaphore_mem>> -> memref<1x!tpu.dma_semaphore, #tpu.memory_space<semaphore_mem>>
    %dma_wait3A_649 = tpu.memref_squeeze %dma_wait3A_648 : memref<1x!tpu.dma_semaphore, #tpu.memory_space<semaphore_mem>> -> memref<!tpu.dma_semaphore, #tpu.memory_space<semaphore_mem>>
    tpu.wait_indirect_dma semaphore(%dma_wait3A_649 : memref<!tpu.dma_semaphore, #tpu.memory_space<semaphore_mem>>) src(%dma_wait3A_641 : memref<64x128xf32, #tpu.memory_space<vmem>>) dst(%dma_wait3A_647 : memref<8192x128xf32, #tpu.memory_space<vmem_shared>>)
    %dma_wait3A_650 = arith.constant 10 : i32
    %dma_wait3A_651 = arith.constant 4 : i32
    %dma_wait3A_652 = arith.constant 256 : i32
    %dma_wait3A_653 = arith.constant 0 : i32
    %dma_wait3A_654 = tpu.memref_slice %arg10[%dma_wait3A_652, %dma_wait3A_653] : memref<448x128xf32, #tpu.memory_space<vmem>> -> memref<64x128xf32, #tpu.memory_space<vmem>>
    %dma_wait3A_655 = arith.constant 0 : i32
    %dma_wait3A_656 = tpu.memref_slice %arg9[%dma_wait3A_650, %dma_wait3A_655] : memref<12x64xi32, #tpu.memory_space<vmem>> -> memref<1x64xi32, #tpu.memory_space<vmem>>
    %dma_wait3A_657 = tpu.memref_squeeze %dma_wait3A_656 : memref<1x64xi32, #tpu.memory_space<vmem>> -> memref<64xi32, #tpu.memory_space<vmem>>
    %dma_wait3A_658 = arith.constant 0 : i32
    %dma_wait3A_659 = arith.constant 0 : i32
    %dma_wait3A_660 = tpu.memref_slice %arg11[%dma_wait3A_658, %dma_wait3A_659] : memref<8192x128xf32, #tpu.memory_space<vmem_shared>> -> memref<8192x128xf32, #tpu.memory_space<vmem_shared>>
    %dma_wait3A_661 = tpu.memref_slice %arg14[%dma_wait3A_651] : memref<7x!tpu.dma_semaphore, #tpu.memory_space<semaphore_mem>> -> memref<1x!tpu.dma_semaphore, #tpu.memory_space<semaphore_mem>>
    %dma_wait3A_662 = tpu.memref_squeeze %dma_wait3A_661 : memref<1x!tpu.dma_semaphore, #tpu.memory_space<semaphore_mem>> -> memref<!tpu.dma_semaphore, #tpu.memory_space<semaphore_mem>>
    tpu.wait_indirect_dma semaphore(%dma_wait3A_662 : memref<!tpu.dma_semaphore, #tpu.memory_space<semaphore_mem>>) src(%dma_wait3A_654 : memref<64x128xf32, #tpu.memory_space<vmem>>) dst(%dma_wait3A_660 : memref<8192x128xf32, #tpu.memory_space<vmem_shared>>)
    %dma_wait3A_663 = arith.constant 11 : i32
    %dma_wait3A_664 = arith.constant 5 : i32
    %dma_wait3A_665 = arith.constant 320 : i32
    %dma_wait3A_666 = arith.constant 0 : i32
    %dma_wait3A_667 = tpu.memref_slice %arg10[%dma_wait3A_665, %dma_wait3A_666] : memref<448x128xf32, #tpu.memory_space<vmem>> -> memref<64x128xf32, #tpu.memory_space<vmem>>
    %dma_wait3A_668 = arith.constant 0 : i32
    %dma_wait3A_669 = tpu.memref_slice %arg9[%dma_wait3A_663, %dma_wait3A_668] : memref<12x64xi32, #tpu.memory_space<vmem>> -> memref<1x64xi32, #tpu.memory_space<vmem>>
    %dma_wait3A_670 = tpu.memref_squeeze %dma_wait3A_669 : memref<1x64xi32, #tpu.memory_space<vmem>> -> memref<64xi32, #tpu.memory_space<vmem>>
    %dma_wait3A_671 = arith.constant 0 : i32
    %dma_wait3A_672 = arith.constant 0 : i32
    %dma_wait3A_673 = tpu.memref_slice %arg11[%dma_wait3A_671, %dma_wait3A_672] : memref<8192x128xf32, #tpu.memory_space<vmem_shared>> -> memref<8192x128xf32, #tpu.memory_space<vmem_shared>>
    %dma_wait3A_674 = tpu.memref_slice %arg14[%dma_wait3A_664] : memref<7x!tpu.dma_semaphore, #tpu.memory_space<semaphore_mem>> -> memref<1x!tpu.dma_semaphore, #tpu.memory_space<semaphore_mem>>
    %dma_wait3A_675 = tpu.memref_squeeze %dma_wait3A_674 : memref<1x!tpu.dma_semaphore, #tpu.memory_space<semaphore_mem>> -> memref<!tpu.dma_semaphore, #tpu.memory_space<semaphore_mem>>
    tpu.wait_indirect_dma semaphore(%dma_wait3A_675 : memref<!tpu.dma_semaphore, #tpu.memory_space<semaphore_mem>>) src(%dma_wait3A_667 : memref<64x128xf32, #tpu.memory_space<vmem>>) dst(%dma_wait3A_673 : memref<8192x128xf32, #tpu.memory_space<vmem_shared>>)
    %dma_wait3A_676 = arith.constant 0 : i32
    %dma_wait3A_677 = arith.constant 6 : i32
    %dma_wait3A_678 = arith.constant 384 : i32
    %dma_wait3A_679 = arith.constant 0 : i32
    %dma_wait3A_680 = tpu.memref_slice %arg10[%dma_wait3A_678, %dma_wait3A_679] : memref<448x128xf32, #tpu.memory_space<vmem>> -> memref<64x128xf32, #tpu.memory_space<vmem>>
    %dma_wait3A_681 = arith.constant 0 : i32
    %dma_wait3A_682 = tpu.memref_slice %arg9[%dma_wait3A_676, %dma_wait3A_681] : memref<12x64xi32, #tpu.memory_space<vmem>> -> memref<1x64xi32, #tpu.memory_space<vmem>>
    %dma_wait3A_683 = tpu.memref_squeeze %dma_wait3A_682 : memref<1x64xi32, #tpu.memory_space<vmem>> -> memref<64xi32, #tpu.memory_space<vmem>>
    %dma_wait3A_684 = arith.constant 0 : i32
    %dma_wait3A_685 = arith.constant 0 : i32
    %dma_wait3A_686 = tpu.memref_slice %arg11[%dma_wait3A_684, %dma_wait3A_685] : memref<8192x128xf32, #tpu.memory_space<vmem_shared>> -> memref<8192x128xf32, #tpu.memory_space<vmem_shared>>
    %dma_wait3A_687 = tpu.memref_slice %arg14[%dma_wait3A_677] : memref<7x!tpu.dma_semaphore, #tpu.memory_space<semaphore_mem>> -> memref<1x!tpu.dma_semaphore, #tpu.memory_space<semaphore_mem>>
    %dma_wait3A_688 = tpu.memref_squeeze %dma_wait3A_687 : memref<1x!tpu.dma_semaphore, #tpu.memory_space<semaphore_mem>> -> memref<!tpu.dma_semaphore, #tpu.memory_space<semaphore_mem>>
    tpu.wait_indirect_dma semaphore(%dma_wait3A_688 : memref<!tpu.dma_semaphore, #tpu.memory_space<semaphore_mem>>) src(%dma_wait3A_680 : memref<64x128xf32, #tpu.memory_space<vmem>>) dst(%dma_wait3A_686 : memref<8192x128xf32, #tpu.memory_space<vmem_shared>>)
    %dma_wait3A_689 = arith.constant 1 : i32
    %dma_wait3A_690 = arith.constant 0 : i32
    %dma_wait3A_691 = arith.constant 0 : i32
    %dma_wait3A_692 = arith.constant 0 : i32
    %dma_wait3A_693 = tpu.memref_slice %arg10[%dma_wait3A_691, %dma_wait3A_692] : memref<448x128xf32, #tpu.memory_space<vmem>> -> memref<64x128xf32, #tpu.memory_space<vmem>>
    %dma_wait3A_694 = arith.constant 0 : i32
    %dma_wait3A_695 = tpu.memref_slice %arg9[%dma_wait3A_689, %dma_wait3A_694] : memref<12x64xi32, #tpu.memory_space<vmem>> -> memref<1x64xi32, #tpu.memory_space<vmem>>
    %dma_wait3A_696 = tpu.memref_squeeze %dma_wait3A_695 : memref<1x64xi32, #tpu.memory_space<vmem>> -> memref<64xi32, #tpu.memory_space<vmem>>
    %dma_wait3A_697 = arith.constant 0 : i32
    %dma_wait3A_698 = arith.constant 0 : i32
    %dma_wait3A_699 = tpu.memref_slice %arg11[%dma_wait3A_697, %dma_wait3A_698] : memref<8192x128xf32, #tpu.memory_space<vmem_shared>> -> memref<8192x128xf32, #tpu.memory_space<vmem_shared>>
    %dma_wait3A_700 = tpu.memref_slice %arg14[%dma_wait3A_690] : memref<7x!tpu.dma_semaphore, #tpu.memory_space<semaphore_mem>> -> memref<1x!tpu.dma_semaphore, #tpu.memory_space<semaphore_mem>>
    %dma_wait3A_701 = tpu.memref_squeeze %dma_wait3A_700 : memref<1x!tpu.dma_semaphore, #tpu.memory_space<semaphore_mem>> -> memref<!tpu.dma_semaphore, #tpu.memory_space<semaphore_mem>>
    tpu.wait_indirect_dma semaphore(%dma_wait3A_701 : memref<!tpu.dma_semaphore, #tpu.memory_space<semaphore_mem>>) src(%dma_wait3A_693 : memref<64x128xf32, #tpu.memory_space<vmem>>) dst(%dma_wait3A_699 : memref<8192x128xf32, #tpu.memory_space<vmem_shared>>)
    %dma_wait3A_702 = arith.constant 2 : i32
    %dma_wait3A_703 = arith.constant 1 : i32
    %dma_wait3A_704 = arith.constant 64 : i32
    %dma_wait3A_705 = arith.constant 0 : i32
    %dma_wait3A_706 = tpu.memref_slice %arg10[%dma_wait3A_704, %dma_wait3A_705] : memref<448x128xf32, #tpu.memory_space<vmem>> -> memref<64x128xf32, #tpu.memory_space<vmem>>
    %dma_wait3A_707 = arith.constant 0 : i32
    %dma_wait3A_708 = tpu.memref_slice %arg9[%dma_wait3A_702, %dma_wait3A_707] : memref<12x64xi32, #tpu.memory_space<vmem>> -> memref<1x64xi32, #tpu.memory_space<vmem>>
    %dma_wait3A_709 = tpu.memref_squeeze %dma_wait3A_708 : memref<1x64xi32, #tpu.memory_space<vmem>> -> memref<64xi32, #tpu.memory_space<vmem>>
    %dma_wait3A_710 = arith.constant 0 : i32
    %dma_wait3A_711 = arith.constant 0 : i32
    %dma_wait3A_712 = tpu.memref_slice %arg11[%dma_wait3A_710, %dma_wait3A_711] : memref<8192x128xf32, #tpu.memory_space<vmem_shared>> -> memref<8192x128xf32, #tpu.memory_space<vmem_shared>>
    %dma_wait3A_713 = tpu.memref_slice %arg14[%dma_wait3A_703] : memref<7x!tpu.dma_semaphore, #tpu.memory_space<semaphore_mem>> -> memref<1x!tpu.dma_semaphore, #tpu.memory_space<semaphore_mem>>
    %dma_wait3A_714 = tpu.memref_squeeze %dma_wait3A_713 : memref<1x!tpu.dma_semaphore, #tpu.memory_space<semaphore_mem>> -> memref<!tpu.dma_semaphore, #tpu.memory_space<semaphore_mem>>
    tpu.wait_indirect_dma semaphore(%dma_wait3A_714 : memref<!tpu.dma_semaphore, #tpu.memory_space<semaphore_mem>>) src(%dma_wait3A_706 : memref<64x128xf32, #tpu.memory_space<vmem>>) dst(%dma_wait3A_712 : memref<8192x128xf32, #tpu.memory_space<vmem_shared>>)
    %barrier3A_715 = arith.constant 0 : index
    tpu.barrier barrier_id(%barrier3A_715)
    %mul3A_716 = arith.constant 512 : i32
    %mul3A_717 = arith.muli %arg1, %mul3A_716 : i32
    %add3A_718 = arith.constant 0 : i32
    %add3A_719 = arith.addi %mul3A_717, %add3A_718 : i32
    %mul3A_720 = arith.constant 128 : i32
    %mul3A_721 = arith.muli %arg0, %mul3A_720 : i32
    "tpu.region"() ({
      %run_scoped3A = tpu.sem_alloc : memref<!tpu.dma_semaphore, #tpu.memory_space<semaphore_mem>>
      %dma_start3A_740 = tpu.memref_slice %arg6[%add3A_719, %mul3A_721] : memref<8192x256xf32, #tpu.memory_space<hbm>> -> memref<128x128xf32, #tpu.memory_space<hbm>>
      %dma_start3A_741 = arith.constant 0 : i32
      %dma_start3A_742 = tpu.memref_slice %arg11[%add3A_719, %dma_start3A_741] : memref<8192x128xf32, #tpu.memory_space<vmem_shared>> -> memref<128x128xf32, #tpu.memory_space<vmem_shared>>
      tpu.enqueue_dma source(%dma_start3A_742 : memref<128x128xf32, #tpu.memory_space<vmem_shared>>) target(%dma_start3A_740 : memref<128x128xf32, #tpu.memory_space<hbm>>) target_semaphore(%run_scoped3A : memref<!tpu.dma_semaphore, #tpu.memory_space<semaphore_mem>>)
      %dma_wait3A_743 = tpu.memref_slice %arg6[%add3A_719, %mul3A_721] : memref<8192x256xf32, #tpu.memory_space<hbm>> -> memref<128x128xf32, #tpu.memory_space<hbm>>
      %dma_wait3A_744 = arith.constant 0 : i32
      %dma_wait3A_745 = tpu.memref_slice %arg11[%add3A_719, %dma_wait3A_744] : memref<8192x128xf32, #tpu.memory_space<vmem_shared>> -> memref<128x128xf32, #tpu.memory_space<vmem_shared>>
      tpu.wait_dma2 semaphore(%run_scoped3A : memref<!tpu.dma_semaphore, #tpu.memory_space<semaphore_mem>>) src(%dma_wait3A_745 : memref<128x128xf32, #tpu.memory_space<vmem_shared>>) dst(%dma_wait3A_743 : memref<128x128xf32, #tpu.memory_space<hbm>>)
      tpu.yield
    }) : () -> ()
    %mul3A_722 = arith.constant 512 : i32
    %mul3A_723 = arith.muli %arg1, %mul3A_722 : i32
    %add3A_724 = arith.constant 128 : i32
    %add3A_725 = arith.addi %mul3A_723, %add3A_724 : i32
    %mul3A_726 = arith.constant 128 : i32
    %mul3A_727 = arith.muli %arg0, %mul3A_726 : i32
    "tpu.region"() ({
      %run_scoped3A = tpu.sem_alloc : memref<!tpu.dma_semaphore, #tpu.memory_space<semaphore_mem>>
      %dma_start3A_740 = tpu.memref_slice %arg6[%add3A_725, %mul3A_727] : memref<8192x256xf32, #tpu.memory_space<hbm>> -> memref<128x128xf32, #tpu.memory_space<hbm>>
      %dma_start3A_741 = arith.constant 0 : i32
      %dma_start3A_742 = tpu.memref_slice %arg11[%add3A_725, %dma_start3A_741] : memref<8192x128xf32, #tpu.memory_space<vmem_shared>> -> memref<128x128xf32, #tpu.memory_space<vmem_shared>>
      tpu.enqueue_dma source(%dma_start3A_742 : memref<128x128xf32, #tpu.memory_space<vmem_shared>>) target(%dma_start3A_740 : memref<128x128xf32, #tpu.memory_space<hbm>>) target_semaphore(%run_scoped3A : memref<!tpu.dma_semaphore, #tpu.memory_space<semaphore_mem>>)
      %dma_wait3A_743 = tpu.memref_slice %arg6[%add3A_725, %mul3A_727] : memref<8192x256xf32, #tpu.memory_space<hbm>> -> memref<128x128xf32, #tpu.memory_space<hbm>>
      %dma_wait3A_744 = arith.constant 0 : i32
      %dma_wait3A_745 = tpu.memref_slice %arg11[%add3A_725, %dma_wait3A_744] : memref<8192x128xf32, #tpu.memory_space<vmem_shared>> -> memref<128x128xf32, #tpu.memory_space<vmem_shared>>
      tpu.wait_dma2 semaphore(%run_scoped3A : memref<!tpu.dma_semaphore, #tpu.memory_space<semaphore_mem>>) src(%dma_wait3A_745 : memref<128x128xf32, #tpu.memory_space<vmem_shared>>) dst(%dma_wait3A_743 : memref<128x128xf32, #tpu.memory_space<hbm>>)
      tpu.yield
    }) : () -> ()
    %mul3A_728 = arith.constant 512 : i32
    %mul3A_729 = arith.muli %arg1, %mul3A_728 : i32
    %add3A_730 = arith.constant 256 : i32
    %add3A_731 = arith.addi %mul3A_729, %add3A_730 : i32
    %mul3A_732 = arith.constant 128 : i32
    %mul3A_733 = arith.muli %arg0, %mul3A_732 : i32
    "tpu.region"() ({
      %run_scoped3A = tpu.sem_alloc : memref<!tpu.dma_semaphore, #tpu.memory_space<semaphore_mem>>
      %dma_start3A_740 = tpu.memref_slice %arg6[%add3A_731, %mul3A_733] : memref<8192x256xf32, #tpu.memory_space<hbm>> -> memref<128x128xf32, #tpu.memory_space<hbm>>
      %dma_start3A_741 = arith.constant 0 : i32
      %dma_start3A_742 = tpu.memref_slice %arg11[%add3A_731, %dma_start3A_741] : memref<8192x128xf32, #tpu.memory_space<vmem_shared>> -> memref<128x128xf32, #tpu.memory_space<vmem_shared>>
      tpu.enqueue_dma source(%dma_start3A_742 : memref<128x128xf32, #tpu.memory_space<vmem_shared>>) target(%dma_start3A_740 : memref<128x128xf32, #tpu.memory_space<hbm>>) target_semaphore(%run_scoped3A : memref<!tpu.dma_semaphore, #tpu.memory_space<semaphore_mem>>)
      %dma_wait3A_743 = tpu.memref_slice %arg6[%add3A_731, %mul3A_733] : memref<8192x256xf32, #tpu.memory_space<hbm>> -> memref<128x128xf32, #tpu.memory_space<hbm>>
      %dma_wait3A_744 = arith.constant 0 : i32
      %dma_wait3A_745 = tpu.memref_slice %arg11[%add3A_731, %dma_wait3A_744] : memref<8192x128xf32, #tpu.memory_space<vmem_shared>> -> memref<128x128xf32, #tpu.memory_space<vmem_shared>>
      tpu.wait_dma2 semaphore(%run_scoped3A : memref<!tpu.dma_semaphore, #tpu.memory_space<semaphore_mem>>) src(%dma_wait3A_745 : memref<128x128xf32, #tpu.memory_space<vmem_shared>>) dst(%dma_wait3A_743 : memref<128x128xf32, #tpu.memory_space<hbm>>)
      tpu.yield
    }) : () -> ()
    %mul3A_734 = arith.constant 512 : i32
    %mul3A_735 = arith.muli %arg1, %mul3A_734 : i32
    %add3A_736 = arith.constant 384 : i32
    %add3A_737 = arith.addi %mul3A_735, %add3A_736 : i32
    %mul3A_738 = arith.constant 128 : i32
    %mul3A_739 = arith.muli %arg0, %mul3A_738 : i32
    "tpu.region"() ({
      %run_scoped3A = tpu.sem_alloc : memref<!tpu.dma_semaphore, #tpu.memory_space<semaphore_mem>>
      %dma_start3A_740 = tpu.memref_slice %arg6[%add3A_737, %mul3A_739] : memref<8192x256xf32, #tpu.memory_space<hbm>> -> memref<128x128xf32, #tpu.memory_space<hbm>>
      %dma_start3A_741 = arith.constant 0 : i32
      %dma_start3A_742 = tpu.memref_slice %arg11[%add3A_737, %dma_start3A_741] : memref<8192x128xf32, #tpu.memory_space<vmem_shared>> -> memref<128x128xf32, #tpu.memory_space<vmem_shared>>
      tpu.enqueue_dma source(%dma_start3A_742 : memref<128x128xf32, #tpu.memory_space<vmem_shared>>) target(%dma_start3A_740 : memref<128x128xf32, #tpu.memory_space<hbm>>) target_semaphore(%run_scoped3A : memref<!tpu.dma_semaphore, #tpu.memory_space<semaphore_mem>>)
      %dma_wait3A_743 = tpu.memref_slice %arg6[%add3A_737, %mul3A_739] : memref<8192x256xf32, #tpu.memory_space<hbm>> -> memref<128x128xf32, #tpu.memory_space<hbm>>
      %dma_wait3A_744 = arith.constant 0 : i32
      %dma_wait3A_745 = tpu.memref_slice %arg11[%add3A_737, %dma_wait3A_744] : memref<8192x128xf32, #tpu.memory_space<vmem_shared>> -> memref<128x128xf32, #tpu.memory_space<vmem_shared>>
      tpu.wait_dma2 semaphore(%run_scoped3A : memref<!tpu.dma_semaphore, #tpu.memory_space<semaphore_mem>>) src(%dma_wait3A_745 : memref<128x128xf32, #tpu.memory_space<vmem_shared>>) dst(%dma_wait3A_743 : memref<128x128xf32, #tpu.memory_space<hbm>>)
      tpu.yield
    }) : () -> ()
    return
  }
}

</mosaic_0001>

<sc_bundles>
// kernel: kernel.3.cloned.1.call-start
scs
__scs_entry_jumppad:
0x0: {  	(pc) =	sbr.rel $0x88, $3  }
0x1: {  	(tag) =	ssettag $0x0;
	lr =	simm.s32 $0x1  }
0x2: {  	[smem:$0x3F9D] =	sst lr;
	_ =	strace $0xD0000000  }
0x3: {  	_ = 	snop  }
0x4: {  	_ = 	snop  }
0x5: {  	_ = 	snop  }
0x6: {  	_ = 	snop  }
0x7: {  	_ = 	snop  }
__scs_overlays_trampoline_lowered:
0x8: {  	[smem:$0x3FAC] =	sst s0  }
0x9: {  	[smem:$0x3FAD] =	sst s1  }
0xa: {  	[smem:$0x3FAE] =	sst s2  }
0xb: {  	[smem:$0x3FAF] =	sst s3  }
0xc: {  	[smem:$0x3FB0] =	sst s4  }
0xd: {  	[smem:$0x3FB1] =	sst s5  }
0xe: {  	[smem:$0x3FB2] =	sst s6  }
0xf: {  	[smem:$0x3FB3] =	sst s7  }
0x10: {  	[smem:$0x3FB4] =	sst s8  }
0x11: {  	[smem:$0x3FB5] =	sst s9;
	s0 =	simm.s32 @!p0 $0x0  }
0x12: {  	s1 =	sld [smem:$0x3F9B];
	s0 =	simm.s32 @p0 $0x1  }
0x13: {  	[smem:$0x3FB6] =	sst s0;
	s0 =	simm.s32 @!p1 $0x0  }
0x14: {  	s2 =	sld [smem:$0x3F9A];
	s0 =	simm.s32 @p1 $0x1  }
0x15: {  	[smem:$0x3FB7] =	sst s0;
	s0 =	simm.s32 @!p2 $0x0  }
0x16: {  	s3 =	sld [smem:$0x3FDB];
	s0 =	simm.s32 @p2 $0x1  }
0x17: {  	s4 =	simm.s32 $0x1BF5;
	[smem:$0x3FB9] =	sst s0  }
0x18: {  	s0 =	sld [smem:$0x3F9C];
	_ =	swait.ge [sflag:s4], $0x0  }
0x19: {  	s7 =	sld [smem:$0x3F9D]  }
0x1a: {  	s8 =	sadd.s32 $0xFFFFE003, lr  }
0x1b: {  	s9 =	sadd.s32 $0xFFFFFEF7, lr;
	s5 =	simm.s32 $0xFFFFFFFF;
	p2 =	slt.u32 s8, $0xFFFFF086  }
0x1c: {  	p1 =	slt.u32 s9, $0xF7A;
	s5 =	simm.s32 @!p2 $0x0  }
0x1d: {  	s5 =	simm.s32 @p1 $0x1;
	p0 =	seq.s32 s7, s2  }
0x1e: {  	s7 =	smul.u32 @!p0 $0xF7A, s2;
	p2 =	seq.s32 @!p0 s5, $0x0  }
0x1f: {  	s9 =	smul.u32 $0xF7A, s1;
	s8 =	simm.s32 @!p0 $0x1BF5;
	p2 =	por !p2, p0  }
0x20: {  	[sflag:s8] =	ssyncset.s32 @!p0 $0xFFFFF086;
	s6 =	sadd.s32 @!p0 s3, s7;
	s7 =	simm.s32 @!p0 $0x108  }
0x21: {  	s3 =	sadd.s32 s3, s9;
	s6 =	sadd.s32 @!p0 $0x88, s6;
	s7 =	simm.s32 @p2 $0x1082  }
0x22: {  	[simem:s7], [sflag:s8] =	dma.local @!p0 [hbm:s6], $0xF7A  }
0x23: {  	s9 =	sor.u32 $0xD0000000, s2;
	s6 =	simm.s32 $0x108;
	_ =	swait.ge @!p0 [sflag:s8], $0x0  }
0x24: {  	s3 =	sadd.s32 $0x88, s3;
	s6 =	simm.s32 @!p1 $0x1082;
	[sflag:s4] =	ssyncset.s32 $0xFFFFF086  }
0x25: {  	[simem:s6], [sflag:s4] =	dma.local [hbm:s3], $0xF7A  }
0x26: {  	[smem:$0x3F9D] =	sst s1;
	(tag) =	ssettag s2;
	_ =	strace s9  }
0x27: {  	s1 =	sld [smem:$0x3FAD]  }
0x28: {  	s2 =	sld [smem:$0x3FAE]  }
0x29: {  	s4 =	sld [smem:$0x3FB0]  }
0x2a: {  	p0 =	seq.s32 s5, $0x0;
	s5 =	sld [smem:$0x3FB1]  }
0x2b: {  	s6 =	sld [smem:$0x3FB2]  }
0x2c: {  	s7 =	sld [smem:$0x3FB3]  }
0x2d: {  	s3 =	simm.s32 $0x108;
	s8 =	sld [smem:$0x3FB4]  }
0x2e: {  	s3 =	simm.s32 @!p0 $0x1082;
	s9 =	sld [smem:$0x3FB5]  }
0x2f: {  	lr =	sadd.s32 s0, s3;
	s0 =	sld [smem:$0x3FAC]  }
0x30: {  	s3 =	sld [smem:$0x3FAF]  }
0x31: {  	[smem:$0x3FB8] =	sst s10  }
0x32: {  	s10 =	sld [smem:$0x3FB6];
	_ =	sdelay $0x3  }
0x33: {  	p0 =	seq.s32 s10, $0x1;
	s10 =	sld [smem:$0x3FB8];
	_ =	sdelay $0x3  }
0x34: {  	[smem:$0x3FB8] =	sst s10  }
0x35: {  	s10 =	sld [smem:$0x3FB7];
	_ =	sdelay $0x3  }
0x36: {  	p1 =	seq.s32 s10, $0x1;
	s10 =	sld [smem:$0x3FB8];
	_ =	sdelay $0x3  }
0x37: {  	[smem:$0x3FB8] =	sst s10  }
0x38: {  	s10 =	sld [smem:$0x3FB9]  }
0x39: {  	_ = 	snop;
	(pc) =	sbr.ind lr, $3  }
0x3a: {  	_ = 	snop  }
0x3b: {  	_ = 	snop  }
0x3c: {  	p2 =	seq.s32 s10, $0x1;
	s10 =	sld [smem:$0x3FB8]  }
0x3d: {  	_ =	shalt  }
0x3e: {  	_ =	shalt  }
0x3f: {  	_ =	shalt  }
0x40: {  	_ =	shalt  }
0x41: {  	_ =	shalt  }
0x42: {  	_ =	shalt  }
0x43: {  	_ =	shalt  }
0x44: {  	_ =	shalt  }
0x45: {  	_ =	shalt  }
0x46: {  	_ =	shalt  }
0x47: {  	_ =	shalt  }
0x48: {  	_ =	shalt  }
0x49: {  	_ =	shalt  }
0x4a: {  	_ =	shalt  }
0x4b: {  	_ =	shalt  }
0x4c: {  	_ =	shalt  }
0x4d: {  	_ =	shalt  }
0x4e: {  	_ =	shalt  }
0x4f: {  	_ =	shalt  }
0x50: {  	_ =	shalt  }
0x51: {  	_ =	shalt  }
0x52: {  	_ =	shalt  }
0x53: {  	_ =	shalt  }
0x54: {  	_ =	shalt  }
0x55: {  	_ =	shalt  }
0x56: {  	_ =	shalt  }
0x57: {  	_ =	shalt  }
0x58: {  	_ =	shalt  }
0x59: {  	_ =	shalt  }
0x5a: {  	_ =	shalt  }
0x5b: {  	_ =	shalt  }
0x5c: {  	_ =	shalt  }
0x5d: {  	_ =	shalt  }
0x5e: {  	_ =	shalt  }
0x5f: {  	_ =	shalt  }
0x60: {  	_ =	shalt  }
0x61: {  	_ =	shalt  }
0x62: {  	_ =	shalt  }
0x63: {  	_ =	shalt  }
0x64: {  	_ =	shalt  }
0x65: {  	_ =	shalt  }
0x66: {  	_ =	shalt  }
0x67: {  	_ =	shalt  }
0x68: {  	_ =	shalt  }
0x69: {  	_ =	shalt  }
0x6a: {  	_ =	shalt  }
0x6b: {  	_ =	shalt  }
0x6c: {  	_ =	shalt  }
0x6d: {  	_ =	shalt  }
0x6e: {  	_ =	shalt  }
0x6f: {  	_ =	shalt  }
0x70: {  	_ =	shalt  }
0x71: {  	_ =	shalt  }
0x72: {  	_ =	shalt  }
0x73: {  	_ =	shalt  }
0x74: {  	_ =	shalt  }
0x75: {  	_ =	shalt  }
0x76: {  	_ =	shalt  }
0x77: {  	_ =	shalt  }
0x78: {  	_ =	shalt  }
0x79: {  	_ =	shalt  }
0x7a: {  	_ =	shalt  }
0x7b: {  	_ =	shalt  }
0x7c: {  	_ =	shalt  }
0x7d: {  	_ =	shalt  }
0x7e: {  	_ =	shalt  }
0x7f: {  	_ =	shalt  }
0x80: {  	_ =	shalt  }
0x81: {  	_ =	shalt  }
0x82: {  	_ =	shalt  }
0x83: {  	_ =	shalt  }
0x84: {  	_ =	shalt  }
0x85: {  	_ =	shalt  }
0x86: {  	_ =	shalt  }
0x87: {  	_ =	shalt  }
.Lfunc_end0:
.L_simem_size_0:
called_computation_lowered:
.L_overlay_start_0:
0x88: {  	s2 =	sld [smem:$0x3FD9]  }
0x89: {  	s3 =	sld [smem:$0x3FFE];
	_ =	sdelay $0x1  }
0x8a: {  	s1 =	srdreg.scid  }
0x8b: {  	s0 =	sand.u32 $0x1, s1  }
0x8c: {  	s17 =	sshll.u32 s0, $0xA;
	s2 =	sadd.s32 s3, s2  }
0x8d: {  	s2 =	sadd.s32 s2, s17  }
0x8e: {  	[smem:$0x3FC4] =	sst s2  }
0x8f: {  	_ = 	snop  }
0x90: {  	s2 =	sld [smem:$0x3FD0];
	(tm) =	ssettm $0x1  }
0x91: {  	s18 =	sld [smem:$0x3FFB];
	_ =	sdelay $0x3  }
0x92: {  	_ =	strace s18  }
0x93: {  	s3 =	sld [smem:$0x3FFC];
	_ =	sdelay $0x3  }
0x94: {  	_ =	strace s3  }
0x95: {  	s3 =	sld [smem:$0x3FFD];
	_ =	sdelay $0x3  }
0x96: {  	_ =	strace s3  }
0x97: {  	_ =	strace $0x8FFFFFFF  }
0x98: {  	s19 =	sld [smem:$0x3FDB];
	_ =	sdelay $0x1  }
0x99: {  	s4 =	simm.s32 $_scs_section_size  }
0x9a: {  	s5 =	simm.s32 $_size__tile_overlayer_lowered;
	s6 =	simm.s32 $_tile_overlayer_lowered  }
0x9b: {  	s22 =	simm.s32 $0x1BFF;
	s21 =	sshll.u32 s6, $0x1;
	s3 =	sadd.s32 s4, s19  }
0x9c: {  	s7 =	simm.s32 $0x0;
	s20 =	sshll.u32 s5, $0x1;
	s5 =	sadd.s32 s21, s3  }
0x9d: {  	[timem:s7], [sflag:s22] =	dma.local [hbm:s5], s20  }
0x9e: {  	_ =	swait.ge [sflag:s22], s20  }
0x9f: {  	s4 =	ssub.s32 $0x0, s20;
	[sflag:s22] =	ssyncset.done $0x0  }
0xa0: {  	[sflag:s22] =	ssyncadd.s32 s4;
	_ =	sdelay $0x1  }
0xa1: {  	s23 =	simm.s32 $0x1B8B  }
0xa2: {  	_ =	swait.ge [sflag:s23], $0x1  }
0xa3: {  	[sflag:s23] =	ssyncset.done $0x0  }
0xa4: {  	s25 =	simm.s32 $0x1B8E;
	s24 =	sld [smem:$0x3FFE];
	[sflag:s23] =	ssyncadd.s32 $0xFFFFFFFF  }
0xa5: {  	s26 =	simm.s32 $execute0_lowered;
	[smem:$0x3FD2] =	sst s25  }
0xa6: {  	s5 =	sshll.u32 s26, $0x1;
	_ =	strace $0x80000046;
	[dreg:$0x1] =	wrdreg $0xFFFFFFFF  }
0xa7: {  	s28 =	simm.s32 $_size_execute0_lowered;
	s3 =	sadd.s32 s3, s5;
	[dreg:$0x0] =	wrdreg $0x0  }
0xa8: {  	s5 =	sshll.u32 s28, $0x1;
	[dreg:$0x2] =	wrdreg s3  }
0xa9: {  	[dreg:$0x3] =	wrdreg s5  }
0xaa: {  	[dreg:$0x4] =	wrdreg $0xC0  }
0xab: {  	_ =	task [dreg:s7], $0x5FFFF  }
0xac: {  	[dreg:$0x1] =	wrdreg $0xFFFFFFFF  }
0xad: {  	[dreg:$0x0] =	wrdreg $0x60  }
0xae: {  	[dreg:$0x2] =	wrdreg s24  }
0xaf: {  	[dreg:$0x3] =	wrdreg s2  }
0xb0: {  	[dreg:$0x4] =	wrdreg $0xF8000  }
0xb1: {  	[dreg:$0x5] =	wrdreg $0x9  }
0xb2: {  	_ =	task.clear_ibuf [dreg:s7], $0x6FFFF;
	_ =	strace $0x90000046  }
0xb3: {  	s29 =	simm.s32 $0x9;
	_ =	strace $0x80000048  }
0xb4: {  	_ =	swait.ge [sflag:s29], $0x1  }
0xb5: {  	[sflag:s29] =	ssyncadd.s32 $0xFFFFFFFF  }
0xb6: {  	_ =	strace $0x90000048  }
0xb7: {  	_ =	sfence  }
0xb8: {  	s30 =	sld [smem:$0x0];
	_ =	sdelay $0x2  }
0xb9: {  	s31 =	sshll.u32 s1, $0xD;
	s1 =	sshrl.u32 s1, $0x2  }
0xba: {  	s3 =	sand.u32 $0x4000, s31;
	s1 =	sadd.s32 s1, s30  }
0xbb: {  	s0 =	sor.u32 s3, s0;
	s1 =	sshll.u32 s1, $0x11  }
0xbc: {  	s0 =	sor.u32 s1, s0  }
0xbd: {  	s0 =	sadd.s32 $0x8F2B, s0  }
0xbe: {  	[sflag:s0] =	ssyncadd.remote.s32 $0x1  }
0xbf: {  	_ =	sfence.sel $0xFFFF  }
0xc0: {  	[dreg:$0x0] =	wrdreg $0xFFFFFFFF;
	(pc) =	sbr.abs _section_cstart, $3  }
0xc1: {  	[dreg:$0x1] =	wrdreg $0xFFFFFFFF  }
0xc2: {  	_ =	task.clear_ibuf [dreg:s7], $0x2FFFF;
	_ =	strace $0x9FFFFFFF  }
0xc3: {  	(tm) =	ssettm $0x7FFFFFFF  }
tec
execute0_lowered:
.L_overlay_start_1:
0x0: {  	(tag) =	ssettag $0x1  }
0x1: {  	s0 =	srdreg.scid;
	s21 =	stileid.u32  }
0x2: {  	s1 =	simm.s32 $0x0;
	s6 =	sand.u32 $0x1, s0;
	s7 =	smul.u32 $0x147C0, s21  }
0x3: {  	s9 =	sshll.u32 s21, $0x9;
	s3 =	smul.u32 $0x28F80, s21;
	s0 =	ssub.s32 $0x2, s6  }
0x4: {  	[smem:$0x7FF] =	sst s1;
	s14 =	sor.u32 $0x80, s9;
	s2 =	sshrl.u32 s0, $0x1  }
0x5: {  	s3 =	sand.u32 $0x3FFF00, s3;
	s10 =	sand.u32 $0x40, s7;
	s19 =	sadd.s32 $0x40, s7  }
0x6: {  	s8 =	sadd.s32 $0x80, s7;
	s18 =	sadd.s32 $0xC0, s7;
	s20 =	sadd.s32 $0x100, s7  }
0x7: {  	s17 =	sadd.s32 $0x180, s7;
	s0 =	ssub.s32 s0, s2;
	s2 =	sshll.u32 s6, $0x7  }
0x8: {  	s22 =	sshll.u32 s19, $0x1;
	s4 =	sshll.u32 s8, $0x1;
	s5 =	sand.u32 $0x40, s19  }
0x9: {  	s11 =	sshll.u32 s18, $0x1;
	s26 =	sand.u32 $0x40, s18;
	s31 =	sshll.u32 s20, $0x1  }
0xa: {  	s6 =	sshll.u32 s6, $0xA;
	s18 =	sshrl.u32 s18, $0x3;
	[smem:$0x7FC] =	sst s0  }
0xb: {  	s3 =	sor.u32 s3, s2;
	s4 =	sand.u32 $0x7FFF00, s4;
	s23 =	sand.u32 $0x7FFF00, s11  }
0xc: {  	s11 =	sand.u32 $0x7FFF00, s31;
	s25 =	sor.u32 s10, s3;
	s3 =	sand.u32 $0x7FFF00, s22  }
0xd: {  	s4 =	sor.u32 s4, s2;
	s26 =	sor.u32 s23, s26;
	s11 =	sor.u32 s11, s2  }
0xe: {  	s29 =	sor.u32 s3, s5;
	s24 =	sor.u32 s10, s4;
	s5 =	sadd.s32 $0x140, s7  }
0xf: {  	s3 =	sadd.s32 $0x1C0, s7;
	s4 =	sadd.s32 $0x200, s7;
	s30 =	sor.u32 s10, s11  }
0x10: {  	s11 =	sshll.u32 s21, $0x11;
	s25 =	sshrl.u32 s25, $0x3;
	s7 =	sshrl.u32 s7, $0x3  }
0x11: {  	s12 =	sshll.u32 s5, $0x1;
	s15 =	sshll.u32 s3, $0x1;
	s23 =	sshll.u32 s4, $0x1  }
0x12: {  	s29 =	sor.u32 s2, s29;
	s4 =	sshrl.u32 s4, $0x3;
	s13 =	sand.u32 $0x7FFF00, s12  }
0x13: {  	s12 =	sand.u32 $0x40, s5;
	s16 =	sand.u32 $0x7FFF00, s15;
	s15 =	sshll.u32 s17, $0x1  }
0x14: {  	s5 =	sshrl.u32 s5, $0x3;
	s22 =	sor.u32 s13, s12;
	s13 =	sand.u32 $0x40, s3  }
0x15: {  	s31 =	sand.u32 $0x7FFF00, s15;
	s12 =	sand.u32 $0x7FFF00, s23;
	s15 =	sor.u32 $0x100, s9  }
0x16: {  	s0 =	sor.u32 s16, s13;
	s13 =	sor.u32 s31, s2;
	s12 =	sor.u32 s12, s2  }
0x17: {  	s16 =	sor.u32 $0x180, s9;
	s9 =	sor.u32 s6, s11;
	s28 =	sor.u32 s10, s13  }
0x18: {  	s23 =	sor.u32 s10, s12;
	s12 =	sshll.u32 s14, $0x8;
	s13 =	sshll.u32 s15, $0x8  }
0x19: {  	s31 =	sshll.u32 s16, $0x8;
	s9 =	sshrl.u32 s9, $0x3;
	s10 =	sor.u32 s6, s12  }
0x1a: {  	s12 =	sor.u32 s6, s31;
	s31 =	sshrl.u32 s10, $0x3;
	s10 =	rddreg [dreg:$0x1]  }
0x1b: {  	s11 =	sor.u32 s6, s13;
	s13 =	rddreg [dreg:$0x0];
	s6 =	sadd.s32 s10, s9  }
0x1c: {  	s3 =	sshrl.u32 s3, $0x3;
	s9 =	sadd.s32 s10, s31;
	[dreg:$0x4] =	wrdreg s6  }
0x1d: {  	s14 =	sshll.u32 s14, $0x7;
	s15 =	sshll.u32 s15, $0x7;
	[dreg:$0x5] =	wrdreg s9  }
0x1e: {  	s11 =	sshrl.u32 s11, $0x3;
	s31 =	sshrl.u32 s12, $0x3;
	s6 =	rddreg [dreg:$0x2]  }
0x1f: {  	s9 =	sadd.s32 s10, s11;
	s12 =	sadd.s32 s10, s31;
	s10 =	sadd.s32 $0xD3600, s13  }
0x20: {  	s31 =	sshll.u32 s21, $0x10;
	s11 =	sadd.s32 $0x81600, s13;
	[dreg:$0x6] =	wrdreg s9  }
0x21: {  	[dreg:$0x7] =	wrdreg s12;
	s9 =	sadd.s32 $0x1600, s13;
	s12 =	sadd.s32 $0xAA600, s13  }
0x22: {  	s13 =	sadd.s32 s31, s6;
	s25 =	sadd.s32 s10, s25;
	s31 =	sshrl.u32 s29, $0x3  }
0x23: {  	_ =	strace $0x80000047;
	[dreg:$0x8] =	wrdreg s25;
	s29 =	sadd.s32 s12, s7  }
0x24: {  	s16 =	sshll.u32 s16, $0x7;
	s7 =	sadd.s32 s11, s7;
	[dreg:$0x9] =	wrdreg s29  }
0x25: {  	s25 =	sadd.s32 s10, s31;
	s31 =	sshrl.u32 s19, $0x3;
	[dreg:$0xa] =	wrdreg s7  }
0x26: {  	s14 =	sadd.s32 s14, s6;
	[dreg:$0xb] =	wrdreg s25;
	s19 =	sadd.s32 s12, s31  }
0x27: {  	s7 =	sadd.s32 s11, s31;
	s25 =	sshrl.u32 s24, $0x3;
	[dreg:$0xc] =	wrdreg s19  }
0x28: {  	s31 =	sshrl.u32 s8, $0x3;
	[dreg:$0xd] =	wrdreg s7;
	s7 =	sadd.s32 s10, s25  }
0x29: {  	s24 =	sor.u32 s2, s26;
	s25 =	sadd.s32 s12, s31;
	[dreg:$0xe] =	wrdreg s7  }
0x2a: {  	s8 =	sshrl.u32 s24, $0x3;
	s24 =	sadd.s32 s12, s5;
	[dreg:$0xf] =	wrdreg s25  }
0x2b: {  	s15 =	sadd.s32 s15, s6;
	s5 =	sadd.s32 s11, s5;
	[dreg:$0x18] =	wrdreg s24  }
0x2c: {  	s16 =	sadd.s32 s16, s6;
	s7 =	sadd.s32 s11, s31;
	[dreg:$0x19] =	wrdreg s5  }
0x2d: {  	s29 =	simm.s32 $0x80;
	s26 =	sadd.s32 s10, s8;
	[dreg:$0x10] =	wrdreg s7  }
0x2e: {  	s19 =	sshrl.u32 s20, $0x3;
	s31 =	sadd.s32 s12, s18;
	[dreg:$0x11] =	wrdreg s26  }
0x2f: {  	s20 =	sor.u32 s2, s22;
	s8 =	sadd.s32 s11, s18;
	[dreg:$0x12] =	wrdreg s31  }
0x30: {  	s18 =	sshrl.u32 s30, $0x3;
	s22 =	sadd.s32 s12, s19;
	[dreg:$0x13] =	wrdreg s8  }
0x31: {  	s25 =	sshrl.u32 s28, $0x3;
	s7 =	sadd.s32 s10, s18;
	[dreg:$0x15] =	wrdreg s22  }
0x32: {  	s28 =	simm.s32 $0x1B;
	s8 =	sadd.s32 s11, s19;
	[dreg:$0x14] =	wrdreg s7  }
0x33: {  	s30 =	simm.s32 $0x100;
	s5 =	sadd.s32 s10, s25;
	[dreg:$0x16] =	wrdreg s8  }
0x34: {  	s26 =	sshrl.u32 s17, $0x3;
	s22 =	sadd.s32 s12, s3;
	[dreg:$0x1a] =	wrdreg s5  }
0x35: {  	s31 =	sor.u32 s2, s0;
	s25 =	sadd.s32 s12, s4;
	[dreg:$0x1e] =	wrdreg s22  }
0x36: {  	s7 =	sshrl.u32 s20, $0x3;
	s8 =	sshrl.u32 s31, $0x3;
	[smem:$0x7FA] =	sst s25  }
0x37: {  	s17 =	sadd.s32 s12, s26;
	s18 =	sadd.s32 s11, s26;
	s31 =	sld [smem:$0x7FC]  }
0x38: {  	s20 =	sshrl.u32 s23, $0x3;
	s23 =	sadd.s32 s11, s3;
	[dreg:$0x1b] =	wrdreg s17  }
0x39: {  	s26 =	sadd.s32 s11, s4;
	s25 =	smul.u32 $0x51F, s21;
	[dreg:$0x1c] =	wrdreg s18  }
0x3a: {  	s3 =	simm.s32 $0x1;
	s4 =	simm.s32 $0x2;
	[dreg:$0x1f] =	wrdreg s23  }
0x3b: {  	s5 =	simm.s32 $0x3;
	s7 =	sadd.s32 s10, s7;
	[smem:$0x7FB] =	sst s26  }
0x3c: {  	s19 =	sadd.s32 s10, s8;
	s24 =	sadd.s32 s10, s20;
	[dreg:$0x17] =	wrdreg s7  }
0x3d: {  	s26 =	simm.s32 $0x1800;
	s23 =	simm.s32 $0x8;
	[dreg:$0x1d] =	wrdreg s19  }
0x3e: {  	[smem:$0x7F9] =	sst s24;
	s7 =	simm.s32 $0x4;
	s0 =	smax.u32 s31, $0x1  }
0x3f: {  	v0 =	vimm.f32 $0.0e+00;
	s24 =	simm.s32 $0x0;
	[smem:$0x7FD] =	sst s0;
	s0 =	simm.s32 $0x40  }
.LBB2_1:
0x40: {  	s8 =	sand.u32 $0xFE00, s1  }
0x41: {  	s17 =	sand.u32 $0x70, s1;
	s18 =	sshrl.u32 s8, $0x2  }
0x42: {  	s8 =	simm.s32 $0x40;
	s18 =	sor.u32 s17, s18;
	s17 =	simm.s32 $0x0  }
.LBB2_2:
0x43: {  	p0 =	sne.s32 s8, $0xFFC0  }
0x44: {  	[tilespmem:s18+$0x1800] =	vst v0;
	s17 =	sadd.s32 $0x10, s17;
	s18 =	smov.u32 s8;
	s8 =	sadd.s32 $0x40, s8  }
.Ltmp0:
0x45: {  	(pc) =	sbr.rel @p0 .LBB2_2-.Ltmp0, $4  }
0x46: {  	_ = 	snop  }
0x47: {  	s18 =	sand.u32 $0xFE00, s18  }
0x48: {  	s19 =	sand.u32 $0x70, s17;
	s18 =	sshrl.u32 s18, $0x2  }
0x49: {  	s18 =	sor.u32 s19, s18  }
0x4a: {  	[tilespmem:s18+$0x1800] =	vst v0  }
0x4b: {  	[spmem:s13] =	stream.linear.scatter [tilespmem:s26], [sflag:$0x1B], $0x4000, $0x38;
	[tilespmem:$0x1F800] =	vst v63  }
0x4c: {  	_ =	swait.ge [sflag:s28], $0x4000  }
0x4d: {  	[sflag:s28] =	ssyncset.done $0x0  }
0x4e: {  	[sflag:s28] =	ssyncadd.s32 $0xFFFFC000  }
0x4f: {  	[spmem:s14] =	stream.linear.scatter [tilespmem:s26], [sflag:$0x1B], $0x4000, $0x38;
	[tilespmem:$0x1F800] =	vst v63  }
0x50: {  	_ =	swait.ge [sflag:s28], $0x4000  }
0x51: {  	[sflag:s28] =	ssyncset.done $0x0  }
0x52: {  	[sflag:s28] =	ssyncadd.s32 $0xFFFFC000  }
0x53: {  	[spmem:s15] =	stream.linear.scatter [tilespmem:s26], [sflag:$0x1B], $0x4000, $0x38;
	[tilespmem:$0x1F800] =	vst v63  }
0x54: {  	_ =	swait.ge [sflag:s28], $0x4000  }
0x55: {  	[sflag:s28] =	ssyncset.done $0x0  }
0x56: {  	[sflag:s28] =	ssyncadd.s32 $0xFFFFC000  }
0x57: {  	[spmem:s16] =	stream.linear.scatter [tilespmem:s26], [sflag:$0x1B], $0x4000, $0x38;
	[tilespmem:$0x1F800] =	vst v63  }
0x58: {  	_ =	swait.ge [sflag:s28], $0x4000  }
0x59: {  	[sflag:s28] =	ssyncset.done $0x0  }
0x5a: {  	[sflag:s28] =	ssyncadd.s32 $0xFFFFC000  }
0x5b: {  	[bflag:$0x0] =	sbarrier.arrive $0xFFFF  }
0x5c: {  	s8 =	rddreg [dreg:$0x8]  }
0x5d: {  	s31 =	simm.s32 $0x0;
	s20 =	rddreg [dreg:$0x9]  }
0x5e: {  	[tilespmem:s31], [sflag:$0x1] =	stream.linear.gather [hbm4b:s8+s31], $0x40, $0x38;
	[tilespmem:$0x1F800] =	vst v63  }
0x5f: {  	s17 =	simm.s32 $0x800;
	s21 =	rddreg [dreg:$0xa]  }
0x60: {  	[tilespmem:s17], [sflag:$0x1] =	stream.linear.gather [hbm4b:s20+s31], $0x40, $0x38;
	[tilespmem:$0x1F800] =	vst v63  }
0x61: {  	s22 =	simm.s32 $0x1000;
	s18 =	rddreg [dreg:$0xb]  }
0x62: {  	[tilespmem:s22], [sflag:$0x1] =	stream.linear.gather [hbm4b:s21+s31], $0x40, $0x38;
	[tilespmem:$0x1F800] =	vst v63  }
0x63: {  	s19 =	rddreg [dreg:$0xc]  }
0x64: {  	[tilespmem:s29], [sflag:$0x2] =	stream.linear.gather [hbm4b:s18+s31], $0x40, $0x38;
	[tilespmem:$0x1F800] =	vst v63  }
0x65: {  	s20 =	simm.s32 $0x880;
	s21 =	rddreg [dreg:$0xd]  }
0x66: {  	[tilespmem:s20], [sflag:$0x2] =	stream.linear.gather [hbm4b:s19+s31], $0x40, $0x38;
	[tilespmem:$0x1F800] =	vst v63  }
0x67: {  	s22 =	simm.s32 $0x1080;
	s18 =	rddreg [dreg:$0xe]  }
0x68: {  	[tilespmem:s22], [sflag:$0x2] =	stream.linear.gather [hbm4b:s21+s31], $0x40, $0x38;
	[tilespmem:$0x1F800] =	vst v63  }
0x69: {  	s19 =	rddreg [dreg:$0xf]  }
0x6a: {  	[tilespmem:s30], [sflag:$0x3] =	stream.linear.gather [hbm4b:s18+s31], $0x40, $0x38;
	[tilespmem:$0x1F800] =	vst v63  }
0x6b: {  	s20 =	simm.s32 $0x900;
	s21 =	rddreg [dreg:$0x10]  }
0x6c: {  	[tilespmem:s20], [sflag:$0x3] =	stream.linear.gather [hbm4b:s19+s31], $0x40, $0x38;
	[tilespmem:$0x1F800] =	vst v63  }
0x6d: {  	s22 =	simm.s32 $0x1100;
	s18 =	rddreg [dreg:$0x11]  }
0x6e: {  	[tilespmem:s22], [sflag:$0x3] =	stream.linear.gather [hbm4b:s21+s31], $0x40, $0x38;
	[tilespmem:$0x1F800] =	vst v63  }
0x6f: {  	s17 =	simm.s32 $0x180;
	s19 =	rddreg [dreg:$0x12]  }
0x70: {  	[tilespmem:s17], [sflag:$0x4] =	stream.linear.gather [hbm4b:s18+s31], $0x40, $0x38;
	[tilespmem:$0x1F800] =	vst v63  }
0x71: {  	s20 =	simm.s32 $0x980;
	s21 =	rddreg [dreg:$0x13]  }
0x72: {  	[tilespmem:s20], [sflag:$0x4] =	stream.linear.gather [hbm4b:s19+s31], $0x40, $0x38;
	[tilespmem:$0x1F800] =	vst v63  }
0x73: {  	s22 =	simm.s32 $0x1180;
	s19 =	rddreg [dreg:$0x14]  }
0x74: {  	[tilespmem:s22], [sflag:$0x4] =	stream.linear.gather [hbm4b:s21+s31], $0x40, $0x38;
	[tilespmem:$0x1F800] =	vst v63  }
0x75: {  	s20 =	simm.s32 $0x200;
	s21 =	rddreg [dreg:$0x15]  }
0x76: {  	[tilespmem:s20], [sflag:$0x5] =	stream.linear.gather [hbm4b:s19+s31], $0x40, $0x38;
	[tilespmem:$0x1F800] =	vst v63  }
0x77: {  	s22 =	simm.s32 $0xA00;
	s19 =	rddreg [dreg:$0x16]  }
0x78: {  	[tilespmem:s22], [sflag:$0x5] =	stream.linear.gather [hbm4b:s21+s31], $0x40, $0x38;
	[tilespmem:$0x1F800] =	vst v63  }
0x79: {  	s20 =	simm.s32 $0x1200;
	s21 =	rddreg [dreg:$0x17]  }
0x7a: {  	[tilespmem:s20], [sflag:$0x5] =	stream.linear.gather [hbm4b:s19+s31], $0x40, $0x38;
	[tilespmem:$0x1F800] =	vst v63  }
0x7b: {  	s22 =	simm.s32 $0x280;
	s19 =	rddreg [dreg:$0x18]  }
0x7c: {  	[tilespmem:s22], [sflag:$0x6] =	stream.linear.gather [hbm4b:s21+s31], $0x40, $0x38;
	[tilespmem:$0x1F800] =	vst v63  }
0x7d: {  	s20 =	simm.s32 $0xA80;
	s21 =	rddreg [dreg:$0x19]  }
0x7e: {  	[tilespmem:s20], [sflag:$0x6] =	stream.linear.gather [hbm4b:s19+s31], $0x40, $0x38;
	[tilespmem:$0x1F800] =	vst v63  }
0x7f: {  	s22 =	simm.s32 $0x1280;
	s19 =	rddreg [dreg:$0x1a]  }
0x80: {  	[tilespmem:s22], [sflag:$0x6] =	stream.linear.gather [hbm4b:s21+s31], $0x40, $0x38;
	[tilespmem:$0x1F800] =	vst v63  }
0x81: {  	s20 =	simm.s32 $0x300;
	s21 =	rddreg [dreg:$0x1b]  }
0x82: {  	[tilespmem:s20], [sflag:$0x7] =	stream.linear.gather [hbm4b:s19+s31], $0x40, $0x38;
	[tilespmem:$0x1F800] =	vst v63  }
0x83: {  	s22 =	simm.s32 $0xB00;
	s19 =	rddreg [dreg:$0x1c]  }
0x84: {  	[tilespmem:s22], [sflag:$0x7] =	stream.linear.gather [hbm4b:s21+s31], $0x40, $0x38;
	[tilespmem:$0x1F800] =	vst v63  }
0x85: {  	s20 =	simm.s32 $0x1300;
	s21 =	rddreg [dreg:$0x1d]  }
0x86: {  	[tilespmem:s20], [sflag:$0x7] =	stream.linear.gather [hbm4b:s19+s31], $0x40, $0x38;
	[tilespmem:$0x1F800] =	vst v63  }
0x87: {  	s22 =	simm.s32 $0x380;
	s19 =	rddreg [dreg:$0x1e]  }
0x88: {  	[tilespmem:s22], [sflag:$0x8] =	stream.linear.gather [hbm4b:s21+s31], $0x40, $0x38;
	[tilespmem:$0x1F800] =	vst v63  }
0x89: {  	s20 =	simm.s32 $0xB80;
	s21 =	rddreg [dreg:$0x1f]  }
0x8a: {  	[tilespmem:s20], [sflag:$0x8] =	stream.linear.gather [hbm4b:s19+s31], $0x40, $0x38;
	[tilespmem:$0x1F800] =	vst v63  }
0x8b: {  	s22 =	simm.s32 $0x1380;
	s19 =	sld [smem:$0x7F9]  }
0x8c: {  	[tilespmem:s22], [sflag:$0x8] =	stream.linear.gather [hbm4b:s21+s31], $0x40, $0x38;
	[tilespmem:$0x1F800] =	vst v63  }
0x8d: {  	s20 =	simm.s32 $0x400;
	s21 =	sld [smem:$0x7FA]  }
0x8e: {  	[tilespmem:s20], [sflag:$0x9] =	stream.linear.gather [hbm4b:s19+s31], $0x40, $0x38;
	[tilespmem:$0x1F800] =	vst v63  }
0x8f: {  	s18 =	sld [smem:$0x7FB];
	s22 =	simm.s32 $0xC00  }
0x90: {  	[tilespmem:s22], [sflag:$0x9] =	stream.linear.gather [hbm4b:s21+s31], $0x40, $0x38;
	[tilespmem:$0x1F800] =	vst v63  }
0x91: {  	s19 =	simm.s32 $0x1400  }
0x92: {  	[tilespmem:s19], [sflag:$0x9] =	stream.linear.gather [hbm4b:s18+s31], $0x40, $0x38;
	[tilespmem:$0x1F800] =	vst v63  }
0x93: {  	_ =	swait.ge [sflag:s3], $0x40  }
0x94: {  	[sflag:s3] =	ssyncset.done $0x0  }
0x95: {  	[sflag:s3] =	ssyncadd.s32 $0xFFFFFFC0  }
0x96: {  	_ =	swait.ge [sflag:s3], $0x40  }
0x97: {  	[sflag:s3] =	ssyncset.done $0x0  }
0x98: {  	[sflag:s3] =	ssyncadd.s32 $0xFFFFFFC0  }
0x99: {  	_ =	swait.ge [sflag:s3], $0x40  }
0x9a: {  	[sflag:s3] =	ssyncset.done $0x0  }
0x9b: {  	[sflag:s3] =	ssyncadd.s32 $0xFFFFFFC0  }
0x9c: {  	[tilespmem:s26], [sflag:$0xD] =	stream.indirect.gather [hbm4b:s9+s0], $0x80, s31, s0, $0xb8;
	[tilespmem:$0x1F800] =	vst v63  }
0x9d: {  	_ =	swait.ge [sflag:s4], $0x40  }
0x9e: {  	[sflag:s4] =	ssyncset.done $0x0  }
0x9f: {  	[sflag:s4] =	ssyncadd.s32 $0xFFFFFFC0  }
0xa0: {  	_ =	swait.ge [sflag:s4], $0x40  }
0xa1: {  	[sflag:s4] =	ssyncset.done $0x0  }
0xa2: {  	[sflag:s4] =	ssyncadd.s32 $0xFFFFFFC0  }
0xa3: {  	_ =	swait.ge [sflag:s4], $0x40  }
0xa4: {  	[sflag:s4] =	ssyncset.done $0x0  }
0xa5: {  	s20 =	simm.s32 $0x3800;
	[sflag:s4] =	ssyncadd.s32 $0xFFFFFFC0  }
0xa6: {  	[tilespmem:s20], [sflag:$0xE] =	stream.indirect.gather [hbm4b:s9+s0], $0x80, s29, s0, $0xb8;
	[tilespmem:$0x1F800] =	vst v63  }
0xa7: {  	_ =	swait.ge [sflag:s5], $0x40  }
0xa8: {  	[sflag:s5] =	ssyncset.done $0x0  }
0xa9: {  	[sflag:s5] =	ssyncadd.s32 $0xFFFFFFC0  }
0xaa: {  	_ =	swait.ge [sflag:s5], $0x40  }
0xab: {  	[sflag:s5] =	ssyncset.done $0x0  }
0xac: {  	[sflag:s5] =	ssyncadd.s32 $0xFFFFFFC0  }
0xad: {  	_ =	swait.ge [sflag:s5], $0x40  }
0xae: {  	[sflag:s5] =	ssyncset.done $0x0  }
0xaf: {  	s21 =	simm.s32 $0x5800;
	[sflag:s5] =	ssyncadd.s32 $0xFFFFFFC0  }
0xb0: {  	[tilespmem:s21], [sflag:$0xF] =	stream.indirect.gather [hbm4b:s9+s0], $0x80, s30, s0, $0xb8;
	[tilespmem:$0x1F800] =	vst v63  }
0xb1: {  	_ =	swait.ge [sflag:s7], $0x40  }
0xb2: {  	[sflag:s7] =	ssyncset.done $0x0  }
0xb3: {  	[sflag:s7] =	ssyncadd.s32 $0xFFFFFFC0  }
0xb4: {  	_ =	swait.ge [sflag:s7], $0x40  }
0xb5: {  	[sflag:s7] =	ssyncset.done $0x0  }
0xb6: {  	[sflag:s7] =	ssyncadd.s32 $0xFFFFFFC0  }
0xb7: {  	_ =	swait.ge [sflag:s7], $0x40  }
0xb8: {  	[sflag:s7] =	ssyncset.done $0x0  }
0xb9: {  	s22 =	simm.s32 $0x7800;
	[sflag:s7] =	ssyncadd.s32 $0xFFFFFFC0  }
0xba: {  	[tilespmem:s22], [sflag:$0x10] =	stream.indirect.gather [hbm4b:s9+s0], $0x80, s17, s0, $0xb8;
	[tilespmem:$0x1F800] =	vst v63  }
.LBB2_4:
0xbb: {  	p0 =	sgt.u32 s31, $0x51A  }
.Ltmp1:
0xbc: {  	_ = 	snop;
	(pc) =	sbr.rel @p0 .LBB2_9-.Ltmp1, $1  }
0xbd: {  	_ =	sdelay $0x3  }
0xbe: {  	s8 =	sadd.s32 $0x4, s31  }
0xbf: {  	s17 =	sand.u32 $0xFFFF, s8  }
0xc0: {  	s18 =	smul.u32 $0xAAAB, s17;
	_ =	sdelay $0x1  }
0xc1: {  	s18 =	sshrl.u32 s18, $0x13  }
0xc2: {  	s18 =	smul.u32 $0xC, s18;
	_ =	sdelay $0x1  }
0xc3: {  	s17 =	smul.u32 $0x2493, s17;
	s18 =	ssub.s32 s8, s18  }
0xc4: {  	s18 =	sand.u32 $0xFFFF, s18  }
0xc5: {  	s17 =	sshrl.u32 s17, $0x10;
	s19 =	sadd.s32 $0x1, s18  }
0xc6: {  	s20 =	ssub.s32 s8, s17;
	_ =	swait.ge [sflag:s19], $0x40  }
0xc7: {  	s20 =	sand.u32 $0xFFFE, s20;
	[sflag:s19] =	ssyncset.done $0x0  }
0xc8: {  	s20 =	sshrl.u32 s20, $0x1;
	[sflag:s19] =	ssyncadd.s32 $0xFFFFFFC0  }
0xc9: {  	p0 =	sgt.u32 s31, $0x2;
	s17 =	sadd.s32 s17, s20;
	_ =	swait.ge [sflag:s19], $0x40  }
.Ltmp2:
0xca: {  	s17 =	sshrl.u32 s17, $0x2;
	[sflag:s19] =	ssyncset.done $0x0;
	(pc) =	sbr.rel @!p0 .LBB2_6-.Ltmp2, $4  }
0xcb: {  	s17 =	smul.u32 $0x7, s17;
	[sflag:s19] =	ssyncadd.s32 $0xFFFFFFC0  }
0xcc: {  	_ =	swait.ge [sflag:s19], $0x40  }
0xcd: {  	s8 =	ssub.s32 s8, s17;
	[sflag:s19] =	ssyncset.done $0x0  }
0xce: {  	s17 =	sand.u32 $0xFFFF, s8;
	s8 =	sshll.u32 s18, $0x7;
	[sflag:s19] =	ssyncadd.s32 $0xFFFFFFC0  }
0xcf: {  	p0 =	sgt.u32 s31, $0x515  }
.Ltmp3:
0xd0: {  	s18 =	sadd.s32 $0x14, s17;
	(pc) =	sbr.rel @p0 .LBB2_9-.Ltmp3, $4  }
.Ltmp4:
0xd1: {  	_ =	swait.ge [sflag:s18], $0x2000;
	(pc) =	sbr.rel @!p0 .LBB2_8-.Ltmp4, $4  }
0xd2: {  	s19 =	sshll.u32 s17, $0xD;
	[sflag:s18] =	ssyncset.done $0x0  }
0xd3: {  	s22 =	sadd.s32 $0xD, s17;
	s21 =	sor.u32 $0x1800, s19;
	[sflag:s18] =	ssyncadd.s32 $0xFFFFE000  }
0xd4: {  	[tilespmem:s21], [sflag:s22] =	stream.indirect.gather [hbm4b:s9+s0], $0x80, s8, s0, $0xb8;
	[tilespmem:$0x1F800] =	vst v63  }
0xd5: {  	_ = 	snop  }
.LBB2_6:
0xd6: {  	s18 =	sshll.u32 s17, $0xD  }
0xd7: {  	s22 =	sadd.s32 $0xD, s17;
	s18 =	sor.u32 $0x1800, s18  }
0xd8: {  	[tilespmem:s18], [sflag:s22] =	stream.indirect.gather [hbm4b:s9+s0], $0x80, s8, s0, $0xb8;
	[tilespmem:$0x1F800] =	vst v63  }
.LBB2_8:
0xd9: {  	s8 =	sadd.s32 $0x9, s31  }
0xda: {  	s17 =	smul.u32 $0xAAAB, s8  }
0xdb: {  	s18 =	sadd.s32 s25, s8  }
0xdc: {  	s19 =	sshll.u32 s18, $0x6;
	s20 =	sshll.u32 s18, $0x7;
	s17 =	sshrl.u32 s17, $0x13  }
0xdd: {  	s20 =	sand.u32 $0x7FFF00, s20;
	s19 =	sand.u32 $0x40, s19;
	s17 =	smul.u32 $0xC, s17  }
0xde: {  	s19 =	sor.u32 s20, s19  }
0xdf: {  	s20 =	sor.u32 s2, s19;
	s8 =	ssub.s32 s8, s17  }
0xe0: {  	s17 =	sshrl.u32 s20, $0x3;
	s8 =	sand.u32 $0xFFFF, s8  }
0xe1: {  	s17 =	sadd.s32 s10, s17;
	s19 =	sadd.s32 $0x1, s8;
	s8 =	sshll.u32 s8, $0x7  }
0xe2: {  	[tilespmem:s8], [sflag:s19] =	stream.linear.gather [hbm4b:s17+s1], $0x40, $0x38;
	[tilespmem:$0x1F800] =	vst v63  }
0xe3: {  	s17 =	sshll.u32 s18, $0x3  }
0xe4: {  	s21 =	sor.u32 $0x800, s8;
	s22 =	sadd.s32 s12, s17  }
0xe5: {  	[tilespmem:s21], [sflag:s19] =	stream.linear.gather [hbm4b:s22+s1], $0x40, $0x38;
	[tilespmem:$0x1F800] =	vst v63  }
0xe6: {  	s8 =	sor.u32 $0x1000, s8;
	s17 =	sadd.s32 s11, s17  }
0xe7: {  	[tilespmem:s8], [sflag:s19] =	stream.linear.gather [hbm4b:s17+s1], $0x40, $0x38;
	[tilespmem:$0x1F800] =	vst v63  }
.LBB2_9:
0xe8: {  	s8 =	smul.u32 $0x2493, s31;
	_ =	sdelay $0x1  }
0xe9: {  	s8 =	sshrl.u32 s8, $0x10  }
0xea: {  	s17 =	ssub.s32 s31, s8  }
0xeb: {  	s18 =	smul.u32 $0xAAAB, s31;
	s17 =	sand.u32 $0xFFFE, s17  }
0xec: {  	s17 =	sshrl.u32 s17, $0x1  }
0xed: {  	s22 =	sshrl.u32 s18, $0x13;
	s8 =	sadd.s32 s8, s17  }
0xee: {  	s17 =	smul.u32 $0xC, s22;
	s8 =	sand.u32 $0xFFFC, s8  }
0xef: {  	s8 =	sshrl.u32 s8, $0x2  }
0xf0: {  	s17 =	ssub.s32 s31, s17;
	s8 =	smul.u32 $0x7, s8  }
0xf1: {  	s17 =	sand.u32 $0xFFFF, s17  }
0xf2: {  	s17 =	sshll.u32 s17, $0x9;
	s8 =	ssub.s32 s31, s8  }
0xf3: {  	s17 =	sshrl.u32 s17, $0x2;
	s8 =	sand.u32 $0xFFFF, s8  }
0xf4: {  	s20 =	sor.u32 $0x800, s17;
	s19 =	sadd.s32 $0xD, s8  }
0xf5: {  	v1 =	vmov s20;
	_ =	swait.ge [sflag:s19], $0x2000  }
0xf6: {  	[sflag:s19] =	ssyncset.done $0x0  }
0xf7: {  	s18 =	sshll.u32 s8, $0x6;
	[sflag:s19] =	ssyncadd.s32 $0xFFFFE000;
	s19 =	simm.s32 $0x0  }
.LBB2_10:
0xf8: {  	s20 =	sshll.u32 s19, $0x4  }
0xf9: {  	s21 =	sadd.s32 s18, s20  }
0xfa: {  	v2 =	vld.idx.msk [tilespmem:v1+s20+$0x0 ss:$0x1], $0xffff;
	s20 =	sshll.u32 s21, $0x7  }
0xfb: {  	s21 =	sand.u32 $0x3FFFFF80, s20  }
0xfc: {  	v3 =	vld [tilespmem:s21+$0x1800]  }
0xfd: {  	v4 =	vld [tilespmem:s21+$0x1810]  }
0xfe: {  	v7 =	vld [tilespmem:s21+$0x1830]  }
0xff: {  	v5 =	vld [tilespmem:s21+$0x1820];
	v6 =	vbroadcast v2, $0x0  }
0x100: {  	v9 =	vld [tilespmem:s21+$0x1850]  }
0x101: {  	v8 =	vld [tilespmem:s21+$0x1840];
	v3 =	vmul.f32 v6, v3  }
0x102: {  	v16 =	vld [tilespmem:s21+$0x1870];
	v4 =	vmul.f32 v4, v6  }
0x103: {  	v10 =	vld [tilespmem:s21+$0x1860];
	v17 =	vmul.f32 v7, v6;
	[tilespmem:s21+$0x1800] =	vst v3  }
0x104: {  	v3 =	vmul.f32 v5, v6;
	[tilespmem:s21+$0x1810] =	vst v4  }
0x105: {  	v18 =	vmul.f32 v9, v6;
	[tilespmem:s21+$0x1830] =	vst v17  }
0x106: {  	[tilespmem:s21+$0x1820] =	vst v3;
	v3 =	vmul.f32 v8, v6  }
0x107: {  	v19 =	vmul.f32 v16, v6;
	[tilespmem:s21+$0x1850] =	vst v18  }
0x108: {  	[tilespmem:s21+$0x1840] =	vst v3;
	v3 =	vmul.f32 v10, v6  }
0x109: {  	s22 =	sadd.s32 $0x80, s20;
	[tilespmem:s21+$0x1870] =	vst v19  }
0x10a: {  	[tilespmem:s21+$0x1860] =	vst v3;
	s21 =	sand.u32 $0x3FFFFF80, s22  }
0x10b: {  	v3 =	vld [tilespmem:s21+$0x1800]  }
0x10c: {  	v4 =	vld [tilespmem:s21+$0x1810]  }
0x10d: {  	v22 =	vld [tilespmem:s21+$0x1830]  }
0x10e: {  	v21 =	vbroadcast v2, $0x1;
	v20 =	vld [tilespmem:s21+$0x1820]  }
0x10f: {  	v24 =	vld [tilespmem:s21+$0x1850]  }
0x110: {  	v23 =	vld [tilespmem:s21+$0x1840];
	v3 =	vmul.f32 v3, v21  }
0x111: {  	v26 =	vld [tilespmem:s21+$0x1870];
	v4 =	vmul.f32 v4, v21  }
0x112: {  	v25 =	vld [tilespmem:s21+$0x1860];
	v27 =	vmul.f32 v22, v21;
	[tilespmem:s21+$0x1800] =	vst v3  }
0x113: {  	v3 =	vmul.f32 v20, v21;
	[tilespmem:s21+$0x1810] =	vst v4  }
0x114: {  	v28 =	vmul.f32 v24, v21;
	[tilespmem:s21+$0x1830] =	vst v27  }
0x115: {  	[tilespmem:s21+$0x1820] =	vst v3;
	v3 =	vmul.f32 v23, v21  }
0x116: {  	v29 =	vmul.f32 v26, v21;
	[tilespmem:s21+$0x1850] =	vst v28  }
0x117: {  	[tilespmem:s21+$0x1840] =	vst v3;
	v3 =	vmul.f32 v25, v21  }
0x118: {  	s22 =	sadd.s32 $0x100, s20;
	[tilespmem:s21+$0x1870] =	vst v29  }
0x119: {  	[tilespmem:s21+$0x1860] =	vst v3;
	s21 =	sand.u32 $0x3FFFFF80, s22  }
0x11a: {  	v3 =	vld [tilespmem:s21+$0x1800]  }
0x11b: {  	v4 =	vld [tilespmem:s21+$0x1810]  }
0x11c: {  	v32 =	vld [tilespmem:s21+$0x1830]  }
0x11d: {  	v31 =	vbroadcast v2, $0x2;
	v30 =	vld [tilespmem:s21+$0x1820]  }
0x11e: {  	v34 =	vld [tilespmem:s21+$0x1850]  }
0x11f: {  	v33 =	vld [tilespmem:s21+$0x1840];
	v3 =	vmul.f32 v3, v31  }
0x120: {  	v36 =	vld [tilespmem:s21+$0x1870];
	v4 =	vmul.f32 v4, v31  }
0x121: {  	v35 =	vld [tilespmem:s21+$0x1860];
	v37 =	vmul.f32 v32, v31;
	[tilespmem:s21+$0x1800] =	vst v3  }
0x122: {  	v3 =	vmul.f32 v30, v31;
	[tilespmem:s21+$0x1810] =	vst v4  }
0x123: {  	v38 =	vmul.f32 v34, v31;
	[tilespmem:s21+$0x1830] =	vst v37  }
0x124: {  	[tilespmem:s21+$0x1820] =	vst v3;
	v3 =	vmul.f32 v33, v31  }
0x125: {  	v39 =	vmul.f32 v36, v31;
	[tilespmem:s21+$0x1850] =	vst v38  }
0x126: {  	[tilespmem:s21+$0x1840] =	vst v3;
	v3 =	vmul.f32 v35, v31  }
0x127: {  	s22 =	sadd.s32 $0x180, s20;
	[tilespmem:s21+$0x1870] =	vst v39  }
0x128: {  	[tilespmem:s21+$0x1860] =	vst v3;
	s21 =	sand.u32 $0x3FFFFF80, s22  }
0x129: {  	v3 =	vld [tilespmem:s21+$0x1800]  }
0x12a: {  	v4 =	vld [tilespmem:s21+$0x1810]  }
0x12b: {  	v42 =	vld [tilespmem:s21+$0x1830]  }
0x12c: {  	v41 =	vbroadcast v2, $0x3;
	v40 =	vld [tilespmem:s21+$0x1820]  }
0x12d: {  	v44 =	vld [tilespmem:s21+$0x1850]  }
0x12e: {  	v43 =	vld [tilespmem:s21+$0x1840];
	v3 =	vmul.f32 v3, v41  }
0x12f: {  	v46 =	vld [tilespmem:s21+$0x1870];
	v4 =	vmul.f32 v4, v41  }
0x130: {  	v45 =	vld [tilespmem:s21+$0x1860];
	v47 =	vmul.f32 v42, v41;
	[tilespmem:s21+$0x1800] =	vst v3  }
0x131: {  	v3 =	vmul.f32 v40, v41;
	[tilespmem:s21+$0x1810] =	vst v4  }
0x132: {  	v48 =	vmul.f32 v44, v41;
	[tilespmem:s21+$0x1830] =	vst v47  }
0x133: {  	[tilespmem:s21+$0x1820] =	vst v3;
	v3 =	vmul.f32 v43, v41  }
0x134: {  	v49 =	vmul.f32 v46, v41;
	[tilespmem:s21+$0x1850] =	vst v48  }
0x135: {  	[tilespmem:s21+$0x1840] =	vst v3;
	v3 =	vmul.f32 v45, v41  }
0x136: {  	s22 =	sadd.s32 $0x200, s20;
	[tilespmem:s21+$0x1870] =	vst v49  }
0x137: {  	[tilespmem:s21+$0x1860] =	vst v3;
	s21 =	sand.u32 $0x3FFFFF80, s22  }
0x138: {  	v3 =	vld [tilespmem:s21+$0x1800]  }
0x139: {  	v4 =	vld [tilespmem:s21+$0x1810]  }
0x13a: {  	v52 =	vld [tilespmem:s21+$0x1830]  }
0x13b: {  	v51 =	vbroadcast v2, $0x4;
	v50 =	vld [tilespmem:s21+$0x1820]  }
0x13c: {  	v54 =	vld [tilespmem:s21+$0x1850]  }
0x13d: {  	v53 =	vld [tilespmem:s21+$0x1840];
	v3 =	vmul.f32 v3, v51  }
0x13e: {  	v56 =	vld [tilespmem:s21+$0x1870];
	v4 =	vmul.f32 v4, v51  }
0x13f: {  	v55 =	vld [tilespmem:s21+$0x1860];
	v57 =	vmul.f32 v52, v51;
	[tilespmem:s21+$0x1800] =	vst v3  }
0x140: {  	v3 =	vmul.f32 v50, v51;
	[tilespmem:s21+$0x1810] =	vst v4  }
0x141: {  	v58 =	vmul.f32 v54, v51;
	[tilespmem:s21+$0x1830] =	vst v57  }
0x142: {  	[tilespmem:s21+$0x1820] =	vst v3;
	v3 =	vmul.f32 v53, v51  }
0x143: {  	v59 =	vmul.f32 v56, v51;
	[tilespmem:s21+$0x1850] =	vst v58  }
0x144: {  	[tilespmem:s21+$0x1840] =	vst v3;
	v3 =	vmul.f32 v55, v51  }
0x145: {  	s22 =	sadd.s32 $0x280, s20;
	[tilespmem:s21+$0x1870] =	vst v59  }
0x146: {  	[tilespmem:s21+$0x1860] =	vst v3;
	s21 =	sand.u32 $0x3FFFFF80, s22  }
0x147: {  	v3 =	vld [tilespmem:s21+$0x1800]  }
0x148: {  	v4 =	vld [tilespmem:s21+$0x1810]  }
0x149: {  	v62 =	vld [tilespmem:s21+$0x1830]  }
0x14a: {  	v61 =	vbroadcast v2, $0x5;
	v60 =	vld [tilespmem:s21+$0x1820]  }
0x14b: {  	v12 =	vld [tilespmem:s21+$0x1850]  }
0x14c: {  	v63 =	vld [tilespmem:s21+$0x1840];
	v3 =	vmul.f32 v3, v61  }
0x14d: {  	v14 =	vld [tilespmem:s21+$0x1870];
	v4 =	vmul.f32 v4, v61  }
0x14e: {  	v13 =	vld [tilespmem:s21+$0x1860];
	v15 =	vmul.f32 v62, v61;
	[tilespmem:s21+$0x1800] =	vst v3  }
0x14f: {  	v3 =	vmul.f32 v60, v61;
	[tilespmem:s21+$0x1810] =	vst v4  }
0x150: {  	v16 =	vmul.f32 v12, v61;
	[tilespmem:s21+$0x1830] =	vst v15  }
0x151: {  	[tilespmem:s21+$0x1820] =	vst v3;
	v3 =	vmul.f32 v63, v61  }
0x152: {  	v17 =	vmul.f32 v14, v61;
	[tilespmem:s21+$0x1850] =	vst v16  }
0x153: {  	[tilespmem:s21+$0x1840] =	vst v3;
	v3 =	vmul.f32 v13, v61  }
0x154: {  	s22 =	sadd.s32 $0x300, s20;
	[tilespmem:s21+$0x1870] =	vst v17  }
0x155: {  	[tilespmem:s21+$0x1860] =	vst v3;
	s21 =	sand.u32 $0x3FFFFF80, s22  }
0x156: {  	v3 =	vld [tilespmem:s21+$0x1800]  }
0x157: {  	v4 =	vld [tilespmem:s21+$0x1810]  }
0x158: {  	v20 =	vld [tilespmem:s21+$0x1830]  }
0x159: {  	v19 =	vbroadcast v2, $0x6;
	v18 =	vld [tilespmem:s21+$0x1820]  }
0x15a: {  	v22 =	vld [tilespmem:s21+$0x1850]  }
0x15b: {  	v21 =	vld [tilespmem:s21+$0x1840];
	v3 =	vmul.f32 v3, v19  }
0x15c: {  	v24 =	vld [tilespmem:s21+$0x1870];
	v4 =	vmul.f32 v4, v19  }
0x15d: {  	v23 =	vld [tilespmem:s21+$0x1860];
	v25 =	vmul.f32 v20, v19;
	[tilespmem:s21+$0x1800] =	vst v3  }
0x15e: {  	v3 =	vmul.f32 v18, v19;
	[tilespmem:s21+$0x1810] =	vst v4  }
0x15f: {  	v26 =	vmul.f32 v22, v19;
	[tilespmem:s21+$0x1830] =	vst v25  }
0x160: {  	[tilespmem:s21+$0x1820] =	vst v3;
	v3 =	vmul.f32 v21, v19  }
0x161: {  	v27 =	vmul.f32 v24, v19;
	[tilespmem:s21+$0x1850] =	vst v26  }
0x162: {  	[tilespmem:s21+$0x1840] =	vst v3;
	v3 =	vmul.f32 v23, v19  }
0x163: {  	s22 =	sadd.s32 $0x380, s20;
	[tilespmem:s21+$0x1870] =	vst v27  }
0x164: {  	[tilespmem:s21+$0x1860] =	vst v3;
	s21 =	sand.u32 $0x3FFFFF80, s22  }
0x165: {  	v3 =	vld [tilespmem:s21+$0x1800]  }
0x166: {  	v4 =	vld [tilespmem:s21+$0x1810]  }
0x167: {  	v30 =	vld [tilespmem:s21+$0x1830]  }
0x168: {  	v29 =	vbroadcast v2, $0x7;
	v28 =	vld [tilespmem:s21+$0x1820]  }
0x169: {  	v32 =	vld [tilespmem:s21+$0x1850]  }
0x16a: {  	v31 =	vld [tilespmem:s21+$0x1840];
	v3 =	vmul.f32 v3, v29  }
0x16b: {  	v34 =	vld [tilespmem:s21+$0x1870];
	v4 =	vmul.f32 v4, v29  }
0x16c: {  	v33 =	vld [tilespmem:s21+$0x1860];
	v35 =	vmul.f32 v30, v29;
	[tilespmem:s21+$0x1800] =	vst v3  }
0x16d: {  	v3 =	vmul.f32 v28, v29;
	[tilespmem:s21+$0x1810] =	vst v4  }
0x16e: {  	v36 =	vmul.f32 v32, v29;
	[tilespmem:s21+$0x1830] =	vst v35  }
0x16f: {  	[tilespmem:s21+$0x1820] =	vst v3;
	v3 =	vmul.f32 v31, v29  }
0x170: {  	v37 =	vmul.f32 v34, v29;
	[tilespmem:s21+$0x1850] =	vst v36  }
0x171: {  	[tilespmem:s21+$0x1840] =	vst v3;
	v3 =	vmul.f32 v33, v29  }
0x172: {  	s22 =	sadd.s32 $0x400, s20;
	[tilespmem:s21+$0x1870] =	vst v37  }
0x173: {  	[tilespmem:s21+$0x1860] =	vst v3;
	s21 =	sand.u32 $0x3FFFFF80, s22  }
0x174: {  	v3 =	vld [tilespmem:s21+$0x1800]  }
0x175: {  	v4 =	vld [tilespmem:s21+$0x1810]  }
0x176: {  	v40 =	vld [tilespmem:s21+$0x1830]  }
0x177: {  	v39 =	vbroadcast v2, $0x8;
	v38 =	vld [tilespmem:s21+$0x1820]  }
0x178: {  	v42 =	vld [tilespmem:s21+$0x1850]  }
0x179: {  	v41 =	vld [tilespmem:s21+$0x1840];
	v3 =	vmul.f32 v3, v39  }
0x17a: {  	v44 =	vld [tilespmem:s21+$0x1870];
	v4 =	vmul.f32 v4, v39  }
0x17b: {  	v43 =	vld [tilespmem:s21+$0x1860];
	v45 =	vmul.f32 v40, v39;
	[tilespmem:s21+$0x1800] =	vst v3  }
0x17c: {  	v3 =	vmul.f32 v38, v39;
	[tilespmem:s21+$0x1810] =	vst v4  }
0x17d: {  	v46 =	vmul.f32 v42, v39;
	[tilespmem:s21+$0x1830] =	vst v45  }
0x17e: {  	[tilespmem:s21+$0x1820] =	vst v3;
	v3 =	vmul.f32 v41, v39  }
0x17f: {  	v47 =	vmul.f32 v44, v39;
	[tilespmem:s21+$0x1850] =	vst v46  }
0x180: {  	[tilespmem:s21+$0x1840] =	vst v3;
	v3 =	vmul.f32 v43, v39  }
0x181: {  	s22 =	sadd.s32 $0x480, s20;
	[tilespmem:s21+$0x1870] =	vst v47  }
0x182: {  	[tilespmem:s21+$0x1860] =	vst v3;
	s21 =	sand.u32 $0x3FFFFF80, s22  }
0x183: {  	v3 =	vld [tilespmem:s21+$0x1800]  }
0x184: {  	v4 =	vld [tilespmem:s21+$0x1810]  }
0x185: {  	v50 =	vld [tilespmem:s21+$0x1830]  }
0x186: {  	v49 =	vbroadcast v2, $0x9;
	v48 =	vld [tilespmem:s21+$0x1820]  }
0x187: {  	v52 =	vld [tilespmem:s21+$0x1850]  }
0x188: {  	v51 =	vld [tilespmem:s21+$0x1840];
	v3 =	vmul.f32 v3, v49  }
0x189: {  	v54 =	vld [tilespmem:s21+$0x1870];
	v4 =	vmul.f32 v4, v49  }
0x18a: {  	v53 =	vld [tilespmem:s21+$0x1860];
	v55 =	vmul.f32 v50, v49;
	[tilespmem:s21+$0x1800] =	vst v3  }
0x18b: {  	v3 =	vmul.f32 v48, v49;
	[tilespmem:s21+$0x1810] =	vst v4  }
0x18c: {  	v56 =	vmul.f32 v52, v49;
	[tilespmem:s21+$0x1830] =	vst v55  }
0x18d: {  	[tilespmem:s21+$0x1820] =	vst v3;
	v3 =	vmul.f32 v51, v49  }
0x18e: {  	v57 =	vmul.f32 v54, v49;
	[tilespmem:s21+$0x1850] =	vst v56  }
0x18f: {  	[tilespmem:s21+$0x1840] =	vst v3;
	v3 =	vmul.f32 v53, v49  }
0x190: {  	s22 =	sadd.s32 $0x500, s20;
	[tilespmem:s21+$0x1870] =	vst v57  }
0x191: {  	[tilespmem:s21+$0x1860] =	vst v3;
	s21 =	sand.u32 $0x3FFFFF80, s22  }
0x192: {  	v3 =	vld [tilespmem:s21+$0x1800]  }
0x193: {  	v4 =	vld [tilespmem:s21+$0x1810]  }
0x194: {  	v60 =	vld [tilespmem:s21+$0x1830]  }
0x195: {  	v59 =	vbroadcast v2, $0xA;
	v58 =	vld [tilespmem:s21+$0x1820]  }
0x196: {  	v62 =	vld [tilespmem:s21+$0x1850]  }
0x197: {  	v61 =	vld [tilespmem:s21+$0x1840];
	v3 =	vmul.f32 v3, v59  }
0x198: {  	v12 =	vld [tilespmem:s21+$0x1870];
	v4 =	vmul.f32 v4, v59  }
0x199: {  	v63 =	vld [tilespmem:s21+$0x1860];
	v13 =	vmul.f32 v60, v59;
	[tilespmem:s21+$0x1800] =	vst v3  }
0x19a: {  	v3 =	vmul.f32 v58, v59;
	[tilespmem:s21+$0x1810] =	vst v4  }
0x19b: {  	v14 =	vmul.f32 v62, v59;
	[tilespmem:s21+$0x1830] =	vst v13  }
0x19c: {  	[tilespmem:s21+$0x1820] =	vst v3;
	v3 =	vmul.f32 v61, v59  }
0x19d: {  	v15 =	vmul.f32 v12, v59;
	[tilespmem:s21+$0x1850] =	vst v14  }
0x19e: {  	[tilespmem:s21+$0x1840] =	vst v3;
	v3 =	vmul.f32 v63, v59  }
0x19f: {  	s22 =	sadd.s32 $0x580, s20;
	[tilespmem:s21+$0x1870] =	vst v15  }
0x1a0: {  	[tilespmem:s21+$0x1860] =	vst v3;
	s21 =	sand.u32 $0x3FFFFF80, s22  }
0x1a1: {  	v3 =	vld [tilespmem:s21+$0x1800]  }
0x1a2: {  	v4 =	vld [tilespmem:s21+$0x1810]  }
0x1a3: {  	v18 =	vld [tilespmem:s21+$0x1830]  }
0x1a4: {  	v17 =	vbroadcast v2, $0xB;
	v16 =	vld [tilespmem:s21+$0x1820]  }
0x1a5: {  	v20 =	vld [tilespmem:s21+$0x1850]  }
0x1a6: {  	v19 =	vld [tilespmem:s21+$0x1840];
	v3 =	vmul.f32 v3, v17  }
0x1a7: {  	v22 =	vld [tilespmem:s21+$0x1870];
	v4 =	vmul.f32 v4, v17  }
0x1a8: {  	v21 =	vld [tilespmem:s21+$0x1860];
	v23 =	vmul.f32 v18, v17;
	[tilespmem:s21+$0x1800] =	vst v3  }
0x1a9: {  	v3 =	vmul.f32 v16, v17;
	[tilespmem:s21+$0x1810] =	vst v4  }
0x1aa: {  	v24 =	vmul.f32 v20, v17;
	[tilespmem:s21+$0x1830] =	vst v23  }
0x1ab: {  	[tilespmem:s21+$0x1820] =	vst v3;
	v3 =	vmul.f32 v19, v17  }
0x1ac: {  	v25 =	vmul.f32 v22, v17;
	[tilespmem:s21+$0x1850] =	vst v24  }
0x1ad: {  	[tilespmem:s21+$0x1840] =	vst v3;
	v3 =	vmul.f32 v21, v17  }
0x1ae: {  	s22 =	sadd.s32 $0x600, s20;
	[tilespmem:s21+$0x1870] =	vst v25  }
0x1af: {  	[tilespmem:s21+$0x1860] =	vst v3;
	s21 =	sand.u32 $0x3FFFFF80, s22  }
0x1b0: {  	v3 =	vld [tilespmem:s21+$0x1800]  }
0x1b1: {  	v4 =	vld [tilespmem:s21+$0x1810]  }
0x1b2: {  	v28 =	vld [tilespmem:s21+$0x1830]  }
0x1b3: {  	v27 =	vbroadcast v2, $0xC;
	v26 =	vld [tilespmem:s21+$0x1820]  }
0x1b4: {  	v30 =	vld [tilespmem:s21+$0x1850]  }
0x1b5: {  	v29 =	vld [tilespmem:s21+$0x1840];
	v3 =	vmul.f32 v3, v27  }
0x1b6: {  	v32 =	vld [tilespmem:s21+$0x1870];
	v4 =	vmul.f32 v4, v27  }
0x1b7: {  	v31 =	vld [tilespmem:s21+$0x1860];
	v33 =	vmul.f32 v28, v27;
	[tilespmem:s21+$0x1800] =	vst v3  }
0x1b8: {  	v3 =	vmul.f32 v26, v27;
	[tilespmem:s21+$0x1810] =	vst v4  }
0x1b9: {  	v34 =	vmul.f32 v30, v27;
	[tilespmem:s21+$0x1830] =	vst v33  }
0x1ba: {  	[tilespmem:s21+$0x1820] =	vst v3;
	v3 =	vmul.f32 v29, v27  }
0x1bb: {  	v35 =	vmul.f32 v32, v27;
	[tilespmem:s21+$0x1850] =	vst v34  }
0x1bc: {  	[tilespmem:s21+$0x1840] =	vst v3;
	v3 =	vmul.f32 v31, v27  }
0x1bd: {  	s22 =	sadd.s32 $0x680, s20;
	[tilespmem:s21+$0x1870] =	vst v35  }
0x1be: {  	[tilespmem:s21+$0x1860] =	vst v3;
	s21 =	sand.u32 $0x3FFFFF80, s22  }
0x1bf: {  	v3 =	vld [tilespmem:s21+$0x1800]  }
0x1c0: {  	v4 =	vld [tilespmem:s21+$0x1810]  }
0x1c1: {  	v38 =	vld [tilespmem:s21+$0x1830]  }
0x1c2: {  	v37 =	vbroadcast v2, $0xD;
	v36 =	vld [tilespmem:s21+$0x1820]  }
0x1c3: {  	v40 =	vld [tilespmem:s21+$0x1850]  }
0x1c4: {  	v39 =	vld [tilespmem:s21+$0x1840];
	v3 =	vmul.f32 v3, v37  }
0x1c5: {  	v42 =	vld [tilespmem:s21+$0x1870];
	v4 =	vmul.f32 v4, v37  }
0x1c6: {  	v41 =	vld [tilespmem:s21+$0x1860];
	v43 =	vmul.f32 v38, v37;
	[tilespmem:s21+$0x1800] =	vst v3  }
0x1c7: {  	v3 =	vmul.f32 v36, v37;
	[tilespmem:s21+$0x1810] =	vst v4  }
0x1c8: {  	v44 =	vmul.f32 v40, v37;
	[tilespmem:s21+$0x1830] =	vst v43  }
0x1c9: {  	[tilespmem:s21+$0x1820] =	vst v3;
	v3 =	vmul.f32 v39, v37  }
0x1ca: {  	v45 =	vmul.f32 v42, v37;
	[tilespmem:s21+$0x1850] =	vst v44  }
0x1cb: {  	[tilespmem:s21+$0x1840] =	vst v3;
	v3 =	vmul.f32 v41, v37  }
0x1cc: {  	s22 =	sadd.s32 $0x700, s20;
	[tilespmem:s21+$0x1870] =	vst v45  }
0x1cd: {  	s22 =	sand.u32 $0x3FFFFF80, s22;
	[tilespmem:s21+$0x1860] =	vst v3  }
0x1ce: {  	v3 =	vld [tilespmem:s22+$0x1800]  }
0x1cf: {  	v4 =	vld [tilespmem:s22+$0x1810]  }
0x1d0: {  	v48 =	vld [tilespmem:s22+$0x1830]  }
0x1d1: {  	v47 =	vbroadcast v2, $0xE;
	v46 =	vld [tilespmem:s22+$0x1820]  }
0x1d2: {  	v50 =	vld [tilespmem:s22+$0x1850]  }
0x1d3: {  	v49 =	vld [tilespmem:s22+$0x1840];
	v3 =	vmul.f32 v3, v47  }
0x1d4: {  	v52 =	vld [tilespmem:s22+$0x1870];
	v4 =	vmul.f32 v4, v47  }
0x1d5: {  	v51 =	vld [tilespmem:s22+$0x1860];
	v53 =	vmul.f32 v48, v47;
	[tilespmem:s22+$0x1800] =	vst v3  }
0x1d6: {  	v3 =	vmul.f32 v46, v47;
	[tilespmem:s22+$0x1810] =	vst v4  }
0x1d7: {  	v54 =	vmul.f32 v50, v47;
	[tilespmem:s22+$0x1830] =	vst v53  }
0x1d8: {  	[tilespmem:s22+$0x1820] =	vst v3;
	v3 =	vmul.f32 v49, v47  }
0x1d9: {  	v55 =	vmul.f32 v52, v47;
	[tilespmem:s22+$0x1850] =	vst v54  }
0x1da: {  	[tilespmem:s22+$0x1840] =	vst v3;
	v3 =	vmul.f32 v51, v47  }
0x1db: {  	s20 =	sadd.s32 $0x780, s20;
	[tilespmem:s22+$0x1870] =	vst v55  }
0x1dc: {  	s20 =	sand.u32 $0x3FFFFF80, s20;
	[tilespmem:s22+$0x1860] =	vst v3  }
0x1dd: {  	v3 =	vld [tilespmem:s20+$0x1800]  }
0x1de: {  	v4 =	vld [tilespmem:s20+$0x1810]  }
0x1df: {  	v56 =	vld [tilespmem:s20+$0x1820]  }
0x1e0: {  	v2 =	vbroadcast v2, $0xF;
	v57 =	vld [tilespmem:s20+$0x1830]  }
0x1e1: {  	v58 =	vld [tilespmem:s20+$0x1840]  }
0x1e2: {  	v59 =	vld [tilespmem:s20+$0x1850];
	v3 =	vmul.f32 v3, v2  }
0x1e3: {  	v60 =	vld [tilespmem:s20+$0x1860];
	v4 =	vmul.f32 v4, v2  }
0x1e4: {  	v61 =	vld [tilespmem:s20+$0x1870];
	[tilespmem:s20+$0x1800] =	vst v3;
	v3 =	vmul.f32 v56, v2  }
0x1e5: {  	v62 =	vmul.f32 v57, v2;
	[tilespmem:s20+$0x1810] =	vst v4  }
0x1e6: {  	p0 =	sne.s32 s19, $0x3;
	[tilespmem:s20+$0x1820] =	vst v3;
	v3 =	vmul.f32 v58, v2  }
.Ltmp5:
0x1e7: {  	v63 =	vmul.f32 v59, v2;
	[tilespmem:s20+$0x1830] =	vst v62;
	(pc) =	sbr.rel @p0 .LBB2_10-.Ltmp5, $4  }
0x1e8: {  	[tilespmem:s20+$0x1840] =	vst v3;
	v3 =	vmul.f32 v60, v2  }
0x1e9: {  	[tilespmem:s20+$0x1850] =	vst v63;
	v2 =	vmul.f32 v61, v2  }
0x1ea: {  	[tilespmem:s20+$0x1860] =	vst v3  }
0x1eb: {  	s19 =	sadd.s32 $0x1, s19;
	[tilespmem:s20+$0x1870] =	vst v2  }
0x1ec: {  	s31 =	sadd.s32 $0x1, s31  }
0x1ed: {  	p0 =	sne.s32 s31, $0x51F  }
.Ltmp6:
0x1ee: {  	_ = 	snop;
	(pc) =	sbr.rel @p0 .LBB2_4-.Ltmp6, $4  }
0x1ef: {  	_ = 	snop  }
0x1f0: {  	s18 =	sshll.u32 s8, $0xD  }
0x1f1: {  	s17 =	sadd.s32 $0x1000, s17;
	s22 =	sadd.s32 $0x14, s8;
	s18 =	sor.u32 $0x1800, s18  }
0x1f2: {  	[spmem:s6] =	stream.indirect.scatter.add.f32 [tilespmem:s18], [sflag:s22], $0x80, s17, s0, $0xb8;
	[tilespmem:$0x1F800] =	vst v63  }
0x1f3: {  	s8 =	simm.s32 $0x16  }
0x1f4: {  	_ =	swait.ge [sflag:s8], $0x2000  }
0x1f5: {  	[sflag:s8] =	ssyncset.done $0x0  }
0x1f6: {  	s22 =	simm.s32 $0x17;
	[sflag:s8] =	ssyncadd.s32 $0xFFFFE000  }
0x1f7: {  	_ =	swait.ge [sflag:s22], $0x2000  }
0x1f8: {  	[sflag:s22] =	ssyncset.done $0x0  }
0x1f9: {  	s31 =	simm.s32 $0x18;
	[sflag:s22] =	ssyncadd.s32 $0xFFFFE000  }
0x1fa: {  	_ =	swait.ge [sflag:s31], $0x2000  }
0x1fb: {  	[sflag:s31] =	ssyncset.done $0x0  }
0x1fc: {  	s17 =	simm.s32 $0x19;
	[sflag:s31] =	ssyncadd.s32 $0xFFFFE000  }
0x1fd: {  	_ =	swait.ge [sflag:s17], $0x2000  }
0x1fe: {  	[sflag:s17] =	ssyncset.done $0x0  }
0x1ff: {  	s18 =	simm.s32 $0x1A;
	[sflag:s17] =	ssyncadd.s32 $0xFFFFE000  }
0x200: {  	_ =	swait.ge [sflag:s18], $0x2000  }
0x201: {  	[sflag:s18] =	ssyncset.done $0x0  }
0x202: {  	s19 =	simm.s32 $0x14;
	[sflag:s18] =	ssyncadd.s32 $0xFFFFE000  }
0x203: {  	_ =	swait.ge [sflag:s19], $0x2000  }
0x204: {  	[sflag:s19] =	ssyncset.done $0x0  }
0x205: {  	s20 =	simm.s32 $0x15;
	[sflag:s19] =	ssyncadd.s32 $0xFFFFE000  }
0x206: {  	_ =	swait.ge [sflag:s20], $0x2000  }
0x207: {  	[sflag:s20] =	ssyncset.done $0x0  }
0x208: {  	s21 =	stileid.u32;
	[sflag:s20] =	ssyncadd.s32 $0xFFFFE000  }
0x209: {  	s8 =	sshll.u32 s21, $0x6;
	[bflag:$0x0] =	sbarrier.arrive $0xFFFF  }
0x20a: {  	s8 =	sor.u32 $0x1C1B, s8;
	s17 =	sshrl.u32 s13, $0x3;
	s18 =	rddreg [dreg:$0x4]  }
0x20b: {  	[hbm:s18@s30], [sflag:s8] =	dma.strided [spmem:s17@s29], $0x800, s23, $0x10   }
0x20c: {  	_ =	swait.ge [sflag:s28], $0x800  }
0x20d: {  	[sflag:s28] =	ssyncset.done $0x0  }
0x20e: {  	s22 =	sshrl.u32 s14, $0x3;
	s31 =	rddreg [dreg:$0x5];
	[sflag:s28] =	ssyncadd.s32 $0xFFFFF800  }
0x20f: {  	[hbm:s31@s30], [sflag:s8] =	dma.strided [spmem:s22@s29], $0x800, s23, $0x10   }
0x210: {  	_ =	swait.ge [sflag:s28], $0x800  }
0x211: {  	[sflag:s28] =	ssyncset.done $0x0  }
0x212: {  	s19 =	sshrl.u32 s15, $0x3;
	s20 =	rddreg [dreg:$0x6];
	[sflag:s28] =	ssyncadd.s32 $0xFFFFF800  }
0x213: {  	[hbm:s20@s30], [sflag:s8] =	dma.strided [spmem:s19@s29], $0x800, s23, $0x10   }
0x214: {  	_ =	swait.ge [sflag:s28], $0x800  }
0x215: {  	[sflag:s28] =	ssyncset.done $0x0  }
0x216: {  	s21 =	sshrl.u32 s16, $0x3;
	s22 =	rddreg [dreg:$0x7];
	[sflag:s28] =	ssyncadd.s32 $0xFFFFF800  }
0x217: {  	[hbm:s22@s30], [sflag:s8] =	dma.strided [spmem:s21@s29], $0x800, s23, $0x10   }
0x218: {  	_ =	swait.ge [sflag:s28], $0x800  }
0x219: {  	s31 =	sld [smem:$0x7FD];
	_ =	sdelay $0x1  }
0x21a: {  	s24 =	sadd.s32 $0x1, s24  }
0x21b: {  	p0 =	sne.s32 s24, s31  }
.Ltmp7:
0x21c: {  	_ = 	snop;
	(pc) =	sbr.rel @p0 .LBB2_1-.Ltmp7, $3  }
0x21d: {  	_ =	sdelay $0x1  }
0x21e: {  	[sflag:s28] =	ssyncset.done $0x0  }
0x21f: {  	[sflag:s28] =	ssyncadd.s32 $0xFFFFF800  }
0x220: {  	_ =	sfence.sel $0x180000  }
0x221: {  	[bflag:$0x0] =	sbarrier.arrive $0xFFFF  }
0x222: {  	_ =	strace $0x90000047  }
0x223: {  	s0 =	stileid.u32;
	[bflag:$0x2] =	sbarrier.arrive $0xFFFF  }
0x224: {  	p0 =	sne.s32 s0, $0x0;
	s0 =	rddreg [dreg:$0x3]  }
0x225: {  	s0 =	sadd.s32 @!p0 $0x100000, s0  }
0x226: {  	[sflag:s0] =	ssyncadd.tile.s32 @!p0 $0x1;
	_ =	shalt  }
.Lfunc_end2:
_tile_overlayer_lowered:
.L_overlay_start_2:
0x227: {  	(tag) =	ssettag $0x2  }
0x228: {  	s0 =	rddreg [dreg:$0x0];
	s2 =	stileid.u32  }
0x229: {  	s1 =	rddreg [dreg:$0x1];
	p0 =	sne.s32 s2, $0x0  }
0x22a: {  	s3 =	rddreg [dreg:$0x2];
	[bflag:$0x3] =	sbarrier.arrive $0xFFFF;
	s2 =	simm.s32 @!p0 $0x1C1B  }
0x22b: {  	[timem:s3], [sflag:s2] =	dma.local @!p0 [hbm:s0], s1  }
0x22c: {  	s0 =	simm.s32 @!p0 $0x1B  }
0x22d: {  	_ =	swait.ge @!p0 [sflag:s0], s1  }
0x22e: {  	s1 =	ssub.s32 @!p0 $0x0, s1;
	[sflag:s0] =	ssyncset.done @!p0 $0x0  }
0x22f: {  	[sflag:s0] =	ssyncadd.s32 @!p0 s1  }
0x230: {  	[bflag:$0x3] =	sbarrier.arrive $0xFFFF  }
0x231: {  	_ =	shalt  }

</sc_bundles>
